<compile_context>
chip_gen: v7x
topology: tpu7x:2x2x1
jax: 0.10.2.dev20260603
libtpu: 0.0.44.dev20260713+nightly
codegen_flags: <defaults>
</compile_context>

<pallas_src>
import functools

import jax
import jax.numpy as jnp
from jax import lax
from jax.experimental import pallas as pl
from jax.experimental.pallas import tpu as pltpu
from jax.experimental.pallas import tpu_sc as plsc

_N_DST = 10000
_E = 320000
_D = 128
_NH = 8
_DH = 16

_NC, _NS = 2, 16
_NW = _NC * _NS
_EA = 192000
_EB = _E - _EA
_SUB = 80
_NSUB = 5
_CH = _SUB * _NSUB
_ZCH = 200
_NZ_PER_SUB = -(-(_N_DST // _ZCH) // _NS)

_mesh = plsc.VectorSubcoreMesh(
    core_axis_name="c", subcore_axis_name="s", num_cores=_NC, num_subcores=_NS
)



def _qd_body(h_ref, w_ref, b_ref, o_ref):
    o_ref[...] = (
        jnp.dot(h_ref[...], w_ref[...], preferred_element_type=jnp.float32)
        + b_ref[...]
    )


_qd_call = pl.pallas_call(
    _qd_body,
    grid=(5,),
    in_specs=[
        pl.BlockSpec((2000, _D), lambda i: (i, 0)),
        pl.BlockSpec((_D, _D), lambda i: (0, 0)),
        pl.BlockSpec((1, _D), lambda i: (0, 0)),
    ],
    out_specs=pl.BlockSpec((2000, _D), lambda i: (i, 0)),
    out_shape=jax.ShapeDtypeStruct((_N_DST, _D), jnp.float32),
)


def _pipeline(start, finish, nchunk, buf_a, buf_b, sem_a, sem_b):
    start(0, buf_a, sem_a)
    n2 = (nchunk - 1) if nchunk % 2 else nchunk

    @pl.loop(0, n2, step=2)
    def _(i):
        start(i + 1, buf_b, sem_b)
        finish(i, buf_a, sem_a)

        @pl.when(i + 2 < nchunk)
        def _():
            start(i + 2, buf_a, sem_a)

        finish(i + 1, buf_b, sem_b)

    if nchunk % 2:
        finish(nchunk - 1, buf_a, sem_a)



def _make_gather(eh):
    per_w = eh // _NW
    nchunk = per_w // _CH

    @functools.partial(
        pl.kernel,
        out_type=(
            jax.ShapeDtypeStruct((eh, _D), jnp.float32),
            jax.ShapeDtypeStruct((eh, _D), jnp.float32),
        ),
        mesh=_mesh,
        scratch_types=[
            pltpu.VMEM((per_w // _SUB, _SUB), jnp.int32),
            pltpu.VMEM((_CH, _D), jnp.float32),
            pltpu.VMEM((_CH, _D), jnp.float32),
            pltpu.SemaphoreType.DMA,
            pltpu.SemaphoreType.DMA,
        ],
    )
    def gather(hsrc, qd, nbr3, dst3, hg, qg, idx_v, rows_a, rows_b, sem_a, sem_b):
        wid = lax.axis_index("s") * _NC + lax.axis_index("c")
        base = wid * per_w

        def one_table(idx3_hbm, table, out):
            pltpu.sync_copy(idx3_hbm.at[wid], idx_v)

            def fire(i, buf, sem):
                for j in range(_NSUB):
                    pltpu.async_copy(
                        table.at[idx_v.at[i * _NSUB + j]],
                        buf.at[pl.ds(j * _SUB, _SUB)],
                        sem,
                    )

            def drain_wb(i, buf, sem):
                for j in range(_NSUB):
                    pltpu.make_async_copy(
                        table.at[idx_v.at[i * _NSUB + j]],
                        buf.at[pl.ds(j * _SUB, _SUB)],
                        sem,
                    ).wait()
                pltpu.sync_copy(buf, out.at[pl.ds(base + i * _CH, _CH)])

            _pipeline(fire, drain_wb, nchunk, rows_a, rows_b, sem_a, sem_b)

        one_table(nbr3, hsrc, hg)
        one_table(dst3, qd, qg)

    return gather


_gather_a = _make_gather(_EA)
_gather_b = _make_gather(_EB)



def _edge_body(hg, qg, eft, dtr, freqc, w1, w2, w3, bkv, s, ov, oe):
    def dot_t(a, w):
        return lax.dot_general(
            a, w, (((0,), (0,)), ((), ())), preferred_element_type=jnp.float32
        )

    tft = jnp.cos(freqc[...] * dtr[...][0])
    kv = (
        jnp.dot(hg[...], w1[...], preferred_element_type=jnp.float32)
        + dot_t(eft[...], w2[...])
        + dot_t(tft, w3[...])
        + bkv[...]
    )
    k = kv[:, :_D]
    v = kv[:, _D:]
    att = jnp.dot(qg[...] * k, s[...], preferred_element_type=jnp.float32)
    att = jnp.where(att >= 0.0, att, 0.2 * att)
    ex = jnp.exp(att)
    exw = lax.dot_general(
        ex, s[...], (((1,), (1,)), ((), ())), preferred_element_type=jnp.float32
    )
    ov[...] = v * exw
    oe[...] = jnp.concatenate(
        [ex, jnp.zeros((_BE, _D - _NH), jnp.float32)], axis=1
    )


_BE = 3200


def _make_edge(eh):
    return pl.pallas_call(
        _edge_body,
        grid=(eh // _BE,),
        in_specs=[
            pl.BlockSpec((_BE, _D), lambda i: (i, 0)),
            pl.BlockSpec((_BE, _D), lambda i: (i, 0)),
            pl.BlockSpec((16, _BE), lambda i: (0, i)),
            pl.BlockSpec((1, 1, _BE), lambda i: (i, 0, 0)),
            pl.BlockSpec((32, 1), lambda i: (0, 0)),
            pl.BlockSpec((_D, 2 * _D), lambda i: (0, 0)),
            pl.BlockSpec((16, 2 * _D), lambda i: (0, 0)),
            pl.BlockSpec((32, 2 * _D), lambda i: (0, 0)),
            pl.BlockSpec((1, 2 * _D), lambda i: (0, 0)),
            pl.BlockSpec((_D, _NH), lambda i: (0, 0)),
        ],
        out_specs=(
            pl.BlockSpec((_BE, _D), lambda i: (i, 0)),
            pl.BlockSpec((_BE, _D), lambda i: (i, 0)),
        ),
        out_shape=(
            jax.ShapeDtypeStruct((eh, _D), jnp.float32),
            jax.ShapeDtypeStruct((eh, _D), jnp.float32),
        ),
        compiler_params=pltpu.CompilerParams(fuse_transposed_lhs_in_matmul=True),
    )


_edge_a = _make_edge(_EA)
_edge_b = _make_edge(_EB)



def _make_scatter(eh):
    per_w = eh // _NW
    rows_w = per_w // _SUB

    @functools.partial(
        pl.kernel,
        out_type=(
            jax.ShapeDtypeStruct((2 * _N_DST, _D), jnp.float32),
            jax.ShapeDtypeStruct((2 * _N_DST, _D), jnp.float32),
        ),
        mesh=_mesh,
        scratch_types=[
            pltpu.VMEM_SHARED((_N_DST, _D), jnp.float32),
            pltpu.VMEM((rows_w, _SUB), jnp.int32),
            pltpu.VMEM((_SUB, _D), jnp.float32),
            pltpu.VMEM((_SUB, _D), jnp.float32),
            pltpu.SemaphoreType.DMA,
            pltpu.SemaphoreType.DMA,
        ],
    )
    def scatter(wv, exr, dst3, zrow, outv, outd,
                agg_s, idx_v, wbuf, wbuf2, sem_a, sem_b):
        c = lax.axis_index("c")
        s = lax.axis_index("s")
        wid = s * _NC + c
        base = wid * per_w

        def zero_agg():
            @pl.loop(0, _NZ_PER_SUB)
            def _(t):
                chunk = s + t * _NS

                @pl.when(chunk < _N_DST // _ZCH)
                def _():
                    pltpu.sync_copy(zrow, agg_s.at[pl.ds(chunk * _ZCH, _ZCH)])

        def write_out(dest):
            @pl.loop(0, _NZ_PER_SUB)
            def _(t):
                chunk = s + t * _NS

                @pl.when(chunk < _N_DST // _ZCH)
                def _():
                    pltpu.sync_copy(
                        agg_s.at[pl.ds(chunk * _ZCH, _ZCH)],
                        dest.at[pl.ds(c * _N_DST + chunk * _ZCH, _ZCH)],
                    )

        zero_agg()
        plsc.subcore_barrier()
        pltpu.sync_copy(dst3.at[wid], idx_v)

        def scatter_phase(src_arr):
            def start(i, buf, sem):
                pltpu.async_copy(
                    src_arr.at[pl.ds(base + i * _SUB, _SUB)], buf, sem
                )

            def scat(i, buf, sem):
                pltpu.make_async_copy(
                    src_arr.at[pl.ds(base + i * _SUB, _SUB)], buf, sem
                ).wait()
                pltpu.sync_copy(buf, agg_s.at[idx_v.at[i]], add=True)

            _pipeline(start, scat, rows_w, wbuf, wbuf2, sem_a, sem_b)

        scatter_phase(wv)
        plsc.subcore_barrier()
        write_out(outv)
        zero_agg()
        plsc.subcore_barrier()

        scatter_phase(exr)
        plsc.subcore_barrier()
        write_out(outd)

    return scatter


_scatter_a = _make_scatter(_EA)
_scatter_b = _make_scatter(_EB)



def _final_body(a0, a1, a2, a3, d0, d1, d2, d3, hd, wa, wb, bo, g, b, s, o):
    aggv = a0[...] + a1[...] + a2[...] + a3[...]
    den = (d0[...][:, :_NH] + d1[...][:, :_NH]
           + d2[...][:, :_NH] + d3[...][:, :_NH])
    den = jnp.where(den == 0.0, 1.0, den)
    denw = lax.dot_general(
        den, s[...], (((1,), (1,)), ((), ())), preferred_element_type=jnp.float32
    )
    aggn = aggv / denw
    pre = (
        jnp.dot(aggn, wa[...], preferred_element_type=jnp.float32)
        + jnp.dot(hd[...], wb[...], preferred_element_type=jnp.float32)
        + bo[...]
    )
    x = jnp.maximum(pre, 0.0)
    mu = jnp.mean(x, axis=-1, keepdims=True)
    var = jnp.mean((x - mu) ** 2, axis=-1, keepdims=True)
    o[...] = (x - mu) * lax.rsqrt(var + 1e-5) * g[...] + b[...]


_final_call = pl.pallas_call(
    _final_body,
    grid=(5,),
    in_specs=[
        pl.BlockSpec((2000, _D), lambda i: (i, 0)),
        pl.BlockSpec((2000, _D), lambda i: (i + 5, 0)),
        pl.BlockSpec((2000, _D), lambda i: (i, 0)),
        pl.BlockSpec((2000, _D), lambda i: (i + 5, 0)),
        pl.BlockSpec((2000, _D), lambda i: (i, 0)),
        pl.BlockSpec((2000, _D), lambda i: (i + 5, 0)),
        pl.BlockSpec((2000, _D), lambda i: (i, 0)),
        pl.BlockSpec((2000, _D), lambda i: (i + 5, 0)),
        pl.BlockSpec((2000, _D), lambda i: (i, 0)),
        pl.BlockSpec((_D, _D), lambda i: (0, 0)),
        pl.BlockSpec((_D, _D), lambda i: (0, 0)),
        pl.BlockSpec((1, _D), lambda i: (0, 0)),
        pl.BlockSpec((1, _D), lambda i: (0, 0)),
        pl.BlockSpec((1, _D), lambda i: (0, 0)),
        pl.BlockSpec((_D, _NH), lambda i: (0, 0)),
    ],
    out_specs=pl.BlockSpec((2000, _D), lambda i: (i, 0)),
    out_shape=jax.ShapeDtypeStruct((_N_DST, _D), jnp.float32),
)


def kernel(h, nbr_idx, edge_dst, dt, ef, Wq, bq, Wk, bk, Wv, bv, Wout, bout,
           ln_g, ln_b, freq):
    h_dst = h[:_N_DST]
    h_src = h[_N_DST:]

    wq_node = Wq[:, :_D].T
    qbias = (bq + Wq[:, _D:].sum(axis=1))[None, :]
    w1 = jnp.concatenate([Wk[:, :_D].T, Wv[:, :_D].T], axis=1)
    w2 = jnp.concatenate([Wk[:, _D:_D + 16].T, Wv[:, _D:_D + 16].T], axis=1)
    w3 = jnp.concatenate([Wk[:, _D + 16:].T, Wv[:, _D + 16:].T], axis=1)
    bkv = jnp.concatenate([bk, bv])[None, :]
    seg = jnp.repeat(jnp.eye(_NH, dtype=jnp.float32), _DH, axis=0)

    nbrA = nbr_idx[:_EA].reshape(_NW, -1, _SUB)
    nbrB = nbr_idx[_EA:].reshape(_NW, -1, _SUB)
    dstA = edge_dst[:_EA].reshape(_NW, -1, _SUB)
    dstB = edge_dst[_EA:].reshape(_NW, -1, _SUB)
    eftA = ef[:_EA].T
    eftB = ef[_EA:].T
    dtrA = dt[:_EA].reshape(_EA // _BE, 1, _BE)
    dtrB = dt[_EA:].reshape(_EB // _BE, 1, _BE)
    freqc = freq[:, None]
    zrow = jnp.zeros((_ZCH, _D), jnp.float32)

    qd = _qd_call(h_dst, wq_node, qbias)
    hgA, qgA = _gather_a(h_src, qd, nbrA, dstA)
    hgB, qgB = _gather_b(h_src, qd, nbrB, dstB)
    wvA, exA = _edge_a(hgA, qgA, eftA, dtrA, freqc, w1, w2, w3, bkv, seg)
    wvB, exB = _edge_b(hgB, qgB, eftB, dtrB, freqc, w1, w2, w3, bkv, seg)
    pvA, pdA = _scatter_a(wvA, exA, dstA, zrow)
    pvB, pdB = _scatter_b(wvB, exB, dstB, zrow)
    out = _final_call(
        pvA, pvA, pvB, pvB, pdA, pdA, pdB, pdB, h_dst,
        Wout[:, :_D].T, Wout[:, _D:].T, bout[None, :],
        ln_g[None, :], ln_b[None, :], seg,
    )
    return out

# --- scband reference (transcript-rebuilt; emitter-appended) ---
"""Pipeline reference for scband-temporal-transformer-conv-61607010894577 (READ-ONLY COPY).

The authoritative reference and input builder live on the scoring server;
editing this copy changes nothing except your own understanding.
"""

import jax, jax.numpy as jnp
import numpy as np

N_DST = 10000
N_SRC = 10000
E = 320000
D_NODE = 128
D_EDGE = 16
D_TIME = 32
D_OUT = 128
NH = 8


def _lin(key, fan_in, fan_out):
    k1, k2 = jax.random.split(key)
    s = 1.0 / np.sqrt(fan_in)
    W = jax.random.uniform(k1, (fan_out, fan_in), minval=-s, maxval=s, dtype=jnp.float32)
    b = jax.random.uniform(k2, (fan_out,), minval=-s, maxval=s, dtype=jnp.float32)
    return W, b


def setup_inputs(seed: int = 0) -> dict:
    key = jax.random.key(seed)
    ks = jax.random.split(key, 10)
    h = jax.random.normal(ks[0], (N_DST + N_SRC, D_NODE), dtype=jnp.float32)
    nbr_idx = jax.random.randint(ks[1], (E,), 0, N_SRC, dtype=jnp.int32)
    edge_dst = jax.random.randint(ks[2], (E,), 0, N_DST, dtype=jnp.int32)
    dt = jax.random.uniform(ks[3], (E,), dtype=jnp.float32)
    ef = jax.random.normal(ks[4], (E, D_EDGE), dtype=jnp.float32)
    Wq, bq = _lin(ks[5], D_NODE + D_TIME, D_OUT)
    Wk, bk = _lin(ks[6], D_NODE + D_EDGE + D_TIME, D_OUT)
    Wv, bv = _lin(ks[7], D_NODE + D_EDGE + D_TIME, D_OUT)
    Wout, bout = _lin(ks[8], D_NODE + D_OUT, D_OUT)
    ln_g = jnp.ones((D_OUT,), dtype=jnp.float32)
    ln_b = jnp.zeros((D_OUT,), dtype=jnp.float32)
    freq = jnp.asarray(1.0 / (10.0 ** np.linspace(0.0, 9.0, D_TIME)), dtype=jnp.float32)
    return {"h": h, "nbr_idx": nbr_idx, "edge_dst": edge_dst, "dt": dt, "ef": ef,
            "Wq": Wq, "bq": bq, "Wk": Wk, "bk": bk, "Wv": Wv, "bv": bv,
            "Wout": Wout, "bout": bout, "ln_g": ln_g, "ln_b": ln_b, "freq": freq}


def reference(h, nbr_idx, edge_dst, dt, ef, Wq, bq, Wk, bk, Wv, bv, Wout, bout, ln_g, ln_b, freq):
    h_dst = h[:N_DST]
    h_src = h[N_DST:]
    # TimeEncode: cos(dt * freq) per edge; zero-time encoding for dst queries
    time_feat = jnp.cos(dt[:, None] * freq[None, :])
    zero_time = jnp.cos(jnp.zeros((N_DST, 1), dtype=jnp.float32) * freq[None, :])
    Q_in = jnp.concatenate([h_dst, zero_time], axis=1)
    K_in = jnp.concatenate([jnp.take(h_src, nbr_idx, axis=0), ef, time_feat], axis=1)
    Q = jnp.take(Q_in @ Wq.T + bq, edge_dst, axis=0)
    K = K_in @ Wk.T + bk
    V = K_in @ Wv.T + bv
    Q = Q.reshape(E, NH, D_OUT // NH)
    K = K.reshape(E, NH, D_OUT // NH)
    V = V.reshape(E, NH, D_OUT // NH)
    att_raw = (Q * K).sum(axis=2)
    # LeakyReLU(0.2)
    att_raw = jnp.where(att_raw >= 0, att_raw, 0.2 * att_raw)
    # edge_softmax grouped by edge_dst (numerically stable, max is gradient-neutral)
    m = jax.lax.stop_gradient(jax.ops.segment_max(att_raw, edge_dst, num_segments=N_DST))
    m = jnp.where(jnp.isfinite(m), m, 0.0)
    ex = jnp.exp(att_raw - jnp.take(m, edge_dst, axis=0))
    den = jax.ops.segment_sum(ex, edge_dst, num_segments=N_DST)
    den = jnp.where(den == 0, 1.0, den)
    att = ex / jnp.take(den, edge_dst, axis=0)
    V_weighted = (V * att[:, :, None]).reshape(E, D_OUT)
    # copy_e + sum aggregation -> scatter-add by dst
    agg = jax.ops.segment_sum(V_weighted, edge_dst, num_segments=N_DST)
    pre = jnp.concatenate([agg, h_dst], axis=1) @ Wout.T + bout
    x = jnp.maximum(pre, 0.0)  # dropout is identity in eval
    mu = x.mean(axis=-1, keepdims=True)
    var = ((x - mu) ** 2).mean(axis=-1, keepdims=True)
    return (x - mu) / jnp.sqrt(var + 1e-5) * ln_g + ln_b

if __name__ == "__main__":
    import jax
    _d = setup_inputs()
    print(jax.jit(kernel)(*tuple(_d.values())))

</pallas_src>

<mosaic_0001>
#map = affine_map<(d0, d1) -> (0, 0)>
#map1 = affine_map<(d0, d1) -> (0, 0, 0)>
module attributes {stable_mosaic.version = 14 : i64} {
  func.func @gather(%arg0: i32, %arg1: i32, %arg2: memref<10000x128xf32, #tpu.memory_space<hbm>>, %arg3: memref<10000x128xf32, #tpu.memory_space<hbm>>, %arg4: memref<32x50x80xi32, #tpu.memory_space<hbm>>, %arg5: memref<32x50x80xi32, #tpu.memory_space<hbm>>, %arg6: memref<128000x128xf32, #tpu.memory_space<hbm>>, %arg7: memref<128000x128xf32, #tpu.memory_space<hbm>>, %arg8: memref<50x80xi32, #tpu.memory_space<vmem>>, %arg9: memref<400x128xf32, #tpu.memory_space<vmem>>, %arg10: memref<400x128xf32, #tpu.memory_space<vmem>>, %arg11: memref<!tpu.dma_semaphore, #tpu.memory_space<semaphore_mem>>, %arg12: memref<!tpu.dma_semaphore, #tpu.memory_space<semaphore_mem>>) attributes {dimension_semantics = [#tpu.dimension_semantics<core_parallel>, #tpu.dimension_semantics<subcore_parallel>], iteration_bounds = array<i64: 2, 16>, scalar_prefetch = 0 : i64, scratch_operands = 5 : i64, tpu.core_type = #tpu.core_type<sc_vector_subcore>, window_params = [{transform_indices = #map}, {transform_indices = #map}, {transform_indices = #map1}, {transform_indices = #map1}, {transform_indices = #map}, {transform_indices = #map}]} {
    %mul3A = arith.constant 2 : i32
    %mul3A_0 = arith.muli %arg1, %mul3A : i32
    %add3A = arith.addi %mul3A_0, %arg0 : i32
    %mul3A_1 = arith.constant 4000 : i32
    %mul3A_2 = arith.muli %add3A, %mul3A_1 : i32
    "tpu.region"() ({
      %run_scoped3A = tpu.sem_alloc : memref<!tpu.dma_semaphore, #tpu.memory_space<semaphore_mem>>
      %dma_start3A_111 = arith.constant 0 : i32
      %dma_start3A_112 = arith.constant 0 : i32
      %dma_start3A_113 = tpu.memref_slice %arg4[%add3A, %dma_start3A_111, %dma_start3A_112] : memref<32x50x80xi32, #tpu.memory_space<hbm>> -> memref<1x50x80xi32, #tpu.memory_space<hbm>>
      %dma_start3A_114 = tpu.memref_squeeze %dma_start3A_113 : memref<1x50x80xi32, #tpu.memory_space<hbm>> -> memref<50x80xi32, #tpu.memory_space<hbm>>
      %dma_start3A_115 = arith.constant 0 : i32
      %dma_start3A_116 = arith.constant 0 : i32
      %dma_start3A_117 = tpu.memref_slice %arg4[%add3A, %dma_start3A_115, %dma_start3A_116] : memref<32x50x80xi32, #tpu.memory_space<hbm>> -> memref<1x50x80xi32, #tpu.memory_space<hbm>>
      %dma_start3A_118 = tpu.memref_squeeze %dma_start3A_117 : memref<1x50x80xi32, #tpu.memory_space<hbm>> -> memref<50x80xi32, #tpu.memory_space<hbm>>
      tpu.enqueue_dma source(%dma_start3A_118 : memref<50x80xi32, #tpu.memory_space<hbm>>) target(%arg8 : memref<50x80xi32, #tpu.memory_space<vmem>>) target_semaphore(%run_scoped3A : memref<!tpu.dma_semaphore, #tpu.memory_space<semaphore_mem>>)
      %dma_wait3A = arith.constant 0 : i32
      %dma_wait3A_119 = arith.constant 0 : i32
      %dma_wait3A_120 = tpu.memref_slice %arg4[%add3A, %dma_wait3A, %dma_wait3A_119] : memref<32x50x80xi32, #tpu.memory_space<hbm>> -> memref<1x50x80xi32, #tpu.memory_space<hbm>>
      %dma_wait3A_121 = tpu.memref_squeeze %dma_wait3A_120 : memref<1x50x80xi32, #tpu.memory_space<hbm>> -> memref<50x80xi32, #tpu.memory_space<hbm>>
      %dma_wait3A_122 = arith.constant 0 : i32
      %dma_wait3A_123 = arith.constant 0 : i32
      %dma_wait3A_124 = tpu.memref_slice %arg4[%add3A, %dma_wait3A_122, %dma_wait3A_123] : memref<32x50x80xi32, #tpu.memory_space<hbm>> -> memref<1x50x80xi32, #tpu.memory_space<hbm>>
      %dma_wait3A_125 = tpu.memref_squeeze %dma_wait3A_124 : memref<1x50x80xi32, #tpu.memory_space<hbm>> -> memref<50x80xi32, #tpu.memory_space<hbm>>
      tpu.wait_dma2 semaphore(%run_scoped3A : memref<!tpu.dma_semaphore, #tpu.memory_space<semaphore_mem>>) src(%dma_wait3A_125 : memref<50x80xi32, #tpu.memory_space<hbm>>) dst(%arg8 : memref<50x80xi32, #tpu.memory_space<vmem>>)
      tpu.yield
    }) : () -> ()
    %dma_start3A = arith.constant 0 : i32
    %dma_start3A_3 = arith.constant 0 : i32
    %dma_start3A_4 = arith.constant 0 : i32
    %dma_start3A_5 = tpu.memref_slice %arg9[%dma_start3A_3, %dma_start3A_4] : memref<400x128xf32, #tpu.memory_space<vmem>> -> memref<80x128xf32, #tpu.memory_space<vmem>>
    %dma_start3A_6 = arith.constant 0 : i32
    %dma_start3A_7 = tpu.memref_slice %arg8[%dma_start3A, %dma_start3A_6] : memref<50x80xi32, #tpu.memory_space<vmem>> -> memref<1x80xi32, #tpu.memory_space<vmem>>
    %dma_start3A_8 = tpu.memref_squeeze %dma_start3A_7 : memref<1x80xi32, #tpu.memory_space<vmem>> -> memref<80xi32, #tpu.memory_space<vmem>>
    %dma_start3A_9 = arith.constant 0 : i32
    %dma_start3A_10 = arith.constant 0 : i32
    %dma_start3A_11 = tpu.memref_slice %arg2[%dma_start3A_9, %dma_start3A_10] : memref<10000x128xf32, #tpu.memory_space<hbm>> -> memref<10000x128xf32, #tpu.memory_space<hbm>>
    tpu.enqueue_indirect_dma source(%dma_start3A_11 : memref<10000x128xf32, #tpu.memory_space<hbm>>) target(%dma_start3A_5 : memref<80x128xf32, #tpu.memory_space<vmem>>) offsets(%dma_start3A_8 : memref<80xi32, #tpu.memory_space<vmem>>) semaphore(%arg11 : memref<!tpu.dma_semaphore, #tpu.memory_space<semaphore_mem>>)
    %dma_start3A_12 = arith.constant 1 : i32
    %dma_start3A_13 = arith.constant 80 : i32
    %dma_start3A_14 = arith.constant 0 : i32
    %dma_start3A_15 = tpu.memref_slice %arg9[%dma_start3A_13, %dma_start3A_14] : memref<400x128xf32, #tpu.memory_space<vmem>> -> memref<80x128xf32, #tpu.memory_space<vmem>>
    %dma_start3A_16 = arith.constant 0 : i32
    %dma_start3A_17 = tpu.memref_slice %arg8[%dma_start3A_12, %dma_start3A_16] : memref<50x80xi32, #tpu.memory_space<vmem>> -> memref<1x80xi32, #tpu.memory_space<vmem>>
    %dma_start3A_18 = tpu.memref_squeeze %dma_start3A_17 : memref<1x80xi32, #tpu.memory_space<vmem>> -> memref<80xi32, #tpu.memory_space<vmem>>
    %dma_start3A_19 = arith.constant 0 : i32
    %dma_start3A_20 = arith.constant 0 : i32
    %dma_start3A_21 = tpu.memref_slice %arg2[%dma_start3A_19, %dma_start3A_20] : memref<10000x128xf32, #tpu.memory_space<hbm>> -> memref<10000x128xf32, #tpu.memory_space<hbm>>
    tpu.enqueue_indirect_dma source(%dma_start3A_21 : memref<10000x128xf32, #tpu.memory_space<hbm>>) target(%dma_start3A_15 : memref<80x128xf32, #tpu.memory_space<vmem>>) offsets(%dma_start3A_18 : memref<80xi32, #tpu.memory_space<vmem>>) semaphore(%arg11 : memref<!tpu.dma_semaphore, #tpu.memory_space<semaphore_mem>>)
    %dma_start3A_22 = arith.constant 2 : i32
    %dma_start3A_23 = arith.constant 160 : i32
    %dma_start3A_24 = arith.constant 0 : i32
    %dma_start3A_25 = tpu.memref_slice %arg9[%dma_start3A_23, %dma_start3A_24] : memref<400x128xf32, #tpu.memory_space<vmem>> -> memref<80x128xf32, #tpu.memory_space<vmem>>
    %dma_start3A_26 = arith.constant 0 : i32
    %dma_start3A_27 = tpu.memref_slice %arg8[%dma_start3A_22, %dma_start3A_26] : memref<50x80xi32, #tpu.memory_space<vmem>> -> memref<1x80xi32, #tpu.memory_space<vmem>>
    %dma_start3A_28 = tpu.memref_squeeze %dma_start3A_27 : memref<1x80xi32, #tpu.memory_space<vmem>> -> memref<80xi32, #tpu.memory_space<vmem>>
    %dma_start3A_29 = arith.constant 0 : i32
    %dma_start3A_30 = arith.constant 0 : i32
    %dma_start3A_31 = tpu.memref_slice %arg2[%dma_start3A_29, %dma_start3A_30] : memref<10000x128xf32, #tpu.memory_space<hbm>> -> memref<10000x128xf32, #tpu.memory_space<hbm>>
    tpu.enqueue_indirect_dma source(%dma_start3A_31 : memref<10000x128xf32, #tpu.memory_space<hbm>>) target(%dma_start3A_25 : memref<80x128xf32, #tpu.memory_space<vmem>>) offsets(%dma_start3A_28 : memref<80xi32, #tpu.memory_space<vmem>>) semaphore(%arg11 : memref<!tpu.dma_semaphore, #tpu.memory_space<semaphore_mem>>)
    %dma_start3A_32 = arith.constant 3 : i32
    %dma_start3A_33 = arith.constant 240 : i32
    %dma_start3A_34 = arith.constant 0 : i32
    %dma_start3A_35 = tpu.memref_slice %arg9[%dma_start3A_33, %dma_start3A_34] : memref<400x128xf32, #tpu.memory_space<vmem>> -> memref<80x128xf32, #tpu.memory_space<vmem>>
    %dma_start3A_36 = arith.constant 0 : i32
    %dma_start3A_37 = tpu.memref_slice %arg8[%dma_start3A_32, %dma_start3A_36] : memref<50x80xi32, #tpu.memory_space<vmem>> -> memref<1x80xi32, #tpu.memory_space<vmem>>
    %dma_start3A_38 = tpu.memref_squeeze %dma_start3A_37 : memref<1x80xi32, #tpu.memory_space<vmem>> -> memref<80xi32, #tpu.memory_space<vmem>>
    %dma_start3A_39 = arith.constant 0 : i32
    %dma_start3A_40 = arith.constant 0 : i32
    %dma_start3A_41 = tpu.memref_slice %arg2[%dma_start3A_39, %dma_start3A_40] : memref<10000x128xf32, #tpu.memory_space<hbm>> -> memref<10000x128xf32, #tpu.memory_space<hbm>>
    tpu.enqueue_indirect_dma source(%dma_start3A_41 : memref<10000x128xf32, #tpu.memory_space<hbm>>) target(%dma_start3A_35 : memref<80x128xf32, #tpu.memory_space<vmem>>) offsets(%dma_start3A_38 : memref<80xi32, #tpu.memory_space<vmem>>) semaphore(%arg11 : memref<!tpu.dma_semaphore, #tpu.memory_space<semaphore_mem>>)
    %dma_start3A_42 = arith.constant 4 : i32
    %dma_start3A_43 = arith.constant 320 : i32
    %dma_start3A_44 = arith.constant 0 : i32
    %dma_start3A_45 = tpu.memref_slice %arg9[%dma_start3A_43, %dma_start3A_44] : memref<400x128xf32, #tpu.memory_space<vmem>> -> memref<80x128xf32, #tpu.memory_space<vmem>>
    %dma_start3A_46 = arith.constant 0 : i32
    %dma_start3A_47 = tpu.memref_slice %arg8[%dma_start3A_42, %dma_start3A_46] : memref<50x80xi32, #tpu.memory_space<vmem>> -> memref<1x80xi32, #tpu.memory_space<vmem>>
    %dma_start3A_48 = tpu.memref_squeeze %dma_start3A_47 : memref<1x80xi32, #tpu.memory_space<vmem>> -> memref<80xi32, #tpu.memory_space<vmem>>
    %dma_start3A_49 = arith.constant 0 : i32
    %dma_start3A_50 = arith.constant 0 : i32
    %dma_start3A_51 = tpu.memref_slice %arg2[%dma_start3A_49, %dma_start3A_50] : memref<10000x128xf32, #tpu.memory_space<hbm>> -> memref<10000x128xf32, #tpu.memory_space<hbm>>
    tpu.enqueue_indirect_dma source(%dma_start3A_51 : memref<10000x128xf32, #tpu.memory_space<hbm>>) target(%dma_start3A_45 : memref<80x128xf32, #tpu.memory_space<vmem>>) offsets(%dma_start3A_48 : memref<80xi32, #tpu.memory_space<vmem>>) semaphore(%arg11 : memref<!tpu.dma_semaphore, #tpu.memory_space<semaphore_mem>>)
    %scan3A = arith.constant 0 : i32
    %scan3A_52 = arith.constant 5 : i32
    %scan3A_53 = arith.addi %scan3A, %scan3A_52 : i32
    %scan3A_54 = arith.constant 1 : i32
    scf.for %scan3A_111 = %scan3A to %scan3A_53 step %scan3A_54  : i32 {
      %mul3A_112 = arith.constant 2 : i32
      %mul3A_113 = arith.muli %scan3A_111, %mul3A_112 : i32
      %add3A_114 = arith.constant 0 : i32
      %add3A_115 = arith.addi %add3A_114, %mul3A_113 : i32
      %add3A_116 = arith.constant 1 : i32
      %add3A_117 = arith.addi %add3A_115, %add3A_116 : i32
      %mul3A_118 = arith.constant 5 : i32
      %mul3A_119 = arith.muli %add3A_117, %mul3A_118 : i32
      %add3A_120 = arith.constant 0 : i32
      %add3A_121 = arith.addi %mul3A_119, %add3A_120 : i32
      %dma_start3A_122 = arith.constant 0 : i32
      %dma_start3A_123 = arith.constant 0 : i32
      %dma_start3A_124 = tpu.memref_slice %arg10[%dma_start3A_122, %dma_start3A_123] : memref<400x128xf32, #tpu.memory_space<vmem>> -> memref<80x128xf32, #tpu.memory_space<vmem>>
      %dma_start3A_125 = arith.constant 0 : i32
      %dma_start3A_126 = tpu.memref_slice %arg8[%add3A_121, %dma_start3A_125] : memref<50x80xi32, #tpu.memory_space<vmem>> -> memref<1x80xi32, #tpu.memory_space<vmem>>
      %dma_start3A_127 = tpu.memref_squeeze %dma_start3A_126 : memref<1x80xi32, #tpu.memory_space<vmem>> -> memref<80xi32, #tpu.memory_space<vmem>>
      %dma_start3A_128 = arith.constant 0 : i32
      %dma_start3A_129 = arith.constant 0 : i32
      %dma_start3A_130 = tpu.memref_slice %arg2[%dma_start3A_128, %dma_start3A_129] : memref<10000x128xf32, #tpu.memory_space<hbm>> -> memref<10000x128xf32, #tpu.memory_space<hbm>>
      tpu.enqueue_indirect_dma source(%dma_start3A_130 : memref<10000x128xf32, #tpu.memory_space<hbm>>) target(%dma_start3A_124 : memref<80x128xf32, #tpu.memory_space<vmem>>) offsets(%dma_start3A_127 : memref<80xi32, #tpu.memory_space<vmem>>) semaphore(%arg12 : memref<!tpu.dma_semaphore, #tpu.memory_space<semaphore_mem>>)
      %mul3A_131 = arith.constant 5 : i32
      %mul3A_132 = arith.muli %add3A_117, %mul3A_131 : i32
      %add3A_133 = arith.constant 1 : i32
      %add3A_134 = arith.addi %mul3A_132, %add3A_133 : i32
      %dma_start3A_135 = arith.constant 80 : i32
      %dma_start3A_136 = arith.constant 0 : i32
      %dma_start3A_137 = tpu.memref_slice %arg10[%dma_start3A_135, %dma_start3A_136] : memref<400x128xf32, #tpu.memory_space<vmem>> -> memref<80x128xf32, #tpu.memory_space<vmem>>
      %dma_start3A_138 = arith.constant 0 : i32
      %dma_start3A_139 = tpu.memref_slice %arg8[%add3A_134, %dma_start3A_138] : memref<50x80xi32, #tpu.memory_space<vmem>> -> memref<1x80xi32, #tpu.memory_space<vmem>>
      %dma_start3A_140 = tpu.memref_squeeze %dma_start3A_139 : memref<1x80xi32, #tpu.memory_space<vmem>> -> memref<80xi32, #tpu.memory_space<vmem>>
      %dma_start3A_141 = arith.constant 0 : i32
      %dma_start3A_142 = arith.constant 0 : i32
      %dma_start3A_143 = tpu.memref_slice %arg2[%dma_start3A_141, %dma_start3A_142] : memref<10000x128xf32, #tpu.memory_space<hbm>> -> memref<10000x128xf32, #tpu.memory_space<hbm>>
      tpu.enqueue_indirect_dma source(%dma_start3A_143 : memref<10000x128xf32, #tpu.memory_space<hbm>>) target(%dma_start3A_137 : memref<80x128xf32, #tpu.memory_space<vmem>>) offsets(%dma_start3A_140 : memref<80xi32, #tpu.memory_space<vmem>>) semaphore(%arg12 : memref<!tpu.dma_semaphore, #tpu.memory_space<semaphore_mem>>)
      %mul3A_144 = arith.constant 5 : i32
      %mul3A_145 = arith.muli %add3A_117, %mul3A_144 : i32
      %add3A_146 = arith.constant 2 : i32
      %add3A_147 = arith.addi %mul3A_145, %add3A_146 : i32
      %dma_start3A_148 = arith.constant 160 : i32
      %dma_start3A_149 = arith.constant 0 : i32
      %dma_start3A_150 = tpu.memref_slice %arg10[%dma_start3A_148, %dma_start3A_149] : memref<400x128xf32, #tpu.memory_space<vmem>> -> memref<80x128xf32, #tpu.memory_space<vmem>>
      %dma_start3A_151 = arith.constant 0 : i32
      %dma_start3A_152 = tpu.memref_slice %arg8[%add3A_147, %dma_start3A_151] : memref<50x80xi32, #tpu.memory_space<vmem>> -> memref<1x80xi32, #tpu.memory_space<vmem>>
      %dma_start3A_153 = tpu.memref_squeeze %dma_start3A_152 : memref<1x80xi32, #tpu.memory_space<vmem>> -> memref<80xi32, #tpu.memory_space<vmem>>
      %dma_start3A_154 = arith.constant 0 : i32
      %dma_start3A_155 = arith.constant 0 : i32
      %dma_start3A_156 = tpu.memref_slice %arg2[%dma_start3A_154, %dma_start3A_155] : memref<10000x128xf32, #tpu.memory_space<hbm>> -> memref<10000x128xf32, #tpu.memory_space<hbm>>
      tpu.enqueue_indirect_dma source(%dma_start3A_156 : memref<10000x128xf32, #tpu.memory_space<hbm>>) target(%dma_start3A_150 : memref<80x128xf32, #tpu.memory_space<vmem>>) offsets(%dma_start3A_153 : memref<80xi32, #tpu.memory_space<vmem>>) semaphore(%arg12 : memref<!tpu.dma_semaphore, #tpu.memory_space<semaphore_mem>>)
      %mul3A_157 = arith.constant 5 : i32
      %mul3A_158 = arith.muli %add3A_117, %mul3A_157 : i32
      %add3A_159 = arith.constant 3 : i32
      %add3A_160 = arith.addi %mul3A_158, %add3A_159 : i32
      %dma_start3A_161 = arith.constant 240 : i32
      %dma_start3A_162 = arith.constant 0 : i32
      %dma_start3A_163 = tpu.memref_slice %arg10[%dma_start3A_161, %dma_start3A_162] : memref<400x128xf32, #tpu.memory_space<vmem>> -> memref<80x128xf32, #tpu.memory_space<vmem>>
      %dma_start3A_164 = arith.constant 0 : i32
      %dma_start3A_165 = tpu.memref_slice %arg8[%add3A_160, %dma_start3A_164] : memref<50x80xi32, #tpu.memory_space<vmem>> -> memref<1x80xi32, #tpu.memory_space<vmem>>
      %dma_start3A_166 = tpu.memref_squeeze %dma_start3A_165 : memref<1x80xi32, #tpu.memory_space<vmem>> -> memref<80xi32, #tpu.memory_space<vmem>>
      %dma_start3A_167 = arith.constant 0 : i32
      %dma_start3A_168 = arith.constant 0 : i32
      %dma_start3A_169 = tpu.memref_slice %arg2[%dma_start3A_167, %dma_start3A_168] : memref<10000x128xf32, #tpu.memory_space<hbm>> -> memref<10000x128xf32, #tpu.memory_space<hbm>>
      tpu.enqueue_indirect_dma source(%dma_start3A_169 : memref<10000x128xf32, #tpu.memory_space<hbm>>) target(%dma_start3A_163 : memref<80x128xf32, #tpu.memory_space<vmem>>) offsets(%dma_start3A_166 : memref<80xi32, #tpu.memory_space<vmem>>) semaphore(%arg12 : memref<!tpu.dma_semaphore, #tpu.memory_space<semaphore_mem>>)
      %mul3A_170 = arith.constant 5 : i32
      %mul3A_171 = arith.muli %add3A_117, %mul3A_170 : i32
      %add3A_172 = arith.constant 4 : i32
      %add3A_173 = arith.addi %mul3A_171, %add3A_172 : i32
      %dma_start3A_174 = arith.constant 320 : i32
      %dma_start3A_175 = arith.constant 0 : i32
      %dma_start3A_176 = tpu.memref_slice %arg10[%dma_start3A_174, %dma_start3A_175] : memref<400x128xf32, #tpu.memory_space<vmem>> -> memref<80x128xf32, #tpu.memory_space<vmem>>
      %dma_start3A_177 = arith.constant 0 : i32
      %dma_start3A_178 = tpu.memref_slice %arg8[%add3A_173, %dma_start3A_177] : memref<50x80xi32, #tpu.memory_space<vmem>> -> memref<1x80xi32, #tpu.memory_space<vmem>>
      %dma_start3A_179 = tpu.memref_squeeze %dma_start3A_178 : memref<1x80xi32, #tpu.memory_space<vmem>> -> memref<80xi32, #tpu.memory_space<vmem>>
      %dma_start3A_180 = arith.constant 0 : i32
      %dma_start3A_181 = arith.constant 0 : i32
      %dma_start3A_182 = tpu.memref_slice %arg2[%dma_start3A_180, %dma_start3A_181] : memref<10000x128xf32, #tpu.memory_space<hbm>> -> memref<10000x128xf32, #tpu.memory_space<hbm>>
      tpu.enqueue_indirect_dma source(%dma_start3A_182 : memref<10000x128xf32, #tpu.memory_space<hbm>>) target(%dma_start3A_176 : memref<80x128xf32, #tpu.memory_space<vmem>>) offsets(%dma_start3A_179 : memref<80xi32, #tpu.memory_space<vmem>>) semaphore(%arg12 : memref<!tpu.dma_semaphore, #tpu.memory_space<semaphore_mem>>)
      %mul3A_183 = arith.constant 5 : i32
      %mul3A_184 = arith.muli %add3A_115, %mul3A_183 : i32
      %add3A_185 = arith.constant 0 : i32
      %add3A_186 = arith.addi %mul3A_184, %add3A_185 : i32
      %dma_wait3A = arith.constant 0 : i32
      %dma_wait3A_187 = arith.constant 0 : i32
      %dma_wait3A_188 = tpu.memref_slice %arg9[%dma_wait3A, %dma_wait3A_187] : memref<400x128xf32, #tpu.memory_space<vmem>> -> memref<80x128xf32, #tpu.memory_space<vmem>>
      %dma_wait3A_189 = arith.constant 0 : i32
      %dma_wait3A_190 = tpu.memref_slice %arg8[%add3A_186, %dma_wait3A_189] : memref<50x80xi32, #tpu.memory_space<vmem>> -> memref<1x80xi32, #tpu.memory_space<vmem>>
      %dma_wait3A_191 = tpu.memref_squeeze %dma_wait3A_190 : memref<1x80xi32, #tpu.memory_space<vmem>> -> memref<80xi32, #tpu.memory_space<vmem>>
      %dma_wait3A_192 = arith.constant 0 : i32
      %dma_wait3A_193 = arith.constant 0 : i32
      %dma_wait3A_194 = tpu.memref_slice %arg2[%dma_wait3A_192, %dma_wait3A_193] : memref<10000x128xf32, #tpu.memory_space<hbm>> -> memref<10000x128xf32, #tpu.memory_space<hbm>>
      tpu.wait_indirect_dma semaphore(%arg11 : memref<!tpu.dma_semaphore, #tpu.memory_space<semaphore_mem>>) src(%dma_wait3A_194 : memref<10000x128xf32, #tpu.memory_space<hbm>>) dst(%dma_wait3A_188 : memref<80x128xf32, #tpu.memory_space<vmem>>)
      %mul3A_195 = arith.constant 5 : i32
      %mul3A_196 = arith.muli %add3A_115, %mul3A_195 : i32
      %add3A_197 = arith.constant 1 : i32
      %add3A_198 = arith.addi %mul3A_196, %add3A_197 : i32
      %dma_wait3A_199 = arith.constant 80 : i32
      %dma_wait3A_200 = arith.constant 0 : i32
      %dma_wait3A_201 = tpu.memref_slice %arg9[%dma_wait3A_199, %dma_wait3A_200] : memref<400x128xf32, #tpu.memory_space<vmem>> -> memref<80x128xf32, #tpu.memory_space<vmem>>
      %dma_wait3A_202 = arith.constant 0 : i32
      %dma_wait3A_203 = tpu.memref_slice %arg8[%add3A_198, %dma_wait3A_202] : memref<50x80xi32, #tpu.memory_space<vmem>> -> memref<1x80xi32, #tpu.memory_space<vmem>>
      %dma_wait3A_204 = tpu.memref_squeeze %dma_wait3A_203 : memref<1x80xi32, #tpu.memory_space<vmem>> -> memref<80xi32, #tpu.memory_space<vmem>>
      %dma_wait3A_205 = arith.constant 0 : i32
      %dma_wait3A_206 = arith.constant 0 : i32
      %dma_wait3A_207 = tpu.memref_slice %arg2[%dma_wait3A_205, %dma_wait3A_206] : memref<10000x128xf32, #tpu.memory_space<hbm>> -> memref<10000x128xf32, #tpu.memory_space<hbm>>
      tpu.wait_indirect_dma semaphore(%arg11 : memref<!tpu.dma_semaphore, #tpu.memory_space<semaphore_mem>>) src(%dma_wait3A_207 : memref<10000x128xf32, #tpu.memory_space<hbm>>) dst(%dma_wait3A_201 : memref<80x128xf32, #tpu.memory_space<vmem>>)
      %mul3A_208 = arith.constant 5 : i32
      %mul3A_209 = arith.muli %add3A_115, %mul3A_208 : i32
      %add3A_210 = arith.constant 2 : i32
      %add3A_211 = arith.addi %mul3A_209, %add3A_210 : i32
      %dma_wait3A_212 = arith.constant 160 : i32
      %dma_wait3A_213 = arith.constant 0 : i32
      %dma_wait3A_214 = tpu.memref_slice %arg9[%dma_wait3A_212, %dma_wait3A_213] : memref<400x128xf32, #tpu.memory_space<vmem>> -> memref<80x128xf32, #tpu.memory_space<vmem>>
      %dma_wait3A_215 = arith.constant 0 : i32
      %dma_wait3A_216 = tpu.memref_slice %arg8[%add3A_211, %dma_wait3A_215] : memref<50x80xi32, #tpu.memory_space<vmem>> -> memref<1x80xi32, #tpu.memory_space<vmem>>
      %dma_wait3A_217 = tpu.memref_squeeze %dma_wait3A_216 : memref<1x80xi32, #tpu.memory_space<vmem>> -> memref<80xi32, #tpu.memory_space<vmem>>
      %dma_wait3A_218 = arith.constant 0 : i32
      %dma_wait3A_219 = arith.constant 0 : i32
      %dma_wait3A_220 = tpu.memref_slice %arg2[%dma_wait3A_218, %dma_wait3A_219] : memref<10000x128xf32, #tpu.memory_space<hbm>> -> memref<10000x128xf32, #tpu.memory_space<hbm>>
      tpu.wait_indirect_dma semaphore(%arg11 : memref<!tpu.dma_semaphore, #tpu.memory_space<semaphore_mem>>) src(%dma_wait3A_220 : memref<10000x128xf32, #tpu.memory_space<hbm>>) dst(%dma_wait3A_214 : memref<80x128xf32, #tpu.memory_space<vmem>>)
      %mul3A_221 = arith.constant 5 : i32
      %mul3A_222 = arith.muli %add3A_115, %mul3A_221 : i32
      %add3A_223 = arith.constant 3 : i32
      %add3A_224 = arith.addi %mul3A_222, %add3A_223 : i32
      %dma_wait3A_225 = arith.constant 240 : i32
      %dma_wait3A_226 = arith.constant 0 : i32
      %dma_wait3A_227 = tpu.memref_slice %arg9[%dma_wait3A_225, %dma_wait3A_226] : memref<400x128xf32, #tpu.memory_space<vmem>> -> memref<80x128xf32, #tpu.memory_space<vmem>>
      %dma_wait3A_228 = arith.constant 0 : i32
      %dma_wait3A_229 = tpu.memref_slice %arg8[%add3A_224, %dma_wait3A_228] : memref<50x80xi32, #tpu.memory_space<vmem>> -> memref<1x80xi32, #tpu.memory_space<vmem>>
      %dma_wait3A_230 = tpu.memref_squeeze %dma_wait3A_229 : memref<1x80xi32, #tpu.memory_space<vmem>> -> memref<80xi32, #tpu.memory_space<vmem>>
      %dma_wait3A_231 = arith.constant 0 : i32
      %dma_wait3A_232 = arith.constant 0 : i32
      %dma_wait3A_233 = tpu.memref_slice %arg2[%dma_wait3A_231, %dma_wait3A_232] : memref<10000x128xf32, #tpu.memory_space<hbm>> -> memref<10000x128xf32, #tpu.memory_space<hbm>>
      tpu.wait_indirect_dma semaphore(%arg11 : memref<!tpu.dma_semaphore, #tpu.memory_space<semaphore_mem>>) src(%dma_wait3A_233 : memref<10000x128xf32, #tpu.memory_space<hbm>>) dst(%dma_wait3A_227 : memref<80x128xf32, #tpu.memory_space<vmem>>)
      %mul3A_234 = arith.constant 5 : i32
      %mul3A_235 = arith.muli %add3A_115, %mul3A_234 : i32
      %add3A_236 = arith.constant 4 : i32
      %add3A_237 = arith.addi %mul3A_235, %add3A_236 : i32
      %dma_wait3A_238 = arith.constant 320 : i32
      %dma_wait3A_239 = arith.constant 0 : i32
      %dma_wait3A_240 = tpu.memref_slice %arg9[%dma_wait3A_238, %dma_wait3A_239] : memref<400x128xf32, #tpu.memory_space<vmem>> -> memref<80x128xf32, #tpu.memory_space<vmem>>
      %dma_wait3A_241 = arith.constant 0 : i32
      %dma_wait3A_242 = tpu.memref_slice %arg8[%add3A_237, %dma_wait3A_241] : memref<50x80xi32, #tpu.memory_space<vmem>> -> memref<1x80xi32, #tpu.memory_space<vmem>>
      %dma_wait3A_243 = tpu.memref_squeeze %dma_wait3A_242 : memref<1x80xi32, #tpu.memory_space<vmem>> -> memref<80xi32, #tpu.memory_space<vmem>>
      %dma_wait3A_244 = arith.constant 0 : i32
      %dma_wait3A_245 = arith.constant 0 : i32
      %dma_wait3A_246 = tpu.memref_slice %arg2[%dma_wait3A_244, %dma_wait3A_245] : memref<10000x128xf32, #tpu.memory_space<hbm>> -> memref<10000x128xf32, #tpu.memory_space<hbm>>
      tpu.wait_indirect_dma semaphore(%arg11 : memref<!tpu.dma_semaphore, #tpu.memory_space<semaphore_mem>>) src(%dma_wait3A_246 : memref<10000x128xf32, #tpu.memory_space<hbm>>) dst(%dma_wait3A_240 : memref<80x128xf32, #tpu.memory_space<vmem>>)
      %mul3A_247 = arith.constant 400 : i32
      %mul3A_248 = arith.muli %add3A_115, %mul3A_247 : i32
      %add3A_249 = arith.addi %mul3A_2, %mul3A_248 : i32
      "tpu.region"() ({
        %run_scoped3A = tpu.sem_alloc : memref<!tpu.dma_semaphore, #tpu.memory_space<semaphore_mem>>
        %dma_start3A_324 = arith.constant 0 : i32
        %dma_start3A_325 = tpu.memref_slice %arg6[%add3A_249, %dma_start3A_324] : memref<128000x128xf32, #tpu.memory_space<hbm>> -> memref<400x128xf32, #tpu.memory_space<hbm>>
        %dma_start3A_326 = arith.constant 0 : i32
        %dma_start3A_327 = tpu.memref_slice %arg6[%add3A_249, %dma_start3A_326] : memref<128000x128xf32, #tpu.memory_space<hbm>> -> memref<400x128xf32, #tpu.memory_space<hbm>>
        tpu.enqueue_dma source(%arg9 : memref<400x128xf32, #tpu.memory_space<vmem>>) target(%dma_start3A_327 : memref<400x128xf32, #tpu.memory_space<hbm>>) target_semaphore(%run_scoped3A : memref<!tpu.dma_semaphore, #tpu.memory_space<semaphore_mem>>)
        %dma_wait3A_328 = arith.constant 0 : i32
        %dma_wait3A_329 = tpu.memref_slice %arg6[%add3A_249, %dma_wait3A_328] : memref<128000x128xf32, #tpu.memory_space<hbm>> -> memref<400x128xf32, #tpu.memory_space<hbm>>
        %dma_wait3A_330 = arith.constant 0 : i32
        %dma_wait3A_331 = tpu.memref_slice %arg6[%add3A_249, %dma_wait3A_330] : memref<128000x128xf32, #tpu.memory_space<hbm>> -> memref<400x128xf32, #tpu.memory_space<hbm>>
        tpu.wait_dma2 semaphore(%run_scoped3A : memref<!tpu.dma_semaphore, #tpu.memory_space<semaphore_mem>>) src(%arg9 : memref<400x128xf32, #tpu.memory_space<vmem>>) dst(%dma_wait3A_331 : memref<400x128xf32, #tpu.memory_space<hbm>>)
        tpu.yield
      }) : () -> ()
      %add3A_250 = arith.constant 2 : i32
      %add3A_251 = arith.addi %add3A_115, %add3A_250 : i32
      %lt3A = arith.constant 10 : i32
      %lt3A_252 = arith.cmpi slt, %add3A_251, %lt3A : i32
      %convert_element_type3A = arith.extui %lt3A_252 : i1 to i32
      %cond3A = arith.constant 0 : i32
      %cond3A_253 = arith.cmpi ne, %convert_element_type3A, %cond3A : i32
      scf.if %cond3A_253 {
        %add3A_324 = arith.constant 2 : i32
        %add3A_325 = arith.addi %add3A_115, %add3A_324 : i32
        %mul3A_326 = arith.constant 5 : i32
        %mul3A_327 = arith.muli %add3A_325, %mul3A_326 : i32
        %add3A_328 = arith.constant 0 : i32
        %add3A_329 = arith.addi %mul3A_327, %add3A_328 : i32
        %dma_start3A_330 = arith.constant 0 : i32
        %dma_start3A_331 = arith.constant 0 : i32
        %dma_start3A_332 = tpu.memref_slice %arg9[%dma_start3A_330, %dma_start3A_331] : memref<400x128xf32, #tpu.memory_space<vmem>> -> memref<80x128xf32, #tpu.memory_space<vmem>>
        %dma_start3A_333 = arith.constant 0 : i32
        %dma_start3A_334 = tpu.memref_slice %arg8[%add3A_329, %dma_start3A_333] : memref<50x80xi32, #tpu.memory_space<vmem>> -> memref<1x80xi32, #tpu.memory_space<vmem>>
        %dma_start3A_335 = tpu.memref_squeeze %dma_start3A_334 : memref<1x80xi32, #tpu.memory_space<vmem>> -> memref<80xi32, #tpu.memory_space<vmem>>
        %dma_start3A_336 = arith.constant 0 : i32
        %dma_start3A_337 = arith.constant 0 : i32
        %dma_start3A_338 = tpu.memref_slice %arg2[%dma_start3A_336, %dma_start3A_337] : memref<10000x128xf32, #tpu.memory_space<hbm>> -> memref<10000x128xf32, #tpu.memory_space<hbm>>
        tpu.enqueue_indirect_dma source(%dma_start3A_338 : memref<10000x128xf32, #tpu.memory_space<hbm>>) target(%dma_start3A_332 : memref<80x128xf32, #tpu.memory_space<vmem>>) offsets(%dma_start3A_335 : memref<80xi32, #tpu.memory_space<vmem>>) semaphore(%arg11 : memref<!tpu.dma_semaphore, #tpu.memory_space<semaphore_mem>>)
        %mul3A_339 = arith.constant 5 : i32
        %mul3A_340 = arith.muli %add3A_325, %mul3A_339 : i32
        %add3A_341 = arith.constant 1 : i32
        %add3A_342 = arith.addi %mul3A_340, %add3A_341 : i32
        %dma_start3A_343 = arith.constant 80 : i32
        %dma_start3A_344 = arith.constant 0 : i32
        %dma_start3A_345 = tpu.memref_slice %arg9[%dma_start3A_343, %dma_start3A_344] : memref<400x128xf32, #tpu.memory_space<vmem>> -> memref<80x128xf32, #tpu.memory_space<vmem>>
        %dma_start3A_346 = arith.constant 0 : i32
        %dma_start3A_347 = tpu.memref_slice %arg8[%add3A_342, %dma_start3A_346] : memref<50x80xi32, #tpu.memory_space<vmem>> -> memref<1x80xi32, #tpu.memory_space<vmem>>
        %dma_start3A_348 = tpu.memref_squeeze %dma_start3A_347 : memref<1x80xi32, #tpu.memory_space<vmem>> -> memref<80xi32, #tpu.memory_space<vmem>>
        %dma_start3A_349 = arith.constant 0 : i32
        %dma_start3A_350 = arith.constant 0 : i32
        %dma_start3A_351 = tpu.memref_slice %arg2[%dma_start3A_349, %dma_start3A_350] : memref<10000x128xf32, #tpu.memory_space<hbm>> -> memref<10000x128xf32, #tpu.memory_space<hbm>>
        tpu.enqueue_indirect_dma source(%dma_start3A_351 : memref<10000x128xf32, #tpu.memory_space<hbm>>) target(%dma_start3A_345 : memref<80x128xf32, #tpu.memory_space<vmem>>) offsets(%dma_start3A_348 : memref<80xi32, #tpu.memory_space<vmem>>) semaphore(%arg11 : memref<!tpu.dma_semaphore, #tpu.memory_space<semaphore_mem>>)
        %mul3A_352 = arith.constant 5 : i32
        %mul3A_353 = arith.muli %add3A_325, %mul3A_352 : i32
        %add3A_354 = arith.constant 2 : i32
        %add3A_355 = arith.addi %mul3A_353, %add3A_354 : i32
        %dma_start3A_356 = arith.constant 160 : i32
        %dma_start3A_357 = arith.constant 0 : i32
        %dma_start3A_358 = tpu.memref_slice %arg9[%dma_start3A_356, %dma_start3A_357] : memref<400x128xf32, #tpu.memory_space<vmem>> -> memref<80x128xf32, #tpu.memory_space<vmem>>
        %dma_start3A_359 = arith.constant 0 : i32
        %dma_start3A_360 = tpu.memref_slice %arg8[%add3A_355, %dma_start3A_359] : memref<50x80xi32, #tpu.memory_space<vmem>> -> memref<1x80xi32, #tpu.memory_space<vmem>>
        %dma_start3A_361 = tpu.memref_squeeze %dma_start3A_360 : memref<1x80xi32, #tpu.memory_space<vmem>> -> memref<80xi32, #tpu.memory_space<vmem>>
        %dma_start3A_362 = arith.constant 0 : i32
        %dma_start3A_363 = arith.constant 0 : i32
        %dma_start3A_364 = tpu.memref_slice %arg2[%dma_start3A_362, %dma_start3A_363] : memref<10000x128xf32, #tpu.memory_space<hbm>> -> memref<10000x128xf32, #tpu.memory_space<hbm>>
        tpu.enqueue_indirect_dma source(%dma_start3A_364 : memref<10000x128xf32, #tpu.memory_space<hbm>>) target(%dma_start3A_358 : memref<80x128xf32, #tpu.memory_space<vmem>>) offsets(%dma_start3A_361 : memref<80xi32, #tpu.memory_space<vmem>>) semaphore(%arg11 : memref<!tpu.dma_semaphore, #tpu.memory_space<semaphore_mem>>)
        %mul3A_365 = arith.constant 5 : i32
        %mul3A_366 = arith.muli %add3A_325, %mul3A_365 : i32
        %add3A_367 = arith.constant 3 : i32
        %add3A_368 = arith.addi %mul3A_366, %add3A_367 : i32
        %dma_start3A_369 = arith.constant 240 : i32
        %dma_start3A_370 = arith.constant 0 : i32
        %dma_start3A_371 = tpu.memref_slice %arg9[%dma_start3A_369, %dma_start3A_370] : memref<400x128xf32, #tpu.memory_space<vmem>> -> memref<80x128xf32, #tpu.memory_space<vmem>>
        %dma_start3A_372 = arith.constant 0 : i32
        %dma_start3A_373 = tpu.memref_slice %arg8[%add3A_368, %dma_start3A_372] : memref<50x80xi32, #tpu.memory_space<vmem>> -> memref<1x80xi32, #tpu.memory_space<vmem>>
        %dma_start3A_374 = tpu.memref_squeeze %dma_start3A_373 : memref<1x80xi32, #tpu.memory_space<vmem>> -> memref<80xi32, #tpu.memory_space<vmem>>
        %dma_start3A_375 = arith.constant 0 : i32
        %dma_start3A_376 = arith.constant 0 : i32
        %dma_start3A_377 = tpu.memref_slice %arg2[%dma_start3A_375, %dma_start3A_376] : memref<10000x128xf32, #tpu.memory_space<hbm>> -> memref<10000x128xf32, #tpu.memory_space<hbm>>
        tpu.enqueue_indirect_dma source(%dma_start3A_377 : memref<10000x128xf32, #tpu.memory_space<hbm>>) target(%dma_start3A_371 : memref<80x128xf32, #tpu.memory_space<vmem>>) offsets(%dma_start3A_374 : memref<80xi32, #tpu.memory_space<vmem>>) semaphore(%arg11 : memref<!tpu.dma_semaphore, #tpu.memory_space<semaphore_mem>>)
        %mul3A_378 = arith.constant 5 : i32
        %mul3A_379 = arith.muli %add3A_325, %mul3A_378 : i32
        %add3A_380 = arith.constant 4 : i32
        %add3A_381 = arith.addi %mul3A_379, %add3A_380 : i32
        %dma_start3A_382 = arith.constant 320 : i32
        %dma_start3A_383 = arith.constant 0 : i32
        %dma_start3A_384 = tpu.memref_slice %arg9[%dma_start3A_382, %dma_start3A_383] : memref<400x128xf32, #tpu.memory_space<vmem>> -> memref<80x128xf32, #tpu.memory_space<vmem>>
        %dma_start3A_385 = arith.constant 0 : i32
        %dma_start3A_386 = tpu.memref_slice %arg8[%add3A_381, %dma_start3A_385] : memref<50x80xi32, #tpu.memory_space<vmem>> -> memref<1x80xi32, #tpu.memory_space<vmem>>
        %dma_start3A_387 = tpu.memref_squeeze %dma_start3A_386 : memref<1x80xi32, #tpu.memory_space<vmem>> -> memref<80xi32, #tpu.memory_space<vmem>>
        %dma_start3A_388 = arith.constant 0 : i32
        %dma_start3A_389 = arith.constant 0 : i32
        %dma_start3A_390 = tpu.memref_slice %arg2[%dma_start3A_388, %dma_start3A_389] : memref<10000x128xf32, #tpu.memory_space<hbm>> -> memref<10000x128xf32, #tpu.memory_space<hbm>>
        tpu.enqueue_indirect_dma source(%dma_start3A_390 : memref<10000x128xf32, #tpu.memory_space<hbm>>) target(%dma_start3A_384 : memref<80x128xf32, #tpu.memory_space<vmem>>) offsets(%dma_start3A_387 : memref<80xi32, #tpu.memory_space<vmem>>) semaphore(%arg11 : memref<!tpu.dma_semaphore, #tpu.memory_space<semaphore_mem>>)
      } else {
      }
      %add3A_254 = arith.constant 1 : i32
      %add3A_255 = arith.addi %add3A_115, %add3A_254 : i32
      %mul3A_256 = arith.constant 5 : i32
      %mul3A_257 = arith.muli %add3A_255, %mul3A_256 : i32
      %add3A_258 = arith.constant 0 : i32
      %add3A_259 = arith.addi %mul3A_257, %add3A_258 : i32
      %dma_wait3A_260 = arith.constant 0 : i32
      %dma_wait3A_261 = arith.constant 0 : i32
      %dma_wait3A_262 = tpu.memref_slice %arg10[%dma_wait3A_260, %dma_wait3A_261] : memref<400x128xf32, #tpu.memory_space<vmem>> -> memref<80x128xf32, #tpu.memory_space<vmem>>
      %dma_wait3A_263 = arith.constant 0 : i32
      %dma_wait3A_264 = tpu.memref_slice %arg8[%add3A_259, %dma_wait3A_263] : memref<50x80xi32, #tpu.memory_space<vmem>> -> memref<1x80xi32, #tpu.memory_space<vmem>>
      %dma_wait3A_265 = tpu.memref_squeeze %dma_wait3A_264 : memref<1x80xi32, #tpu.memory_space<vmem>> -> memref<80xi32, #tpu.memory_space<vmem>>
      %dma_wait3A_266 = arith.constant 0 : i32
      %dma_wait3A_267 = arith.constant 0 : i32
      %dma_wait3A_268 = tpu.memref_slice %arg2[%dma_wait3A_266, %dma_wait3A_267] : memref<10000x128xf32, #tpu.memory_space<hbm>> -> memref<10000x128xf32, #tpu.memory_space<hbm>>
      tpu.wait_indirect_dma semaphore(%arg12 : memref<!tpu.dma_semaphore, #tpu.memory_space<semaphore_mem>>) src(%dma_wait3A_268 : memref<10000x128xf32, #tpu.memory_space<hbm>>) dst(%dma_wait3A_262 : memref<80x128xf32, #tpu.memory_space<vmem>>)
      %mul3A_269 = arith.constant 5 : i32
      %mul3A_270 = arith.muli %add3A_255, %mul3A_269 : i32
      %add3A_271 = arith.constant 1 : i32
      %add3A_272 = arith.addi %mul3A_270, %add3A_271 : i32
      %dma_wait3A_273 = arith.constant 80 : i32
      %dma_wait3A_274 = arith.constant 0 : i32
      %dma_wait3A_275 = tpu.memref_slice %arg10[%dma_wait3A_273, %dma_wait3A_274] : memref<400x128xf32, #tpu.memory_space<vmem>> -> memref<80x128xf32, #tpu.memory_space<vmem>>
      %dma_wait3A_276 = arith.constant 0 : i32
      %dma_wait3A_277 = tpu.memref_slice %arg8[%add3A_272, %dma_wait3A_276] : memref<50x80xi32, #tpu.memory_space<vmem>> -> memref<1x80xi32, #tpu.memory_space<vmem>>
      %dma_wait3A_278 = tpu.memref_squeeze %dma_wait3A_277 : memref<1x80xi32, #tpu.memory_space<vmem>> -> memref<80xi32, #tpu.memory_space<vmem>>
      %dma_wait3A_279 = arith.constant 0 : i32
      %dma_wait3A_280 = arith.constant 0 : i32
      %dma_wait3A_281 = tpu.memref_slice %arg2[%dma_wait3A_279, %dma_wait3A_280] : memref<10000x128xf32, #tpu.memory_space<hbm>> -> memref<10000x128xf32, #tpu.memory_space<hbm>>
      tpu.wait_indirect_dma semaphore(%arg12 : memref<!tpu.dma_semaphore, #tpu.memory_space<semaphore_mem>>) src(%dma_wait3A_281 : memref<10000x128xf32, #tpu.memory_space<hbm>>) dst(%dma_wait3A_275 : memref<80x128xf32, #tpu.memory_space<vmem>>)
      %mul3A_282 = arith.constant 5 : i32
      %mul3A_283 = arith.muli %add3A_255, %mul3A_282 : i32
      %add3A_284 = arith.constant 2 : i32
      %add3A_285 = arith.addi %mul3A_283, %add3A_284 : i32
      %dma_wait3A_286 = arith.constant 160 : i32
      %dma_wait3A_287 = arith.constant 0 : i32
      %dma_wait3A_288 = tpu.memref_slice %arg10[%dma_wait3A_286, %dma_wait3A_287] : memref<400x128xf32, #tpu.memory_space<vmem>> -> memref<80x128xf32, #tpu.memory_space<vmem>>
      %dma_wait3A_289 = arith.constant 0 : i32
      %dma_wait3A_290 = tpu.memref_slice %arg8[%add3A_285, %dma_wait3A_289] : memref<50x80xi32, #tpu.memory_space<vmem>> -> memref<1x80xi32, #tpu.memory_space<vmem>>
      %dma_wait3A_291 = tpu.memref_squeeze %dma_wait3A_290 : memref<1x80xi32, #tpu.memory_space<vmem>> -> memref<80xi32, #tpu.memory_space<vmem>>
      %dma_wait3A_292 = arith.constant 0 : i32
      %dma_wait3A_293 = arith.constant 0 : i32
      %dma_wait3A_294 = tpu.memref_slice %arg2[%dma_wait3A_292, %dma_wait3A_293] : memref<10000x128xf32, #tpu.memory_space<hbm>> -> memref<10000x128xf32, #tpu.memory_space<hbm>>
      tpu.wait_indirect_dma semaphore(%arg12 : memref<!tpu.dma_semaphore, #tpu.memory_space<semaphore_mem>>) src(%dma_wait3A_294 : memref<10000x128xf32, #tpu.memory_space<hbm>>) dst(%dma_wait3A_288 : memref<80x128xf32, #tpu.memory_space<vmem>>)
      %mul3A_295 = arith.constant 5 : i32
      %mul3A_296 = arith.muli %add3A_255, %mul3A_295 : i32
      %add3A_297 = arith.constant 3 : i32
      %add3A_298 = arith.addi %mul3A_296, %add3A_297 : i32
      %dma_wait3A_299 = arith.constant 240 : i32
      %dma_wait3A_300 = arith.constant 0 : i32
      %dma_wait3A_301 = tpu.memref_slice %arg10[%dma_wait3A_299, %dma_wait3A_300] : memref<400x128xf32, #tpu.memory_space<vmem>> -> memref<80x128xf32, #tpu.memory_space<vmem>>
      %dma_wait3A_302 = arith.constant 0 : i32
      %dma_wait3A_303 = tpu.memref_slice %arg8[%add3A_298, %dma_wait3A_302] : memref<50x80xi32, #tpu.memory_space<vmem>> -> memref<1x80xi32, #tpu.memory_space<vmem>>
      %dma_wait3A_304 = tpu.memref_squeeze %dma_wait3A_303 : memref<1x80xi32, #tpu.memory_space<vmem>> -> memref<80xi32, #tpu.memory_space<vmem>>
      %dma_wait3A_305 = arith.constant 0 : i32
      %dma_wait3A_306 = arith.constant 0 : i32
      %dma_wait3A_307 = tpu.memref_slice %arg2[%dma_wait3A_305, %dma_wait3A_306] : memref<10000x128xf32, #tpu.memory_space<hbm>> -> memref<10000x128xf32, #tpu.memory_space<hbm>>
      tpu.wait_indirect_dma semaphore(%arg12 : memref<!tpu.dma_semaphore, #tpu.memory_space<semaphore_mem>>) src(%dma_wait3A_307 : memref<10000x128xf32, #tpu.memory_space<hbm>>) dst(%dma_wait3A_301 : memref<80x128xf32, #tpu.memory_space<vmem>>)
      %mul3A_308 = arith.constant 5 : i32
      %mul3A_309 = arith.muli %add3A_255, %mul3A_308 : i32
      %add3A_310 = arith.constant 4 : i32
      %add3A_311 = arith.addi %mul3A_309, %add3A_310 : i32
      %dma_wait3A_312 = arith.constant 320 : i32
      %dma_wait3A_313 = arith.constant 0 : i32
      %dma_wait3A_314 = tpu.memref_slice %arg10[%dma_wait3A_312, %dma_wait3A_313] : memref<400x128xf32, #tpu.memory_space<vmem>> -> memref<80x128xf32, #tpu.memory_space<vmem>>
      %dma_wait3A_315 = arith.constant 0 : i32
      %dma_wait3A_316 = tpu.memref_slice %arg8[%add3A_311, %dma_wait3A_315] : memref<50x80xi32, #tpu.memory_space<vmem>> -> memref<1x80xi32, #tpu.memory_space<vmem>>
      %dma_wait3A_317 = tpu.memref_squeeze %dma_wait3A_316 : memref<1x80xi32, #tpu.memory_space<vmem>> -> memref<80xi32, #tpu.memory_space<vmem>>
      %dma_wait3A_318 = arith.constant 0 : i32
      %dma_wait3A_319 = arith.constant 0 : i32
      %dma_wait3A_320 = tpu.memref_slice %arg2[%dma_wait3A_318, %dma_wait3A_319] : memref<10000x128xf32, #tpu.memory_space<hbm>> -> memref<10000x128xf32, #tpu.memory_space<hbm>>
      tpu.wait_indirect_dma semaphore(%arg12 : memref<!tpu.dma_semaphore, #tpu.memory_space<semaphore_mem>>) src(%dma_wait3A_320 : memref<10000x128xf32, #tpu.memory_space<hbm>>) dst(%dma_wait3A_314 : memref<80x128xf32, #tpu.memory_space<vmem>>)
      %mul3A_321 = arith.constant 400 : i32
      %mul3A_322 = arith.muli %add3A_255, %mul3A_321 : i32
      %add3A_323 = arith.addi %mul3A_2, %mul3A_322 : i32
      "tpu.region"() ({
        %run_scoped3A = tpu.sem_alloc : memref<!tpu.dma_semaphore, #tpu.memory_space<semaphore_mem>>
        %dma_start3A_324 = arith.constant 0 : i32
        %dma_start3A_325 = tpu.memref_slice %arg6[%add3A_323, %dma_start3A_324] : memref<128000x128xf32, #tpu.memory_space<hbm>> -> memref<400x128xf32, #tpu.memory_space<hbm>>
        %dma_start3A_326 = arith.constant 0 : i32
        %dma_start3A_327 = tpu.memref_slice %arg6[%add3A_323, %dma_start3A_326] : memref<128000x128xf32, #tpu.memory_space<hbm>> -> memref<400x128xf32, #tpu.memory_space<hbm>>
        tpu.enqueue_dma source(%arg10 : memref<400x128xf32, #tpu.memory_space<vmem>>) target(%dma_start3A_327 : memref<400x128xf32, #tpu.memory_space<hbm>>) target_semaphore(%run_scoped3A : memref<!tpu.dma_semaphore, #tpu.memory_space<semaphore_mem>>)
        %dma_wait3A_328 = arith.constant 0 : i32
        %dma_wait3A_329 = tpu.memref_slice %arg6[%add3A_323, %dma_wait3A_328] : memref<128000x128xf32, #tpu.memory_space<hbm>> -> memref<400x128xf32, #tpu.memory_space<hbm>>
        %dma_wait3A_330 = arith.constant 0 : i32
        %dma_wait3A_331 = tpu.memref_slice %arg6[%add3A_323, %dma_wait3A_330] : memref<128000x128xf32, #tpu.memory_space<hbm>> -> memref<400x128xf32, #tpu.memory_space<hbm>>
        tpu.wait_dma2 semaphore(%run_scoped3A : memref<!tpu.dma_semaphore, #tpu.memory_space<semaphore_mem>>) src(%arg10 : memref<400x128xf32, #tpu.memory_space<vmem>>) dst(%dma_wait3A_331 : memref<400x128xf32, #tpu.memory_space<hbm>>)
        tpu.yield
      }) : () -> ()
    }
    %scan3A_55 = arith.constant 5 : i32
    "tpu.region"() ({
      %run_scoped3A = tpu.sem_alloc : memref<!tpu.dma_semaphore, #tpu.memory_space<semaphore_mem>>
      %dma_start3A_111 = arith.constant 0 : i32
      %dma_start3A_112 = arith.constant 0 : i32
      %dma_start3A_113 = tpu.memref_slice %arg5[%add3A, %dma_start3A_111, %dma_start3A_112] : memref<32x50x80xi32, #tpu.memory_space<hbm>> -> memref<1x50x80xi32, #tpu.memory_space<hbm>>
      %dma_start3A_114 = tpu.memref_squeeze %dma_start3A_113 : memref<1x50x80xi32, #tpu.memory_space<hbm>> -> memref<50x80xi32, #tpu.memory_space<hbm>>
      %dma_start3A_115 = arith.constant 0 : i32
      %dma_start3A_116 = arith.constant 0 : i32
      %dma_start3A_117 = tpu.memref_slice %arg5[%add3A, %dma_start3A_115, %dma_start3A_116] : memref<32x50x80xi32, #tpu.memory_space<hbm>> -> memref<1x50x80xi32, #tpu.memory_space<hbm>>
      %dma_start3A_118 = tpu.memref_squeeze %dma_start3A_117 : memref<1x50x80xi32, #tpu.memory_space<hbm>> -> memref<50x80xi32, #tpu.memory_space<hbm>>
      tpu.enqueue_dma source(%dma_start3A_118 : memref<50x80xi32, #tpu.memory_space<hbm>>) target(%arg8 : memref<50x80xi32, #tpu.memory_space<vmem>>) target_semaphore(%run_scoped3A : memref<!tpu.dma_semaphore, #tpu.memory_space<semaphore_mem>>)
      %dma_wait3A = arith.constant 0 : i32
      %dma_wait3A_119 = arith.constant 0 : i32
      %dma_wait3A_120 = tpu.memref_slice %arg5[%add3A, %dma_wait3A, %dma_wait3A_119] : memref<32x50x80xi32, #tpu.memory_space<hbm>> -> memref<1x50x80xi32, #tpu.memory_space<hbm>>
      %dma_wait3A_121 = tpu.memref_squeeze %dma_wait3A_120 : memref<1x50x80xi32, #tpu.memory_space<hbm>> -> memref<50x80xi32, #tpu.memory_space<hbm>>
      %dma_wait3A_122 = arith.constant 0 : i32
      %dma_wait3A_123 = arith.constant 0 : i32
      %dma_wait3A_124 = tpu.memref_slice %arg5[%add3A, %dma_wait3A_122, %dma_wait3A_123] : memref<32x50x80xi32, #tpu.memory_space<hbm>> -> memref<1x50x80xi32, #tpu.memory_space<hbm>>
      %dma_wait3A_125 = tpu.memref_squeeze %dma_wait3A_124 : memref<1x50x80xi32, #tpu.memory_space<hbm>> -> memref<50x80xi32, #tpu.memory_space<hbm>>
      tpu.wait_dma2 semaphore(%run_scoped3A : memref<!tpu.dma_semaphore, #tpu.memory_space<semaphore_mem>>) src(%dma_wait3A_125 : memref<50x80xi32, #tpu.memory_space<hbm>>) dst(%arg8 : memref<50x80xi32, #tpu.memory_space<vmem>>)
      tpu.yield
    }) : () -> ()
    %dma_start3A_56 = arith.constant 0 : i32
    %dma_start3A_57 = arith.constant 0 : i32
    %dma_start3A_58 = arith.constant 0 : i32
    %dma_start3A_59 = tpu.memref_slice %arg9[%dma_start3A_57, %dma_start3A_58] : memref<400x128xf32, #tpu.memory_space<vmem>> -> memref<80x128xf32, #tpu.memory_space<vmem>>
    %dma_start3A_60 = arith.constant 0 : i32
    %dma_start3A_61 = tpu.memref_slice %arg8[%dma_start3A_56, %dma_start3A_60] : memref<50x80xi32, #tpu.memory_space<vmem>> -> memref<1x80xi32, #tpu.memory_space<vmem>>
    %dma_start3A_62 = tpu.memref_squeeze %dma_start3A_61 : memref<1x80xi32, #tpu.memory_space<vmem>> -> memref<80xi32, #tpu.memory_space<vmem>>
    %dma_start3A_63 = arith.constant 0 : i32
    %dma_start3A_64 = arith.constant 0 : i32
    %dma_start3A_65 = tpu.memref_slice %arg3[%dma_start3A_63, %dma_start3A_64] : memref<10000x128xf32, #tpu.memory_space<hbm>> -> memref<10000x128xf32, #tpu.memory_space<hbm>>
    tpu.enqueue_indirect_dma source(%dma_start3A_65 : memref<10000x128xf32, #tpu.memory_space<hbm>>) target(%dma_start3A_59 : memref<80x128xf32, #tpu.memory_space<vmem>>) offsets(%dma_start3A_62 : memref<80xi32, #tpu.memory_space<vmem>>) semaphore(%arg11 : memref<!tpu.dma_semaphore, #tpu.memory_space<semaphore_mem>>)
    %dma_start3A_66 = arith.constant 1 : i32
    %dma_start3A_67 = arith.constant 80 : i32
    %dma_start3A_68 = arith.constant 0 : i32
    %dma_start3A_69 = tpu.memref_slice %arg9[%dma_start3A_67, %dma_start3A_68] : memref<400x128xf32, #tpu.memory_space<vmem>> -> memref<80x128xf32, #tpu.memory_space<vmem>>
    %dma_start3A_70 = arith.constant 0 : i32
    %dma_start3A_71 = tpu.memref_slice %arg8[%dma_start3A_66, %dma_start3A_70] : memref<50x80xi32, #tpu.memory_space<vmem>> -> memref<1x80xi32, #tpu.memory_space<vmem>>
    %dma_start3A_72 = tpu.memref_squeeze %dma_start3A_71 : memref<1x80xi32, #tpu.memory_space<vmem>> -> memref<80xi32, #tpu.memory_space<vmem>>
    %dma_start3A_73 = arith.constant 0 : i32
    %dma_start3A_74 = arith.constant 0 : i32
    %dma_start3A_75 = tpu.memref_slice %arg3[%dma_start3A_73, %dma_start3A_74] : memref<10000x128xf32, #tpu.memory_space<hbm>> -> memref<10000x128xf32, #tpu.memory_space<hbm>>
    tpu.enqueue_indirect_dma source(%dma_start3A_75 : memref<10000x128xf32, #tpu.memory_space<hbm>>) target(%dma_start3A_69 : memref<80x128xf32, #tpu.memory_space<vmem>>) offsets(%dma_start3A_72 : memref<80xi32, #tpu.memory_space<vmem>>) semaphore(%arg11 : memref<!tpu.dma_semaphore, #tpu.memory_space<semaphore_mem>>)
    %dma_start3A_76 = arith.constant 2 : i32
    %dma_start3A_77 = arith.constant 160 : i32
    %dma_start3A_78 = arith.constant 0 : i32
    %dma_start3A_79 = tpu.memref_slice %arg9[%dma_start3A_77, %dma_start3A_78] : memref<400x128xf32, #tpu.memory_space<vmem>> -> memref<80x128xf32, #tpu.memory_space<vmem>>
    %dma_start3A_80 = arith.constant 0 : i32
    %dma_start3A_81 = tpu.memref_slice %arg8[%dma_start3A_76, %dma_start3A_80] : memref<50x80xi32, #tpu.memory_space<vmem>> -> memref<1x80xi32, #tpu.memory_space<vmem>>
    %dma_start3A_82 = tpu.memref_squeeze %dma_start3A_81 : memref<1x80xi32, #tpu.memory_space<vmem>> -> memref<80xi32, #tpu.memory_space<vmem>>
    %dma_start3A_83 = arith.constant 0 : i32
    %dma_start3A_84 = arith.constant 0 : i32
    %dma_start3A_85 = tpu.memref_slice %arg3[%dma_start3A_83, %dma_start3A_84] : memref<10000x128xf32, #tpu.memory_space<hbm>> -> memref<10000x128xf32, #tpu.memory_space<hbm>>
    tpu.enqueue_indirect_dma source(%dma_start3A_85 : memref<10000x128xf32, #tpu.memory_space<hbm>>) target(%dma_start3A_79 : memref<80x128xf32, #tpu.memory_space<vmem>>) offsets(%dma_start3A_82 : memref<80xi32, #tpu.memory_space<vmem>>) semaphore(%arg11 : memref<!tpu.dma_semaphore, #tpu.memory_space<semaphore_mem>>)
    %dma_start3A_86 = arith.constant 3 : i32
    %dma_start3A_87 = arith.constant 240 : i32
    %dma_start3A_88 = arith.constant 0 : i32
    %dma_start3A_89 = tpu.memref_slice %arg9[%dma_start3A_87, %dma_start3A_88] : memref<400x128xf32, #tpu.memory_space<vmem>> -> memref<80x128xf32, #tpu.memory_space<vmem>>
    %dma_start3A_90 = arith.constant 0 : i32
    %dma_start3A_91 = tpu.memref_slice %arg8[%dma_start3A_86, %dma_start3A_90] : memref<50x80xi32, #tpu.memory_space<vmem>> -> memref<1x80xi32, #tpu.memory_space<vmem>>
    %dma_start3A_92 = tpu.memref_squeeze %dma_start3A_91 : memref<1x80xi32, #tpu.memory_space<vmem>> -> memref<80xi32, #tpu.memory_space<vmem>>
    %dma_start3A_93 = arith.constant 0 : i32
    %dma_start3A_94 = arith.constant 0 : i32
    %dma_start3A_95 = tpu.memref_slice %arg3[%dma_start3A_93, %dma_start3A_94] : memref<10000x128xf32, #tpu.memory_space<hbm>> -> memref<10000x128xf32, #tpu.memory_space<hbm>>
    tpu.enqueue_indirect_dma source(%dma_start3A_95 : memref<10000x128xf32, #tpu.memory_space<hbm>>) target(%dma_start3A_89 : memref<80x128xf32, #tpu.memory_space<vmem>>) offsets(%dma_start3A_92 : memref<80xi32, #tpu.memory_space<vmem>>) semaphore(%arg11 : memref<!tpu.dma_semaphore, #tpu.memory_space<semaphore_mem>>)
    %dma_start3A_96 = arith.constant 4 : i32
    %dma_start3A_97 = arith.constant 320 : i32
    %dma_start3A_98 = arith.constant 0 : i32
    %dma_start3A_99 = tpu.memref_slice %arg9[%dma_start3A_97, %dma_start3A_98] : memref<400x128xf32, #tpu.memory_space<vmem>> -> memref<80x128xf32, #tpu.memory_space<vmem>>
    %dma_start3A_100 = arith.constant 0 : i32
    %dma_start3A_101 = tpu.memref_slice %arg8[%dma_start3A_96, %dma_start3A_100] : memref<50x80xi32, #tpu.memory_space<vmem>> -> memref<1x80xi32, #tpu.memory_space<vmem>>
    %dma_start3A_102 = tpu.memref_squeeze %dma_start3A_101 : memref<1x80xi32, #tpu.memory_space<vmem>> -> memref<80xi32, #tpu.memory_space<vmem>>
    %dma_start3A_103 = arith.constant 0 : i32
    %dma_start3A_104 = arith.constant 0 : i32
    %dma_start3A_105 = tpu.memref_slice %arg3[%dma_start3A_103, %dma_start3A_104] : memref<10000x128xf32, #tpu.memory_space<hbm>> -> memref<10000x128xf32, #tpu.memory_space<hbm>>
    tpu.enqueue_indirect_dma source(%dma_start3A_105 : memref<10000x128xf32, #tpu.memory_space<hbm>>) target(%dma_start3A_99 : memref<80x128xf32, #tpu.memory_space<vmem>>) offsets(%dma_start3A_102 : memref<80xi32, #tpu.memory_space<vmem>>) semaphore(%arg11 : memref<!tpu.dma_semaphore, #tpu.memory_space<semaphore_mem>>)
    %scan3A_106 = arith.constant 0 : i32
    %scan3A_107 = arith.constant 5 : i32
    %scan3A_108 = arith.addi %scan3A_106, %scan3A_107 : i32
    %scan3A_109 = arith.constant 1 : i32
    scf.for %scan3A_111 = %scan3A_106 to %scan3A_108 step %scan3A_109  : i32 {
      %mul3A_112 = arith.constant 2 : i32
      %mul3A_113 = arith.muli %scan3A_111, %mul3A_112 : i32
      %add3A_114 = arith.constant 0 : i32
      %add3A_115 = arith.addi %add3A_114, %mul3A_113 : i32
      %add3A_116 = arith.constant 1 : i32
      %add3A_117 = arith.addi %add3A_115, %add3A_116 : i32
      %mul3A_118 = arith.constant 5 : i32
      %mul3A_119 = arith.muli %add3A_117, %mul3A_118 : i32
      %add3A_120 = arith.constant 0 : i32
      %add3A_121 = arith.addi %mul3A_119, %add3A_120 : i32
      %dma_start3A_122 = arith.constant 0 : i32
      %dma_start3A_123 = arith.constant 0 : i32
      %dma_start3A_124 = tpu.memref_slice %arg10[%dma_start3A_122, %dma_start3A_123] : memref<400x128xf32, #tpu.memory_space<vmem>> -> memref<80x128xf32, #tpu.memory_space<vmem>>
      %dma_start3A_125 = arith.constant 0 : i32
      %dma_start3A_126 = tpu.memref_slice %arg8[%add3A_121, %dma_start3A_125] : memref<50x80xi32, #tpu.memory_space<vmem>> -> memref<1x80xi32, #tpu.memory_space<vmem>>
      %dma_start3A_127 = tpu.memref_squeeze %dma_start3A_126 : memref<1x80xi32, #tpu.memory_space<vmem>> -> memref<80xi32, #tpu.memory_space<vmem>>
      %dma_start3A_128 = arith.constant 0 : i32
      %dma_start3A_129 = arith.constant 0 : i32
      %dma_start3A_130 = tpu.memref_slice %arg3[%dma_start3A_128, %dma_start3A_129] : memref<10000x128xf32, #tpu.memory_space<hbm>> -> memref<10000x128xf32, #tpu.memory_space<hbm>>
      tpu.enqueue_indirect_dma source(%dma_start3A_130 : memref<10000x128xf32, #tpu.memory_space<hbm>>) target(%dma_start3A_124 : memref<80x128xf32, #tpu.memory_space<vmem>>) offsets(%dma_start3A_127 : memref<80xi32, #tpu.memory_space<vmem>>) semaphore(%arg12 : memref<!tpu.dma_semaphore, #tpu.memory_space<semaphore_mem>>)
      %mul3A_131 = arith.constant 5 : i32
      %mul3A_132 = arith.muli %add3A_117, %mul3A_131 : i32
      %add3A_133 = arith.constant 1 : i32
      %add3A_134 = arith.addi %mul3A_132, %add3A_133 : i32
      %dma_start3A_135 = arith.constant 80 : i32
      %dma_start3A_136 = arith.constant 0 : i32
      %dma_start3A_137 = tpu.memref_slice %arg10[%dma_start3A_135, %dma_start3A_136] : memref<400x128xf32, #tpu.memory_space<vmem>> -> memref<80x128xf32, #tpu.memory_space<vmem>>
      %dma_start3A_138 = arith.constant 0 : i32
      %dma_start3A_139 = tpu.memref_slice %arg8[%add3A_134, %dma_start3A_138] : memref<50x80xi32, #tpu.memory_space<vmem>> -> memref<1x80xi32, #tpu.memory_space<vmem>>
      %dma_start3A_140 = tpu.memref_squeeze %dma_start3A_139 : memref<1x80xi32, #tpu.memory_space<vmem>> -> memref<80xi32, #tpu.memory_space<vmem>>
      %dma_start3A_141 = arith.constant 0 : i32
      %dma_start3A_142 = arith.constant 0 : i32
      %dma_start3A_143 = tpu.memref_slice %arg3[%dma_start3A_141, %dma_start3A_142] : memref<10000x128xf32, #tpu.memory_space<hbm>> -> memref<10000x128xf32, #tpu.memory_space<hbm>>
      tpu.enqueue_indirect_dma source(%dma_start3A_143 : memref<10000x128xf32, #tpu.memory_space<hbm>>) target(%dma_start3A_137 : memref<80x128xf32, #tpu.memory_space<vmem>>) offsets(%dma_start3A_140 : memref<80xi32, #tpu.memory_space<vmem>>) semaphore(%arg12 : memref<!tpu.dma_semaphore, #tpu.memory_space<semaphore_mem>>)
      %mul3A_144 = arith.constant 5 : i32
      %mul3A_145 = arith.muli %add3A_117, %mul3A_144 : i32
      %add3A_146 = arith.constant 2 : i32
      %add3A_147 = arith.addi %mul3A_145, %add3A_146 : i32
      %dma_start3A_148 = arith.constant 160 : i32
      %dma_start3A_149 = arith.constant 0 : i32
      %dma_start3A_150 = tpu.memref_slice %arg10[%dma_start3A_148, %dma_start3A_149] : memref<400x128xf32, #tpu.memory_space<vmem>> -> memref<80x128xf32, #tpu.memory_space<vmem>>
      %dma_start3A_151 = arith.constant 0 : i32
      %dma_start3A_152 = tpu.memref_slice %arg8[%add3A_147, %dma_start3A_151] : memref<50x80xi32, #tpu.memory_space<vmem>> -> memref<1x80xi32, #tpu.memory_space<vmem>>
      %dma_start3A_153 = tpu.memref_squeeze %dma_start3A_152 : memref<1x80xi32, #tpu.memory_space<vmem>> -> memref<80xi32, #tpu.memory_space<vmem>>
      %dma_start3A_154 = arith.constant 0 : i32
      %dma_start3A_155 = arith.constant 0 : i32
      %dma_start3A_156 = tpu.memref_slice %arg3[%dma_start3A_154, %dma_start3A_155] : memref<10000x128xf32, #tpu.memory_space<hbm>> -> memref<10000x128xf32, #tpu.memory_space<hbm>>
      tpu.enqueue_indirect_dma source(%dma_start3A_156 : memref<10000x128xf32, #tpu.memory_space<hbm>>) target(%dma_start3A_150 : memref<80x128xf32, #tpu.memory_space<vmem>>) offsets(%dma_start3A_153 : memref<80xi32, #tpu.memory_space<vmem>>) semaphore(%arg12 : memref<!tpu.dma_semaphore, #tpu.memory_space<semaphore_mem>>)
      %mul3A_157 = arith.constant 5 : i32
      %mul3A_158 = arith.muli %add3A_117, %mul3A_157 : i32
      %add3A_159 = arith.constant 3 : i32
      %add3A_160 = arith.addi %mul3A_158, %add3A_159 : i32
      %dma_start3A_161 = arith.constant 240 : i32
      %dma_start3A_162 = arith.constant 0 : i32
      %dma_start3A_163 = tpu.memref_slice %arg10[%dma_start3A_161, %dma_start3A_162] : memref<400x128xf32, #tpu.memory_space<vmem>> -> memref<80x128xf32, #tpu.memory_space<vmem>>
      %dma_start3A_164 = arith.constant 0 : i32
      %dma_start3A_165 = tpu.memref_slice %arg8[%add3A_160, %dma_start3A_164] : memref<50x80xi32, #tpu.memory_space<vmem>> -> memref<1x80xi32, #tpu.memory_space<vmem>>
      %dma_start3A_166 = tpu.memref_squeeze %dma_start3A_165 : memref<1x80xi32, #tpu.memory_space<vmem>> -> memref<80xi32, #tpu.memory_space<vmem>>
      %dma_start3A_167 = arith.constant 0 : i32
      %dma_start3A_168 = arith.constant 0 : i32
      %dma_start3A_169 = tpu.memref_slice %arg3[%dma_start3A_167, %dma_start3A_168] : memref<10000x128xf32, #tpu.memory_space<hbm>> -> memref<10000x128xf32, #tpu.memory_space<hbm>>
      tpu.enqueue_indirect_dma source(%dma_start3A_169 : memref<10000x128xf32, #tpu.memory_space<hbm>>) target(%dma_start3A_163 : memref<80x128xf32, #tpu.memory_space<vmem>>) offsets(%dma_start3A_166 : memref<80xi32, #tpu.memory_space<vmem>>) semaphore(%arg12 : memref<!tpu.dma_semaphore, #tpu.memory_space<semaphore_mem>>)
      %mul3A_170 = arith.constant 5 : i32
      %mul3A_171 = arith.muli %add3A_117, %mul3A_170 : i32
      %add3A_172 = arith.constant 4 : i32
      %add3A_173 = arith.addi %mul3A_171, %add3A_172 : i32
      %dma_start3A_174 = arith.constant 320 : i32
      %dma_start3A_175 = arith.constant 0 : i32
      %dma_start3A_176 = tpu.memref_slice %arg10[%dma_start3A_174, %dma_start3A_175] : memref<400x128xf32, #tpu.memory_space<vmem>> -> memref<80x128xf32, #tpu.memory_space<vmem>>
      %dma_start3A_177 = arith.constant 0 : i32
      %dma_start3A_178 = tpu.memref_slice %arg8[%add3A_173, %dma_start3A_177] : memref<50x80xi32, #tpu.memory_space<vmem>> -> memref<1x80xi32, #tpu.memory_space<vmem>>
      %dma_start3A_179 = tpu.memref_squeeze %dma_start3A_178 : memref<1x80xi32, #tpu.memory_space<vmem>> -> memref<80xi32, #tpu.memory_space<vmem>>
      %dma_start3A_180 = arith.constant 0 : i32
      %dma_start3A_181 = arith.constant 0 : i32
      %dma_start3A_182 = tpu.memref_slice %arg3[%dma_start3A_180, %dma_start3A_181] : memref<10000x128xf32, #tpu.memory_space<hbm>> -> memref<10000x128xf32, #tpu.memory_space<hbm>>
      tpu.enqueue_indirect_dma source(%dma_start3A_182 : memref<10000x128xf32, #tpu.memory_space<hbm>>) target(%dma_start3A_176 : memref<80x128xf32, #tpu.memory_space<vmem>>) offsets(%dma_start3A_179 : memref<80xi32, #tpu.memory_space<vmem>>) semaphore(%arg12 : memref<!tpu.dma_semaphore, #tpu.memory_space<semaphore_mem>>)
      %mul3A_183 = arith.constant 5 : i32
      %mul3A_184 = arith.muli %add3A_115, %mul3A_183 : i32
      %add3A_185 = arith.constant 0 : i32
      %add3A_186 = arith.addi %mul3A_184, %add3A_185 : i32
      %dma_wait3A = arith.constant 0 : i32
      %dma_wait3A_187 = arith.constant 0 : i32
      %dma_wait3A_188 = tpu.memref_slice %arg9[%dma_wait3A, %dma_wait3A_187] : memref<400x128xf32, #tpu.memory_space<vmem>> -> memref<80x128xf32, #tpu.memory_space<vmem>>
      %dma_wait3A_189 = arith.constant 0 : i32
      %dma_wait3A_190 = tpu.memref_slice %arg8[%add3A_186, %dma_wait3A_189] : memref<50x80xi32, #tpu.memory_space<vmem>> -> memref<1x80xi32, #tpu.memory_space<vmem>>
      %dma_wait3A_191 = tpu.memref_squeeze %dma_wait3A_190 : memref<1x80xi32, #tpu.memory_space<vmem>> -> memref<80xi32, #tpu.memory_space<vmem>>
      %dma_wait3A_192 = arith.constant 0 : i32
      %dma_wait3A_193 = arith.constant 0 : i32
      %dma_wait3A_194 = tpu.memref_slice %arg3[%dma_wait3A_192, %dma_wait3A_193] : memref<10000x128xf32, #tpu.memory_space<hbm>> -> memref<10000x128xf32, #tpu.memory_space<hbm>>
      tpu.wait_indirect_dma semaphore(%arg11 : memref<!tpu.dma_semaphore, #tpu.memory_space<semaphore_mem>>) src(%dma_wait3A_194 : memref<10000x128xf32, #tpu.memory_space<hbm>>) dst(%dma_wait3A_188 : memref<80x128xf32, #tpu.memory_space<vmem>>)
      %mul3A_195 = arith.constant 5 : i32
      %mul3A_196 = arith.muli %add3A_115, %mul3A_195 : i32
      %add3A_197 = arith.constant 1 : i32
      %add3A_198 = arith.addi %mul3A_196, %add3A_197 : i32
      %dma_wait3A_199 = arith.constant 80 : i32
      %dma_wait3A_200 = arith.constant 0 : i32
      %dma_wait3A_201 = tpu.memref_slice %arg9[%dma_wait3A_199, %dma_wait3A_200] : memref<400x128xf32, #tpu.memory_space<vmem>> -> memref<80x128xf32, #tpu.memory_space<vmem>>
      %dma_wait3A_202 = arith.constant 0 : i32
      %dma_wait3A_203 = tpu.memref_slice %arg8[%add3A_198, %dma_wait3A_202] : memref<50x80xi32, #tpu.memory_space<vmem>> -> memref<1x80xi32, #tpu.memory_space<vmem>>
      %dma_wait3A_204 = tpu.memref_squeeze %dma_wait3A_203 : memref<1x80xi32, #tpu.memory_space<vmem>> -> memref<80xi32, #tpu.memory_space<vmem>>
      %dma_wait3A_205 = arith.constant 0 : i32
      %dma_wait3A_206 = arith.constant 0 : i32
      %dma_wait3A_207 = tpu.memref_slice %arg3[%dma_wait3A_205, %dma_wait3A_206] : memref<10000x128xf32, #tpu.memory_space<hbm>> -> memref<10000x128xf32, #tpu.memory_space<hbm>>
      tpu.wait_indirect_dma semaphore(%arg11 : memref<!tpu.dma_semaphore, #tpu.memory_space<semaphore_mem>>) src(%dma_wait3A_207 : memref<10000x128xf32, #tpu.memory_space<hbm>>) dst(%dma_wait3A_201 : memref<80x128xf32, #tpu.memory_space<vmem>>)
      %mul3A_208 = arith.constant 5 : i32
      %mul3A_209 = arith.muli %add3A_115, %mul3A_208 : i32
      %add3A_210 = arith.constant 2 : i32
      %add3A_211 = arith.addi %mul3A_209, %add3A_210 : i32
      %dma_wait3A_212 = arith.constant 160 : i32
      %dma_wait3A_213 = arith.constant 0 : i32
      %dma_wait3A_214 = tpu.memref_slice %arg9[%dma_wait3A_212, %dma_wait3A_213] : memref<400x128xf32, #tpu.memory_space<vmem>> -> memref<80x128xf32, #tpu.memory_space<vmem>>
      %dma_wait3A_215 = arith.constant 0 : i32
      %dma_wait3A_216 = tpu.memref_slice %arg8[%add3A_211, %dma_wait3A_215] : memref<50x80xi32, #tpu.memory_space<vmem>> -> memref<1x80xi32, #tpu.memory_space<vmem>>
      %dma_wait3A_217 = tpu.memref_squeeze %dma_wait3A_216 : memref<1x80xi32, #tpu.memory_space<vmem>> -> memref<80xi32, #tpu.memory_space<vmem>>
      %dma_wait3A_218 = arith.constant 0 : i32
      %dma_wait3A_219 = arith.constant 0 : i32
      %dma_wait3A_220 = tpu.memref_slice %arg3[%dma_wait3A_218, %dma_wait3A_219] : memref<10000x128xf32, #tpu.memory_space<hbm>> -> memref<10000x128xf32, #tpu.memory_space<hbm>>
      tpu.wait_indirect_dma semaphore(%arg11 : memref<!tpu.dma_semaphore, #tpu.memory_space<semaphore_mem>>) src(%dma_wait3A_220 : memref<10000x128xf32, #tpu.memory_space<hbm>>) dst(%dma_wait3A_214 : memref<80x128xf32, #tpu.memory_space<vmem>>)
      %mul3A_221 = arith.constant 5 : i32
      %mul3A_222 = arith.muli %add3A_115, %mul3A_221 : i32
      %add3A_223 = arith.constant 3 : i32
      %add3A_224 = arith.addi %mul3A_222, %add3A_223 : i32
      %dma_wait3A_225 = arith.constant 240 : i32
      %dma_wait3A_226 = arith.constant 0 : i32
      %dma_wait3A_227 = tpu.memref_slice %arg9[%dma_wait3A_225, %dma_wait3A_226] : memref<400x128xf32, #tpu.memory_space<vmem>> -> memref<80x128xf32, #tpu.memory_space<vmem>>
      %dma_wait3A_228 = arith.constant 0 : i32
      %dma_wait3A_229 = tpu.memref_slice %arg8[%add3A_224, %dma_wait3A_228] : memref<50x80xi32, #tpu.memory_space<vmem>> -> memref<1x80xi32, #tpu.memory_space<vmem>>
      %dma_wait3A_230 = tpu.memref_squeeze %dma_wait3A_229 : memref<1x80xi32, #tpu.memory_space<vmem>> -> memref<80xi32, #tpu.memory_space<vmem>>
      %dma_wait3A_231 = arith.constant 0 : i32
      %dma_wait3A_232 = arith.constant 0 : i32
      %dma_wait3A_233 = tpu.memref_slice %arg3[%dma_wait3A_231, %dma_wait3A_232] : memref<10000x128xf32, #tpu.memory_space<hbm>> -> memref<10000x128xf32, #tpu.memory_space<hbm>>
      tpu.wait_indirect_dma semaphore(%arg11 : memref<!tpu.dma_semaphore, #tpu.memory_space<semaphore_mem>>) src(%dma_wait3A_233 : memref<10000x128xf32, #tpu.memory_space<hbm>>) dst(%dma_wait3A_227 : memref<80x128xf32, #tpu.memory_space<vmem>>)
      %mul3A_234 = arith.constant 5 : i32
      %mul3A_235 = arith.muli %add3A_115, %mul3A_234 : i32
      %add3A_236 = arith.constant 4 : i32
      %add3A_237 = arith.addi %mul3A_235, %add3A_236 : i32
      %dma_wait3A_238 = arith.constant 320 : i32
      %dma_wait3A_239 = arith.constant 0 : i32
      %dma_wait3A_240 = tpu.memref_slice %arg9[%dma_wait3A_238, %dma_wait3A_239] : memref<400x128xf32, #tpu.memory_space<vmem>> -> memref<80x128xf32, #tpu.memory_space<vmem>>
      %dma_wait3A_241 = arith.constant 0 : i32
      %dma_wait3A_242 = tpu.memref_slice %arg8[%add3A_237, %dma_wait3A_241] : memref<50x80xi32, #tpu.memory_space<vmem>> -> memref<1x80xi32, #tpu.memory_space<vmem>>
      %dma_wait3A_243 = tpu.memref_squeeze %dma_wait3A_242 : memref<1x80xi32, #tpu.memory_space<vmem>> -> memref<80xi32, #tpu.memory_space<vmem>>
      %dma_wait3A_244 = arith.constant 0 : i32
      %dma_wait3A_245 = arith.constant 0 : i32
      %dma_wait3A_246 = tpu.memref_slice %arg3[%dma_wait3A_244, %dma_wait3A_245] : memref<10000x128xf32, #tpu.memory_space<hbm>> -> memref<10000x128xf32, #tpu.memory_space<hbm>>
      tpu.wait_indirect_dma semaphore(%arg11 : memref<!tpu.dma_semaphore, #tpu.memory_space<semaphore_mem>>) src(%dma_wait3A_246 : memref<10000x128xf32, #tpu.memory_space<hbm>>) dst(%dma_wait3A_240 : memref<80x128xf32, #tpu.memory_space<vmem>>)
      %mul3A_247 = arith.constant 400 : i32
      %mul3A_248 = arith.muli %add3A_115, %mul3A_247 : i32
      %add3A_249 = arith.addi %mul3A_2, %mul3A_248 : i32
      "tpu.region"() ({
        %run_scoped3A = tpu.sem_alloc : memref<!tpu.dma_semaphore, #tpu.memory_space<semaphore_mem>>
        %dma_start3A_324 = arith.constant 0 : i32
        %dma_start3A_325 = tpu.memref_slice %arg7[%add3A_249, %dma_start3A_324] : memref<128000x128xf32, #tpu.memory_space<hbm>> -> memref<400x128xf32, #tpu.memory_space<hbm>>
        %dma_start3A_326 = arith.constant 0 : i32
        %dma_start3A_327 = tpu.memref_slice %arg7[%add3A_249, %dma_start3A_326] : memref<128000x128xf32, #tpu.memory_space<hbm>> -> memref<400x128xf32, #tpu.memory_space<hbm>>
        tpu.enqueue_dma source(%arg9 : memref<400x128xf32, #tpu.memory_space<vmem>>) target(%dma_start3A_327 : memref<400x128xf32, #tpu.memory_space<hbm>>) target_semaphore(%run_scoped3A : memref<!tpu.dma_semaphore, #tpu.memory_space<semaphore_mem>>)
        %dma_wait3A_328 = arith.constant 0 : i32
        %dma_wait3A_329 = tpu.memref_slice %arg7[%add3A_249, %dma_wait3A_328] : memref<128000x128xf32, #tpu.memory_space<hbm>> -> memref<400x128xf32, #tpu.memory_space<hbm>>
        %dma_wait3A_330 = arith.constant 0 : i32
        %dma_wait3A_331 = tpu.memref_slice %arg7[%add3A_249, %dma_wait3A_330] : memref<128000x128xf32, #tpu.memory_space<hbm>> -> memref<400x128xf32, #tpu.memory_space<hbm>>
        tpu.wait_dma2 semaphore(%run_scoped3A : memref<!tpu.dma_semaphore, #tpu.memory_space<semaphore_mem>>) src(%arg9 : memref<400x128xf32, #tpu.memory_space<vmem>>) dst(%dma_wait3A_331 : memref<400x128xf32, #tpu.memory_space<hbm>>)
        tpu.yield
      }) : () -> ()
      %add3A_250 = arith.constant 2 : i32
      %add3A_251 = arith.addi %add3A_115, %add3A_250 : i32
      %lt3A = arith.constant 10 : i32
      %lt3A_252 = arith.cmpi slt, %add3A_251, %lt3A : i32
      %convert_element_type3A = arith.extui %lt3A_252 : i1 to i32
      %cond3A = arith.constant 0 : i32
      %cond3A_253 = arith.cmpi ne, %convert_element_type3A, %cond3A : i32
      scf.if %cond3A_253 {
        %add3A_324 = arith.constant 2 : i32
        %add3A_325 = arith.addi %add3A_115, %add3A_324 : i32
        %mul3A_326 = arith.constant 5 : i32
        %mul3A_327 = arith.muli %add3A_325, %mul3A_326 : i32
        %add3A_328 = arith.constant 0 : i32
        %add3A_329 = arith.addi %mul3A_327, %add3A_328 : i32
        %dma_start3A_330 = arith.constant 0 : i32
        %dma_start3A_331 = arith.constant 0 : i32
        %dma_start3A_332 = tpu.memref_slice %arg9[%dma_start3A_330, %dma_start3A_331] : memref<400x128xf32, #tpu.memory_space<vmem>> -> memref<80x128xf32, #tpu.memory_space<vmem>>
        %dma_start3A_333 = arith.constant 0 : i32
        %dma_start3A_334 = tpu.memref_slice %arg8[%add3A_329, %dma_start3A_333] : memref<50x80xi32, #tpu.memory_space<vmem>> -> memref<1x80xi32, #tpu.memory_space<vmem>>
        %dma_start3A_335 = tpu.memref_squeeze %dma_start3A_334 : memref<1x80xi32, #tpu.memory_space<vmem>> -> memref<80xi32, #tpu.memory_space<vmem>>
        %dma_start3A_336 = arith.constant 0 : i32
        %dma_start3A_337 = arith.constant 0 : i32
        %dma_start3A_338 = tpu.memref_slice %arg3[%dma_start3A_336, %dma_start3A_337] : memref<10000x128xf32, #tpu.memory_space<hbm>> -> memref<10000x128xf32, #tpu.memory_space<hbm>>
        tpu.enqueue_indirect_dma source(%dma_start3A_338 : memref<10000x128xf32, #tpu.memory_space<hbm>>) target(%dma_start3A_332 : memref<80x128xf32, #tpu.memory_space<vmem>>) offsets(%dma_start3A_335 : memref<80xi32, #tpu.memory_space<vmem>>) semaphore(%arg11 : memref<!tpu.dma_semaphore, #tpu.memory_space<semaphore_mem>>)
        %mul3A_339 = arith.constant 5 : i32
        %mul3A_340 = arith.muli %add3A_325, %mul3A_339 : i32
        %add3A_341 = arith.constant 1 : i32
        %add3A_342 = arith.addi %mul3A_340, %add3A_341 : i32
        %dma_start3A_343 = arith.constant 80 : i32
        %dma_start3A_344 = arith.constant 0 : i32
        %dma_start3A_345 = tpu.memref_slice %arg9[%dma_start3A_343, %dma_start3A_344] : memref<400x128xf32, #tpu.memory_space<vmem>> -> memref<80x128xf32, #tpu.memory_space<vmem>>
        %dma_start3A_346 = arith.constant 0 : i32
        %dma_start3A_347 = tpu.memref_slice %arg8[%add3A_342, %dma_start3A_346] : memref<50x80xi32, #tpu.memory_space<vmem>> -> memref<1x80xi32, #tpu.memory_space<vmem>>
        %dma_start3A_348 = tpu.memref_squeeze %dma_start3A_347 : memref<1x80xi32, #tpu.memory_space<vmem>> -> memref<80xi32, #tpu.memory_space<vmem>>
        %dma_start3A_349 = arith.constant 0 : i32
        %dma_start3A_350 = arith.constant 0 : i32
        %dma_start3A_351 = tpu.memref_slice %arg3[%dma_start3A_349, %dma_start3A_350] : memref<10000x128xf32, #tpu.memory_space<hbm>> -> memref<10000x128xf32, #tpu.memory_space<hbm>>
        tpu.enqueue_indirect_dma source(%dma_start3A_351 : memref<10000x128xf32, #tpu.memory_space<hbm>>) target(%dma_start3A_345 : memref<80x128xf32, #tpu.memory_space<vmem>>) offsets(%dma_start3A_348 : memref<80xi32, #tpu.memory_space<vmem>>) semaphore(%arg11 : memref<!tpu.dma_semaphore, #tpu.memory_space<semaphore_mem>>)
        %mul3A_352 = arith.constant 5 : i32
        %mul3A_353 = arith.muli %add3A_325, %mul3A_352 : i32
        %add3A_354 = arith.constant 2 : i32
        %add3A_355 = arith.addi %mul3A_353, %add3A_354 : i32
        %dma_start3A_356 = arith.constant 160 : i32
        %dma_start3A_357 = arith.constant 0 : i32
        %dma_start3A_358 = tpu.memref_slice %arg9[%dma_start3A_356, %dma_start3A_357] : memref<400x128xf32, #tpu.memory_space<vmem>> -> memref<80x128xf32, #tpu.memory_space<vmem>>
        %dma_start3A_359 = arith.constant 0 : i32
        %dma_start3A_360 = tpu.memref_slice %arg8[%add3A_355, %dma_start3A_359] : memref<50x80xi32, #tpu.memory_space<vmem>> -> memref<1x80xi32, #tpu.memory_space<vmem>>
        %dma_start3A_361 = tpu.memref_squeeze %dma_start3A_360 : memref<1x80xi32, #tpu.memory_space<vmem>> -> memref<80xi32, #tpu.memory_space<vmem>>
        %dma_start3A_362 = arith.constant 0 : i32
        %dma_start3A_363 = arith.constant 0 : i32
        %dma_start3A_364 = tpu.memref_slice %arg3[%dma_start3A_362, %dma_start3A_363] : memref<10000x128xf32, #tpu.memory_space<hbm>> -> memref<10000x128xf32, #tpu.memory_space<hbm>>
        tpu.enqueue_indirect_dma source(%dma_start3A_364 : memref<10000x128xf32, #tpu.memory_space<hbm>>) target(%dma_start3A_358 : memref<80x128xf32, #tpu.memory_space<vmem>>) offsets(%dma_start3A_361 : memref<80xi32, #tpu.memory_space<vmem>>) semaphore(%arg11 : memref<!tpu.dma_semaphore, #tpu.memory_space<semaphore_mem>>)
        %mul3A_365 = arith.constant 5 : i32
        %mul3A_366 = arith.muli %add3A_325, %mul3A_365 : i32
        %add3A_367 = arith.constant 3 : i32
        %add3A_368 = arith.addi %mul3A_366, %add3A_367 : i32
        %dma_start3A_369 = arith.constant 240 : i32
        %dma_start3A_370 = arith.constant 0 : i32
        %dma_start3A_371 = tpu.memref_slice %arg9[%dma_start3A_369, %dma_start3A_370] : memref<400x128xf32, #tpu.memory_space<vmem>> -> memref<80x128xf32, #tpu.memory_space<vmem>>
        %dma_start3A_372 = arith.constant 0 : i32
        %dma_start3A_373 = tpu.memref_slice %arg8[%add3A_368, %dma_start3A_372] : memref<50x80xi32, #tpu.memory_space<vmem>> -> memref<1x80xi32, #tpu.memory_space<vmem>>
        %dma_start3A_374 = tpu.memref_squeeze %dma_start3A_373 : memref<1x80xi32, #tpu.memory_space<vmem>> -> memref<80xi32, #tpu.memory_space<vmem>>
        %dma_start3A_375 = arith.constant 0 : i32
        %dma_start3A_376 = arith.constant 0 : i32
        %dma_start3A_377 = tpu.memref_slice %arg3[%dma_start3A_375, %dma_start3A_376] : memref<10000x128xf32, #tpu.memory_space<hbm>> -> memref<10000x128xf32, #tpu.memory_space<hbm>>
        tpu.enqueue_indirect_dma source(%dma_start3A_377 : memref<10000x128xf32, #tpu.memory_space<hbm>>) target(%dma_start3A_371 : memref<80x128xf32, #tpu.memory_space<vmem>>) offsets(%dma_start3A_374 : memref<80xi32, #tpu.memory_space<vmem>>) semaphore(%arg11 : memref<!tpu.dma_semaphore, #tpu.memory_space<semaphore_mem>>)
        %mul3A_378 = arith.constant 5 : i32
        %mul3A_379 = arith.muli %add3A_325, %mul3A_378 : i32
        %add3A_380 = arith.constant 4 : i32
        %add3A_381 = arith.addi %mul3A_379, %add3A_380 : i32
        %dma_start3A_382 = arith.constant 320 : i32
        %dma_start3A_383 = arith.constant 0 : i32
        %dma_start3A_384 = tpu.memref_slice %arg9[%dma_start3A_382, %dma_start3A_383] : memref<400x128xf32, #tpu.memory_space<vmem>> -> memref<80x128xf32, #tpu.memory_space<vmem>>
        %dma_start3A_385 = arith.constant 0 : i32
        %dma_start3A_386 = tpu.memref_slice %arg8[%add3A_381, %dma_start3A_385] : memref<50x80xi32, #tpu.memory_space<vmem>> -> memref<1x80xi32, #tpu.memory_space<vmem>>
        %dma_start3A_387 = tpu.memref_squeeze %dma_start3A_386 : memref<1x80xi32, #tpu.memory_space<vmem>> -> memref<80xi32, #tpu.memory_space<vmem>>
        %dma_start3A_388 = arith.constant 0 : i32
        %dma_start3A_389 = arith.constant 0 : i32
        %dma_start3A_390 = tpu.memref_slice %arg3[%dma_start3A_388, %dma_start3A_389] : memref<10000x128xf32, #tpu.memory_space<hbm>> -> memref<10000x128xf32, #tpu.memory_space<hbm>>
        tpu.enqueue_indirect_dma source(%dma_start3A_390 : memref<10000x128xf32, #tpu.memory_space<hbm>>) target(%dma_start3A_384 : memref<80x128xf32, #tpu.memory_space<vmem>>) offsets(%dma_start3A_387 : memref<80xi32, #tpu.memory_space<vmem>>) semaphore(%arg11 : memref<!tpu.dma_semaphore, #tpu.memory_space<semaphore_mem>>)
      } else {
      }
      %add3A_254 = arith.constant 1 : i32
      %add3A_255 = arith.addi %add3A_115, %add3A_254 : i32
      %mul3A_256 = arith.constant 5 : i32
      %mul3A_257 = arith.muli %add3A_255, %mul3A_256 : i32
      %add3A_258 = arith.constant 0 : i32
      %add3A_259 = arith.addi %mul3A_257, %add3A_258 : i32
      %dma_wait3A_260 = arith.constant 0 : i32
      %dma_wait3A_261 = arith.constant 0 : i32
      %dma_wait3A_262 = tpu.memref_slice %arg10[%dma_wait3A_260, %dma_wait3A_261] : memref<400x128xf32, #tpu.memory_space<vmem>> -> memref<80x128xf32, #tpu.memory_space<vmem>>
      %dma_wait3A_263 = arith.constant 0 : i32
      %dma_wait3A_264 = tpu.memref_slice %arg8[%add3A_259, %dma_wait3A_263] : memref<50x80xi32, #tpu.memory_space<vmem>> -> memref<1x80xi32, #tpu.memory_space<vmem>>
      %dma_wait3A_265 = tpu.memref_squeeze %dma_wait3A_264 : memref<1x80xi32, #tpu.memory_space<vmem>> -> memref<80xi32, #tpu.memory_space<vmem>>
      %dma_wait3A_266 = arith.constant 0 : i32
      %dma_wait3A_267 = arith.constant 0 : i32
      %dma_wait3A_268 = tpu.memref_slice %arg3[%dma_wait3A_266, %dma_wait3A_267] : memref<10000x128xf32, #tpu.memory_space<hbm>> -> memref<10000x128xf32, #tpu.memory_space<hbm>>
      tpu.wait_indirect_dma semaphore(%arg12 : memref<!tpu.dma_semaphore, #tpu.memory_space<semaphore_mem>>) src(%dma_wait3A_268 : memref<10000x128xf32, #tpu.memory_space<hbm>>) dst(%dma_wait3A_262 : memref<80x128xf32, #tpu.memory_space<vmem>>)
      %mul3A_269 = arith.constant 5 : i32
      %mul3A_270 = arith.muli %add3A_255, %mul3A_269 : i32
      %add3A_271 = arith.constant 1 : i32
      %add3A_272 = arith.addi %mul3A_270, %add3A_271 : i32
      %dma_wait3A_273 = arith.constant 80 : i32
      %dma_wait3A_274 = arith.constant 0 : i32
      %dma_wait3A_275 = tpu.memref_slice %arg10[%dma_wait3A_273, %dma_wait3A_274] : memref<400x128xf32, #tpu.memory_space<vmem>> -> memref<80x128xf32, #tpu.memory_space<vmem>>
      %dma_wait3A_276 = arith.constant 0 : i32
      %dma_wait3A_277 = tpu.memref_slice %arg8[%add3A_272, %dma_wait3A_276] : memref<50x80xi32, #tpu.memory_space<vmem>> -> memref<1x80xi32, #tpu.memory_space<vmem>>
      %dma_wait3A_278 = tpu.memref_squeeze %dma_wait3A_277 : memref<1x80xi32, #tpu.memory_space<vmem>> -> memref<80xi32, #tpu.memory_space<vmem>>
      %dma_wait3A_279 = arith.constant 0 : i32
      %dma_wait3A_280 = arith.constant 0 : i32
      %dma_wait3A_281 = tpu.memref_slice %arg3[%dma_wait3A_279, %dma_wait3A_280] : memref<10000x128xf32, #tpu.memory_space<hbm>> -> memref<10000x128xf32, #tpu.memory_space<hbm>>
      tpu.wait_indirect_dma semaphore(%arg12 : memref<!tpu.dma_semaphore, #tpu.memory_space<semaphore_mem>>) src(%dma_wait3A_281 : memref<10000x128xf32, #tpu.memory_space<hbm>>) dst(%dma_wait3A_275 : memref<80x128xf32, #tpu.memory_space<vmem>>)
      %mul3A_282 = arith.constant 5 : i32
      %mul3A_283 = arith.muli %add3A_255, %mul3A_282 : i32
      %add3A_284 = arith.constant 2 : i32
      %add3A_285 = arith.addi %mul3A_283, %add3A_284 : i32
      %dma_wait3A_286 = arith.constant 160 : i32
      %dma_wait3A_287 = arith.constant 0 : i32
      %dma_wait3A_288 = tpu.memref_slice %arg10[%dma_wait3A_286, %dma_wait3A_287] : memref<400x128xf32, #tpu.memory_space<vmem>> -> memref<80x128xf32, #tpu.memory_space<vmem>>
      %dma_wait3A_289 = arith.constant 0 : i32
      %dma_wait3A_290 = tpu.memref_slice %arg8[%add3A_285, %dma_wait3A_289] : memref<50x80xi32, #tpu.memory_space<vmem>> -> memref<1x80xi32, #tpu.memory_space<vmem>>
      %dma_wait3A_291 = tpu.memref_squeeze %dma_wait3A_290 : memref<1x80xi32, #tpu.memory_space<vmem>> -> memref<80xi32, #tpu.memory_space<vmem>>
      %dma_wait3A_292 = arith.constant 0 : i32
      %dma_wait3A_293 = arith.constant 0 : i32
      %dma_wait3A_294 = tpu.memref_slice %arg3[%dma_wait3A_292, %dma_wait3A_293] : memref<10000x128xf32, #tpu.memory_space<hbm>> -> memref<10000x128xf32, #tpu.memory_space<hbm>>
      tpu.wait_indirect_dma semaphore(%arg12 : memref<!tpu.dma_semaphore, #tpu.memory_space<semaphore_mem>>) src(%dma_wait3A_294 : memref<10000x128xf32, #tpu.memory_space<hbm>>) dst(%dma_wait3A_288 : memref<80x128xf32, #tpu.memory_space<vmem>>)
      %mul3A_295 = arith.constant 5 : i32
      %mul3A_296 = arith.muli %add3A_255, %mul3A_295 : i32
      %add3A_297 = arith.constant 3 : i32
      %add3A_298 = arith.addi %mul3A_296, %add3A_297 : i32
      %dma_wait3A_299 = arith.constant 240 : i32
      %dma_wait3A_300 = arith.constant 0 : i32
      %dma_wait3A_301 = tpu.memref_slice %arg10[%dma_wait3A_299, %dma_wait3A_300] : memref<400x128xf32, #tpu.memory_space<vmem>> -> memref<80x128xf32, #tpu.memory_space<vmem>>
      %dma_wait3A_302 = arith.constant 0 : i32
      %dma_wait3A_303 = tpu.memref_slice %arg8[%add3A_298, %dma_wait3A_302] : memref<50x80xi32, #tpu.memory_space<vmem>> -> memref<1x80xi32, #tpu.memory_space<vmem>>
      %dma_wait3A_304 = tpu.memref_squeeze %dma_wait3A_303 : memref<1x80xi32, #tpu.memory_space<vmem>> -> memref<80xi32, #tpu.memory_space<vmem>>
      %dma_wait3A_305 = arith.constant 0 : i32
      %dma_wait3A_306 = arith.constant 0 : i32
      %dma_wait3A_307 = tpu.memref_slice %arg3[%dma_wait3A_305, %dma_wait3A_306] : memref<10000x128xf32, #tpu.memory_space<hbm>> -> memref<10000x128xf32, #tpu.memory_space<hbm>>
      tpu.wait_indirect_dma semaphore(%arg12 : memref<!tpu.dma_semaphore, #tpu.memory_space<semaphore_mem>>) src(%dma_wait3A_307 : memref<10000x128xf32, #tpu.memory_space<hbm>>) dst(%dma_wait3A_301 : memref<80x128xf32, #tpu.memory_space<vmem>>)
      %mul3A_308 = arith.constant 5 : i32
      %mul3A_309 = arith.muli %add3A_255, %mul3A_308 : i32
      %add3A_310 = arith.constant 4 : i32
      %add3A_311 = arith.addi %mul3A_309, %add3A_310 : i32
      %dma_wait3A_312 = arith.constant 320 : i32
      %dma_wait3A_313 = arith.constant 0 : i32
      %dma_wait3A_314 = tpu.memref_slice %arg10[%dma_wait3A_312, %dma_wait3A_313] : memref<400x128xf32, #tpu.memory_space<vmem>> -> memref<80x128xf32, #tpu.memory_space<vmem>>
      %dma_wait3A_315 = arith.constant 0 : i32
      %dma_wait3A_316 = tpu.memref_slice %arg8[%add3A_311, %dma_wait3A_315] : memref<50x80xi32, #tpu.memory_space<vmem>> -> memref<1x80xi32, #tpu.memory_space<vmem>>
      %dma_wait3A_317 = tpu.memref_squeeze %dma_wait3A_316 : memref<1x80xi32, #tpu.memory_space<vmem>> -> memref<80xi32, #tpu.memory_space<vmem>>
      %dma_wait3A_318 = arith.constant 0 : i32
      %dma_wait3A_319 = arith.constant 0 : i32
      %dma_wait3A_320 = tpu.memref_slice %arg3[%dma_wait3A_318, %dma_wait3A_319] : memref<10000x128xf32, #tpu.memory_space<hbm>> -> memref<10000x128xf32, #tpu.memory_space<hbm>>
      tpu.wait_indirect_dma semaphore(%arg12 : memref<!tpu.dma_semaphore, #tpu.memory_space<semaphore_mem>>) src(%dma_wait3A_320 : memref<10000x128xf32, #tpu.memory_space<hbm>>) dst(%dma_wait3A_314 : memref<80x128xf32, #tpu.memory_space<vmem>>)
      %mul3A_321 = arith.constant 400 : i32
      %mul3A_322 = arith.muli %add3A_255, %mul3A_321 : i32
      %add3A_323 = arith.addi %mul3A_2, %mul3A_322 : i32
      "tpu.region"() ({
        %run_scoped3A = tpu.sem_alloc : memref<!tpu.dma_semaphore, #tpu.memory_space<semaphore_mem>>
        %dma_start3A_324 = arith.constant 0 : i32
        %dma_start3A_325 = tpu.memref_slice %arg7[%add3A_323, %dma_start3A_324] : memref<128000x128xf32, #tpu.memory_space<hbm>> -> memref<400x128xf32, #tpu.memory_space<hbm>>
        %dma_start3A_326 = arith.constant 0 : i32
        %dma_start3A_327 = tpu.memref_slice %arg7[%add3A_323, %dma_start3A_326] : memref<128000x128xf32, #tpu.memory_space<hbm>> -> memref<400x128xf32, #tpu.memory_space<hbm>>
        tpu.enqueue_dma source(%arg10 : memref<400x128xf32, #tpu.memory_space<vmem>>) target(%dma_start3A_327 : memref<400x128xf32, #tpu.memory_space<hbm>>) target_semaphore(%run_scoped3A : memref<!tpu.dma_semaphore, #tpu.memory_space<semaphore_mem>>)
        %dma_wait3A_328 = arith.constant 0 : i32
        %dma_wait3A_329 = tpu.memref_slice %arg7[%add3A_323, %dma_wait3A_328] : memref<128000x128xf32, #tpu.memory_space<hbm>> -> memref<400x128xf32, #tpu.memory_space<hbm>>
        %dma_wait3A_330 = arith.constant 0 : i32
        %dma_wait3A_331 = tpu.memref_slice %arg7[%add3A_323, %dma_wait3A_330] : memref<128000x128xf32, #tpu.memory_space<hbm>> -> memref<400x128xf32, #tpu.memory_space<hbm>>
        tpu.wait_dma2 semaphore(%run_scoped3A : memref<!tpu.dma_semaphore, #tpu.memory_space<semaphore_mem>>) src(%arg10 : memref<400x128xf32, #tpu.memory_space<vmem>>) dst(%dma_wait3A_331 : memref<400x128xf32, #tpu.memory_space<hbm>>)
        tpu.yield
      }) : () -> ()
    }
    %scan3A_110 = arith.constant 5 : i32
    return
  }
}

#map = affine_map<(d0, d1) -> (0, 0)>
#map1 = affine_map<(d0, d1) -> (0, 0, 0)>
module attributes {stable_mosaic.version = 14 : i64} {
  func.func @gather(%arg0: i32, %arg1: i32, %arg2: memref<10000x128xf32, #tpu.memory_space<hbm>>, %arg3: memref<10000x128xf32, #tpu.memory_space<hbm>>, %arg4: memref<32x75x80xi32, #tpu.memory_space<hbm>>, %arg5: memref<32x75x80xi32, #tpu.memory_space<hbm>>, %arg6: memref<192000x128xf32, #tpu.memory_space<hbm>>, %arg7: memref<192000x128xf32, #tpu.memory_space<hbm>>, %arg8: memref<75x80xi32, #tpu.memory_space<vmem>>, %arg9: memref<400x128xf32, #tpu.memory_space<vmem>>, %arg10: memref<400x128xf32, #tpu.memory_space<vmem>>, %arg11: memref<!tpu.dma_semaphore, #tpu.memory_space<semaphore_mem>>, %arg12: memref<!tpu.dma_semaphore, #tpu.memory_space<semaphore_mem>>) attributes {dimension_semantics = [#tpu.dimension_semantics<core_parallel>, #tpu.dimension_semantics<subcore_parallel>], iteration_bounds = array<i64: 2, 16>, scalar_prefetch = 0 : i64, scratch_operands = 5 : i64, tpu.core_type = #tpu.core_type<sc_vector_subcore>, window_params = [{transform_indices = #map}, {transform_indices = #map}, {transform_indices = #map1}, {transform_indices = #map1}, {transform_indices = #map}, {transform_indices = #map}]} {
    %mul3A = arith.constant 2 : i32
    %mul3A_0 = arith.muli %arg1, %mul3A : i32
    %add3A = arith.addi %mul3A_0, %arg0 : i32
    %mul3A_1 = arith.constant 6000 : i32
    %mul3A_2 = arith.muli %add3A, %mul3A_1 : i32
    "tpu.region"() ({
      %run_scoped3A = tpu.sem_alloc : memref<!tpu.dma_semaphore, #tpu.memory_space<semaphore_mem>>
      %dma_start3A_214 = arith.constant 0 : i32
      %dma_start3A_215 = arith.constant 0 : i32
      %dma_start3A_216 = tpu.memref_slice %arg4[%add3A, %dma_start3A_214, %dma_start3A_215] : memref<32x75x80xi32, #tpu.memory_space<hbm>> -> memref<1x75x80xi32, #tpu.memory_space<hbm>>
      %dma_start3A_217 = tpu.memref_squeeze %dma_start3A_216 : memref<1x75x80xi32, #tpu.memory_space<hbm>> -> memref<75x80xi32, #tpu.memory_space<hbm>>
      %dma_start3A_218 = arith.constant 0 : i32
      %dma_start3A_219 = arith.constant 0 : i32
      %dma_start3A_220 = tpu.memref_slice %arg4[%add3A, %dma_start3A_218, %dma_start3A_219] : memref<32x75x80xi32, #tpu.memory_space<hbm>> -> memref<1x75x80xi32, #tpu.memory_space<hbm>>
      %dma_start3A_221 = tpu.memref_squeeze %dma_start3A_220 : memref<1x75x80xi32, #tpu.memory_space<hbm>> -> memref<75x80xi32, #tpu.memory_space<hbm>>
      tpu.enqueue_dma source(%dma_start3A_221 : memref<75x80xi32, #tpu.memory_space<hbm>>) target(%arg8 : memref<75x80xi32, #tpu.memory_space<vmem>>) target_semaphore(%run_scoped3A : memref<!tpu.dma_semaphore, #tpu.memory_space<semaphore_mem>>)
      %dma_wait3A_222 = arith.constant 0 : i32
      %dma_wait3A_223 = arith.constant 0 : i32
      %dma_wait3A_224 = tpu.memref_slice %arg4[%add3A, %dma_wait3A_222, %dma_wait3A_223] : memref<32x75x80xi32, #tpu.memory_space<hbm>> -> memref<1x75x80xi32, #tpu.memory_space<hbm>>
      %dma_wait3A_225 = tpu.memref_squeeze %dma_wait3A_224 : memref<1x75x80xi32, #tpu.memory_space<hbm>> -> memref<75x80xi32, #tpu.memory_space<hbm>>
      %dma_wait3A_226 = arith.constant 0 : i32
      %dma_wait3A_227 = arith.constant 0 : i32
      %dma_wait3A_228 = tpu.memref_slice %arg4[%add3A, %dma_wait3A_226, %dma_wait3A_227] : memref<32x75x80xi32, #tpu.memory_space<hbm>> -> memref<1x75x80xi32, #tpu.memory_space<hbm>>
      %dma_wait3A_229 = tpu.memref_squeeze %dma_wait3A_228 : memref<1x75x80xi32, #tpu.memory_space<hbm>> -> memref<75x80xi32, #tpu.memory_space<hbm>>
      tpu.wait_dma2 semaphore(%run_scoped3A : memref<!tpu.dma_semaphore, #tpu.memory_space<semaphore_mem>>) src(%dma_wait3A_229 : memref<75x80xi32, #tpu.memory_space<hbm>>) dst(%arg8 : memref<75x80xi32, #tpu.memory_space<vmem>>)
      tpu.yield
    }) : () -> ()
    %dma_start3A = arith.constant 0 : i32
    %dma_start3A_3 = arith.constant 0 : i32
    %dma_start3A_4 = arith.constant 0 : i32
    %dma_start3A_5 = tpu.memref_slice %arg9[%dma_start3A_3, %dma_start3A_4] : memref<400x128xf32, #tpu.memory_space<vmem>> -> memref<80x128xf32, #tpu.memory_space<vmem>>
    %dma_start3A_6 = arith.constant 0 : i32
    %dma_start3A_7 = tpu.memref_slice %arg8[%dma_start3A, %dma_start3A_6] : memref<75x80xi32, #tpu.memory_space<vmem>> -> memref<1x80xi32, #tpu.memory_space<vmem>>
    %dma_start3A_8 = tpu.memref_squeeze %dma_start3A_7 : memref<1x80xi32, #tpu.memory_space<vmem>> -> memref<80xi32, #tpu.memory_space<vmem>>
    %dma_start3A_9 = arith.constant 0 : i32
    %dma_start3A_10 = arith.constant 0 : i32
    %dma_start3A_11 = tpu.memref_slice %arg2[%dma_start3A_9, %dma_start3A_10] : memref<10000x128xf32, #tpu.memory_space<hbm>> -> memref<10000x128xf32, #tpu.memory_space<hbm>>
    tpu.enqueue_indirect_dma source(%dma_start3A_11 : memref<10000x128xf32, #tpu.memory_space<hbm>>) target(%dma_start3A_5 : memref<80x128xf32, #tpu.memory_space<vmem>>) offsets(%dma_start3A_8 : memref<80xi32, #tpu.memory_space<vmem>>) semaphore(%arg11 : memref<!tpu.dma_semaphore, #tpu.memory_space<semaphore_mem>>)
    %dma_start3A_12 = arith.constant 1 : i32
    %dma_start3A_13 = arith.constant 80 : i32
    %dma_start3A_14 = arith.constant 0 : i32
    %dma_start3A_15 = tpu.memref_slice %arg9[%dma_start3A_13, %dma_start3A_14] : memref<400x128xf32, #tpu.memory_space<vmem>> -> memref<80x128xf32, #tpu.memory_space<vmem>>
    %dma_start3A_16 = arith.constant 0 : i32
    %dma_start3A_17 = tpu.memref_slice %arg8[%dma_start3A_12, %dma_start3A_16] : memref<75x80xi32, #tpu.memory_space<vmem>> -> memref<1x80xi32, #tpu.memory_space<vmem>>
    %dma_start3A_18 = tpu.memref_squeeze %dma_start3A_17 : memref<1x80xi32, #tpu.memory_space<vmem>> -> memref<80xi32, #tpu.memory_space<vmem>>
    %dma_start3A_19 = arith.constant 0 : i32
    %dma_start3A_20 = arith.constant 0 : i32
    %dma_start3A_21 = tpu.memref_slice %arg2[%dma_start3A_19, %dma_start3A_20] : memref<10000x128xf32, #tpu.memory_space<hbm>> -> memref<10000x128xf32, #tpu.memory_space<hbm>>
    tpu.enqueue_indirect_dma source(%dma_start3A_21 : memref<10000x128xf32, #tpu.memory_space<hbm>>) target(%dma_start3A_15 : memref<80x128xf32, #tpu.memory_space<vmem>>) offsets(%dma_start3A_18 : memref<80xi32, #tpu.memory_space<vmem>>) semaphore(%arg11 : memref<!tpu.dma_semaphore, #tpu.memory_space<semaphore_mem>>)
    %dma_start3A_22 = arith.constant 2 : i32
    %dma_start3A_23 = arith.constant 160 : i32
    %dma_start3A_24 = arith.constant 0 : i32
    %dma_start3A_25 = tpu.memref_slice %arg9[%dma_start3A_23, %dma_start3A_24] : memref<400x128xf32, #tpu.memory_space<vmem>> -> memref<80x128xf32, #tpu.memory_space<vmem>>
    %dma_start3A_26 = arith.constant 0 : i32
    %dma_start3A_27 = tpu.memref_slice %arg8[%dma_start3A_22, %dma_start3A_26] : memref<75x80xi32, #tpu.memory_space<vmem>> -> memref<1x80xi32, #tpu.memory_space<vmem>>
    %dma_start3A_28 = tpu.memref_squeeze %dma_start3A_27 : memref<1x80xi32, #tpu.memory_space<vmem>> -> memref<80xi32, #tpu.memory_space<vmem>>
    %dma_start3A_29 = arith.constant 0 : i32
    %dma_start3A_30 = arith.constant 0 : i32
    %dma_start3A_31 = tpu.memref_slice %arg2[%dma_start3A_29, %dma_start3A_30] : memref<10000x128xf32, #tpu.memory_space<hbm>> -> memref<10000x128xf32, #tpu.memory_space<hbm>>
    tpu.enqueue_indirect_dma source(%dma_start3A_31 : memref<10000x128xf32, #tpu.memory_space<hbm>>) target(%dma_start3A_25 : memref<80x128xf32, #tpu.memory_space<vmem>>) offsets(%dma_start3A_28 : memref<80xi32, #tpu.memory_space<vmem>>) semaphore(%arg11 : memref<!tpu.dma_semaphore, #tpu.memory_space<semaphore_mem>>)
    %dma_start3A_32 = arith.constant 3 : i32
    %dma_start3A_33 = arith.constant 240 : i32
    %dma_start3A_34 = arith.constant 0 : i32
    %dma_start3A_35 = tpu.memref_slice %arg9[%dma_start3A_33, %dma_start3A_34] : memref<400x128xf32, #tpu.memory_space<vmem>> -> memref<80x128xf32, #tpu.memory_space<vmem>>
    %dma_start3A_36 = arith.constant 0 : i32
    %dma_start3A_37 = tpu.memref_slice %arg8[%dma_start3A_32, %dma_start3A_36] : memref<75x80xi32, #tpu.memory_space<vmem>> -> memref<1x80xi32, #tpu.memory_space<vmem>>
    %dma_start3A_38 = tpu.memref_squeeze %dma_start3A_37 : memref<1x80xi32, #tpu.memory_space<vmem>> -> memref<80xi32, #tpu.memory_space<vmem>>
    %dma_start3A_39 = arith.constant 0 : i32
    %dma_start3A_40 = arith.constant 0 : i32
    %dma_start3A_41 = tpu.memref_slice %arg2[%dma_start3A_39, %dma_start3A_40] : memref<10000x128xf32, #tpu.memory_space<hbm>> -> memref<10000x128xf32, #tpu.memory_space<hbm>>
    tpu.enqueue_indirect_dma source(%dma_start3A_41 : memref<10000x128xf32, #tpu.memory_space<hbm>>) target(%dma_start3A_35 : memref<80x128xf32, #tpu.memory_space<vmem>>) offsets(%dma_start3A_38 : memref<80xi32, #tpu.memory_space<vmem>>) semaphore(%arg11 : memref<!tpu.dma_semaphore, #tpu.memory_space<semaphore_mem>>)
    %dma_start3A_42 = arith.constant 4 : i32
    %dma_start3A_43 = arith.constant 320 : i32
    %dma_start3A_44 = arith.constant 0 : i32
    %dma_start3A_45 = tpu.memref_slice %arg9[%dma_start3A_43, %dma_start3A_44] : memref<400x128xf32, #tpu.memory_space<vmem>> -> memref<80x128xf32, #tpu.memory_space<vmem>>
    %dma_start3A_46 = arith.constant 0 : i32
    %dma_start3A_47 = tpu.memref_slice %arg8[%dma_start3A_42, %dma_start3A_46] : memref<75x80xi32, #tpu.memory_space<vmem>> -> memref<1x80xi32, #tpu.memory_space<vmem>>
    %dma_start3A_48 = tpu.memref_squeeze %dma_start3A_47 : memref<1x80xi32, #tpu.memory_space<vmem>> -> memref<80xi32, #tpu.memory_space<vmem>>
    %dma_start3A_49 = arith.constant 0 : i32
    %dma_start3A_50 = arith.constant 0 : i32
    %dma_start3A_51 = tpu.memref_slice %arg2[%dma_start3A_49, %dma_start3A_50] : memref<10000x128xf32, #tpu.memory_space<hbm>> -> memref<10000x128xf32, #tpu.memory_space<hbm>>
    tpu.enqueue_indirect_dma source(%dma_start3A_51 : memref<10000x128xf32, #tpu.memory_space<hbm>>) target(%dma_start3A_45 : memref<80x128xf32, #tpu.memory_space<vmem>>) offsets(%dma_start3A_48 : memref<80xi32, #tpu.memory_space<vmem>>) semaphore(%arg11 : memref<!tpu.dma_semaphore, #tpu.memory_space<semaphore_mem>>)
    %scan3A = arith.constant 0 : i32
    %scan3A_52 = arith.constant 7 : i32
    %scan3A_53 = arith.addi %scan3A, %scan3A_52 : i32
    %scan3A_54 = arith.constant 1 : i32
    scf.for %scan3A_214 = %scan3A to %scan3A_53 step %scan3A_54  : i32 {
      %mul3A_215 = arith.constant 2 : i32
      %mul3A_216 = arith.muli %scan3A_214, %mul3A_215 : i32
      %add3A_217 = arith.constant 0 : i32
      %add3A_218 = arith.addi %add3A_217, %mul3A_216 : i32
      %add3A_219 = arith.constant 1 : i32
      %add3A_220 = arith.addi %add3A_218, %add3A_219 : i32
      %mul3A_221 = arith.constant 5 : i32
      %mul3A_222 = arith.muli %add3A_220, %mul3A_221 : i32
      %add3A_223 = arith.constant 0 : i32
      %add3A_224 = arith.addi %mul3A_222, %add3A_223 : i32
      %dma_start3A_225 = arith.constant 0 : i32
      %dma_start3A_226 = arith.constant 0 : i32
      %dma_start3A_227 = tpu.memref_slice %arg10[%dma_start3A_225, %dma_start3A_226] : memref<400x128xf32, #tpu.memory_space<vmem>> -> memref<80x128xf32, #tpu.memory_space<vmem>>
      %dma_start3A_228 = arith.constant 0 : i32
      %dma_start3A_229 = tpu.memref_slice %arg8[%add3A_224, %dma_start3A_228] : memref<75x80xi32, #tpu.memory_space<vmem>> -> memref<1x80xi32, #tpu.memory_space<vmem>>
      %dma_start3A_230 = tpu.memref_squeeze %dma_start3A_229 : memref<1x80xi32, #tpu.memory_space<vmem>> -> memref<80xi32, #tpu.memory_space<vmem>>
      %dma_start3A_231 = arith.constant 0 : i32
      %dma_start3A_232 = arith.constant 0 : i32
      %dma_start3A_233 = tpu.memref_slice %arg2[%dma_start3A_231, %dma_start3A_232] : memref<10000x128xf32, #tpu.memory_space<hbm>> -> memref<10000x128xf32, #tpu.memory_space<hbm>>
      tpu.enqueue_indirect_dma source(%dma_start3A_233 : memref<10000x128xf32, #tpu.memory_space<hbm>>) target(%dma_start3A_227 : memref<80x128xf32, #tpu.memory_space<vmem>>) offsets(%dma_start3A_230 : memref<80xi32, #tpu.memory_space<vmem>>) semaphore(%arg12 : memref<!tpu.dma_semaphore, #tpu.memory_space<semaphore_mem>>)
      %mul3A_234 = arith.constant 5 : i32
      %mul3A_235 = arith.muli %add3A_220, %mul3A_234 : i32
      %add3A_236 = arith.constant 1 : i32
      %add3A_237 = arith.addi %mul3A_235, %add3A_236 : i32
      %dma_start3A_238 = arith.constant 80 : i32
      %dma_start3A_239 = arith.constant 0 : i32
      %dma_start3A_240 = tpu.memref_slice %arg10[%dma_start3A_238, %dma_start3A_239] : memref<400x128xf32, #tpu.memory_space<vmem>> -> memref<80x128xf32, #tpu.memory_space<vmem>>
      %dma_start3A_241 = arith.constant 0 : i32
      %dma_start3A_242 = tpu.memref_slice %arg8[%add3A_237, %dma_start3A_241] : memref<75x80xi32, #tpu.memory_space<vmem>> -> memref<1x80xi32, #tpu.memory_space<vmem>>
      %dma_start3A_243 = tpu.memref_squeeze %dma_start3A_242 : memref<1x80xi32, #tpu.memory_space<vmem>> -> memref<80xi32, #tpu.memory_space<vmem>>
      %dma_start3A_244 = arith.constant 0 : i32
      %dma_start3A_245 = arith.constant 0 : i32
      %dma_start3A_246 = tpu.memref_slice %arg2[%dma_start3A_244, %dma_start3A_245] : memref<10000x128xf32, #tpu.memory_space<hbm>> -> memref<10000x128xf32, #tpu.memory_space<hbm>>
      tpu.enqueue_indirect_dma source(%dma_start3A_246 : memref<10000x128xf32, #tpu.memory_space<hbm>>) target(%dma_start3A_240 : memref<80x128xf32, #tpu.memory_space<vmem>>) offsets(%dma_start3A_243 : memref<80xi32, #tpu.memory_space<vmem>>) semaphore(%arg12 : memref<!tpu.dma_semaphore, #tpu.memory_space<semaphore_mem>>)
      %mul3A_247 = arith.constant 5 : i32
      %mul3A_248 = arith.muli %add3A_220, %mul3A_247 : i32
      %add3A_249 = arith.constant 2 : i32
      %add3A_250 = arith.addi %mul3A_248, %add3A_249 : i32
      %dma_start3A_251 = arith.constant 160 : i32
      %dma_start3A_252 = arith.constant 0 : i32
      %dma_start3A_253 = tpu.memref_slice %arg10[%dma_start3A_251, %dma_start3A_252] : memref<400x128xf32, #tpu.memory_space<vmem>> -> memref<80x128xf32, #tpu.memory_space<vmem>>
      %dma_start3A_254 = arith.constant 0 : i32
      %dma_start3A_255 = tpu.memref_slice %arg8[%add3A_250, %dma_start3A_254] : memref<75x80xi32, #tpu.memory_space<vmem>> -> memref<1x80xi32, #tpu.memory_space<vmem>>
      %dma_start3A_256 = tpu.memref_squeeze %dma_start3A_255 : memref<1x80xi32, #tpu.memory_space<vmem>> -> memref<80xi32, #tpu.memory_space<vmem>>
      %dma_start3A_257 = arith.constant 0 : i32
      %dma_start3A_258 = arith.constant 0 : i32
      %dma_start3A_259 = tpu.memref_slice %arg2[%dma_start3A_257, %dma_start3A_258] : memref<10000x128xf32, #tpu.memory_space<hbm>> -> memref<10000x128xf32, #tpu.memory_space<hbm>>
      tpu.enqueue_indirect_dma source(%dma_start3A_259 : memref<10000x128xf32, #tpu.memory_space<hbm>>) target(%dma_start3A_253 : memref<80x128xf32, #tpu.memory_space<vmem>>) offsets(%dma_start3A_256 : memref<80xi32, #tpu.memory_space<vmem>>) semaphore(%arg12 : memref<!tpu.dma_semaphore, #tpu.memory_space<semaphore_mem>>)
      %mul3A_260 = arith.constant 5 : i32
      %mul3A_261 = arith.muli %add3A_220, %mul3A_260 : i32
      %add3A_262 = arith.constant 3 : i32
      %add3A_263 = arith.addi %mul3A_261, %add3A_262 : i32
      %dma_start3A_264 = arith.constant 240 : i32
      %dma_start3A_265 = arith.constant 0 : i32
      %dma_start3A_266 = tpu.memref_slice %arg10[%dma_start3A_264, %dma_start3A_265] : memref<400x128xf32, #tpu.memory_space<vmem>> -> memref<80x128xf32, #tpu.memory_space<vmem>>
      %dma_start3A_267 = arith.constant 0 : i32
      %dma_start3A_268 = tpu.memref_slice %arg8[%add3A_263, %dma_start3A_267] : memref<75x80xi32, #tpu.memory_space<vmem>> -> memref<1x80xi32, #tpu.memory_space<vmem>>
      %dma_start3A_269 = tpu.memref_squeeze %dma_start3A_268 : memref<1x80xi32, #tpu.memory_space<vmem>> -> memref<80xi32, #tpu.memory_space<vmem>>
      %dma_start3A_270 = arith.constant 0 : i32
      %dma_start3A_271 = arith.constant 0 : i32
      %dma_start3A_272 = tpu.memref_slice %arg2[%dma_start3A_270, %dma_start3A_271] : memref<10000x128xf32, #tpu.memory_space<hbm>> -> memref<10000x128xf32, #tpu.memory_space<hbm>>
      tpu.enqueue_indirect_dma source(%dma_start3A_272 : memref<10000x128xf32, #tpu.memory_space<hbm>>) target(%dma_start3A_266 : memref<80x128xf32, #tpu.memory_space<vmem>>) offsets(%dma_start3A_269 : memref<80xi32, #tpu.memory_space<vmem>>) semaphore(%arg12 : memref<!tpu.dma_semaphore, #tpu.memory_space<semaphore_mem>>)
      %mul3A_273 = arith.constant 5 : i32
      %mul3A_274 = arith.muli %add3A_220, %mul3A_273 : i32
      %add3A_275 = arith.constant 4 : i32
      %add3A_276 = arith.addi %mul3A_274, %add3A_275 : i32
      %dma_start3A_277 = arith.constant 320 : i32
      %dma_start3A_278 = arith.constant 0 : i32
      %dma_start3A_279 = tpu.memref_slice %arg10[%dma_start3A_277, %dma_start3A_278] : memref<400x128xf32, #tpu.memory_space<vmem>> -> memref<80x128xf32, #tpu.memory_space<vmem>>
      %dma_start3A_280 = arith.constant 0 : i32
      %dma_start3A_281 = tpu.memref_slice %arg8[%add3A_276, %dma_start3A_280] : memref<75x80xi32, #tpu.memory_space<vmem>> -> memref<1x80xi32, #tpu.memory_space<vmem>>
      %dma_start3A_282 = tpu.memref_squeeze %dma_start3A_281 : memref<1x80xi32, #tpu.memory_space<vmem>> -> memref<80xi32, #tpu.memory_space<vmem>>
      %dma_start3A_283 = arith.constant 0 : i32
      %dma_start3A_284 = arith.constant 0 : i32
      %dma_start3A_285 = tpu.memref_slice %arg2[%dma_start3A_283, %dma_start3A_284] : memref<10000x128xf32, #tpu.memory_space<hbm>> -> memref<10000x128xf32, #tpu.memory_space<hbm>>
      tpu.enqueue_indirect_dma source(%dma_start3A_285 : memref<10000x128xf32, #tpu.memory_space<hbm>>) target(%dma_start3A_279 : memref<80x128xf32, #tpu.memory_space<vmem>>) offsets(%dma_start3A_282 : memref<80xi32, #tpu.memory_space<vmem>>) semaphore(%arg12 : memref<!tpu.dma_semaphore, #tpu.memory_space<semaphore_mem>>)
      %mul3A_286 = arith.constant 5 : i32
      %mul3A_287 = arith.muli %add3A_218, %mul3A_286 : i32
      %add3A_288 = arith.constant 0 : i32
      %add3A_289 = arith.addi %mul3A_287, %add3A_288 : i32
      %dma_wait3A_290 = arith.constant 0 : i32
      %dma_wait3A_291 = arith.constant 0 : i32
      %dma_wait3A_292 = tpu.memref_slice %arg9[%dma_wait3A_290, %dma_wait3A_291] : memref<400x128xf32, #tpu.memory_space<vmem>> -> memref<80x128xf32, #tpu.memory_space<vmem>>
      %dma_wait3A_293 = arith.constant 0 : i32
      %dma_wait3A_294 = tpu.memref_slice %arg8[%add3A_289, %dma_wait3A_293] : memref<75x80xi32, #tpu.memory_space<vmem>> -> memref<1x80xi32, #tpu.memory_space<vmem>>
      %dma_wait3A_295 = tpu.memref_squeeze %dma_wait3A_294 : memref<1x80xi32, #tpu.memory_space<vmem>> -> memref<80xi32, #tpu.memory_space<vmem>>
      %dma_wait3A_296 = arith.constant 0 : i32
      %dma_wait3A_297 = arith.constant 0 : i32
      %dma_wait3A_298 = tpu.memref_slice %arg2[%dma_wait3A_296, %dma_wait3A_297] : memref<10000x128xf32, #tpu.memory_space<hbm>> -> memref<10000x128xf32, #tpu.memory_space<hbm>>
      tpu.wait_indirect_dma semaphore(%arg11 : memref<!tpu.dma_semaphore, #tpu.memory_space<semaphore_mem>>) src(%dma_wait3A_298 : memref<10000x128xf32, #tpu.memory_space<hbm>>) dst(%dma_wait3A_292 : memref<80x128xf32, #tpu.memory_space<vmem>>)
      %mul3A_299 = arith.constant 5 : i32
      %mul3A_300 = arith.muli %add3A_218, %mul3A_299 : i32
      %add3A_301 = arith.constant 1 : i32
      %add3A_302 = arith.addi %mul3A_300, %add3A_301 : i32
      %dma_wait3A_303 = arith.constant 80 : i32
      %dma_wait3A_304 = arith.constant 0 : i32
      %dma_wait3A_305 = tpu.memref_slice %arg9[%dma_wait3A_303, %dma_wait3A_304] : memref<400x128xf32, #tpu.memory_space<vmem>> -> memref<80x128xf32, #tpu.memory_space<vmem>>
      %dma_wait3A_306 = arith.constant 0 : i32
      %dma_wait3A_307 = tpu.memref_slice %arg8[%add3A_302, %dma_wait3A_306] : memref<75x80xi32, #tpu.memory_space<vmem>> -> memref<1x80xi32, #tpu.memory_space<vmem>>
      %dma_wait3A_308 = tpu.memref_squeeze %dma_wait3A_307 : memref<1x80xi32, #tpu.memory_space<vmem>> -> memref<80xi32, #tpu.memory_space<vmem>>
      %dma_wait3A_309 = arith.constant 0 : i32
      %dma_wait3A_310 = arith.constant 0 : i32
      %dma_wait3A_311 = tpu.memref_slice %arg2[%dma_wait3A_309, %dma_wait3A_310] : memref<10000x128xf32, #tpu.memory_space<hbm>> -> memref<10000x128xf32, #tpu.memory_space<hbm>>
      tpu.wait_indirect_dma semaphore(%arg11 : memref<!tpu.dma_semaphore, #tpu.memory_space<semaphore_mem>>) src(%dma_wait3A_311 : memref<10000x128xf32, #tpu.memory_space<hbm>>) dst(%dma_wait3A_305 : memref<80x128xf32, #tpu.memory_space<vmem>>)
      %mul3A_312 = arith.constant 5 : i32
      %mul3A_313 = arith.muli %add3A_218, %mul3A_312 : i32
      %add3A_314 = arith.constant 2 : i32
      %add3A_315 = arith.addi %mul3A_313, %add3A_314 : i32
      %dma_wait3A_316 = arith.constant 160 : i32
      %dma_wait3A_317 = arith.constant 0 : i32
      %dma_wait3A_318 = tpu.memref_slice %arg9[%dma_wait3A_316, %dma_wait3A_317] : memref<400x128xf32, #tpu.memory_space<vmem>> -> memref<80x128xf32, #tpu.memory_space<vmem>>
      %dma_wait3A_319 = arith.constant 0 : i32
      %dma_wait3A_320 = tpu.memref_slice %arg8[%add3A_315, %dma_wait3A_319] : memref<75x80xi32, #tpu.memory_space<vmem>> -> memref<1x80xi32, #tpu.memory_space<vmem>>
      %dma_wait3A_321 = tpu.memref_squeeze %dma_wait3A_320 : memref<1x80xi32, #tpu.memory_space<vmem>> -> memref<80xi32, #tpu.memory_space<vmem>>
      %dma_wait3A_322 = arith.constant 0 : i32
      %dma_wait3A_323 = arith.constant 0 : i32
      %dma_wait3A_324 = tpu.memref_slice %arg2[%dma_wait3A_322, %dma_wait3A_323] : memref<10000x128xf32, #tpu.memory_space<hbm>> -> memref<10000x128xf32, #tpu.memory_space<hbm>>
      tpu.wait_indirect_dma semaphore(%arg11 : memref<!tpu.dma_semaphore, #tpu.memory_space<semaphore_mem>>) src(%dma_wait3A_324 : memref<10000x128xf32, #tpu.memory_space<hbm>>) dst(%dma_wait3A_318 : memref<80x128xf32, #tpu.memory_space<vmem>>)
      %mul3A_325 = arith.constant 5 : i32
      %mul3A_326 = arith.muli %add3A_218, %mul3A_325 : i32
      %add3A_327 = arith.constant 3 : i32
      %add3A_328 = arith.addi %mul3A_326, %add3A_327 : i32
      %dma_wait3A_329 = arith.constant 240 : i32
      %dma_wait3A_330 = arith.constant 0 : i32
      %dma_wait3A_331 = tpu.memref_slice %arg9[%dma_wait3A_329, %dma_wait3A_330] : memref<400x128xf32, #tpu.memory_space<vmem>> -> memref<80x128xf32, #tpu.memory_space<vmem>>
      %dma_wait3A_332 = arith.constant 0 : i32
      %dma_wait3A_333 = tpu.memref_slice %arg8[%add3A_328, %dma_wait3A_332] : memref<75x80xi32, #tpu.memory_space<vmem>> -> memref<1x80xi32, #tpu.memory_space<vmem>>
      %dma_wait3A_334 = tpu.memref_squeeze %dma_wait3A_333 : memref<1x80xi32, #tpu.memory_space<vmem>> -> memref<80xi32, #tpu.memory_space<vmem>>
      %dma_wait3A_335 = arith.constant 0 : i32
      %dma_wait3A_336 = arith.constant 0 : i32
      %dma_wait3A_337 = tpu.memref_slice %arg2[%dma_wait3A_335, %dma_wait3A_336] : memref<10000x128xf32, #tpu.memory_space<hbm>> -> memref<10000x128xf32, #tpu.memory_space<hbm>>
      tpu.wait_indirect_dma semaphore(%arg11 : memref<!tpu.dma_semaphore, #tpu.memory_space<semaphore_mem>>) src(%dma_wait3A_337 : memref<10000x128xf32, #tpu.memory_space<hbm>>) dst(%dma_wait3A_331 : memref<80x128xf32, #tpu.memory_space<vmem>>)
      %mul3A_338 = arith.constant 5 : i32
      %mul3A_339 = arith.muli %add3A_218, %mul3A_338 : i32
      %add3A_340 = arith.constant 4 : i32
      %add3A_341 = arith.addi %mul3A_339, %add3A_340 : i32
      %dma_wait3A_342 = arith.constant 320 : i32
      %dma_wait3A_343 = arith.constant 0 : i32
      %dma_wait3A_344 = tpu.memref_slice %arg9[%dma_wait3A_342, %dma_wait3A_343] : memref<400x128xf32, #tpu.memory_space<vmem>> -> memref<80x128xf32, #tpu.memory_space<vmem>>
      %dma_wait3A_345 = arith.constant 0 : i32
      %dma_wait3A_346 = tpu.memref_slice %arg8[%add3A_341, %dma_wait3A_345] : memref<75x80xi32, #tpu.memory_space<vmem>> -> memref<1x80xi32, #tpu.memory_space<vmem>>
      %dma_wait3A_347 = tpu.memref_squeeze %dma_wait3A_346 : memref<1x80xi32, #tpu.memory_space<vmem>> -> memref<80xi32, #tpu.memory_space<vmem>>
      %dma_wait3A_348 = arith.constant 0 : i32
      %dma_wait3A_349 = arith.constant 0 : i32
      %dma_wait3A_350 = tpu.memref_slice %arg2[%dma_wait3A_348, %dma_wait3A_349] : memref<10000x128xf32, #tpu.memory_space<hbm>> -> memref<10000x128xf32, #tpu.memory_space<hbm>>
      tpu.wait_indirect_dma semaphore(%arg11 : memref<!tpu.dma_semaphore, #tpu.memory_space<semaphore_mem>>) src(%dma_wait3A_350 : memref<10000x128xf32, #tpu.memory_space<hbm>>) dst(%dma_wait3A_344 : memref<80x128xf32, #tpu.memory_space<vmem>>)
      %mul3A_351 = arith.constant 400 : i32
      %mul3A_352 = arith.muli %add3A_218, %mul3A_351 : i32
      %add3A_353 = arith.addi %mul3A_2, %mul3A_352 : i32
      "tpu.region"() ({
        %run_scoped3A = tpu.sem_alloc : memref<!tpu.dma_semaphore, #tpu.memory_space<semaphore_mem>>
        %dma_start3A_428 = arith.constant 0 : i32
        %dma_start3A_429 = tpu.memref_slice %arg6[%add3A_353, %dma_start3A_428] : memref<192000x128xf32, #tpu.memory_space<hbm>> -> memref<400x128xf32, #tpu.memory_space<hbm>>
        %dma_start3A_430 = arith.constant 0 : i32
        %dma_start3A_431 = tpu.memref_slice %arg6[%add3A_353, %dma_start3A_430] : memref<192000x128xf32, #tpu.memory_space<hbm>> -> memref<400x128xf32, #tpu.memory_space<hbm>>
        tpu.enqueue_dma source(%arg9 : memref<400x128xf32, #tpu.memory_space<vmem>>) target(%dma_start3A_431 : memref<400x128xf32, #tpu.memory_space<hbm>>) target_semaphore(%run_scoped3A : memref<!tpu.dma_semaphore, #tpu.memory_space<semaphore_mem>>)
        %dma_wait3A_432 = arith.constant 0 : i32
        %dma_wait3A_433 = tpu.memref_slice %arg6[%add3A_353, %dma_wait3A_432] : memref<192000x128xf32, #tpu.memory_space<hbm>> -> memref<400x128xf32, #tpu.memory_space<hbm>>
        %dma_wait3A_434 = arith.constant 0 : i32
        %dma_wait3A_435 = tpu.memref_slice %arg6[%add3A_353, %dma_wait3A_434] : memref<192000x128xf32, #tpu.memory_space<hbm>> -> memref<400x128xf32, #tpu.memory_space<hbm>>
        tpu.wait_dma2 semaphore(%run_scoped3A : memref<!tpu.dma_semaphore, #tpu.memory_space<semaphore_mem>>) src(%arg9 : memref<400x128xf32, #tpu.memory_space<vmem>>) dst(%dma_wait3A_435 : memref<400x128xf32, #tpu.memory_space<hbm>>)
        tpu.yield
      }) : () -> ()
      %add3A_354 = arith.constant 2 : i32
      %add3A_355 = arith.addi %add3A_218, %add3A_354 : i32
      %lt3A = arith.constant 15 : i32
      %lt3A_356 = arith.cmpi slt, %add3A_355, %lt3A : i32
      %convert_element_type3A = arith.extui %lt3A_356 : i1 to i32
      %cond3A = arith.constant 0 : i32
      %cond3A_357 = arith.cmpi ne, %convert_element_type3A, %cond3A : i32
      scf.if %cond3A_357 {
        %add3A_428 = arith.constant 2 : i32
        %add3A_429 = arith.addi %add3A_218, %add3A_428 : i32
        %mul3A_430 = arith.constant 5 : i32
        %mul3A_431 = arith.muli %add3A_429, %mul3A_430 : i32
        %add3A_432 = arith.constant 0 : i32
        %add3A_433 = arith.addi %mul3A_431, %add3A_432 : i32
        %dma_start3A_434 = arith.constant 0 : i32
        %dma_start3A_435 = arith.constant 0 : i32
        %dma_start3A_436 = tpu.memref_slice %arg9[%dma_start3A_434, %dma_start3A_435] : memref<400x128xf32, #tpu.memory_space<vmem>> -> memref<80x128xf32, #tpu.memory_space<vmem>>
        %dma_start3A_437 = arith.constant 0 : i32
        %dma_start3A_438 = tpu.memref_slice %arg8[%add3A_433, %dma_start3A_437] : memref<75x80xi32, #tpu.memory_space<vmem>> -> memref<1x80xi32, #tpu.memory_space<vmem>>
        %dma_start3A_439 = tpu.memref_squeeze %dma_start3A_438 : memref<1x80xi32, #tpu.memory_space<vmem>> -> memref<80xi32, #tpu.memory_space<vmem>>
        %dma_start3A_440 = arith.constant 0 : i32
        %dma_start3A_441 = arith.constant 0 : i32
        %dma_start3A_442 = tpu.memref_slice %arg2[%dma_start3A_440, %dma_start3A_441] : memref<10000x128xf32, #tpu.memory_space<hbm>> -> memref<10000x128xf32, #tpu.memory_space<hbm>>
        tpu.enqueue_indirect_dma source(%dma_start3A_442 : memref<10000x128xf32, #tpu.memory_space<hbm>>) target(%dma_start3A_436 : memref<80x128xf32, #tpu.memory_space<vmem>>) offsets(%dma_start3A_439 : memref<80xi32, #tpu.memory_space<vmem>>) semaphore(%arg11 : memref<!tpu.dma_semaphore, #tpu.memory_space<semaphore_mem>>)
        %mul3A_443 = arith.constant 5 : i32
        %mul3A_444 = arith.muli %add3A_429, %mul3A_443 : i32
        %add3A_445 = arith.constant 1 : i32
        %add3A_446 = arith.addi %mul3A_444, %add3A_445 : i32
        %dma_start3A_447 = arith.constant 80 : i32
        %dma_start3A_448 = arith.constant 0 : i32
        %dma_start3A_449 = tpu.memref_slice %arg9[%dma_start3A_447, %dma_start3A_448] : memref<400x128xf32, #tpu.memory_space<vmem>> -> memref<80x128xf32, #tpu.memory_space<vmem>>
        %dma_start3A_450 = arith.constant 0 : i32
        %dma_start3A_451 = tpu.memref_slice %arg8[%add3A_446, %dma_start3A_450] : memref<75x80xi32, #tpu.memory_space<vmem>> -> memref<1x80xi32, #tpu.memory_space<vmem>>
        %dma_start3A_452 = tpu.memref_squeeze %dma_start3A_451 : memref<1x80xi32, #tpu.memory_space<vmem>> -> memref<80xi32, #tpu.memory_space<vmem>>
        %dma_start3A_453 = arith.constant 0 : i32
        %dma_start3A_454 = arith.constant 0 : i32
        %dma_start3A_455 = tpu.memref_slice %arg2[%dma_start3A_453, %dma_start3A_454] : memref<10000x128xf32, #tpu.memory_space<hbm>> -> memref<10000x128xf32, #tpu.memory_space<hbm>>
        tpu.enqueue_indirect_dma source(%dma_start3A_455 : memref<10000x128xf32, #tpu.memory_space<hbm>>) target(%dma_start3A_449 : memref<80x128xf32, #tpu.memory_space<vmem>>) offsets(%dma_start3A_452 : memref<80xi32, #tpu.memory_space<vmem>>) semaphore(%arg11 : memref<!tpu.dma_semaphore, #tpu.memory_space<semaphore_mem>>)
        %mul3A_456 = arith.constant 5 : i32
        %mul3A_457 = arith.muli %add3A_429, %mul3A_456 : i32
        %add3A_458 = arith.constant 2 : i32
        %add3A_459 = arith.addi %mul3A_457, %add3A_458 : i32
        %dma_start3A_460 = arith.constant 160 : i32
        %dma_start3A_461 = arith.constant 0 : i32
        %dma_start3A_462 = tpu.memref_slice %arg9[%dma_start3A_460, %dma_start3A_461] : memref<400x128xf32, #tpu.memory_space<vmem>> -> memref<80x128xf32, #tpu.memory_space<vmem>>
        %dma_start3A_463 = arith.constant 0 : i32
        %dma_start3A_464 = tpu.memref_slice %arg8[%add3A_459, %dma_start3A_463] : memref<75x80xi32, #tpu.memory_space<vmem>> -> memref<1x80xi32, #tpu.memory_space<vmem>>
        %dma_start3A_465 = tpu.memref_squeeze %dma_start3A_464 : memref<1x80xi32, #tpu.memory_space<vmem>> -> memref<80xi32, #tpu.memory_space<vmem>>
        %dma_start3A_466 = arith.constant 0 : i32
        %dma_start3A_467 = arith.constant 0 : i32
        %dma_start3A_468 = tpu.memref_slice %arg2[%dma_start3A_466, %dma_start3A_467] : memref<10000x128xf32, #tpu.memory_space<hbm>> -> memref<10000x128xf32, #tpu.memory_space<hbm>>
        tpu.enqueue_indirect_dma source(%dma_start3A_468 : memref<10000x128xf32, #tpu.memory_space<hbm>>) target(%dma_start3A_462 : memref<80x128xf32, #tpu.memory_space<vmem>>) offsets(%dma_start3A_465 : memref<80xi32, #tpu.memory_space<vmem>>) semaphore(%arg11 : memref<!tpu.dma_semaphore, #tpu.memory_space<semaphore_mem>>)
        %mul3A_469 = arith.constant 5 : i32
        %mul3A_470 = arith.muli %add3A_429, %mul3A_469 : i32
        %add3A_471 = arith.constant 3 : i32
        %add3A_472 = arith.addi %mul3A_470, %add3A_471 : i32
        %dma_start3A_473 = arith.constant 240 : i32
        %dma_start3A_474 = arith.constant 0 : i32
        %dma_start3A_475 = tpu.memref_slice %arg9[%dma_start3A_473, %dma_start3A_474] : memref<400x128xf32, #tpu.memory_space<vmem>> -> memref<80x128xf32, #tpu.memory_space<vmem>>
        %dma_start3A_476 = arith.constant 0 : i32
        %dma_start3A_477 = tpu.memref_slice %arg8[%add3A_472, %dma_start3A_476] : memref<75x80xi32, #tpu.memory_space<vmem>> -> memref<1x80xi32, #tpu.memory_space<vmem>>
        %dma_start3A_478 = tpu.memref_squeeze %dma_start3A_477 : memref<1x80xi32, #tpu.memory_space<vmem>> -> memref<80xi32, #tpu.memory_space<vmem>>
        %dma_start3A_479 = arith.constant 0 : i32
        %dma_start3A_480 = arith.constant 0 : i32
        %dma_start3A_481 = tpu.memref_slice %arg2[%dma_start3A_479, %dma_start3A_480] : memref<10000x128xf32, #tpu.memory_space<hbm>> -> memref<10000x128xf32, #tpu.memory_space<hbm>>
        tpu.enqueue_indirect_dma source(%dma_start3A_481 : memref<10000x128xf32, #tpu.memory_space<hbm>>) target(%dma_start3A_475 : memref<80x128xf32, #tpu.memory_space<vmem>>) offsets(%dma_start3A_478 : memref<80xi32, #tpu.memory_space<vmem>>) semaphore(%arg11 : memref<!tpu.dma_semaphore, #tpu.memory_space<semaphore_mem>>)
        %mul3A_482 = arith.constant 5 : i32
        %mul3A_483 = arith.muli %add3A_429, %mul3A_482 : i32
        %add3A_484 = arith.constant 4 : i32
        %add3A_485 = arith.addi %mul3A_483, %add3A_484 : i32
        %dma_start3A_486 = arith.constant 320 : i32
        %dma_start3A_487 = arith.constant 0 : i32
        %dma_start3A_488 = tpu.memref_slice %arg9[%dma_start3A_486, %dma_start3A_487] : memref<400x128xf32, #tpu.memory_space<vmem>> -> memref<80x128xf32, #tpu.memory_space<vmem>>
        %dma_start3A_489 = arith.constant 0 : i32
        %dma_start3A_490 = tpu.memref_slice %arg8[%add3A_485, %dma_start3A_489] : memref<75x80xi32, #tpu.memory_space<vmem>> -> memref<1x80xi32, #tpu.memory_space<vmem>>
        %dma_start3A_491 = tpu.memref_squeeze %dma_start3A_490 : memref<1x80xi32, #tpu.memory_space<vmem>> -> memref<80xi32, #tpu.memory_space<vmem>>
        %dma_start3A_492 = arith.constant 0 : i32
        %dma_start3A_493 = arith.constant 0 : i32
        %dma_start3A_494 = tpu.memref_slice %arg2[%dma_start3A_492, %dma_start3A_493] : memref<10000x128xf32, #tpu.memory_space<hbm>> -> memref<10000x128xf32, #tpu.memory_space<hbm>>
        tpu.enqueue_indirect_dma source(%dma_start3A_494 : memref<10000x128xf32, #tpu.memory_space<hbm>>) target(%dma_start3A_488 : memref<80x128xf32, #tpu.memory_space<vmem>>) offsets(%dma_start3A_491 : memref<80xi32, #tpu.memory_space<vmem>>) semaphore(%arg11 : memref<!tpu.dma_semaphore, #tpu.memory_space<semaphore_mem>>)
      } else {
      }
      %add3A_358 = arith.constant 1 : i32
      %add3A_359 = arith.addi %add3A_218, %add3A_358 : i32
      %mul3A_360 = arith.constant 5 : i32
      %mul3A_361 = arith.muli %add3A_359, %mul3A_360 : i32
      %add3A_362 = arith.constant 0 : i32
      %add3A_363 = arith.addi %mul3A_361, %add3A_362 : i32
      %dma_wait3A_364 = arith.constant 0 : i32
      %dma_wait3A_365 = arith.constant 0 : i32
      %dma_wait3A_366 = tpu.memref_slice %arg10[%dma_wait3A_364, %dma_wait3A_365] : memref<400x128xf32, #tpu.memory_space<vmem>> -> memref<80x128xf32, #tpu.memory_space<vmem>>
      %dma_wait3A_367 = arith.constant 0 : i32
      %dma_wait3A_368 = tpu.memref_slice %arg8[%add3A_363, %dma_wait3A_367] : memref<75x80xi32, #tpu.memory_space<vmem>> -> memref<1x80xi32, #tpu.memory_space<vmem>>
      %dma_wait3A_369 = tpu.memref_squeeze %dma_wait3A_368 : memref<1x80xi32, #tpu.memory_space<vmem>> -> memref<80xi32, #tpu.memory_space<vmem>>
      %dma_wait3A_370 = arith.constant 0 : i32
      %dma_wait3A_371 = arith.constant 0 : i32
      %dma_wait3A_372 = tpu.memref_slice %arg2[%dma_wait3A_370, %dma_wait3A_371] : memref<10000x128xf32, #tpu.memory_space<hbm>> -> memref<10000x128xf32, #tpu.memory_space<hbm>>
      tpu.wait_indirect_dma semaphore(%arg12 : memref<!tpu.dma_semaphore, #tpu.memory_space<semaphore_mem>>) src(%dma_wait3A_372 : memref<10000x128xf32, #tpu.memory_space<hbm>>) dst(%dma_wait3A_366 : memref<80x128xf32, #tpu.memory_space<vmem>>)
      %mul3A_373 = arith.constant 5 : i32
      %mul3A_374 = arith.muli %add3A_359, %mul3A_373 : i32
      %add3A_375 = arith.constant 1 : i32
      %add3A_376 = arith.addi %mul3A_374, %add3A_375 : i32
      %dma_wait3A_377 = arith.constant 80 : i32
      %dma_wait3A_378 = arith.constant 0 : i32
      %dma_wait3A_379 = tpu.memref_slice %arg10[%dma_wait3A_377, %dma_wait3A_378] : memref<400x128xf32, #tpu.memory_space<vmem>> -> memref<80x128xf32, #tpu.memory_space<vmem>>
      %dma_wait3A_380 = arith.constant 0 : i32
      %dma_wait3A_381 = tpu.memref_slice %arg8[%add3A_376, %dma_wait3A_380] : memref<75x80xi32, #tpu.memory_space<vmem>> -> memref<1x80xi32, #tpu.memory_space<vmem>>
      %dma_wait3A_382 = tpu.memref_squeeze %dma_wait3A_381 : memref<1x80xi32, #tpu.memory_space<vmem>> -> memref<80xi32, #tpu.memory_space<vmem>>
      %dma_wait3A_383 = arith.constant 0 : i32
      %dma_wait3A_384 = arith.constant 0 : i32
      %dma_wait3A_385 = tpu.memref_slice %arg2[%dma_wait3A_383, %dma_wait3A_384] : memref<10000x128xf32, #tpu.memory_space<hbm>> -> memref<10000x128xf32, #tpu.memory_space<hbm>>
      tpu.wait_indirect_dma semaphore(%arg12 : memref<!tpu.dma_semaphore, #tpu.memory_space<semaphore_mem>>) src(%dma_wait3A_385 : memref<10000x128xf32, #tpu.memory_space<hbm>>) dst(%dma_wait3A_379 : memref<80x128xf32, #tpu.memory_space<vmem>>)
      %mul3A_386 = arith.constant 5 : i32
      %mul3A_387 = arith.muli %add3A_359, %mul3A_386 : i32
      %add3A_388 = arith.constant 2 : i32
      %add3A_389 = arith.addi %mul3A_387, %add3A_388 : i32
      %dma_wait3A_390 = arith.constant 160 : i32
      %dma_wait3A_391 = arith.constant 0 : i32
      %dma_wait3A_392 = tpu.memref_slice %arg10[%dma_wait3A_390, %dma_wait3A_391] : memref<400x128xf32, #tpu.memory_space<vmem>> -> memref<80x128xf32, #tpu.memory_space<vmem>>
      %dma_wait3A_393 = arith.constant 0 : i32
      %dma_wait3A_394 = tpu.memref_slice %arg8[%add3A_389, %dma_wait3A_393] : memref<75x80xi32, #tpu.memory_space<vmem>> -> memref<1x80xi32, #tpu.memory_space<vmem>>
      %dma_wait3A_395 = tpu.memref_squeeze %dma_wait3A_394 : memref<1x80xi32, #tpu.memory_space<vmem>> -> memref<80xi32, #tpu.memory_space<vmem>>
      %dma_wait3A_396 = arith.constant 0 : i32
      %dma_wait3A_397 = arith.constant 0 : i32
      %dma_wait3A_398 = tpu.memref_slice %arg2[%dma_wait3A_396, %dma_wait3A_397] : memref<10000x128xf32, #tpu.memory_space<hbm>> -> memref<10000x128xf32, #tpu.memory_space<hbm>>
      tpu.wait_indirect_dma semaphore(%arg12 : memref<!tpu.dma_semaphore, #tpu.memory_space<semaphore_mem>>) src(%dma_wait3A_398 : memref<10000x128xf32, #tpu.memory_space<hbm>>) dst(%dma_wait3A_392 : memref<80x128xf32, #tpu.memory_space<vmem>>)
      %mul3A_399 = arith.constant 5 : i32
      %mul3A_400 = arith.muli %add3A_359, %mul3A_399 : i32
      %add3A_401 = arith.constant 3 : i32
      %add3A_402 = arith.addi %mul3A_400, %add3A_401 : i32
      %dma_wait3A_403 = arith.constant 240 : i32
      %dma_wait3A_404 = arith.constant 0 : i32
      %dma_wait3A_405 = tpu.memref_slice %arg10[%dma_wait3A_403, %dma_wait3A_404] : memref<400x128xf32, #tpu.memory_space<vmem>> -> memref<80x128xf32, #tpu.memory_space<vmem>>
      %dma_wait3A_406 = arith.constant 0 : i32
      %dma_wait3A_407 = tpu.memref_slice %arg8[%add3A_402, %dma_wait3A_406] : memref<75x80xi32, #tpu.memory_space<vmem>> -> memref<1x80xi32, #tpu.memory_space<vmem>>
      %dma_wait3A_408 = tpu.memref_squeeze %dma_wait3A_407 : memref<1x80xi32, #tpu.memory_space<vmem>> -> memref<80xi32, #tpu.memory_space<vmem>>
      %dma_wait3A_409 = arith.constant 0 : i32
      %dma_wait3A_410 = arith.constant 0 : i32
      %dma_wait3A_411 = tpu.memref_slice %arg2[%dma_wait3A_409, %dma_wait3A_410] : memref<10000x128xf32, #tpu.memory_space<hbm>> -> memref<10000x128xf32, #tpu.memory_space<hbm>>
      tpu.wait_indirect_dma semaphore(%arg12 : memref<!tpu.dma_semaphore, #tpu.memory_space<semaphore_mem>>) src(%dma_wait3A_411 : memref<10000x128xf32, #tpu.memory_space<hbm>>) dst(%dma_wait3A_405 : memref<80x128xf32, #tpu.memory_space<vmem>>)
      %mul3A_412 = arith.constant 5 : i32
      %mul3A_413 = arith.muli %add3A_359, %mul3A_412 : i32
      %add3A_414 = arith.constant 4 : i32
      %add3A_415 = arith.addi %mul3A_413, %add3A_414 : i32
      %dma_wait3A_416 = arith.constant 320 : i32
      %dma_wait3A_417 = arith.constant 0 : i32
      %dma_wait3A_418 = tpu.memref_slice %arg10[%dma_wait3A_416, %dma_wait3A_417] : memref<400x128xf32, #tpu.memory_space<vmem>> -> memref<80x128xf32, #tpu.memory_space<vmem>>
      %dma_wait3A_419 = arith.constant 0 : i32
      %dma_wait3A_420 = tpu.memref_slice %arg8[%add3A_415, %dma_wait3A_419] : memref<75x80xi32, #tpu.memory_space<vmem>> -> memref<1x80xi32, #tpu.memory_space<vmem>>
      %dma_wait3A_421 = tpu.memref_squeeze %dma_wait3A_420 : memref<1x80xi32, #tpu.memory_space<vmem>> -> memref<80xi32, #tpu.memory_space<vmem>>
      %dma_wait3A_422 = arith.constant 0 : i32
      %dma_wait3A_423 = arith.constant 0 : i32
      %dma_wait3A_424 = tpu.memref_slice %arg2[%dma_wait3A_422, %dma_wait3A_423] : memref<10000x128xf32, #tpu.memory_space<hbm>> -> memref<10000x128xf32, #tpu.memory_space<hbm>>
      tpu.wait_indirect_dma semaphore(%arg12 : memref<!tpu.dma_semaphore, #tpu.memory_space<semaphore_mem>>) src(%dma_wait3A_424 : memref<10000x128xf32, #tpu.memory_space<hbm>>) dst(%dma_wait3A_418 : memref<80x128xf32, #tpu.memory_space<vmem>>)
      %mul3A_425 = arith.constant 400 : i32
      %mul3A_426 = arith.muli %add3A_359, %mul3A_425 : i32
      %add3A_427 = arith.addi %mul3A_2, %mul3A_426 : i32
      "tpu.region"() ({
        %run_scoped3A = tpu.sem_alloc : memref<!tpu.dma_semaphore, #tpu.memory_space<semaphore_mem>>
        %dma_start3A_428 = arith.constant 0 : i32
        %dma_start3A_429 = tpu.memref_slice %arg6[%add3A_427, %dma_start3A_428] : memref<192000x128xf32, #tpu.memory_space<hbm>> -> memref<400x128xf32, #tpu.memory_space<hbm>>
        %dma_start3A_430 = arith.constant 0 : i32
        %dma_start3A_431 = tpu.memref_slice %arg6[%add3A_427, %dma_start3A_430] : memref<192000x128xf32, #tpu.memory_space<hbm>> -> memref<400x128xf32, #tpu.memory_space<hbm>>
        tpu.enqueue_dma source(%arg10 : memref<400x128xf32, #tpu.memory_space<vmem>>) target(%dma_start3A_431 : memref<400x128xf32, #tpu.memory_space<hbm>>) target_semaphore(%run_scoped3A : memref<!tpu.dma_semaphore, #tpu.memory_space<semaphore_mem>>)
        %dma_wait3A_432 = arith.constant 0 : i32
        %dma_wait3A_433 = tpu.memref_slice %arg6[%add3A_427, %dma_wait3A_432] : memref<192000x128xf32, #tpu.memory_space<hbm>> -> memref<400x128xf32, #tpu.memory_space<hbm>>
        %dma_wait3A_434 = arith.constant 0 : i32
        %dma_wait3A_435 = tpu.memref_slice %arg6[%add3A_427, %dma_wait3A_434] : memref<192000x128xf32, #tpu.memory_space<hbm>> -> memref<400x128xf32, #tpu.memory_space<hbm>>
        tpu.wait_dma2 semaphore(%run_scoped3A : memref<!tpu.dma_semaphore, #tpu.memory_space<semaphore_mem>>) src(%arg10 : memref<400x128xf32, #tpu.memory_space<vmem>>) dst(%dma_wait3A_435 : memref<400x128xf32, #tpu.memory_space<hbm>>)
        tpu.yield
      }) : () -> ()
    }
    %scan3A_55 = arith.constant 7 : i32
    %dma_wait3A = arith.constant 70 : i32
    %dma_wait3A_56 = arith.constant 0 : i32
    %dma_wait3A_57 = arith.constant 0 : i32
    %dma_wait3A_58 = tpu.memref_slice %arg9[%dma_wait3A_56, %dma_wait3A_57] : memref<400x128xf32, #tpu.memory_space<vmem>> -> memref<80x128xf32, #tpu.memory_space<vmem>>
    %dma_wait3A_59 = arith.constant 0 : i32
    %dma_wait3A_60 = tpu.memref_slice %arg8[%dma_wait3A, %dma_wait3A_59] : memref<75x80xi32, #tpu.memory_space<vmem>> -> memref<1x80xi32, #tpu.memory_space<vmem>>
    %dma_wait3A_61 = tpu.memref_squeeze %dma_wait3A_60 : memref<1x80xi32, #tpu.memory_space<vmem>> -> memref<80xi32, #tpu.memory_space<vmem>>
    %dma_wait3A_62 = arith.constant 0 : i32
    %dma_wait3A_63 = arith.constant 0 : i32
    %dma_wait3A_64 = tpu.memref_slice %arg2[%dma_wait3A_62, %dma_wait3A_63] : memref<10000x128xf32, #tpu.memory_space<hbm>> -> memref<10000x128xf32, #tpu.memory_space<hbm>>
    tpu.wait_indirect_dma semaphore(%arg11 : memref<!tpu.dma_semaphore, #tpu.memory_space<semaphore_mem>>) src(%dma_wait3A_64 : memref<10000x128xf32, #tpu.memory_space<hbm>>) dst(%dma_wait3A_58 : memref<80x128xf32, #tpu.memory_space<vmem>>)
    %dma_wait3A_65 = arith.constant 71 : i32
    %dma_wait3A_66 = arith.constant 80 : i32
    %dma_wait3A_67 = arith.constant 0 : i32
    %dma_wait3A_68 = tpu.memref_slice %arg9[%dma_wait3A_66, %dma_wait3A_67] : memref<400x128xf32, #tpu.memory_space<vmem>> -> memref<80x128xf32, #tpu.memory_space<vmem>>
    %dma_wait3A_69 = arith.constant 0 : i32
    %dma_wait3A_70 = tpu.memref_slice %arg8[%dma_wait3A_65, %dma_wait3A_69] : memref<75x80xi32, #tpu.memory_space<vmem>> -> memref<1x80xi32, #tpu.memory_space<vmem>>
    %dma_wait3A_71 = tpu.memref_squeeze %dma_wait3A_70 : memref<1x80xi32, #tpu.memory_space<vmem>> -> memref<80xi32, #tpu.memory_space<vmem>>
    %dma_wait3A_72 = arith.constant 0 : i32
    %dma_wait3A_73 = arith.constant 0 : i32
    %dma_wait3A_74 = tpu.memref_slice %arg2[%dma_wait3A_72, %dma_wait3A_73] : memref<10000x128xf32, #tpu.memory_space<hbm>> -> memref<10000x128xf32, #tpu.memory_space<hbm>>
    tpu.wait_indirect_dma semaphore(%arg11 : memref<!tpu.dma_semaphore, #tpu.memory_space<semaphore_mem>>) src(%dma_wait3A_74 : memref<10000x128xf32, #tpu.memory_space<hbm>>) dst(%dma_wait3A_68 : memref<80x128xf32, #tpu.memory_space<vmem>>)
    %dma_wait3A_75 = arith.constant 72 : i32
    %dma_wait3A_76 = arith.constant 160 : i32
    %dma_wait3A_77 = arith.constant 0 : i32
    %dma_wait3A_78 = tpu.memref_slice %arg9[%dma_wait3A_76, %dma_wait3A_77] : memref<400x128xf32, #tpu.memory_space<vmem>> -> memref<80x128xf32, #tpu.memory_space<vmem>>
    %dma_wait3A_79 = arith.constant 0 : i32
    %dma_wait3A_80 = tpu.memref_slice %arg8[%dma_wait3A_75, %dma_wait3A_79] : memref<75x80xi32, #tpu.memory_space<vmem>> -> memref<1x80xi32, #tpu.memory_space<vmem>>
    %dma_wait3A_81 = tpu.memref_squeeze %dma_wait3A_80 : memref<1x80xi32, #tpu.memory_space<vmem>> -> memref<80xi32, #tpu.memory_space<vmem>>
    %dma_wait3A_82 = arith.constant 0 : i32
    %dma_wait3A_83 = arith.constant 0 : i32
    %dma_wait3A_84 = tpu.memref_slice %arg2[%dma_wait3A_82, %dma_wait3A_83] : memref<10000x128xf32, #tpu.memory_space<hbm>> -> memref<10000x128xf32, #tpu.memory_space<hbm>>
    tpu.wait_indirect_dma semaphore(%arg11 : memref<!tpu.dma_semaphore, #tpu.memory_space<semaphore_mem>>) src(%dma_wait3A_84 : memref<10000x128xf32, #tpu.memory_space<hbm>>) dst(%dma_wait3A_78 : memref<80x128xf32, #tpu.memory_space<vmem>>)
    %dma_wait3A_85 = arith.constant 73 : i32
    %dma_wait3A_86 = arith.constant 240 : i32
    %dma_wait3A_87 = arith.constant 0 : i32
    %dma_wait3A_88 = tpu.memref_slice %arg9[%dma_wait3A_86, %dma_wait3A_87] : memref<400x128xf32, #tpu.memory_space<vmem>> -> memref<80x128xf32, #tpu.memory_space<vmem>>
    %dma_wait3A_89 = arith.constant 0 : i32
    %dma_wait3A_90 = tpu.memref_slice %arg8[%dma_wait3A_85, %dma_wait3A_89] : memref<75x80xi32, #tpu.memory_space<vmem>> -> memref<1x80xi32, #tpu.memory_space<vmem>>
    %dma_wait3A_91 = tpu.memref_squeeze %dma_wait3A_90 : memref<1x80xi32, #tpu.memory_space<vmem>> -> memref<80xi32, #tpu.memory_space<vmem>>
    %dma_wait3A_92 = arith.constant 0 : i32
    %dma_wait3A_93 = arith.constant 0 : i32
    %dma_wait3A_94 = tpu.memref_slice %arg2[%dma_wait3A_92, %dma_wait3A_93] : memref<10000x128xf32, #tpu.memory_space<hbm>> -> memref<10000x128xf32, #tpu.memory_space<hbm>>
    tpu.wait_indirect_dma semaphore(%arg11 : memref<!tpu.dma_semaphore, #tpu.memory_space<semaphore_mem>>) src(%dma_wait3A_94 : memref<10000x128xf32, #tpu.memory_space<hbm>>) dst(%dma_wait3A_88 : memref<80x128xf32, #tpu.memory_space<vmem>>)
    %dma_wait3A_95 = arith.constant 74 : i32
    %dma_wait3A_96 = arith.constant 320 : i32
    %dma_wait3A_97 = arith.constant 0 : i32
    %dma_wait3A_98 = tpu.memref_slice %arg9[%dma_wait3A_96, %dma_wait3A_97] : memref<400x128xf32, #tpu.memory_space<vmem>> -> memref<80x128xf32, #tpu.memory_space<vmem>>
    %dma_wait3A_99 = arith.constant 0 : i32
    %dma_wait3A_100 = tpu.memref_slice %arg8[%dma_wait3A_95, %dma_wait3A_99] : memref<75x80xi32, #tpu.memory_space<vmem>> -> memref<1x80xi32, #tpu.memory_space<vmem>>
    %dma_wait3A_101 = tpu.memref_squeeze %dma_wait3A_100 : memref<1x80xi32, #tpu.memory_space<vmem>> -> memref<80xi32, #tpu.memory_space<vmem>>
    %dma_wait3A_102 = arith.constant 0 : i32
    %dma_wait3A_103 = arith.constant 0 : i32
    %dma_wait3A_104 = tpu.memref_slice %arg2[%dma_wait3A_102, %dma_wait3A_103] : memref<10000x128xf32, #tpu.memory_space<hbm>> -> memref<10000x128xf32, #tpu.memory_space<hbm>>
    tpu.wait_indirect_dma semaphore(%arg11 : memref<!tpu.dma_semaphore, #tpu.memory_space<semaphore_mem>>) src(%dma_wait3A_104 : memref<10000x128xf32, #tpu.memory_space<hbm>>) dst(%dma_wait3A_98 : memref<80x128xf32, #tpu.memory_space<vmem>>)
    %add3A_105 = arith.constant 5600 : i32
    %add3A_106 = arith.addi %mul3A_2, %add3A_105 : i32
    "tpu.region"() ({
      %run_scoped3A = tpu.sem_alloc : memref<!tpu.dma_semaphore, #tpu.memory_space<semaphore_mem>>
      %dma_start3A_214 = arith.constant 0 : i32
      %dma_start3A_215 = tpu.memref_slice %arg6[%add3A_106, %dma_start3A_214] : memref<192000x128xf32, #tpu.memory_space<hbm>> -> memref<400x128xf32, #tpu.memory_space<hbm>>
      %dma_start3A_216 = arith.constant 0 : i32
      %dma_start3A_217 = tpu.memref_slice %arg6[%add3A_106, %dma_start3A_216] : memref<192000x128xf32, #tpu.memory_space<hbm>> -> memref<400x128xf32, #tpu.memory_space<hbm>>
      tpu.enqueue_dma source(%arg9 : memref<400x128xf32, #tpu.memory_space<vmem>>) target(%dma_start3A_217 : memref<400x128xf32, #tpu.memory_space<hbm>>) target_semaphore(%run_scoped3A : memref<!tpu.dma_semaphore, #tpu.memory_space<semaphore_mem>>)
      %dma_wait3A_218 = arith.constant 0 : i32
      %dma_wait3A_219 = tpu.memref_slice %arg6[%add3A_106, %dma_wait3A_218] : memref<192000x128xf32, #tpu.memory_space<hbm>> -> memref<400x128xf32, #tpu.memory_space<hbm>>
      %dma_wait3A_220 = arith.constant 0 : i32
      %dma_wait3A_221 = tpu.memref_slice %arg6[%add3A_106, %dma_wait3A_220] : memref<192000x128xf32, #tpu.memory_space<hbm>> -> memref<400x128xf32, #tpu.memory_space<hbm>>
      tpu.wait_dma2 semaphore(%run_scoped3A : memref<!tpu.dma_semaphore, #tpu.memory_space<semaphore_mem>>) src(%arg9 : memref<400x128xf32, #tpu.memory_space<vmem>>) dst(%dma_wait3A_221 : memref<400x128xf32, #tpu.memory_space<hbm>>)
      tpu.yield
    }) : () -> ()
    "tpu.region"() ({
      %run_scoped3A = tpu.sem_alloc : memref<!tpu.dma_semaphore, #tpu.memory_space<semaphore_mem>>
      %dma_start3A_214 = arith.constant 0 : i32
      %dma_start3A_215 = arith.constant 0 : i32
      %dma_start3A_216 = tpu.memref_slice %arg5[%add3A, %dma_start3A_214, %dma_start3A_215] : memref<32x75x80xi32, #tpu.memory_space<hbm>> -> memref<1x75x80xi32, #tpu.memory_space<hbm>>
      %dma_start3A_217 = tpu.memref_squeeze %dma_start3A_216 : memref<1x75x80xi32, #tpu.memory_space<hbm>> -> memref<75x80xi32, #tpu.memory_space<hbm>>
      %dma_start3A_218 = arith.constant 0 : i32
      %dma_start3A_219 = arith.constant 0 : i32
      %dma_start3A_220 = tpu.memref_slice %arg5[%add3A, %dma_start3A_218, %dma_start3A_219] : memref<32x75x80xi32, #tpu.memory_space<hbm>> -> memref<1x75x80xi32, #tpu.memory_space<hbm>>
      %dma_start3A_221 = tpu.memref_squeeze %dma_start3A_220 : memref<1x75x80xi32, #tpu.memory_space<hbm>> -> memref<75x80xi32, #tpu.memory_space<hbm>>
      tpu.enqueue_dma source(%dma_start3A_221 : memref<75x80xi32, #tpu.memory_space<hbm>>) target(%arg8 : memref<75x80xi32, #tpu.memory_space<vmem>>) target_semaphore(%run_scoped3A : memref<!tpu.dma_semaphore, #tpu.memory_space<semaphore_mem>>)
      %dma_wait3A_222 = arith.constant 0 : i32
      %dma_wait3A_223 = arith.constant 0 : i32
      %dma_wait3A_224 = tpu.memref_slice %arg5[%add3A, %dma_wait3A_222, %dma_wait3A_223] : memref<32x75x80xi32, #tpu.memory_space<hbm>> -> memref<1x75x80xi32, #tpu.memory_space<hbm>>
      %dma_wait3A_225 = tpu.memref_squeeze %dma_wait3A_224 : memref<1x75x80xi32, #tpu.memory_space<hbm>> -> memref<75x80xi32, #tpu.memory_space<hbm>>
      %dma_wait3A_226 = arith.constant 0 : i32
      %dma_wait3A_227 = arith.constant 0 : i32
      %dma_wait3A_228 = tpu.memref_slice %arg5[%add3A, %dma_wait3A_226, %dma_wait3A_227] : memref<32x75x80xi32, #tpu.memory_space<hbm>> -> memref<1x75x80xi32, #tpu.memory_space<hbm>>
      %dma_wait3A_229 = tpu.memref_squeeze %dma_wait3A_228 : memref<1x75x80xi32, #tpu.memory_space<hbm>> -> memref<75x80xi32, #tpu.memory_space<hbm>>
      tpu.wait_dma2 semaphore(%run_scoped3A : memref<!tpu.dma_semaphore, #tpu.memory_space<semaphore_mem>>) src(%dma_wait3A_229 : memref<75x80xi32, #tpu.memory_space<hbm>>) dst(%arg8 : memref<75x80xi32, #tpu.memory_space<vmem>>)
      tpu.yield
    }) : () -> ()
    %dma_start3A_107 = arith.constant 0 : i32
    %dma_start3A_108 = arith.constant 0 : i32
    %dma_start3A_109 = arith.constant 0 : i32
    %dma_start3A_110 = tpu.memref_slice %arg9[%dma_start3A_108, %dma_start3A_109] : memref<400x128xf32, #tpu.memory_space<vmem>> -> memref<80x128xf32, #tpu.memory_space<vmem>>
    %dma_start3A_111 = arith.constant 0 : i32
    %dma_start3A_112 = tpu.memref_slice %arg8[%dma_start3A_107, %dma_start3A_111] : memref<75x80xi32, #tpu.memory_space<vmem>> -> memref<1x80xi32, #tpu.memory_space<vmem>>
    %dma_start3A_113 = tpu.memref_squeeze %dma_start3A_112 : memref<1x80xi32, #tpu.memory_space<vmem>> -> memref<80xi32, #tpu.memory_space<vmem>>
    %dma_start3A_114 = arith.constant 0 : i32
    %dma_start3A_115 = arith.constant 0 : i32
    %dma_start3A_116 = tpu.memref_slice %arg3[%dma_start3A_114, %dma_start3A_115] : memref<10000x128xf32, #tpu.memory_space<hbm>> -> memref<10000x128xf32, #tpu.memory_space<hbm>>
    tpu.enqueue_indirect_dma source(%dma_start3A_116 : memref<10000x128xf32, #tpu.memory_space<hbm>>) target(%dma_start3A_110 : memref<80x128xf32, #tpu.memory_space<vmem>>) offsets(%dma_start3A_113 : memref<80xi32, #tpu.memory_space<vmem>>) semaphore(%arg11 : memref<!tpu.dma_semaphore, #tpu.memory_space<semaphore_mem>>)
    %dma_start3A_117 = arith.constant 1 : i32
    %dma_start3A_118 = arith.constant 80 : i32
    %dma_start3A_119 = arith.constant 0 : i32
    %dma_start3A_120 = tpu.memref_slice %arg9[%dma_start3A_118, %dma_start3A_119] : memref<400x128xf32, #tpu.memory_space<vmem>> -> memref<80x128xf32, #tpu.memory_space<vmem>>
    %dma_start3A_121 = arith.constant 0 : i32
    %dma_start3A_122 = tpu.memref_slice %arg8[%dma_start3A_117, %dma_start3A_121] : memref<75x80xi32, #tpu.memory_space<vmem>> -> memref<1x80xi32, #tpu.memory_space<vmem>>
    %dma_start3A_123 = tpu.memref_squeeze %dma_start3A_122 : memref<1x80xi32, #tpu.memory_space<vmem>> -> memref<80xi32, #tpu.memory_space<vmem>>
    %dma_start3A_124 = arith.constant 0 : i32
    %dma_start3A_125 = arith.constant 0 : i32
    %dma_start3A_126 = tpu.memref_slice %arg3[%dma_start3A_124, %dma_start3A_125] : memref<10000x128xf32, #tpu.memory_space<hbm>> -> memref<10000x128xf32, #tpu.memory_space<hbm>>
    tpu.enqueue_indirect_dma source(%dma_start3A_126 : memref<10000x128xf32, #tpu.memory_space<hbm>>) target(%dma_start3A_120 : memref<80x128xf32, #tpu.memory_space<vmem>>) offsets(%dma_start3A_123 : memref<80xi32, #tpu.memory_space<vmem>>) semaphore(%arg11 : memref<!tpu.dma_semaphore, #tpu.memory_space<semaphore_mem>>)
    %dma_start3A_127 = arith.constant 2 : i32
    %dma_start3A_128 = arith.constant 160 : i32
    %dma_start3A_129 = arith.constant 0 : i32
    %dma_start3A_130 = tpu.memref_slice %arg9[%dma_start3A_128, %dma_start3A_129] : memref<400x128xf32, #tpu.memory_space<vmem>> -> memref<80x128xf32, #tpu.memory_space<vmem>>
    %dma_start3A_131 = arith.constant 0 : i32
    %dma_start3A_132 = tpu.memref_slice %arg8[%dma_start3A_127, %dma_start3A_131] : memref<75x80xi32, #tpu.memory_space<vmem>> -> memref<1x80xi32, #tpu.memory_space<vmem>>
    %dma_start3A_133 = tpu.memref_squeeze %dma_start3A_132 : memref<1x80xi32, #tpu.memory_space<vmem>> -> memref<80xi32, #tpu.memory_space<vmem>>
    %dma_start3A_134 = arith.constant 0 : i32
    %dma_start3A_135 = arith.constant 0 : i32
    %dma_start3A_136 = tpu.memref_slice %arg3[%dma_start3A_134, %dma_start3A_135] : memref<10000x128xf32, #tpu.memory_space<hbm>> -> memref<10000x128xf32, #tpu.memory_space<hbm>>
    tpu.enqueue_indirect_dma source(%dma_start3A_136 : memref<10000x128xf32, #tpu.memory_space<hbm>>) target(%dma_start3A_130 : memref<80x128xf32, #tpu.memory_space<vmem>>) offsets(%dma_start3A_133 : memref<80xi32, #tpu.memory_space<vmem>>) semaphore(%arg11 : memref<!tpu.dma_semaphore, #tpu.memory_space<semaphore_mem>>)
    %dma_start3A_137 = arith.constant 3 : i32
    %dma_start3A_138 = arith.constant 240 : i32
    %dma_start3A_139 = arith.constant 0 : i32
    %dma_start3A_140 = tpu.memref_slice %arg9[%dma_start3A_138, %dma_start3A_139] : memref<400x128xf32, #tpu.memory_space<vmem>> -> memref<80x128xf32, #tpu.memory_space<vmem>>
    %dma_start3A_141 = arith.constant 0 : i32
    %dma_start3A_142 = tpu.memref_slice %arg8[%dma_start3A_137, %dma_start3A_141] : memref<75x80xi32, #tpu.memory_space<vmem>> -> memref<1x80xi32, #tpu.memory_space<vmem>>
    %dma_start3A_143 = tpu.memref_squeeze %dma_start3A_142 : memref<1x80xi32, #tpu.memory_space<vmem>> -> memref<80xi32, #tpu.memory_space<vmem>>
    %dma_start3A_144 = arith.constant 0 : i32
    %dma_start3A_145 = arith.constant 0 : i32
    %dma_start3A_146 = tpu.memref_slice %arg3[%dma_start3A_144, %dma_start3A_145] : memref<10000x128xf32, #tpu.memory_space<hbm>> -> memref<10000x128xf32, #tpu.memory_space<hbm>>
    tpu.enqueue_indirect_dma source(%dma_start3A_146 : memref<10000x128xf32, #tpu.memory_space<hbm>>) target(%dma_start3A_140 : memref<80x128xf32, #tpu.memory_space<vmem>>) offsets(%dma_start3A_143 : memref<80xi32, #tpu.memory_space<vmem>>) semaphore(%arg11 : memref<!tpu.dma_semaphore, #tpu.memory_space<semaphore_mem>>)
    %dma_start3A_147 = arith.constant 4 : i32
    %dma_start3A_148 = arith.constant 320 : i32
    %dma_start3A_149 = arith.constant 0 : i32
    %dma_start3A_150 = tpu.memref_slice %arg9[%dma_start3A_148, %dma_start3A_149] : memref<400x128xf32, #tpu.memory_space<vmem>> -> memref<80x128xf32, #tpu.memory_space<vmem>>
    %dma_start3A_151 = arith.constant 0 : i32
    %dma_start3A_152 = tpu.memref_slice %arg8[%dma_start3A_147, %dma_start3A_151] : memref<75x80xi32, #tpu.memory_space<vmem>> -> memref<1x80xi32, #tpu.memory_space<vmem>>
    %dma_start3A_153 = tpu.memref_squeeze %dma_start3A_152 : memref<1x80xi32, #tpu.memory_space<vmem>> -> memref<80xi32, #tpu.memory_space<vmem>>
    %dma_start3A_154 = arith.constant 0 : i32
    %dma_start3A_155 = arith.constant 0 : i32
    %dma_start3A_156 = tpu.memref_slice %arg3[%dma_start3A_154, %dma_start3A_155] : memref<10000x128xf32, #tpu.memory_space<hbm>> -> memref<10000x128xf32, #tpu.memory_space<hbm>>
    tpu.enqueue_indirect_dma source(%dma_start3A_156 : memref<10000x128xf32, #tpu.memory_space<hbm>>) target(%dma_start3A_150 : memref<80x128xf32, #tpu.memory_space<vmem>>) offsets(%dma_start3A_153 : memref<80xi32, #tpu.memory_space<vmem>>) semaphore(%arg11 : memref<!tpu.dma_semaphore, #tpu.memory_space<semaphore_mem>>)
    %scan3A_157 = arith.constant 0 : i32
    %scan3A_158 = arith.constant 7 : i32
    %scan3A_159 = arith.addi %scan3A_157, %scan3A_158 : i32
    %scan3A_160 = arith.constant 1 : i32
    scf.for %scan3A_214 = %scan3A_157 to %scan3A_159 step %scan3A_160  : i32 {
      %mul3A_215 = arith.constant 2 : i32
      %mul3A_216 = arith.muli %scan3A_214, %mul3A_215 : i32
      %add3A_217 = arith.constant 0 : i32
      %add3A_218 = arith.addi %add3A_217, %mul3A_216 : i32
      %add3A_219 = arith.constant 1 : i32
      %add3A_220 = arith.addi %add3A_218, %add3A_219 : i32
      %mul3A_221 = arith.constant 5 : i32
      %mul3A_222 = arith.muli %add3A_220, %mul3A_221 : i32
      %add3A_223 = arith.constant 0 : i32
      %add3A_224 = arith.addi %mul3A_222, %add3A_223 : i32
      %dma_start3A_225 = arith.constant 0 : i32
      %dma_start3A_226 = arith.constant 0 : i32
      %dma_start3A_227 = tpu.memref_slice %arg10[%dma_start3A_225, %dma_start3A_226] : memref<400x128xf32, #tpu.memory_space<vmem>> -> memref<80x128xf32, #tpu.memory_space<vmem>>
      %dma_start3A_228 = arith.constant 0 : i32
      %dma_start3A_229 = tpu.memref_slice %arg8[%add3A_224, %dma_start3A_228] : memref<75x80xi32, #tpu.memory_space<vmem>> -> memref<1x80xi32, #tpu.memory_space<vmem>>
      %dma_start3A_230 = tpu.memref_squeeze %dma_start3A_229 : memref<1x80xi32, #tpu.memory_space<vmem>> -> memref<80xi32, #tpu.memory_space<vmem>>
      %dma_start3A_231 = arith.constant 0 : i32
      %dma_start3A_232 = arith.constant 0 : i32
      %dma_start3A_233 = tpu.memref_slice %arg3[%dma_start3A_231, %dma_start3A_232] : memref<10000x128xf32, #tpu.memory_space<hbm>> -> memref<10000x128xf32, #tpu.memory_space<hbm>>
      tpu.enqueue_indirect_dma source(%dma_start3A_233 : memref<10000x128xf32, #tpu.memory_space<hbm>>) target(%dma_start3A_227 : memref<80x128xf32, #tpu.memory_space<vmem>>) offsets(%dma_start3A_230 : memref<80xi32, #tpu.memory_space<vmem>>) semaphore(%arg12 : memref<!tpu.dma_semaphore, #tpu.memory_space<semaphore_mem>>)
      %mul3A_234 = arith.constant 5 : i32
      %mul3A_235 = arith.muli %add3A_220, %mul3A_234 : i32
      %add3A_236 = arith.constant 1 : i32
      %add3A_237 = arith.addi %mul3A_235, %add3A_236 : i32
      %dma_start3A_238 = arith.constant 80 : i32
      %dma_start3A_239 = arith.constant 0 : i32
      %dma_start3A_240 = tpu.memref_slice %arg10[%dma_start3A_238, %dma_start3A_239] : memref<400x128xf32, #tpu.memory_space<vmem>> -> memref<80x128xf32, #tpu.memory_space<vmem>>
      %dma_start3A_241 = arith.constant 0 : i32
      %dma_start3A_242 = tpu.memref_slice %arg8[%add3A_237, %dma_start3A_241] : memref<75x80xi32, #tpu.memory_space<vmem>> -> memref<1x80xi32, #tpu.memory_space<vmem>>
      %dma_start3A_243 = tpu.memref_squeeze %dma_start3A_242 : memref<1x80xi32, #tpu.memory_space<vmem>> -> memref<80xi32, #tpu.memory_space<vmem>>
      %dma_start3A_244 = arith.constant 0 : i32
      %dma_start3A_245 = arith.constant 0 : i32
      %dma_start3A_246 = tpu.memref_slice %arg3[%dma_start3A_244, %dma_start3A_245] : memref<10000x128xf32, #tpu.memory_space<hbm>> -> memref<10000x128xf32, #tpu.memory_space<hbm>>
      tpu.enqueue_indirect_dma source(%dma_start3A_246 : memref<10000x128xf32, #tpu.memory_space<hbm>>) target(%dma_start3A_240 : memref<80x128xf32, #tpu.memory_space<vmem>>) offsets(%dma_start3A_243 : memref<80xi32, #tpu.memory_space<vmem>>) semaphore(%arg12 : memref<!tpu.dma_semaphore, #tpu.memory_space<semaphore_mem>>)
      %mul3A_247 = arith.constant 5 : i32
      %mul3A_248 = arith.muli %add3A_220, %mul3A_247 : i32
      %add3A_249 = arith.constant 2 : i32
      %add3A_250 = arith.addi %mul3A_248, %add3A_249 : i32
      %dma_start3A_251 = arith.constant 160 : i32
      %dma_start3A_252 = arith.constant 0 : i32
      %dma_start3A_253 = tpu.memref_slice %arg10[%dma_start3A_251, %dma_start3A_252] : memref<400x128xf32, #tpu.memory_space<vmem>> -> memref<80x128xf32, #tpu.memory_space<vmem>>
      %dma_start3A_254 = arith.constant 0 : i32
      %dma_start3A_255 = tpu.memref_slice %arg8[%add3A_250, %dma_start3A_254] : memref<75x80xi32, #tpu.memory_space<vmem>> -> memref<1x80xi32, #tpu.memory_space<vmem>>
      %dma_start3A_256 = tpu.memref_squeeze %dma_start3A_255 : memref<1x80xi32, #tpu.memory_space<vmem>> -> memref<80xi32, #tpu.memory_space<vmem>>
      %dma_start3A_257 = arith.constant 0 : i32
      %dma_start3A_258 = arith.constant 0 : i32
      %dma_start3A_259 = tpu.memref_slice %arg3[%dma_start3A_257, %dma_start3A_258] : memref<10000x128xf32, #tpu.memory_space<hbm>> -> memref<10000x128xf32, #tpu.memory_space<hbm>>
      tpu.enqueue_indirect_dma source(%dma_start3A_259 : memref<10000x128xf32, #tpu.memory_space<hbm>>) target(%dma_start3A_253 : memref<80x128xf32, #tpu.memory_space<vmem>>) offsets(%dma_start3A_256 : memref<80xi32, #tpu.memory_space<vmem>>) semaphore(%arg12 : memref<!tpu.dma_semaphore, #tpu.memory_space<semaphore_mem>>)
      %mul3A_260 = arith.constant 5 : i32
      %mul3A_261 = arith.muli %add3A_220, %mul3A_260 : i32
      %add3A_262 = arith.constant 3 : i32
      %add3A_263 = arith.addi %mul3A_261, %add3A_262 : i32
      %dma_start3A_264 = arith.constant 240 : i32
      %dma_start3A_265 = arith.constant 0 : i32
      %dma_start3A_266 = tpu.memref_slice %arg10[%dma_start3A_264, %dma_start3A_265] : memref<400x128xf32, #tpu.memory_space<vmem>> -> memref<80x128xf32, #tpu.memory_space<vmem>>
      %dma_start3A_267 = arith.constant 0 : i32
      %dma_start3A_268 = tpu.memref_slice %arg8[%add3A_263, %dma_start3A_267] : memref<75x80xi32, #tpu.memory_space<vmem>> -> memref<1x80xi32, #tpu.memory_space<vmem>>
      %dma_start3A_269 = tpu.memref_squeeze %dma_start3A_268 : memref<1x80xi32, #tpu.memory_space<vmem>> -> memref<80xi32, #tpu.memory_space<vmem>>
      %dma_start3A_270 = arith.constant 0 : i32
      %dma_start3A_271 = arith.constant 0 : i32
      %dma_start3A_272 = tpu.memref_slice %arg3[%dma_start3A_270, %dma_start3A_271] : memref<10000x128xf32, #tpu.memory_space<hbm>> -> memref<10000x128xf32, #tpu.memory_space<hbm>>
      tpu.enqueue_indirect_dma source(%dma_start3A_272 : memref<10000x128xf32, #tpu.memory_space<hbm>>) target(%dma_start3A_266 : memref<80x128xf32, #tpu.memory_space<vmem>>) offsets(%dma_start3A_269 : memref<80xi32, #tpu.memory_space<vmem>>) semaphore(%arg12 : memref<!tpu.dma_semaphore, #tpu.memory_space<semaphore_mem>>)
      %mul3A_273 = arith.constant 5 : i32
      %mul3A_274 = arith.muli %add3A_220, %mul3A_273 : i32
      %add3A_275 = arith.constant 4 : i32
      %add3A_276 = arith.addi %mul3A_274, %add3A_275 : i32
      %dma_start3A_277 = arith.constant 320 : i32
      %dma_start3A_278 = arith.constant 0 : i32
      %dma_start3A_279 = tpu.memref_slice %arg10[%dma_start3A_277, %dma_start3A_278] : memref<400x128xf32, #tpu.memory_space<vmem>> -> memref<80x128xf32, #tpu.memory_space<vmem>>
      %dma_start3A_280 = arith.constant 0 : i32
      %dma_start3A_281 = tpu.memref_slice %arg8[%add3A_276, %dma_start3A_280] : memref<75x80xi32, #tpu.memory_space<vmem>> -> memref<1x80xi32, #tpu.memory_space<vmem>>
      %dma_start3A_282 = tpu.memref_squeeze %dma_start3A_281 : memref<1x80xi32, #tpu.memory_space<vmem>> -> memref<80xi32, #tpu.memory_space<vmem>>
      %dma_start3A_283 = arith.constant 0 : i32
      %dma_start3A_284 = arith.constant 0 : i32
      %dma_start3A_285 = tpu.memref_slice %arg3[%dma_start3A_283, %dma_start3A_284] : memref<10000x128xf32, #tpu.memory_space<hbm>> -> memref<10000x128xf32, #tpu.memory_space<hbm>>
      tpu.enqueue_indirect_dma source(%dma_start3A_285 : memref<10000x128xf32, #tpu.memory_space<hbm>>) target(%dma_start3A_279 : memref<80x128xf32, #tpu.memory_space<vmem>>) offsets(%dma_start3A_282 : memref<80xi32, #tpu.memory_space<vmem>>) semaphore(%arg12 : memref<!tpu.dma_semaphore, #tpu.memory_space<semaphore_mem>>)
      %mul3A_286 = arith.constant 5 : i32
      %mul3A_287 = arith.muli %add3A_218, %mul3A_286 : i32
      %add3A_288 = arith.constant 0 : i32
      %add3A_289 = arith.addi %mul3A_287, %add3A_288 : i32
      %dma_wait3A_290 = arith.constant 0 : i32
      %dma_wait3A_291 = arith.constant 0 : i32
      %dma_wait3A_292 = tpu.memref_slice %arg9[%dma_wait3A_290, %dma_wait3A_291] : memref<400x128xf32, #tpu.memory_space<vmem>> -> memref<80x128xf32, #tpu.memory_space<vmem>>
      %dma_wait3A_293 = arith.constant 0 : i32
      %dma_wait3A_294 = tpu.memref_slice %arg8[%add3A_289, %dma_wait3A_293] : memref<75x80xi32, #tpu.memory_space<vmem>> -> memref<1x80xi32, #tpu.memory_space<vmem>>
      %dma_wait3A_295 = tpu.memref_squeeze %dma_wait3A_294 : memref<1x80xi32, #tpu.memory_space<vmem>> -> memref<80xi32, #tpu.memory_space<vmem>>
      %dma_wait3A_296 = arith.constant 0 : i32
      %dma_wait3A_297 = arith.constant 0 : i32
      %dma_wait3A_298 = tpu.memref_slice %arg3[%dma_wait3A_296, %dma_wait3A_297] : memref<10000x128xf32, #tpu.memory_space<hbm>> -> memref<10000x128xf32, #tpu.memory_space<hbm>>
      tpu.wait_indirect_dma semaphore(%arg11 : memref<!tpu.dma_semaphore, #tpu.memory_space<semaphore_mem>>) src(%dma_wait3A_298 : memref<10000x128xf32, #tpu.memory_space<hbm>>) dst(%dma_wait3A_292 : memref<80x128xf32, #tpu.memory_space<vmem>>)
      %mul3A_299 = arith.constant 5 : i32
      %mul3A_300 = arith.muli %add3A_218, %mul3A_299 : i32
      %add3A_301 = arith.constant 1 : i32
      %add3A_302 = arith.addi %mul3A_300, %add3A_301 : i32
      %dma_wait3A_303 = arith.constant 80 : i32
      %dma_wait3A_304 = arith.constant 0 : i32
      %dma_wait3A_305 = tpu.memref_slice %arg9[%dma_wait3A_303, %dma_wait3A_304] : memref<400x128xf32, #tpu.memory_space<vmem>> -> memref<80x128xf32, #tpu.memory_space<vmem>>
      %dma_wait3A_306 = arith.constant 0 : i32
      %dma_wait3A_307 = tpu.memref_slice %arg8[%add3A_302, %dma_wait3A_306] : memref<75x80xi32, #tpu.memory_space<vmem>> -> memref<1x80xi32, #tpu.memory_space<vmem>>
      %dma_wait3A_308 = tpu.memref_squeeze %dma_wait3A_307 : memref<1x80xi32, #tpu.memory_space<vmem>> -> memref<80xi32, #tpu.memory_space<vmem>>
      %dma_wait3A_309 = arith.constant 0 : i32
      %dma_wait3A_310 = arith.constant 0 : i32
      %dma_wait3A_311 = tpu.memref_slice %arg3[%dma_wait3A_309, %dma_wait3A_310] : memref<10000x128xf32, #tpu.memory_space<hbm>> -> memref<10000x128xf32, #tpu.memory_space<hbm>>
      tpu.wait_indirect_dma semaphore(%arg11 : memref<!tpu.dma_semaphore, #tpu.memory_space<semaphore_mem>>) src(%dma_wait3A_311 : memref<10000x128xf32, #tpu.memory_space<hbm>>) dst(%dma_wait3A_305 : memref<80x128xf32, #tpu.memory_space<vmem>>)
      %mul3A_312 = arith.constant 5 : i32
      %mul3A_313 = arith.muli %add3A_218, %mul3A_312 : i32
      %add3A_314 = arith.constant 2 : i32
      %add3A_315 = arith.addi %mul3A_313, %add3A_314 : i32
      %dma_wait3A_316 = arith.constant 160 : i32
      %dma_wait3A_317 = arith.constant 0 : i32
      %dma_wait3A_318 = tpu.memref_slice %arg9[%dma_wait3A_316, %dma_wait3A_317] : memref<400x128xf32, #tpu.memory_space<vmem>> -> memref<80x128xf32, #tpu.memory_space<vmem>>
      %dma_wait3A_319 = arith.constant 0 : i32
      %dma_wait3A_320 = tpu.memref_slice %arg8[%add3A_315, %dma_wait3A_319] : memref<75x80xi32, #tpu.memory_space<vmem>> -> memref<1x80xi32, #tpu.memory_space<vmem>>
      %dma_wait3A_321 = tpu.memref_squeeze %dma_wait3A_320 : memref<1x80xi32, #tpu.memory_space<vmem>> -> memref<80xi32, #tpu.memory_space<vmem>>
      %dma_wait3A_322 = arith.constant 0 : i32
      %dma_wait3A_323 = arith.constant 0 : i32
      %dma_wait3A_324 = tpu.memref_slice %arg3[%dma_wait3A_322, %dma_wait3A_323] : memref<10000x128xf32, #tpu.memory_space<hbm>> -> memref<10000x128xf32, #tpu.memory_space<hbm>>
      tpu.wait_indirect_dma semaphore(%arg11 : memref<!tpu.dma_semaphore, #tpu.memory_space<semaphore_mem>>) src(%dma_wait3A_324 : memref<10000x128xf32, #tpu.memory_space<hbm>>) dst(%dma_wait3A_318 : memref<80x128xf32, #tpu.memory_space<vmem>>)
      %mul3A_325 = arith.constant 5 : i32
      %mul3A_326 = arith.muli %add3A_218, %mul3A_325 : i32
      %add3A_327 = arith.constant 3 : i32
      %add3A_328 = arith.addi %mul3A_326, %add3A_327 : i32
      %dma_wait3A_329 = arith.constant 240 : i32
      %dma_wait3A_330 = arith.constant 0 : i32
      %dma_wait3A_331 = tpu.memref_slice %arg9[%dma_wait3A_329, %dma_wait3A_330] : memref<400x128xf32, #tpu.memory_space<vmem>> -> memref<80x128xf32, #tpu.memory_space<vmem>>
      %dma_wait3A_332 = arith.constant 0 : i32
      %dma_wait3A_333 = tpu.memref_slice %arg8[%add3A_328, %dma_wait3A_332] : memref<75x80xi32, #tpu.memory_space<vmem>> -> memref<1x80xi32, #tpu.memory_space<vmem>>
      %dma_wait3A_334 = tpu.memref_squeeze %dma_wait3A_333 : memref<1x80xi32, #tpu.memory_space<vmem>> -> memref<80xi32, #tpu.memory_space<vmem>>
      %dma_wait3A_335 = arith.constant 0 : i32
      %dma_wait3A_336 = arith.constant 0 : i32
      %dma_wait3A_337 = tpu.memref_slice %arg3[%dma_wait3A_335, %dma_wait3A_336] : memref<10000x128xf32, #tpu.memory_space<hbm>> -> memref<10000x128xf32, #tpu.memory_space<hbm>>
      tpu.wait_indirect_dma semaphore(%arg11 : memref<!tpu.dma_semaphore, #tpu.memory_space<semaphore_mem>>) src(%dma_wait3A_337 : memref<10000x128xf32, #tpu.memory_space<hbm>>) dst(%dma_wait3A_331 : memref<80x128xf32, #tpu.memory_space<vmem>>)
      %mul3A_338 = arith.constant 5 : i32
      %mul3A_339 = arith.muli %add3A_218, %mul3A_338 : i32
      %add3A_340 = arith.constant 4 : i32
      %add3A_341 = arith.addi %mul3A_339, %add3A_340 : i32
      %dma_wait3A_342 = arith.constant 320 : i32
      %dma_wait3A_343 = arith.constant 0 : i32
      %dma_wait3A_344 = tpu.memref_slice %arg9[%dma_wait3A_342, %dma_wait3A_343] : memref<400x128xf32, #tpu.memory_space<vmem>> -> memref<80x128xf32, #tpu.memory_space<vmem>>
      %dma_wait3A_345 = arith.constant 0 : i32
      %dma_wait3A_346 = tpu.memref_slice %arg8[%add3A_341, %dma_wait3A_345] : memref<75x80xi32, #tpu.memory_space<vmem>> -> memref<1x80xi32, #tpu.memory_space<vmem>>
      %dma_wait3A_347 = tpu.memref_squeeze %dma_wait3A_346 : memref<1x80xi32, #tpu.memory_space<vmem>> -> memref<80xi32, #tpu.memory_space<vmem>>
      %dma_wait3A_348 = arith.constant 0 : i32
      %dma_wait3A_349 = arith.constant 0 : i32
      %dma_wait3A_350 = tpu.memref_slice %arg3[%dma_wait3A_348, %dma_wait3A_349] : memref<10000x128xf32, #tpu.memory_space<hbm>> -> memref<10000x128xf32, #tpu.memory_space<hbm>>
      tpu.wait_indirect_dma semaphore(%arg11 : memref<!tpu.dma_semaphore, #tpu.memory_space<semaphore_mem>>) src(%dma_wait3A_350 : memref<10000x128xf32, #tpu.memory_space<hbm>>) dst(%dma_wait3A_344 : memref<80x128xf32, #tpu.memory_space<vmem>>)
      %mul3A_351 = arith.constant 400 : i32
      %mul3A_352 = arith.muli %add3A_218, %mul3A_351 : i32
      %add3A_353 = arith.addi %mul3A_2, %mul3A_352 : i32
      "tpu.region"() ({
        %run_scoped3A = tpu.sem_alloc : memref<!tpu.dma_semaphore, #tpu.memory_space<semaphore_mem>>
        %dma_start3A_428 = arith.constant 0 : i32
        %dma_start3A_429 = tpu.memref_slice %arg7[%add3A_353, %dma_start3A_428] : memref<192000x128xf32, #tpu.memory_space<hbm>> -> memref<400x128xf32, #tpu.memory_space<hbm>>
        %dma_start3A_430 = arith.constant 0 : i32
        %dma_start3A_431 = tpu.memref_slice %arg7[%add3A_353, %dma_start3A_430] : memref<192000x128xf32, #tpu.memory_space<hbm>> -> memref<400x128xf32, #tpu.memory_space<hbm>>
        tpu.enqueue_dma source(%arg9 : memref<400x128xf32, #tpu.memory_space<vmem>>) target(%dma_start3A_431 : memref<400x128xf32, #tpu.memory_space<hbm>>) target_semaphore(%run_scoped3A : memref<!tpu.dma_semaphore, #tpu.memory_space<semaphore_mem>>)
        %dma_wait3A_432 = arith.constant 0 : i32
        %dma_wait3A_433 = tpu.memref_slice %arg7[%add3A_353, %dma_wait3A_432] : memref<192000x128xf32, #tpu.memory_space<hbm>> -> memref<400x128xf32, #tpu.memory_space<hbm>>
        %dma_wait3A_434 = arith.constant 0 : i32
        %dma_wait3A_435 = tpu.memref_slice %arg7[%add3A_353, %dma_wait3A_434] : memref<192000x128xf32, #tpu.memory_space<hbm>> -> memref<400x128xf32, #tpu.memory_space<hbm>>
        tpu.wait_dma2 semaphore(%run_scoped3A : memref<!tpu.dma_semaphore, #tpu.memory_space<semaphore_mem>>) src(%arg9 : memref<400x128xf32, #tpu.memory_space<vmem>>) dst(%dma_wait3A_435 : memref<400x128xf32, #tpu.memory_space<hbm>>)
        tpu.yield
      }) : () -> ()
      %add3A_354 = arith.constant 2 : i32
      %add3A_355 = arith.addi %add3A_218, %add3A_354 : i32
      %lt3A = arith.constant 15 : i32
      %lt3A_356 = arith.cmpi slt, %add3A_355, %lt3A : i32
      %convert_element_type3A = arith.extui %lt3A_356 : i1 to i32
      %cond3A = arith.constant 0 : i32
      %cond3A_357 = arith.cmpi ne, %convert_element_type3A, %cond3A : i32
      scf.if %cond3A_357 {
        %add3A_428 = arith.constant 2 : i32
        %add3A_429 = arith.addi %add3A_218, %add3A_428 : i32
        %mul3A_430 = arith.constant 5 : i32
        %mul3A_431 = arith.muli %add3A_429, %mul3A_430 : i32
        %add3A_432 = arith.constant 0 : i32
        %add3A_433 = arith.addi %mul3A_431, %add3A_432 : i32
        %dma_start3A_434 = arith.constant 0 : i32
        %dma_start3A_435 = arith.constant 0 : i32
        %dma_start3A_436 = tpu.memref_slice %arg9[%dma_start3A_434, %dma_start3A_435] : memref<400x128xf32, #tpu.memory_space<vmem>> -> memref<80x128xf32, #tpu.memory_space<vmem>>
        %dma_start3A_437 = arith.constant 0 : i32
        %dma_start3A_438 = tpu.memref_slice %arg8[%add3A_433, %dma_start3A_437] : memref<75x80xi32, #tpu.memory_space<vmem>> -> memref<1x80xi32, #tpu.memory_space<vmem>>
        %dma_start3A_439 = tpu.memref_squeeze %dma_start3A_438 : memref<1x80xi32, #tpu.memory_space<vmem>> -> memref<80xi32, #tpu.memory_space<vmem>>
        %dma_start3A_440 = arith.constant 0 : i32
        %dma_start3A_441 = arith.constant 0 : i32
        %dma_start3A_442 = tpu.memref_slice %arg3[%dma_start3A_440, %dma_start3A_441] : memref<10000x128xf32, #tpu.memory_space<hbm>> -> memref<10000x128xf32, #tpu.memory_space<hbm>>
        tpu.enqueue_indirect_dma source(%dma_start3A_442 : memref<10000x128xf32, #tpu.memory_space<hbm>>) target(%dma_start3A_436 : memref<80x128xf32, #tpu.memory_space<vmem>>) offsets(%dma_start3A_439 : memref<80xi32, #tpu.memory_space<vmem>>) semaphore(%arg11 : memref<!tpu.dma_semaphore, #tpu.memory_space<semaphore_mem>>)
        %mul3A_443 = arith.constant 5 : i32
        %mul3A_444 = arith.muli %add3A_429, %mul3A_443 : i32
        %add3A_445 = arith.constant 1 : i32
        %add3A_446 = arith.addi %mul3A_444, %add3A_445 : i32
        %dma_start3A_447 = arith.constant 80 : i32
        %dma_start3A_448 = arith.constant 0 : i32
        %dma_start3A_449 = tpu.memref_slice %arg9[%dma_start3A_447, %dma_start3A_448] : memref<400x128xf32, #tpu.memory_space<vmem>> -> memref<80x128xf32, #tpu.memory_space<vmem>>
        %dma_start3A_450 = arith.constant 0 : i32
        %dma_start3A_451 = tpu.memref_slice %arg8[%add3A_446, %dma_start3A_450] : memref<75x80xi32, #tpu.memory_space<vmem>> -> memref<1x80xi32, #tpu.memory_space<vmem>>
        %dma_start3A_452 = tpu.memref_squeeze %dma_start3A_451 : memref<1x80xi32, #tpu.memory_space<vmem>> -> memref<80xi32, #tpu.memory_space<vmem>>
        %dma_start3A_453 = arith.constant 0 : i32
        %dma_start3A_454 = arith.constant 0 : i32
        %dma_start3A_455 = tpu.memref_slice %arg3[%dma_start3A_453, %dma_start3A_454] : memref<10000x128xf32, #tpu.memory_space<hbm>> -> memref<10000x128xf32, #tpu.memory_space<hbm>>
        tpu.enqueue_indirect_dma source(%dma_start3A_455 : memref<10000x128xf32, #tpu.memory_space<hbm>>) target(%dma_start3A_449 : memref<80x128xf32, #tpu.memory_space<vmem>>) offsets(%dma_start3A_452 : memref<80xi32, #tpu.memory_space<vmem>>) semaphore(%arg11 : memref<!tpu.dma_semaphore, #tpu.memory_space<semaphore_mem>>)
        %mul3A_456 = arith.constant 5 : i32
        %mul3A_457 = arith.muli %add3A_429, %mul3A_456 : i32
        %add3A_458 = arith.constant 2 : i32
        %add3A_459 = arith.addi %mul3A_457, %add3A_458 : i32
        %dma_start3A_460 = arith.constant 160 : i32
        %dma_start3A_461 = arith.constant 0 : i32
        %dma_start3A_462 = tpu.memref_slice %arg9[%dma_start3A_460, %dma_start3A_461] : memref<400x128xf32, #tpu.memory_space<vmem>> -> memref<80x128xf32, #tpu.memory_space<vmem>>
        %dma_start3A_463 = arith.constant 0 : i32
        %dma_start3A_464 = tpu.memref_slice %arg8[%add3A_459, %dma_start3A_463] : memref<75x80xi32, #tpu.memory_space<vmem>> -> memref<1x80xi32, #tpu.memory_space<vmem>>
        %dma_start3A_465 = tpu.memref_squeeze %dma_start3A_464 : memref<1x80xi32, #tpu.memory_space<vmem>> -> memref<80xi32, #tpu.memory_space<vmem>>
        %dma_start3A_466 = arith.constant 0 : i32
        %dma_start3A_467 = arith.constant 0 : i32
        %dma_start3A_468 = tpu.memref_slice %arg3[%dma_start3A_466, %dma_start3A_467] : memref<10000x128xf32, #tpu.memory_space<hbm>> -> memref<10000x128xf32, #tpu.memory_space<hbm>>
        tpu.enqueue_indirect_dma source(%dma_start3A_468 : memref<10000x128xf32, #tpu.memory_space<hbm>>) target(%dma_start3A_462 : memref<80x128xf32, #tpu.memory_space<vmem>>) offsets(%dma_start3A_465 : memref<80xi32, #tpu.memory_space<vmem>>) semaphore(%arg11 : memref<!tpu.dma_semaphore, #tpu.memory_space<semaphore_mem>>)
        %mul3A_469 = arith.constant 5 : i32
        %mul3A_470 = arith.muli %add3A_429, %mul3A_469 : i32
        %add3A_471 = arith.constant 3 : i32
        %add3A_472 = arith.addi %mul3A_470, %add3A_471 : i32
        %dma_start3A_473 = arith.constant 240 : i32
        %dma_start3A_474 = arith.constant 0 : i32
        %dma_start3A_475 = tpu.memref_slice %arg9[%dma_start3A_473, %dma_start3A_474] : memref<400x128xf32, #tpu.memory_space<vmem>> -> memref<80x128xf32, #tpu.memory_space<vmem>>
        %dma_start3A_476 = arith.constant 0 : i32
        %dma_start3A_477 = tpu.memref_slice %arg8[%add3A_472, %dma_start3A_476] : memref<75x80xi32, #tpu.memory_space<vmem>> -> memref<1x80xi32, #tpu.memory_space<vmem>>
        %dma_start3A_478 = tpu.memref_squeeze %dma_start3A_477 : memref<1x80xi32, #tpu.memory_space<vmem>> -> memref<80xi32, #tpu.memory_space<vmem>>
        %dma_start3A_479 = arith.constant 0 : i32
        %dma_start3A_480 = arith.constant 0 : i32
        %dma_start3A_481 = tpu.memref_slice %arg3[%dma_start3A_479, %dma_start3A_480] : memref<10000x128xf32, #tpu.memory_space<hbm>> -> memref<10000x128xf32, #tpu.memory_space<hbm>>
        tpu.enqueue_indirect_dma source(%dma_start3A_481 : memref<10000x128xf32, #tpu.memory_space<hbm>>) target(%dma_start3A_475 : memref<80x128xf32, #tpu.memory_space<vmem>>) offsets(%dma_start3A_478 : memref<80xi32, #tpu.memory_space<vmem>>) semaphore(%arg11 : memref<!tpu.dma_semaphore, #tpu.memory_space<semaphore_mem>>)
        %mul3A_482 = arith.constant 5 : i32
        %mul3A_483 = arith.muli %add3A_429, %mul3A_482 : i32
        %add3A_484 = arith.constant 4 : i32
        %add3A_485 = arith.addi %mul3A_483, %add3A_484 : i32
        %dma_start3A_486 = arith.constant 320 : i32
        %dma_start3A_487 = arith.constant 0 : i32
        %dma_start3A_488 = tpu.memref_slice %arg9[%dma_start3A_486, %dma_start3A_487] : memref<400x128xf32, #tpu.memory_space<vmem>> -> memref<80x128xf32, #tpu.memory_space<vmem>>
        %dma_start3A_489 = arith.constant 0 : i32
        %dma_start3A_490 = tpu.memref_slice %arg8[%add3A_485, %dma_start3A_489] : memref<75x80xi32, #tpu.memory_space<vmem>> -> memref<1x80xi32, #tpu.memory_space<vmem>>
        %dma_start3A_491 = tpu.memref_squeeze %dma_start3A_490 : memref<1x80xi32, #tpu.memory_space<vmem>> -> memref<80xi32, #tpu.memory_space<vmem>>
        %dma_start3A_492 = arith.constant 0 : i32
        %dma_start3A_493 = arith.constant 0 : i32
        %dma_start3A_494 = tpu.memref_slice %arg3[%dma_start3A_492, %dma_start3A_493] : memref<10000x128xf32, #tpu.memory_space<hbm>> -> memref<10000x128xf32, #tpu.memory_space<hbm>>
        tpu.enqueue_indirect_dma source(%dma_start3A_494 : memref<10000x128xf32, #tpu.memory_space<hbm>>) target(%dma_start3A_488 : memref<80x128xf32, #tpu.memory_space<vmem>>) offsets(%dma_start3A_491 : memref<80xi32, #tpu.memory_space<vmem>>) semaphore(%arg11 : memref<!tpu.dma_semaphore, #tpu.memory_space<semaphore_mem>>)
      } else {
      }
      %add3A_358 = arith.constant 1 : i32
      %add3A_359 = arith.addi %add3A_218, %add3A_358 : i32
      %mul3A_360 = arith.constant 5 : i32
      %mul3A_361 = arith.muli %add3A_359, %mul3A_360 : i32
      %add3A_362 = arith.constant 0 : i32
      %add3A_363 = arith.addi %mul3A_361, %add3A_362 : i32
      %dma_wait3A_364 = arith.constant 0 : i32
      %dma_wait3A_365 = arith.constant 0 : i32
      %dma_wait3A_366 = tpu.memref_slice %arg10[%dma_wait3A_364, %dma_wait3A_365] : memref<400x128xf32, #tpu.memory_space<vmem>> -> memref<80x128xf32, #tpu.memory_space<vmem>>
      %dma_wait3A_367 = arith.constant 0 : i32
      %dma_wait3A_368 = tpu.memref_slice %arg8[%add3A_363, %dma_wait3A_367] : memref<75x80xi32, #tpu.memory_space<vmem>> -> memref<1x80xi32, #tpu.memory_space<vmem>>
      %dma_wait3A_369 = tpu.memref_squeeze %dma_wait3A_368 : memref<1x80xi32, #tpu.memory_space<vmem>> -> memref<80xi32, #tpu.memory_space<vmem>>
      %dma_wait3A_370 = arith.constant 0 : i32
      %dma_wait3A_371 = arith.constant 0 : i32
      %dma_wait3A_372 = tpu.memref_slice %arg3[%dma_wait3A_370, %dma_wait3A_371] : memref<10000x128xf32, #tpu.memory_space<hbm>> -> memref<10000x128xf32, #tpu.memory_space<hbm>>
      tpu.wait_indirect_dma semaphore(%arg12 : memref<!tpu.dma_semaphore, #tpu.memory_space<semaphore_mem>>) src(%dma_wait3A_372 : memref<10000x128xf32, #tpu.memory_space<hbm>>) dst(%dma_wait3A_366 : memref<80x128xf32, #tpu.memory_space<vmem>>)
      %mul3A_373 = arith.constant 5 : i32
      %mul3A_374 = arith.muli %add3A_359, %mul3A_373 : i32
      %add3A_375 = arith.constant 1 : i32
      %add3A_376 = arith.addi %mul3A_374, %add3A_375 : i32
      %dma_wait3A_377 = arith.constant 80 : i32
      %dma_wait3A_378 = arith.constant 0 : i32
      %dma_wait3A_379 = tpu.memref_slice %arg10[%dma_wait3A_377, %dma_wait3A_378] : memref<400x128xf32, #tpu.memory_space<vmem>> -> memref<80x128xf32, #tpu.memory_space<vmem>>
      %dma_wait3A_380 = arith.constant 0 : i32
      %dma_wait3A_381 = tpu.memref_slice %arg8[%add3A_376, %dma_wait3A_380] : memref<75x80xi32, #tpu.memory_space<vmem>> -> memref<1x80xi32, #tpu.memory_space<vmem>>
      %dma_wait3A_382 = tpu.memref_squeeze %dma_wait3A_381 : memref<1x80xi32, #tpu.memory_space<vmem>> -> memref<80xi32, #tpu.memory_space<vmem>>
      %dma_wait3A_383 = arith.constant 0 : i32
      %dma_wait3A_384 = arith.constant 0 : i32
      %dma_wait3A_385 = tpu.memref_slice %arg3[%dma_wait3A_383, %dma_wait3A_384] : memref<10000x128xf32, #tpu.memory_space<hbm>> -> memref<10000x128xf32, #tpu.memory_space<hbm>>
      tpu.wait_indirect_dma semaphore(%arg12 : memref<!tpu.dma_semaphore, #tpu.memory_space<semaphore_mem>>) src(%dma_wait3A_385 : memref<10000x128xf32, #tpu.memory_space<hbm>>) dst(%dma_wait3A_379 : memref<80x128xf32, #tpu.memory_space<vmem>>)
      %mul3A_386 = arith.constant 5 : i32
      %mul3A_387 = arith.muli %add3A_359, %mul3A_386 : i32
      %add3A_388 = arith.constant 2 : i32
      %add3A_389 = arith.addi %mul3A_387, %add3A_388 : i32
      %dma_wait3A_390 = arith.constant 160 : i32
      %dma_wait3A_391 = arith.constant 0 : i32
      %dma_wait3A_392 = tpu.memref_slice %arg10[%dma_wait3A_390, %dma_wait3A_391] : memref<400x128xf32, #tpu.memory_space<vmem>> -> memref<80x128xf32, #tpu.memory_space<vmem>>
      %dma_wait3A_393 = arith.constant 0 : i32
      %dma_wait3A_394 = tpu.memref_slice %arg8[%add3A_389, %dma_wait3A_393] : memref<75x80xi32, #tpu.memory_space<vmem>> -> memref<1x80xi32, #tpu.memory_space<vmem>>
      %dma_wait3A_395 = tpu.memref_squeeze %dma_wait3A_394 : memref<1x80xi32, #tpu.memory_space<vmem>> -> memref<80xi32, #tpu.memory_space<vmem>>
      %dma_wait3A_396 = arith.constant 0 : i32
      %dma_wait3A_397 = arith.constant 0 : i32
      %dma_wait3A_398 = tpu.memref_slice %arg3[%dma_wait3A_396, %dma_wait3A_397] : memref<10000x128xf32, #tpu.memory_space<hbm>> -> memref<10000x128xf32, #tpu.memory_space<hbm>>
      tpu.wait_indirect_dma semaphore(%arg12 : memref<!tpu.dma_semaphore, #tpu.memory_space<semaphore_mem>>) src(%dma_wait3A_398 : memref<10000x128xf32, #tpu.memory_space<hbm>>) dst(%dma_wait3A_392 : memref<80x128xf32, #tpu.memory_space<vmem>>)
      %mul3A_399 = arith.constant 5 : i32
      %mul3A_400 = arith.muli %add3A_359, %mul3A_399 : i32
      %add3A_401 = arith.constant 3 : i32
      %add3A_402 = arith.addi %mul3A_400, %add3A_401 : i32
      %dma_wait3A_403 = arith.constant 240 : i32
      %dma_wait3A_404 = arith.constant 0 : i32
      %dma_wait3A_405 = tpu.memref_slice %arg10[%dma_wait3A_403, %dma_wait3A_404] : memref<400x128xf32, #tpu.memory_space<vmem>> -> memref<80x128xf32, #tpu.memory_space<vmem>>
      %dma_wait3A_406 = arith.constant 0 : i32
      %dma_wait3A_407 = tpu.memref_slice %arg8[%add3A_402, %dma_wait3A_406] : memref<75x80xi32, #tpu.memory_space<vmem>> -> memref<1x80xi32, #tpu.memory_space<vmem>>
      %dma_wait3A_408 = tpu.memref_squeeze %dma_wait3A_407 : memref<1x80xi32, #tpu.memory_space<vmem>> -> memref<80xi32, #tpu.memory_space<vmem>>
      %dma_wait3A_409 = arith.constant 0 : i32
      %dma_wait3A_410 = arith.constant 0 : i32
      %dma_wait3A_411 = tpu.memref_slice %arg3[%dma_wait3A_409, %dma_wait3A_410] : memref<10000x128xf32, #tpu.memory_space<hbm>> -> memref<10000x128xf32, #tpu.memory_space<hbm>>
      tpu.wait_indirect_dma semaphore(%arg12 : memref<!tpu.dma_semaphore, #tpu.memory_space<semaphore_mem>>) src(%dma_wait3A_411 : memref<10000x128xf32, #tpu.memory_space<hbm>>) dst(%dma_wait3A_405 : memref<80x128xf32, #tpu.memory_space<vmem>>)
      %mul3A_412 = arith.constant 5 : i32
      %mul3A_413 = arith.muli %add3A_359, %mul3A_412 : i32
      %add3A_414 = arith.constant 4 : i32
      %add3A_415 = arith.addi %mul3A_413, %add3A_414 : i32
      %dma_wait3A_416 = arith.constant 320 : i32
      %dma_wait3A_417 = arith.constant 0 : i32
      %dma_wait3A_418 = tpu.memref_slice %arg10[%dma_wait3A_416, %dma_wait3A_417] : memref<400x128xf32, #tpu.memory_space<vmem>> -> memref<80x128xf32, #tpu.memory_space<vmem>>
      %dma_wait3A_419 = arith.constant 0 : i32
      %dma_wait3A_420 = tpu.memref_slice %arg8[%add3A_415, %dma_wait3A_419] : memref<75x80xi32, #tpu.memory_space<vmem>> -> memref<1x80xi32, #tpu.memory_space<vmem>>
      %dma_wait3A_421 = tpu.memref_squeeze %dma_wait3A_420 : memref<1x80xi32, #tpu.memory_space<vmem>> -> memref<80xi32, #tpu.memory_space<vmem>>
      %dma_wait3A_422 = arith.constant 0 : i32
      %dma_wait3A_423 = arith.constant 0 : i32
      %dma_wait3A_424 = tpu.memref_slice %arg3[%dma_wait3A_422, %dma_wait3A_423] : memref<10000x128xf32, #tpu.memory_space<hbm>> -> memref<10000x128xf32, #tpu.memory_space<hbm>>
      tpu.wait_indirect_dma semaphore(%arg12 : memref<!tpu.dma_semaphore, #tpu.memory_space<semaphore_mem>>) src(%dma_wait3A_424 : memref<10000x128xf32, #tpu.memory_space<hbm>>) dst(%dma_wait3A_418 : memref<80x128xf32, #tpu.memory_space<vmem>>)
      %mul3A_425 = arith.constant 400 : i32
      %mul3A_426 = arith.muli %add3A_359, %mul3A_425 : i32
      %add3A_427 = arith.addi %mul3A_2, %mul3A_426 : i32
      "tpu.region"() ({
        %run_scoped3A = tpu.sem_alloc : memref<!tpu.dma_semaphore, #tpu.memory_space<semaphore_mem>>
        %dma_start3A_428 = arith.constant 0 : i32
        %dma_start3A_429 = tpu.memref_slice %arg7[%add3A_427, %dma_start3A_428] : memref<192000x128xf32, #tpu.memory_space<hbm>> -> memref<400x128xf32, #tpu.memory_space<hbm>>
        %dma_start3A_430 = arith.constant 0 : i32
        %dma_start3A_431 = tpu.memref_slice %arg7[%add3A_427, %dma_start3A_430] : memref<192000x128xf32, #tpu.memory_space<hbm>> -> memref<400x128xf32, #tpu.memory_space<hbm>>
        tpu.enqueue_dma source(%arg10 : memref<400x128xf32, #tpu.memory_space<vmem>>) target(%dma_start3A_431 : memref<400x128xf32, #tpu.memory_space<hbm>>) target_semaphore(%run_scoped3A : memref<!tpu.dma_semaphore, #tpu.memory_space<semaphore_mem>>)
        %dma_wait3A_432 = arith.constant 0 : i32
        %dma_wait3A_433 = tpu.memref_slice %arg7[%add3A_427, %dma_wait3A_432] : memref<192000x128xf32, #tpu.memory_space<hbm>> -> memref<400x128xf32, #tpu.memory_space<hbm>>
        %dma_wait3A_434 = arith.constant 0 : i32
        %dma_wait3A_435 = tpu.memref_slice %arg7[%add3A_427, %dma_wait3A_434] : memref<192000x128xf32, #tpu.memory_space<hbm>> -> memref<400x128xf32, #tpu.memory_space<hbm>>
        tpu.wait_dma2 semaphore(%run_scoped3A : memref<!tpu.dma_semaphore, #tpu.memory_space<semaphore_mem>>) src(%arg10 : memref<400x128xf32, #tpu.memory_space<vmem>>) dst(%dma_wait3A_435 : memref<400x128xf32, #tpu.memory_space<hbm>>)
        tpu.yield
      }) : () -> ()
    }
    %scan3A_161 = arith.constant 7 : i32
    %dma_wait3A_162 = arith.constant 70 : i32
    %dma_wait3A_163 = arith.constant 0 : i32
    %dma_wait3A_164 = arith.constant 0 : i32
    %dma_wait3A_165 = tpu.memref_slice %arg9[%dma_wait3A_163, %dma_wait3A_164] : memref<400x128xf32, #tpu.memory_space<vmem>> -> memref<80x128xf32, #tpu.memory_space<vmem>>
    %dma_wait3A_166 = arith.constant 0 : i32
    %dma_wait3A_167 = tpu.memref_slice %arg8[%dma_wait3A_162, %dma_wait3A_166] : memref<75x80xi32, #tpu.memory_space<vmem>> -> memref<1x80xi32, #tpu.memory_space<vmem>>
    %dma_wait3A_168 = tpu.memref_squeeze %dma_wait3A_167 : memref<1x80xi32, #tpu.memory_space<vmem>> -> memref<80xi32, #tpu.memory_space<vmem>>
    %dma_wait3A_169 = arith.constant 0 : i32
    %dma_wait3A_170 = arith.constant 0 : i32
    %dma_wait3A_171 = tpu.memref_slice %arg3[%dma_wait3A_169, %dma_wait3A_170] : memref<10000x128xf32, #tpu.memory_space<hbm>> -> memref<10000x128xf32, #tpu.memory_space<hbm>>
    tpu.wait_indirect_dma semaphore(%arg11 : memref<!tpu.dma_semaphore, #tpu.memory_space<semaphore_mem>>) src(%dma_wait3A_171 : memref<10000x128xf32, #tpu.memory_space<hbm>>) dst(%dma_wait3A_165 : memref<80x128xf32, #tpu.memory_space<vmem>>)
    %dma_wait3A_172 = arith.constant 71 : i32
    %dma_wait3A_173 = arith.constant 80 : i32
    %dma_wait3A_174 = arith.constant 0 : i32
    %dma_wait3A_175 = tpu.memref_slice %arg9[%dma_wait3A_173, %dma_wait3A_174] : memref<400x128xf32, #tpu.memory_space<vmem>> -> memref<80x128xf32, #tpu.memory_space<vmem>>
    %dma_wait3A_176 = arith.constant 0 : i32
    %dma_wait3A_177 = tpu.memref_slice %arg8[%dma_wait3A_172, %dma_wait3A_176] : memref<75x80xi32, #tpu.memory_space<vmem>> -> memref<1x80xi32, #tpu.memory_space<vmem>>
    %dma_wait3A_178 = tpu.memref_squeeze %dma_wait3A_177 : memref<1x80xi32, #tpu.memory_space<vmem>> -> memref<80xi32, #tpu.memory_space<vmem>>
    %dma_wait3A_179 = arith.constant 0 : i32
    %dma_wait3A_180 = arith.constant 0 : i32
    %dma_wait3A_181 = tpu.memref_slice %arg3[%dma_wait3A_179, %dma_wait3A_180] : memref<10000x128xf32, #tpu.memory_space<hbm>> -> memref<10000x128xf32, #tpu.memory_space<hbm>>
    tpu.wait_indirect_dma semaphore(%arg11 : memref<!tpu.dma_semaphore, #tpu.memory_space<semaphore_mem>>) src(%dma_wait3A_181 : memref<10000x128xf32, #tpu.memory_space<hbm>>) dst(%dma_wait3A_175 : memref<80x128xf32, #tpu.memory_space<vmem>>)
    %dma_wait3A_182 = arith.constant 72 : i32
    %dma_wait3A_183 = arith.constant 160 : i32
    %dma_wait3A_184 = arith.constant 0 : i32
    %dma_wait3A_185 = tpu.memref_slice %arg9[%dma_wait3A_183, %dma_wait3A_184] : memref<400x128xf32, #tpu.memory_space<vmem>> -> memref<80x128xf32, #tpu.memory_space<vmem>>
    %dma_wait3A_186 = arith.constant 0 : i32
    %dma_wait3A_187 = tpu.memref_slice %arg8[%dma_wait3A_182, %dma_wait3A_186] : memref<75x80xi32, #tpu.memory_space<vmem>> -> memref<1x80xi32, #tpu.memory_space<vmem>>
    %dma_wait3A_188 = tpu.memref_squeeze %dma_wait3A_187 : memref<1x80xi32, #tpu.memory_space<vmem>> -> memref<80xi32, #tpu.memory_space<vmem>>
    %dma_wait3A_189 = arith.constant 0 : i32
    %dma_wait3A_190 = arith.constant 0 : i32
    %dma_wait3A_191 = tpu.memref_slice %arg3[%dma_wait3A_189, %dma_wait3A_190] : memref<10000x128xf32, #tpu.memory_space<hbm>> -> memref<10000x128xf32, #tpu.memory_space<hbm>>
    tpu.wait_indirect_dma semaphore(%arg11 : memref<!tpu.dma_semaphore, #tpu.memory_space<semaphore_mem>>) src(%dma_wait3A_191 : memref<10000x128xf32, #tpu.memory_space<hbm>>) dst(%dma_wait3A_185 : memref<80x128xf32, #tpu.memory_space<vmem>>)
    %dma_wait3A_192 = arith.constant 73 : i32
    %dma_wait3A_193 = arith.constant 240 : i32
    %dma_wait3A_194 = arith.constant 0 : i32
    %dma_wait3A_195 = tpu.memref_slice %arg9[%dma_wait3A_193, %dma_wait3A_194] : memref<400x128xf32, #tpu.memory_space<vmem>> -> memref<80x128xf32, #tpu.memory_space<vmem>>
    %dma_wait3A_196 = arith.constant 0 : i32
    %dma_wait3A_197 = tpu.memref_slice %arg8[%dma_wait3A_192, %dma_wait3A_196] : memref<75x80xi32, #tpu.memory_space<vmem>> -> memref<1x80xi32, #tpu.memory_space<vmem>>
    %dma_wait3A_198 = tpu.memref_squeeze %dma_wait3A_197 : memref<1x80xi32, #tpu.memory_space<vmem>> -> memref<80xi32, #tpu.memory_space<vmem>>
    %dma_wait3A_199 = arith.constant 0 : i32
    %dma_wait3A_200 = arith.constant 0 : i32
    %dma_wait3A_201 = tpu.memref_slice %arg3[%dma_wait3A_199, %dma_wait3A_200] : memref<10000x128xf32, #tpu.memory_space<hbm>> -> memref<10000x128xf32, #tpu.memory_space<hbm>>
    tpu.wait_indirect_dma semaphore(%arg11 : memref<!tpu.dma_semaphore, #tpu.memory_space<semaphore_mem>>) src(%dma_wait3A_201 : memref<10000x128xf32, #tpu.memory_space<hbm>>) dst(%dma_wait3A_195 : memref<80x128xf32, #tpu.memory_space<vmem>>)
    %dma_wait3A_202 = arith.constant 74 : i32
    %dma_wait3A_203 = arith.constant 320 : i32
    %dma_wait3A_204 = arith.constant 0 : i32
    %dma_wait3A_205 = tpu.memref_slice %arg9[%dma_wait3A_203, %dma_wait3A_204] : memref<400x128xf32, #tpu.memory_space<vmem>> -> memref<80x128xf32, #tpu.memory_space<vmem>>
    %dma_wait3A_206 = arith.constant 0 : i32
    %dma_wait3A_207 = tpu.memref_slice %arg8[%dma_wait3A_202, %dma_wait3A_206] : memref<75x80xi32, #tpu.memory_space<vmem>> -> memref<1x80xi32, #tpu.memory_space<vmem>>
    %dma_wait3A_208 = tpu.memref_squeeze %dma_wait3A_207 : memref<1x80xi32, #tpu.memory_space<vmem>> -> memref<80xi32, #tpu.memory_space<vmem>>
    %dma_wait3A_209 = arith.constant 0 : i32
    %dma_wait3A_210 = arith.constant 0 : i32
    %dma_wait3A_211 = tpu.memref_slice %arg3[%dma_wait3A_209, %dma_wait3A_210] : memref<10000x128xf32, #tpu.memory_space<hbm>> -> memref<10000x128xf32, #tpu.memory_space<hbm>>
    tpu.wait_indirect_dma semaphore(%arg11 : memref<!tpu.dma_semaphore, #tpu.memory_space<semaphore_mem>>) src(%dma_wait3A_211 : memref<10000x128xf32, #tpu.memory_space<hbm>>) dst(%dma_wait3A_205 : memref<80x128xf32, #tpu.memory_space<vmem>>)
    %add3A_212 = arith.constant 5600 : i32
    %add3A_213 = arith.addi %mul3A_2, %add3A_212 : i32
    "tpu.region"() ({
      %run_scoped3A = tpu.sem_alloc : memref<!tpu.dma_semaphore, #tpu.memory_space<semaphore_mem>>
      %dma_start3A_214 = arith.constant 0 : i32
      %dma_start3A_215 = tpu.memref_slice %arg7[%add3A_213, %dma_start3A_214] : memref<192000x128xf32, #tpu.memory_space<hbm>> -> memref<400x128xf32, #tpu.memory_space<hbm>>
      %dma_start3A_216 = arith.constant 0 : i32
      %dma_start3A_217 = tpu.memref_slice %arg7[%add3A_213, %dma_start3A_216] : memref<192000x128xf32, #tpu.memory_space<hbm>> -> memref<400x128xf32, #tpu.memory_space<hbm>>
      tpu.enqueue_dma source(%arg9 : memref<400x128xf32, #tpu.memory_space<vmem>>) target(%dma_start3A_217 : memref<400x128xf32, #tpu.memory_space<hbm>>) target_semaphore(%run_scoped3A : memref<!tpu.dma_semaphore, #tpu.memory_space<semaphore_mem>>)
      %dma_wait3A_218 = arith.constant 0 : i32
      %dma_wait3A_219 = tpu.memref_slice %arg7[%add3A_213, %dma_wait3A_218] : memref<192000x128xf32, #tpu.memory_space<hbm>> -> memref<400x128xf32, #tpu.memory_space<hbm>>
      %dma_wait3A_220 = arith.constant 0 : i32
      %dma_wait3A_221 = tpu.memref_slice %arg7[%add3A_213, %dma_wait3A_220] : memref<192000x128xf32, #tpu.memory_space<hbm>> -> memref<400x128xf32, #tpu.memory_space<hbm>>
      tpu.wait_dma2 semaphore(%run_scoped3A : memref<!tpu.dma_semaphore, #tpu.memory_space<semaphore_mem>>) src(%arg9 : memref<400x128xf32, #tpu.memory_space<vmem>>) dst(%dma_wait3A_221 : memref<400x128xf32, #tpu.memory_space<hbm>>)
      tpu.yield
    }) : () -> ()
    return
  }
}

#map = affine_map<(d0, d1) -> (0, 0)>
#map1 = affine_map<(d0, d1) -> (0, 0, 0)>
module attributes {stable_mosaic.version = 14 : i64} {
  func.func @scatter(%arg0: i32, %arg1: i32, %arg2: memref<192000x128xf32, #tpu.memory_space<hbm>>, %arg3: memref<192000x128xf32, #tpu.memory_space<hbm>>, %arg4: memref<32x75x80xi32, #tpu.memory_space<hbm>>, %arg5: memref<200x128xf32, #tpu.memory_space<hbm>>, %arg6: memref<20000x128xf32, #tpu.memory_space<hbm>>, %arg7: memref<20000x128xf32, #tpu.memory_space<hbm>>, %arg8: memref<10000x128xf32, #tpu.memory_space<vmem_shared>>, %arg9: memref<75x80xi32, #tpu.memory_space<vmem>>, %arg10: memref<80x128xf32, #tpu.memory_space<vmem>>, %arg11: memref<80x128xf32, #tpu.memory_space<vmem>>, %arg12: memref<!tpu.dma_semaphore, #tpu.memory_space<semaphore_mem>>, %arg13: memref<!tpu.dma_semaphore, #tpu.memory_space<semaphore_mem>>) attributes {dimension_semantics = [#tpu.dimension_semantics<core_parallel>, #tpu.dimension_semantics<subcore_parallel>], iteration_bounds = array<i64: 2, 16>, scalar_prefetch = 0 : i64, scratch_operands = 6 : i64, tpu.core_type = #tpu.core_type<sc_vector_subcore>, window_params = [{transform_indices = #map}, {transform_indices = #map}, {transform_indices = #map1}, {transform_indices = #map}, {transform_indices = #map}, {transform_indices = #map}]} {
    %mul3A = arith.constant 2 : i32
    %mul3A_0 = arith.muli %arg1, %mul3A : i32
    %add3A = arith.addi %mul3A_0, %arg0 : i32
    %mul3A_1 = arith.constant 6000 : i32
    %mul3A_2 = arith.muli %add3A, %mul3A_1 : i32
    %scan3A = arith.constant 0 : i32
    %scan3A_3 = arith.constant 4 : i32
    %scan3A_4 = arith.addi %scan3A, %scan3A_3 : i32
    %scan3A_5 = arith.constant 1 : i32
    scf.for %scan3A_58 = %scan3A to %scan3A_4 step %scan3A_5  : i32 {
      %mul3A_59 = arith.constant 1 : i32
      %mul3A_60 = arith.muli %scan3A_58, %mul3A_59 : i32
      %add3A_61 = arith.constant 0 : i32
      %add3A_62 = arith.addi %add3A_61, %mul3A_60 : i32
      %mul3A_63 = arith.constant 16 : i32
      %mul3A_64 = arith.muli %add3A_62, %mul3A_63 : i32
      %add3A_65 = arith.addi %arg1, %mul3A_64 : i32
      %lt3A = arith.constant 50 : i32
      %lt3A_66 = arith.cmpi slt, %add3A_65, %lt3A : i32
      %convert_element_type3A = arith.extui %lt3A_66 : i1 to i32
      %cond3A = arith.constant 0 : i32
      %cond3A_67 = arith.cmpi ne, %convert_element_type3A, %cond3A : i32
      scf.if %cond3A_67 {
        %mul3A_68 = arith.constant 200 : i32
        %mul3A_69 = arith.muli %add3A_65, %mul3A_68 : i32
        "tpu.region"() ({
          %run_scoped3A_70 = tpu.sem_alloc : memref<!tpu.dma_semaphore, #tpu.memory_space<semaphore_mem>>
          %dma_start3A_71 = arith.constant 0 : i32
          %dma_start3A_72 = tpu.memref_slice %arg8[%mul3A_69, %dma_start3A_71] : memref<10000x128xf32, #tpu.memory_space<vmem_shared>> -> memref<200x128xf32, #tpu.memory_space<vmem_shared>>
          tpu.enqueue_dma source(%arg5 : memref<200x128xf32, #tpu.memory_space<hbm>>) target(%dma_start3A_72 : memref<200x128xf32, #tpu.memory_space<vmem_shared>>) target_semaphore(%run_scoped3A_70 : memref<!tpu.dma_semaphore, #tpu.memory_space<semaphore_mem>>)
          %dma_wait3A_73 = arith.constant 0 : i32
          %dma_wait3A_74 = tpu.memref_slice %arg8[%mul3A_69, %dma_wait3A_73] : memref<10000x128xf32, #tpu.memory_space<vmem_shared>> -> memref<200x128xf32, #tpu.memory_space<vmem_shared>>
          tpu.wait_dma2 semaphore(%run_scoped3A_70 : memref<!tpu.dma_semaphore, #tpu.memory_space<semaphore_mem>>) src(%arg5 : memref<200x128xf32, #tpu.memory_space<hbm>>) dst(%dma_wait3A_74 : memref<200x128xf32, #tpu.memory_space<vmem_shared>>)
          tpu.yield
        }) : () -> ()
      } else {
      }
    }
    %scan3A_6 = arith.constant 4 : i32
    %barrier3A = arith.constant 0 : index
    tpu.barrier barrier_id(%barrier3A)
    "tpu.region"() ({
      %run_scoped3A_58 = tpu.sem_alloc : memref<!tpu.dma_semaphore, #tpu.memory_space<semaphore_mem>>
      %dma_start3A_59 = arith.constant 0 : i32
      %dma_start3A_60 = arith.constant 0 : i32
      %dma_start3A_61 = tpu.memref_slice %arg4[%add3A, %dma_start3A_59, %dma_start3A_60] : memref<32x75x80xi32, #tpu.memory_space<hbm>> -> memref<1x75x80xi32, #tpu.memory_space<hbm>>
      %dma_start3A_62 = tpu.memref_squeeze %dma_start3A_61 : memref<1x75x80xi32, #tpu.memory_space<hbm>> -> memref<75x80xi32, #tpu.memory_space<hbm>>
      %dma_start3A_63 = arith.constant 0 : i32
      %dma_start3A_64 = arith.constant 0 : i32
      %dma_start3A_65 = tpu.memref_slice %arg4[%add3A, %dma_start3A_63, %dma_start3A_64] : memref<32x75x80xi32, #tpu.memory_space<hbm>> -> memref<1x75x80xi32, #tpu.memory_space<hbm>>
      %dma_start3A_66 = tpu.memref_squeeze %dma_start3A_65 : memref<1x75x80xi32, #tpu.memory_space<hbm>> -> memref<75x80xi32, #tpu.memory_space<hbm>>
      tpu.enqueue_dma source(%dma_start3A_66 : memref<75x80xi32, #tpu.memory_space<hbm>>) target(%arg9 : memref<75x80xi32, #tpu.memory_space<vmem>>) target_semaphore(%run_scoped3A_58 : memref<!tpu.dma_semaphore, #tpu.memory_space<semaphore_mem>>)
      %dma_wait3A_67 = arith.constant 0 : i32
      %dma_wait3A_68 = arith.constant 0 : i32
      %dma_wait3A_69 = tpu.memref_slice %arg4[%add3A, %dma_wait3A_67, %dma_wait3A_68] : memref<32x75x80xi32, #tpu.memory_space<hbm>> -> memref<1x75x80xi32, #tpu.memory_space<hbm>>
      %dma_wait3A_70 = tpu.memref_squeeze %dma_wait3A_69 : memref<1x75x80xi32, #tpu.memory_space<hbm>> -> memref<75x80xi32, #tpu.memory_space<hbm>>
      %dma_wait3A_71 = arith.constant 0 : i32
      %dma_wait3A_72 = arith.constant 0 : i32
      %dma_wait3A_73 = tpu.memref_slice %arg4[%add3A, %dma_wait3A_71, %dma_wait3A_72] : memref<32x75x80xi32, #tpu.memory_space<hbm>> -> memref<1x75x80xi32, #tpu.memory_space<hbm>>
      %dma_wait3A_74 = tpu.memref_squeeze %dma_wait3A_73 : memref<1x75x80xi32, #tpu.memory_space<hbm>> -> memref<75x80xi32, #tpu.memory_space<hbm>>
      tpu.wait_dma2 semaphore(%run_scoped3A_58 : memref<!tpu.dma_semaphore, #tpu.memory_space<semaphore_mem>>) src(%dma_wait3A_74 : memref<75x80xi32, #tpu.memory_space<hbm>>) dst(%arg9 : memref<75x80xi32, #tpu.memory_space<vmem>>)
      tpu.yield
    }) : () -> ()
    %add3A_7 = arith.constant 0 : i32
    %add3A_8 = arith.addi %mul3A_2, %add3A_7 : i32
    %dma_start3A = arith.constant 0 : i32
    %dma_start3A_9 = tpu.memref_slice %arg2[%add3A_8, %dma_start3A] : memref<192000x128xf32, #tpu.memory_space<hbm>> -> memref<80x128xf32, #tpu.memory_space<hbm>>
    %dma_start3A_10 = arith.constant 0 : i32
    %dma_start3A_11 = tpu.memref_slice %arg2[%add3A_8, %dma_start3A_10] : memref<192000x128xf32, #tpu.memory_space<hbm>> -> memref<80x128xf32, #tpu.memory_space<hbm>>
    tpu.enqueue_dma source(%dma_start3A_11 : memref<80x128xf32, #tpu.memory_space<hbm>>) target(%arg10 : memref<80x128xf32, #tpu.memory_space<vmem>>) target_semaphore(%arg12 : memref<!tpu.dma_semaphore, #tpu.memory_space<semaphore_mem>>)
    %scan3A_12 = arith.constant 0 : i32
    %scan3A_13 = arith.constant 37 : i32
    %scan3A_14 = arith.addi %scan3A_12, %scan3A_13 : i32
    %scan3A_15 = arith.constant 1 : i32
    scf.for %scan3A_58 = %scan3A_12 to %scan3A_14 step %scan3A_15  : i32 {
      %mul3A_59 = arith.constant 2 : i32
      %mul3A_60 = arith.muli %scan3A_58, %mul3A_59 : i32
      %add3A_61 = arith.constant 0 : i32
      %add3A_62 = arith.addi %add3A_61, %mul3A_60 : i32
      %add3A_63 = arith.constant 1 : i32
      %add3A_64 = arith.addi %add3A_62, %add3A_63 : i32
      %mul3A_65 = arith.constant 80 : i32
      %mul3A_66 = arith.muli %add3A_64, %mul3A_65 : i32
      %add3A_67 = arith.addi %mul3A_2, %mul3A_66 : i32
      %dma_start3A_68 = arith.constant 0 : i32
      %dma_start3A_69 = tpu.memref_slice %arg2[%add3A_67, %dma_start3A_68] : memref<192000x128xf32, #tpu.memory_space<hbm>> -> memref<80x128xf32, #tpu.memory_space<hbm>>
      %dma_start3A_70 = arith.constant 0 : i32
      %dma_start3A_71 = tpu.memref_slice %arg2[%add3A_67, %dma_start3A_70] : memref<192000x128xf32, #tpu.memory_space<hbm>> -> memref<80x128xf32, #tpu.memory_space<hbm>>
      tpu.enqueue_dma source(%dma_start3A_71 : memref<80x128xf32, #tpu.memory_space<hbm>>) target(%arg11 : memref<80x128xf32, #tpu.memory_space<vmem>>) target_semaphore(%arg13 : memref<!tpu.dma_semaphore, #tpu.memory_space<semaphore_mem>>)
      %mul3A_72 = arith.constant 80 : i32
      %mul3A_73 = arith.muli %add3A_62, %mul3A_72 : i32
      %add3A_74 = arith.addi %mul3A_2, %mul3A_73 : i32
      %dma_wait3A_75 = arith.constant 0 : i32
      %dma_wait3A_76 = tpu.memref_slice %arg2[%add3A_74, %dma_wait3A_75] : memref<192000x128xf32, #tpu.memory_space<hbm>> -> memref<80x128xf32, #tpu.memory_space<hbm>>
      %dma_wait3A_77 = arith.constant 0 : i32
      %dma_wait3A_78 = tpu.memref_slice %arg2[%add3A_74, %dma_wait3A_77] : memref<192000x128xf32, #tpu.memory_space<hbm>> -> memref<80x128xf32, #tpu.memory_space<hbm>>
      tpu.wait_dma2 semaphore(%arg12 : memref<!tpu.dma_semaphore, #tpu.memory_space<semaphore_mem>>) src(%dma_wait3A_78 : memref<80x128xf32, #tpu.memory_space<hbm>>) dst(%arg10 : memref<80x128xf32, #tpu.memory_space<vmem>>)
      "tpu.region"() ({
        %run_scoped3A_92 = tpu.sem_alloc : memref<!tpu.dma_semaphore, #tpu.memory_space<semaphore_mem>>
        %dma_start3A_93 = arith.constant 0 : i32
        %dma_start3A_94 = tpu.memref_slice %arg9[%add3A_62, %dma_start3A_93] : memref<75x80xi32, #tpu.memory_space<vmem>> -> memref<1x80xi32, #tpu.memory_space<vmem>>
        %dma_start3A_95 = tpu.memref_squeeze %dma_start3A_94 : memref<1x80xi32, #tpu.memory_space<vmem>> -> memref<80xi32, #tpu.memory_space<vmem>>
        %dma_start3A_96 = arith.constant 0 : i32
        %dma_start3A_97 = arith.constant 0 : i32
        %dma_start3A_98 = tpu.memref_slice %arg8[%dma_start3A_96, %dma_start3A_97] : memref<10000x128xf32, #tpu.memory_space<vmem_shared>> -> memref<10000x128xf32, #tpu.memory_space<vmem_shared>>
        tpu.enqueue_indirect_dma source(%arg10 : memref<80x128xf32, #tpu.memory_space<vmem>>) target(%dma_start3A_98 : memref<10000x128xf32, #tpu.memory_space<vmem_shared>>) offsets(%dma_start3A_95 : memref<80xi32, #tpu.memory_space<vmem>>) semaphore(%run_scoped3A_92 : memref<!tpu.dma_semaphore, #tpu.memory_space<semaphore_mem>>) {add = true}
        %dma_wait3A_99 = arith.constant 0 : i32
        %dma_wait3A_100 = tpu.memref_slice %arg9[%add3A_62, %dma_wait3A_99] : memref<75x80xi32, #tpu.memory_space<vmem>> -> memref<1x80xi32, #tpu.memory_space<vmem>>
        %dma_wait3A_101 = tpu.memref_squeeze %dma_wait3A_100 : memref<1x80xi32, #tpu.memory_space<vmem>> -> memref<80xi32, #tpu.memory_space<vmem>>
        %dma_wait3A_102 = arith.constant 0 : i32
        %dma_wait3A_103 = arith.constant 0 : i32
        %dma_wait3A_104 = tpu.memref_slice %arg8[%dma_wait3A_102, %dma_wait3A_103] : memref<10000x128xf32, #tpu.memory_space<vmem_shared>> -> memref<10000x128xf32, #tpu.memory_space<vmem_shared>>
        tpu.wait_indirect_dma semaphore(%run_scoped3A_92 : memref<!tpu.dma_semaphore, #tpu.memory_space<semaphore_mem>>) src(%arg10 : memref<80x128xf32, #tpu.memory_space<vmem>>) dst(%dma_wait3A_104 : memref<10000x128xf32, #tpu.memory_space<vmem_shared>>)
        tpu.yield
      }) : () -> ()
      %add3A_79 = arith.constant 2 : i32
      %add3A_80 = arith.addi %add3A_62, %add3A_79 : i32
      %lt3A = arith.constant 75 : i32
      %lt3A_81 = arith.cmpi slt, %add3A_80, %lt3A : i32
      %convert_element_type3A = arith.extui %lt3A_81 : i1 to i32
      %cond3A = arith.constant 0 : i32
      %cond3A_82 = arith.cmpi ne, %convert_element_type3A, %cond3A : i32
      scf.if %cond3A_82 {
        %add3A_92 = arith.constant 2 : i32
        %add3A_93 = arith.addi %add3A_62, %add3A_92 : i32
        %mul3A_94 = arith.constant 80 : i32
        %mul3A_95 = arith.muli %add3A_93, %mul3A_94 : i32
        %add3A_96 = arith.addi %mul3A_2, %mul3A_95 : i32
        %dma_start3A_97 = arith.constant 0 : i32
        %dma_start3A_98 = tpu.memref_slice %arg2[%add3A_96, %dma_start3A_97] : memref<192000x128xf32, #tpu.memory_space<hbm>> -> memref<80x128xf32, #tpu.memory_space<hbm>>
        %dma_start3A_99 = arith.constant 0 : i32
        %dma_start3A_100 = tpu.memref_slice %arg2[%add3A_96, %dma_start3A_99] : memref<192000x128xf32, #tpu.memory_space<hbm>> -> memref<80x128xf32, #tpu.memory_space<hbm>>
        tpu.enqueue_dma source(%dma_start3A_100 : memref<80x128xf32, #tpu.memory_space<hbm>>) target(%arg10 : memref<80x128xf32, #tpu.memory_space<vmem>>) target_semaphore(%arg12 : memref<!tpu.dma_semaphore, #tpu.memory_space<semaphore_mem>>)
      } else {
      }
      %add3A_83 = arith.constant 1 : i32
      %add3A_84 = arith.addi %add3A_62, %add3A_83 : i32
      %mul3A_85 = arith.constant 80 : i32
      %mul3A_86 = arith.muli %add3A_84, %mul3A_85 : i32
      %add3A_87 = arith.addi %mul3A_2, %mul3A_86 : i32
      %dma_wait3A_88 = arith.constant 0 : i32
      %dma_wait3A_89 = tpu.memref_slice %arg2[%add3A_87, %dma_wait3A_88] : memref<192000x128xf32, #tpu.memory_space<hbm>> -> memref<80x128xf32, #tpu.memory_space<hbm>>
      %dma_wait3A_90 = arith.constant 0 : i32
      %dma_wait3A_91 = tpu.memref_slice %arg2[%add3A_87, %dma_wait3A_90] : memref<192000x128xf32, #tpu.memory_space<hbm>> -> memref<80x128xf32, #tpu.memory_space<hbm>>
      tpu.wait_dma2 semaphore(%arg13 : memref<!tpu.dma_semaphore, #tpu.memory_space<semaphore_mem>>) src(%dma_wait3A_91 : memref<80x128xf32, #tpu.memory_space<hbm>>) dst(%arg11 : memref<80x128xf32, #tpu.memory_space<vmem>>)
      "tpu.region"() ({
        %run_scoped3A_92 = tpu.sem_alloc : memref<!tpu.dma_semaphore, #tpu.memory_space<semaphore_mem>>
        %dma_start3A_93 = arith.constant 0 : i32
        %dma_start3A_94 = tpu.memref_slice %arg9[%add3A_84, %dma_start3A_93] : memref<75x80xi32, #tpu.memory_space<vmem>> -> memref<1x80xi32, #tpu.memory_space<vmem>>
        %dma_start3A_95 = tpu.memref_squeeze %dma_start3A_94 : memref<1x80xi32, #tpu.memory_space<vmem>> -> memref<80xi32, #tpu.memory_space<vmem>>
        %dma_start3A_96 = arith.constant 0 : i32
        %dma_start3A_97 = arith.constant 0 : i32
        %dma_start3A_98 = tpu.memref_slice %arg8[%dma_start3A_96, %dma_start3A_97] : memref<10000x128xf32, #tpu.memory_space<vmem_shared>> -> memref<10000x128xf32, #tpu.memory_space<vmem_shared>>
        tpu.enqueue_indirect_dma source(%arg11 : memref<80x128xf32, #tpu.memory_space<vmem>>) target(%dma_start3A_98 : memref<10000x128xf32, #tpu.memory_space<vmem_shared>>) offsets(%dma_start3A_95 : memref<80xi32, #tpu.memory_space<vmem>>) semaphore(%run_scoped3A_92 : memref<!tpu.dma_semaphore, #tpu.memory_space<semaphore_mem>>) {add = true}
        %dma_wait3A_99 = arith.constant 0 : i32
        %dma_wait3A_100 = tpu.memref_slice %arg9[%add3A_84, %dma_wait3A_99] : memref<75x80xi32, #tpu.memory_space<vmem>> -> memref<1x80xi32, #tpu.memory_space<vmem>>
        %dma_wait3A_101 = tpu.memref_squeeze %dma_wait3A_100 : memref<1x80xi32, #tpu.memory_space<vmem>> -> memref<80xi32, #tpu.memory_space<vmem>>
        %dma_wait3A_102 = arith.constant 0 : i32
        %dma_wait3A_103 = arith.constant 0 : i32
        %dma_wait3A_104 = tpu.memref_slice %arg8[%dma_wait3A_102, %dma_wait3A_103] : memref<10000x128xf32, #tpu.memory_space<vmem_shared>> -> memref<10000x128xf32, #tpu.memory_space<vmem_shared>>
        tpu.wait_indirect_dma semaphore(%run_scoped3A_92 : memref<!tpu.dma_semaphore, #tpu.memory_space<semaphore_mem>>) src(%arg11 : memref<80x128xf32, #tpu.memory_space<vmem>>) dst(%dma_wait3A_104 : memref<10000x128xf32, #tpu.memory_space<vmem_shared>>)
        tpu.yield
      }) : () -> ()
    }
    %scan3A_16 = arith.constant 37 : i32
    %add3A_17 = arith.constant 5920 : i32
    %add3A_18 = arith.addi %mul3A_2, %add3A_17 : i32
    %dma_wait3A = arith.constant 0 : i32
    %dma_wait3A_19 = tpu.memref_slice %arg2[%add3A_18, %dma_wait3A] : memref<192000x128xf32, #tpu.memory_space<hbm>> -> memref<80x128xf32, #tpu.memory_space<hbm>>
    %dma_wait3A_20 = arith.constant 0 : i32
    %dma_wait3A_21 = tpu.memref_slice %arg2[%add3A_18, %dma_wait3A_20] : memref<192000x128xf32, #tpu.memory_space<hbm>> -> memref<80x128xf32, #tpu.memory_space<hbm>>
    tpu.wait_dma2 semaphore(%arg12 : memref<!tpu.dma_semaphore, #tpu.memory_space<semaphore_mem>>) src(%dma_wait3A_21 : memref<80x128xf32, #tpu.memory_space<hbm>>) dst(%arg10 : memref<80x128xf32, #tpu.memory_space<vmem>>)
    %run_scoped3A = arith.constant 74 : i32
    "tpu.region"() ({
      %run_scoped3A_58 = tpu.sem_alloc : memref<!tpu.dma_semaphore, #tpu.memory_space<semaphore_mem>>
      %dma_start3A_59 = arith.constant 0 : i32
      %dma_start3A_60 = tpu.memref_slice %arg9[%run_scoped3A, %dma_start3A_59] : memref<75x80xi32, #tpu.memory_space<vmem>> -> memref<1x80xi32, #tpu.memory_space<vmem>>
      %dma_start3A_61 = tpu.memref_squeeze %dma_start3A_60 : memref<1x80xi32, #tpu.memory_space<vmem>> -> memref<80xi32, #tpu.memory_space<vmem>>
      %dma_start3A_62 = arith.constant 0 : i32
      %dma_start3A_63 = arith.constant 0 : i32
      %dma_start3A_64 = tpu.memref_slice %arg8[%dma_start3A_62, %dma_start3A_63] : memref<10000x128xf32, #tpu.memory_space<vmem_shared>> -> memref<10000x128xf32, #tpu.memory_space<vmem_shared>>
      tpu.enqueue_indirect_dma source(%arg10 : memref<80x128xf32, #tpu.memory_space<vmem>>) target(%dma_start3A_64 : memref<10000x128xf32, #tpu.memory_space<vmem_shared>>) offsets(%dma_start3A_61 : memref<80xi32, #tpu.memory_space<vmem>>) semaphore(%run_scoped3A_58 : memref<!tpu.dma_semaphore, #tpu.memory_space<semaphore_mem>>) {add = true}
      %dma_wait3A_65 = arith.constant 0 : i32
      %dma_wait3A_66 = tpu.memref_slice %arg9[%run_scoped3A, %dma_wait3A_65] : memref<75x80xi32, #tpu.memory_space<vmem>> -> memref<1x80xi32, #tpu.memory_space<vmem>>
      %dma_wait3A_67 = tpu.memref_squeeze %dma_wait3A_66 : memref<1x80xi32, #tpu.memory_space<vmem>> -> memref<80xi32, #tpu.memory_space<vmem>>
      %dma_wait3A_68 = arith.constant 0 : i32
      %dma_wait3A_69 = arith.constant 0 : i32
      %dma_wait3A_70 = tpu.memref_slice %arg8[%dma_wait3A_68, %dma_wait3A_69] : memref<10000x128xf32, #tpu.memory_space<vmem_shared>> -> memref<10000x128xf32, #tpu.memory_space<vmem_shared>>
      tpu.wait_indirect_dma semaphore(%run_scoped3A_58 : memref<!tpu.dma_semaphore, #tpu.memory_space<semaphore_mem>>) src(%arg10 : memref<80x128xf32, #tpu.memory_space<vmem>>) dst(%dma_wait3A_70 : memref<10000x128xf32, #tpu.memory_space<vmem_shared>>)
      tpu.yield
    }) : () -> ()
    %barrier3A_22 = arith.constant 0 : index
    tpu.barrier barrier_id(%barrier3A_22)
    %scan3A_23 = arith.constant 0 : i32
    %scan3A_24 = arith.constant 4 : i32
    %scan3A_25 = arith.addi %scan3A_23, %scan3A_24 : i32
    %scan3A_26 = arith.constant 1 : i32
    scf.for %scan3A_58 = %scan3A_23 to %scan3A_25 step %scan3A_26  : i32 {
      %mul3A_59 = arith.constant 1 : i32
      %mul3A_60 = arith.muli %scan3A_58, %mul3A_59 : i32
      %add3A_61 = arith.constant 0 : i32
      %add3A_62 = arith.addi %add3A_61, %mul3A_60 : i32
      %mul3A_63 = arith.constant 16 : i32
      %mul3A_64 = arith.muli %add3A_62, %mul3A_63 : i32
      %add3A_65 = arith.addi %arg1, %mul3A_64 : i32
      %lt3A = arith.constant 50 : i32
      %lt3A_66 = arith.cmpi slt, %add3A_65, %lt3A : i32
      %convert_element_type3A = arith.extui %lt3A_66 : i1 to i32
      %cond3A = arith.constant 0 : i32
      %cond3A_67 = arith.cmpi ne, %convert_element_type3A, %cond3A : i32
      scf.if %cond3A_67 {
        %mul3A_68 = arith.constant 200 : i32
        %mul3A_69 = arith.muli %add3A_65, %mul3A_68 : i32
        %mul3A_70 = arith.constant 10000 : i32
        %mul3A_71 = arith.muli %arg0, %mul3A_70 : i32
        %mul3A_72 = arith.constant 200 : i32
        %mul3A_73 = arith.muli %add3A_65, %mul3A_72 : i32
        %add3A_74 = arith.addi %mul3A_71, %mul3A_73 : i32
        "tpu.region"() ({
          %run_scoped3A_75 = tpu.sem_alloc : memref<!tpu.dma_semaphore, #tpu.memory_space<semaphore_mem>>
          %dma_start3A_76 = arith.constant 0 : i32
          %dma_start3A_77 = tpu.memref_slice %arg6[%add3A_74, %dma_start3A_76] : memref<20000x128xf32, #tpu.memory_space<hbm>> -> memref<200x128xf32, #tpu.memory_space<hbm>>
          %dma_start3A_78 = arith.constant 0 : i32
          %dma_start3A_79 = tpu.memref_slice %arg8[%mul3A_69, %dma_start3A_78] : memref<10000x128xf32, #tpu.memory_space<vmem_shared>> -> memref<200x128xf32, #tpu.memory_space<vmem_shared>>
          tpu.enqueue_dma source(%dma_start3A_79 : memref<200x128xf32, #tpu.memory_space<vmem_shared>>) target(%dma_start3A_77 : memref<200x128xf32, #tpu.memory_space<hbm>>) target_semaphore(%run_scoped3A_75 : memref<!tpu.dma_semaphore, #tpu.memory_space<semaphore_mem>>)
          %dma_wait3A_80 = arith.constant 0 : i32
          %dma_wait3A_81 = tpu.memref_slice %arg6[%add3A_74, %dma_wait3A_80] : memref<20000x128xf32, #tpu.memory_space<hbm>> -> memref<200x128xf32, #tpu.memory_space<hbm>>
          %dma_wait3A_82 = arith.constant 0 : i32
          %dma_wait3A_83 = tpu.memref_slice %arg8[%mul3A_69, %dma_wait3A_82] : memref<10000x128xf32, #tpu.memory_space<vmem_shared>> -> memref<200x128xf32, #tpu.memory_space<vmem_shared>>
          tpu.wait_dma2 semaphore(%run_scoped3A_75 : memref<!tpu.dma_semaphore, #tpu.memory_space<semaphore_mem>>) src(%dma_wait3A_83 : memref<200x128xf32, #tpu.memory_space<vmem_shared>>) dst(%dma_wait3A_81 : memref<200x128xf32, #tpu.memory_space<hbm>>)
          tpu.yield
        }) : () -> ()
      } else {
      }
    }
    %scan3A_27 = arith.constant 4 : i32
    %scan3A_28 = arith.constant 0 : i32
    %scan3A_29 = arith.constant 4 : i32
    %scan3A_30 = arith.addi %scan3A_28, %scan3A_29 : i32
    %scan3A_31 = arith.constant 1 : i32
    scf.for %scan3A_58 = %scan3A_28 to %scan3A_30 step %scan3A_31  : i32 {
      %mul3A_59 = arith.constant 1 : i32
      %mul3A_60 = arith.muli %scan3A_58, %mul3A_59 : i32
      %add3A_61 = arith.constant 0 : i32
      %add3A_62 = arith.addi %add3A_61, %mul3A_60 : i32
      %mul3A_63 = arith.constant 16 : i32
      %mul3A_64 = arith.muli %add3A_62, %mul3A_63 : i32
      %add3A_65 = arith.addi %arg1, %mul3A_64 : i32
      %lt3A = arith.constant 50 : i32
      %lt3A_66 = arith.cmpi slt, %add3A_65, %lt3A : i32
      %convert_element_type3A = arith.extui %lt3A_66 : i1 to i32
      %cond3A = arith.constant 0 : i32
      %cond3A_67 = arith.cmpi ne, %convert_element_type3A, %cond3A : i32
      scf.if %cond3A_67 {
        %mul3A_68 = arith.constant 200 : i32
        %mul3A_69 = arith.muli %add3A_65, %mul3A_68 : i32
        "tpu.region"() ({
          %run_scoped3A_70 = tpu.sem_alloc : memref<!tpu.dma_semaphore, #tpu.memory_space<semaphore_mem>>
          %dma_start3A_71 = arith.constant 0 : i32
          %dma_start3A_72 = tpu.memref_slice %arg8[%mul3A_69, %dma_start3A_71] : memref<10000x128xf32, #tpu.memory_space<vmem_shared>> -> memref<200x128xf32, #tpu.memory_space<vmem_shared>>
          tpu.enqueue_dma source(%arg5 : memref<200x128xf32, #tpu.memory_space<hbm>>) target(%dma_start3A_72 : memref<200x128xf32, #tpu.memory_space<vmem_shared>>) target_semaphore(%run_scoped3A_70 : memref<!tpu.dma_semaphore, #tpu.memory_space<semaphore_mem>>)
          %dma_wait3A_73 = arith.constant 0 : i32
          %dma_wait3A_74 = tpu.memref_slice %arg8[%mul3A_69, %dma_wait3A_73] : memref<10000x128xf32, #tpu.memory_space<vmem_shared>> -> memref<200x128xf32, #tpu.memory_space<vmem_shared>>
          tpu.wait_dma2 semaphore(%run_scoped3A_70 : memref<!tpu.dma_semaphore, #tpu.memory_space<semaphore_mem>>) src(%arg5 : memref<200x128xf32, #tpu.memory_space<hbm>>) dst(%dma_wait3A_74 : memref<200x128xf32, #tpu.memory_space<vmem_shared>>)
          tpu.yield
        }) : () -> ()
      } else {
      }
    }
    %scan3A_32 = arith.constant 4 : i32
    %barrier3A_33 = arith.constant 0 : index
    tpu.barrier barrier_id(%barrier3A_33)
    %add3A_34 = arith.constant 0 : i32
    %add3A_35 = arith.addi %mul3A_2, %add3A_34 : i32
    %dma_start3A_36 = arith.constant 0 : i32
    %dma_start3A_37 = tpu.memref_slice %arg3[%add3A_35, %dma_start3A_36] : memref<192000x128xf32, #tpu.memory_space<hbm>> -> memref<80x128xf32, #tpu.memory_space<hbm>>
    %dma_start3A_38 = arith.constant 0 : i32
    %dma_start3A_39 = tpu.memref_slice %arg3[%add3A_35, %dma_start3A_38] : memref<192000x128xf32, #tpu.memory_space<hbm>> -> memref<80x128xf32, #tpu.memory_space<hbm>>
    tpu.enqueue_dma source(%dma_start3A_39 : memref<80x128xf32, #tpu.memory_space<hbm>>) target(%arg10 : memref<80x128xf32, #tpu.memory_space<vmem>>) target_semaphore(%arg12 : memref<!tpu.dma_semaphore, #tpu.memory_space<semaphore_mem>>)
    %scan3A_40 = arith.constant 0 : i32
    %scan3A_41 = arith.constant 37 : i32
    %scan3A_42 = arith.addi %scan3A_40, %scan3A_41 : i32
    %scan3A_43 = arith.constant 1 : i32
    scf.for %scan3A_58 = %scan3A_40 to %scan3A_42 step %scan3A_43  : i32 {
      %mul3A_59 = arith.constant 2 : i32
      %mul3A_60 = arith.muli %scan3A_58, %mul3A_59 : i32
      %add3A_61 = arith.constant 0 : i32
      %add3A_62 = arith.addi %add3A_61, %mul3A_60 : i32
      %add3A_63 = arith.constant 1 : i32
      %add3A_64 = arith.addi %add3A_62, %add3A_63 : i32
      %mul3A_65 = arith.constant 80 : i32
      %mul3A_66 = arith.muli %add3A_64, %mul3A_65 : i32
      %add3A_67 = arith.addi %mul3A_2, %mul3A_66 : i32
      %dma_start3A_68 = arith.constant 0 : i32
      %dma_start3A_69 = tpu.memref_slice %arg3[%add3A_67, %dma_start3A_68] : memref<192000x128xf32, #tpu.memory_space<hbm>> -> memref<80x128xf32, #tpu.memory_space<hbm>>
      %dma_start3A_70 = arith.constant 0 : i32
      %dma_start3A_71 = tpu.memref_slice %arg3[%add3A_67, %dma_start3A_70] : memref<192000x128xf32, #tpu.memory_space<hbm>> -> memref<80x128xf32, #tpu.memory_space<hbm>>
      tpu.enqueue_dma source(%dma_start3A_71 : memref<80x128xf32, #tpu.memory_space<hbm>>) target(%arg11 : memref<80x128xf32, #tpu.memory_space<vmem>>) target_semaphore(%arg13 : memref<!tpu.dma_semaphore, #tpu.memory_space<semaphore_mem>>)
      %mul3A_72 = arith.constant 80 : i32
      %mul3A_73 = arith.muli %add3A_62, %mul3A_72 : i32
      %add3A_74 = arith.addi %mul3A_2, %mul3A_73 : i32
      %dma_wait3A_75 = arith.constant 0 : i32
      %dma_wait3A_76 = tpu.memref_slice %arg3[%add3A_74, %dma_wait3A_75] : memref<192000x128xf32, #tpu.memory_space<hbm>> -> memref<80x128xf32, #tpu.memory_space<hbm>>
      %dma_wait3A_77 = arith.constant 0 : i32
      %dma_wait3A_78 = tpu.memref_slice %arg3[%add3A_74, %dma_wait3A_77] : memref<192000x128xf32, #tpu.memory_space<hbm>> -> memref<80x128xf32, #tpu.memory_space<hbm>>
      tpu.wait_dma2 semaphore(%arg12 : memref<!tpu.dma_semaphore, #tpu.memory_space<semaphore_mem>>) src(%dma_wait3A_78 : memref<80x128xf32, #tpu.memory_space<hbm>>) dst(%arg10 : memref<80x128xf32, #tpu.memory_space<vmem>>)
      "tpu.region"() ({
        %run_scoped3A_92 = tpu.sem_alloc : memref<!tpu.dma_semaphore, #tpu.memory_space<semaphore_mem>>
        %dma_start3A_93 = arith.constant 0 : i32
        %dma_start3A_94 = tpu.memref_slice %arg9[%add3A_62, %dma_start3A_93] : memref<75x80xi32, #tpu.memory_space<vmem>> -> memref<1x80xi32, #tpu.memory_space<vmem>>
        %dma_start3A_95 = tpu.memref_squeeze %dma_start3A_94 : memref<1x80xi32, #tpu.memory_space<vmem>> -> memref<80xi32, #tpu.memory_space<vmem>>
        %dma_start3A_96 = arith.constant 0 : i32
        %dma_start3A_97 = arith.constant 0 : i32
        %dma_start3A_98 = tpu.memref_slice %arg8[%dma_start3A_96, %dma_start3A_97] : memref<10000x128xf32, #tpu.memory_space<vmem_shared>> -> memref<10000x128xf32, #tpu.memory_space<vmem_shared>>
        tpu.enqueue_indirect_dma source(%arg10 : memref<80x128xf32, #tpu.memory_space<vmem>>) target(%dma_start3A_98 : memref<10000x128xf32, #tpu.memory_space<vmem_shared>>) offsets(%dma_start3A_95 : memref<80xi32, #tpu.memory_space<vmem>>) semaphore(%run_scoped3A_92 : memref<!tpu.dma_semaphore, #tpu.memory_space<semaphore_mem>>) {add = true}
        %dma_wait3A_99 = arith.constant 0 : i32
        %dma_wait3A_100 = tpu.memref_slice %arg9[%add3A_62, %dma_wait3A_99] : memref<75x80xi32, #tpu.memory_space<vmem>> -> memref<1x80xi32, #tpu.memory_space<vmem>>
        %dma_wait3A_101 = tpu.memref_squeeze %dma_wait3A_100 : memref<1x80xi32, #tpu.memory_space<vmem>> -> memref<80xi32, #tpu.memory_space<vmem>>
        %dma_wait3A_102 = arith.constant 0 : i32
        %dma_wait3A_103 = arith.constant 0 : i32
        %dma_wait3A_104 = tpu.memref_slice %arg8[%dma_wait3A_102, %dma_wait3A_103] : memref<10000x128xf32, #tpu.memory_space<vmem_shared>> -> memref<10000x128xf32, #tpu.memory_space<vmem_shared>>
        tpu.wait_indirect_dma semaphore(%run_scoped3A_92 : memref<!tpu.dma_semaphore, #tpu.memory_space<semaphore_mem>>) src(%arg10 : memref<80x128xf32, #tpu.memory_space<vmem>>) dst(%dma_wait3A_104 : memref<10000x128xf32, #tpu.memory_space<vmem_shared>>)
        tpu.yield
      }) : () -> ()
      %add3A_79 = arith.constant 2 : i32
      %add3A_80 = arith.addi %add3A_62, %add3A_79 : i32
      %lt3A = arith.constant 75 : i32
      %lt3A_81 = arith.cmpi slt, %add3A_80, %lt3A : i32
      %convert_element_type3A = arith.extui %lt3A_81 : i1 to i32
      %cond3A = arith.constant 0 : i32
      %cond3A_82 = arith.cmpi ne, %convert_element_type3A, %cond3A : i32
      scf.if %cond3A_82 {
        %add3A_92 = arith.constant 2 : i32
        %add3A_93 = arith.addi %add3A_62, %add3A_92 : i32
        %mul3A_94 = arith.constant 80 : i32
        %mul3A_95 = arith.muli %add3A_93, %mul3A_94 : i32
        %add3A_96 = arith.addi %mul3A_2, %mul3A_95 : i32
        %dma_start3A_97 = arith.constant 0 : i32
        %dma_start3A_98 = tpu.memref_slice %arg3[%add3A_96, %dma_start3A_97] : memref<192000x128xf32, #tpu.memory_space<hbm>> -> memref<80x128xf32, #tpu.memory_space<hbm>>
        %dma_start3A_99 = arith.constant 0 : i32
        %dma_start3A_100 = tpu.memref_slice %arg3[%add3A_96, %dma_start3A_99] : memref<192000x128xf32, #tpu.memory_space<hbm>> -> memref<80x128xf32, #tpu.memory_space<hbm>>
        tpu.enqueue_dma source(%dma_start3A_100 : memref<80x128xf32, #tpu.memory_space<hbm>>) target(%arg10 : memref<80x128xf32, #tpu.memory_space<vmem>>) target_semaphore(%arg12 : memref<!tpu.dma_semaphore, #tpu.memory_space<semaphore_mem>>)
      } else {
      }
      %add3A_83 = arith.constant 1 : i32
      %add3A_84 = arith.addi %add3A_62, %add3A_83 : i32
      %mul3A_85 = arith.constant 80 : i32
      %mul3A_86 = arith.muli %add3A_84, %mul3A_85 : i32
      %add3A_87 = arith.addi %mul3A_2, %mul3A_86 : i32
      %dma_wait3A_88 = arith.constant 0 : i32
      %dma_wait3A_89 = tpu.memref_slice %arg3[%add3A_87, %dma_wait3A_88] : memref<192000x128xf32, #tpu.memory_space<hbm>> -> memref<80x128xf32, #tpu.memory_space<hbm>>
      %dma_wait3A_90 = arith.constant 0 : i32
      %dma_wait3A_91 = tpu.memref_slice %arg3[%add3A_87, %dma_wait3A_90] : memref<192000x128xf32, #tpu.memory_space<hbm>> -> memref<80x128xf32, #tpu.memory_space<hbm>>
      tpu.wait_dma2 semaphore(%arg13 : memref<!tpu.dma_semaphore, #tpu.memory_space<semaphore_mem>>) src(%dma_wait3A_91 : memref<80x128xf32, #tpu.memory_space<hbm>>) dst(%arg11 : memref<80x128xf32, #tpu.memory_space<vmem>>)
      "tpu.region"() ({
        %run_scoped3A_92 = tpu.sem_alloc : memref<!tpu.dma_semaphore, #tpu.memory_space<semaphore_mem>>
        %dma_start3A_93 = arith.constant 0 : i32
        %dma_start3A_94 = tpu.memref_slice %arg9[%add3A_84, %dma_start3A_93] : memref<75x80xi32, #tpu.memory_space<vmem>> -> memref<1x80xi32, #tpu.memory_space<vmem>>
        %dma_start3A_95 = tpu.memref_squeeze %dma_start3A_94 : memref<1x80xi32, #tpu.memory_space<vmem>> -> memref<80xi32, #tpu.memory_space<vmem>>
        %dma_start3A_96 = arith.constant 0 : i32
        %dma_start3A_97 = arith.constant 0 : i32
        %dma_start3A_98 = tpu.memref_slice %arg8[%dma_start3A_96, %dma_start3A_97] : memref<10000x128xf32, #tpu.memory_space<vmem_shared>> -> memref<10000x128xf32, #tpu.memory_space<vmem_shared>>
        tpu.enqueue_indirect_dma source(%arg11 : memref<80x128xf32, #tpu.memory_space<vmem>>) target(%dma_start3A_98 : memref<10000x128xf32, #tpu.memory_space<vmem_shared>>) offsets(%dma_start3A_95 : memref<80xi32, #tpu.memory_space<vmem>>) semaphore(%run_scoped3A_92 : memref<!tpu.dma_semaphore, #tpu.memory_space<semaphore_mem>>) {add = true}
        %dma_wait3A_99 = arith.constant 0 : i32
        %dma_wait3A_100 = tpu.memref_slice %arg9[%add3A_84, %dma_wait3A_99] : memref<75x80xi32, #tpu.memory_space<vmem>> -> memref<1x80xi32, #tpu.memory_space<vmem>>
        %dma_wait3A_101 = tpu.memref_squeeze %dma_wait3A_100 : memref<1x80xi32, #tpu.memory_space<vmem>> -> memref<80xi32, #tpu.memory_space<vmem>>
        %dma_wait3A_102 = arith.constant 0 : i32
        %dma_wait3A_103 = arith.constant 0 : i32
        %dma_wait3A_104 = tpu.memref_slice %arg8[%dma_wait3A_102, %dma_wait3A_103] : memref<10000x128xf32, #tpu.memory_space<vmem_shared>> -> memref<10000x128xf32, #tpu.memory_space<vmem_shared>>
        tpu.wait_indirect_dma semaphore(%run_scoped3A_92 : memref<!tpu.dma_semaphore, #tpu.memory_space<semaphore_mem>>) src(%arg11 : memref<80x128xf32, #tpu.memory_space<vmem>>) dst(%dma_wait3A_104 : memref<10000x128xf32, #tpu.memory_space<vmem_shared>>)
        tpu.yield
      }) : () -> ()
    }
    %scan3A_44 = arith.constant 37 : i32
    %add3A_45 = arith.constant 5920 : i32
    %add3A_46 = arith.addi %mul3A_2, %add3A_45 : i32
    %dma_wait3A_47 = arith.constant 0 : i32
    %dma_wait3A_48 = tpu.memref_slice %arg3[%add3A_46, %dma_wait3A_47] : memref<192000x128xf32, #tpu.memory_space<hbm>> -> memref<80x128xf32, #tpu.memory_space<hbm>>
    %dma_wait3A_49 = arith.constant 0 : i32
    %dma_wait3A_50 = tpu.memref_slice %arg3[%add3A_46, %dma_wait3A_49] : memref<192000x128xf32, #tpu.memory_space<hbm>> -> memref<80x128xf32, #tpu.memory_space<hbm>>
    tpu.wait_dma2 semaphore(%arg12 : memref<!tpu.dma_semaphore, #tpu.memory_space<semaphore_mem>>) src(%dma_wait3A_50 : memref<80x128xf32, #tpu.memory_space<hbm>>) dst(%arg10 : memref<80x128xf32, #tpu.memory_space<vmem>>)
    %run_scoped3A_51 = arith.constant 74 : i32
    "tpu.region"() ({
      %run_scoped3A_58 = tpu.sem_alloc : memref<!tpu.dma_semaphore, #tpu.memory_space<semaphore_mem>>
      %dma_start3A_59 = arith.constant 0 : i32
      %dma_start3A_60 = tpu.memref_slice %arg9[%run_scoped3A_51, %dma_start3A_59] : memref<75x80xi32, #tpu.memory_space<vmem>> -> memref<1x80xi32, #tpu.memory_space<vmem>>
      %dma_start3A_61 = tpu.memref_squeeze %dma_start3A_60 : memref<1x80xi32, #tpu.memory_space<vmem>> -> memref<80xi32, #tpu.memory_space<vmem>>
      %dma_start3A_62 = arith.constant 0 : i32
      %dma_start3A_63 = arith.constant 0 : i32
      %dma_start3A_64 = tpu.memref_slice %arg8[%dma_start3A_62, %dma_start3A_63] : memref<10000x128xf32, #tpu.memory_space<vmem_shared>> -> memref<10000x128xf32, #tpu.memory_space<vmem_shared>>
      tpu.enqueue_indirect_dma source(%arg10 : memref<80x128xf32, #tpu.memory_space<vmem>>) target(%dma_start3A_64 : memref<10000x128xf32, #tpu.memory_space<vmem_shared>>) offsets(%dma_start3A_61 : memref<80xi32, #tpu.memory_space<vmem>>) semaphore(%run_scoped3A_58 : memref<!tpu.dma_semaphore, #tpu.memory_space<semaphore_mem>>) {add = true}
      %dma_wait3A_65 = arith.constant 0 : i32
      %dma_wait3A_66 = tpu.memref_slice %arg9[%run_scoped3A_51, %dma_wait3A_65] : memref<75x80xi32, #tpu.memory_space<vmem>> -> memref<1x80xi32, #tpu.memory_space<vmem>>
      %dma_wait3A_67 = tpu.memref_squeeze %dma_wait3A_66 : memref<1x80xi32, #tpu.memory_space<vmem>> -> memref<80xi32, #tpu.memory_space<vmem>>
      %dma_wait3A_68 = arith.constant 0 : i32
      %dma_wait3A_69 = arith.constant 0 : i32
      %dma_wait3A_70 = tpu.memref_slice %arg8[%dma_wait3A_68, %dma_wait3A_69] : memref<10000x128xf32, #tpu.memory_space<vmem_shared>> -> memref<10000x128xf32, #tpu.memory_space<vmem_shared>>
      tpu.wait_indirect_dma semaphore(%run_scoped3A_58 : memref<!tpu.dma_semaphore, #tpu.memory_space<semaphore_mem>>) src(%arg10 : memref<80x128xf32, #tpu.memory_space<vmem>>) dst(%dma_wait3A_70 : memref<10000x128xf32, #tpu.memory_space<vmem_shared>>)
      tpu.yield
    }) : () -> ()
    %barrier3A_52 = arith.constant 0 : index
    tpu.barrier barrier_id(%barrier3A_52)
    %scan3A_53 = arith.constant 0 : i32
    %scan3A_54 = arith.constant 4 : i32
    %scan3A_55 = arith.addi %scan3A_53, %scan3A_54 : i32
    %scan3A_56 = arith.constant 1 : i32
    scf.for %scan3A_58 = %scan3A_53 to %scan3A_55 step %scan3A_56  : i32 {
      %mul3A_59 = arith.constant 1 : i32
      %mul3A_60 = arith.muli %scan3A_58, %mul3A_59 : i32
      %add3A_61 = arith.constant 0 : i32
      %add3A_62 = arith.addi %add3A_61, %mul3A_60 : i32
      %mul3A_63 = arith.constant 16 : i32
      %mul3A_64 = arith.muli %add3A_62, %mul3A_63 : i32
      %add3A_65 = arith.addi %arg1, %mul3A_64 : i32
      %lt3A = arith.constant 50 : i32
      %lt3A_66 = arith.cmpi slt, %add3A_65, %lt3A : i32
      %convert_element_type3A = arith.extui %lt3A_66 : i1 to i32
      %cond3A = arith.constant 0 : i32
      %cond3A_67 = arith.cmpi ne, %convert_element_type3A, %cond3A : i32
      scf.if %cond3A_67 {
        %mul3A_68 = arith.constant 200 : i32
        %mul3A_69 = arith.muli %add3A_65, %mul3A_68 : i32
        %mul3A_70 = arith.constant 10000 : i32
        %mul3A_71 = arith.muli %arg0, %mul3A_70 : i32
        %mul3A_72 = arith.constant 200 : i32
        %mul3A_73 = arith.muli %add3A_65, %mul3A_72 : i32
        %add3A_74 = arith.addi %mul3A_71, %mul3A_73 : i32
        "tpu.region"() ({
          %run_scoped3A_75 = tpu.sem_alloc : memref<!tpu.dma_semaphore, #tpu.memory_space<semaphore_mem>>
          %dma_start3A_76 = arith.constant 0 : i32
          %dma_start3A_77 = tpu.memref_slice %arg7[%add3A_74, %dma_start3A_76] : memref<20000x128xf32, #tpu.memory_space<hbm>> -> memref<200x128xf32, #tpu.memory_space<hbm>>
          %dma_start3A_78 = arith.constant 0 : i32
          %dma_start3A_79 = tpu.memref_slice %arg8[%mul3A_69, %dma_start3A_78] : memref<10000x128xf32, #tpu.memory_space<vmem_shared>> -> memref<200x128xf32, #tpu.memory_space<vmem_shared>>
          tpu.enqueue_dma source(%dma_start3A_79 : memref<200x128xf32, #tpu.memory_space<vmem_shared>>) target(%dma_start3A_77 : memref<200x128xf32, #tpu.memory_space<hbm>>) target_semaphore(%run_scoped3A_75 : memref<!tpu.dma_semaphore, #tpu.memory_space<semaphore_mem>>)
          %dma_wait3A_80 = arith.constant 0 : i32
          %dma_wait3A_81 = tpu.memref_slice %arg7[%add3A_74, %dma_wait3A_80] : memref<20000x128xf32, #tpu.memory_space<hbm>> -> memref<200x128xf32, #tpu.memory_space<hbm>>
          %dma_wait3A_82 = arith.constant 0 : i32
          %dma_wait3A_83 = tpu.memref_slice %arg8[%mul3A_69, %dma_wait3A_82] : memref<10000x128xf32, #tpu.memory_space<vmem_shared>> -> memref<200x128xf32, #tpu.memory_space<vmem_shared>>
          tpu.wait_dma2 semaphore(%run_scoped3A_75 : memref<!tpu.dma_semaphore, #tpu.memory_space<semaphore_mem>>) src(%dma_wait3A_83 : memref<200x128xf32, #tpu.memory_space<vmem_shared>>) dst(%dma_wait3A_81 : memref<200x128xf32, #tpu.memory_space<hbm>>)
          tpu.yield
        }) : () -> ()
      } else {
      }
    }
    %scan3A_57 = arith.constant 4 : i32
    return
  }
}

#map = affine_map<(d0, d1) -> (0, 0)>
#map1 = affine_map<(d0, d1) -> (0, 0, 0)>
module attributes {stable_mosaic.version = 14 : i64} {
  func.func @scatter(%arg0: i32, %arg1: i32, %arg2: memref<128000x128xf32, #tpu.memory_space<hbm>>, %arg3: memref<128000x128xf32, #tpu.memory_space<hbm>>, %arg4: memref<32x50x80xi32, #tpu.memory_space<hbm>>, %arg5: memref<200x128xf32, #tpu.memory_space<hbm>>, %arg6: memref<20000x128xf32, #tpu.memory_space<hbm>>, %arg7: memref<20000x128xf32, #tpu.memory_space<hbm>>, %arg8: memref<10000x128xf32, #tpu.memory_space<vmem_shared>>, %arg9: memref<50x80xi32, #tpu.memory_space<vmem>>, %arg10: memref<80x128xf32, #tpu.memory_space<vmem>>, %arg11: memref<80x128xf32, #tpu.memory_space<vmem>>, %arg12: memref<!tpu.dma_semaphore, #tpu.memory_space<semaphore_mem>>, %arg13: memref<!tpu.dma_semaphore, #tpu.memory_space<semaphore_mem>>) attributes {dimension_semantics = [#tpu.dimension_semantics<core_parallel>, #tpu.dimension_semantics<subcore_parallel>], iteration_bounds = array<i64: 2, 16>, scalar_prefetch = 0 : i64, scratch_operands = 6 : i64, tpu.core_type = #tpu.core_type<sc_vector_subcore>, window_params = [{transform_indices = #map}, {transform_indices = #map}, {transform_indices = #map1}, {transform_indices = #map}, {transform_indices = #map}, {transform_indices = #map}]} {
    %mul3A = arith.constant 2 : i32
    %mul3A_0 = arith.muli %arg1, %mul3A : i32
    %add3A = arith.addi %mul3A_0, %arg0 : i32
    %mul3A_1 = arith.constant 4000 : i32
    %mul3A_2 = arith.muli %add3A, %mul3A_1 : i32
    %scan3A = arith.constant 0 : i32
    %scan3A_3 = arith.constant 4 : i32
    %scan3A_4 = arith.addi %scan3A, %scan3A_3 : i32
    %scan3A_5 = arith.constant 1 : i32
    scf.for %scan3A_46 = %scan3A to %scan3A_4 step %scan3A_5  : i32 {
      %mul3A_47 = arith.constant 1 : i32
      %mul3A_48 = arith.muli %scan3A_46, %mul3A_47 : i32
      %add3A_49 = arith.constant 0 : i32
      %add3A_50 = arith.addi %add3A_49, %mul3A_48 : i32
      %mul3A_51 = arith.constant 16 : i32
      %mul3A_52 = arith.muli %add3A_50, %mul3A_51 : i32
      %add3A_53 = arith.addi %arg1, %mul3A_52 : i32
      %lt3A = arith.constant 50 : i32
      %lt3A_54 = arith.cmpi slt, %add3A_53, %lt3A : i32
      %convert_element_type3A = arith.extui %lt3A_54 : i1 to i32
      %cond3A = arith.constant 0 : i32
      %cond3A_55 = arith.cmpi ne, %convert_element_type3A, %cond3A : i32
      scf.if %cond3A_55 {
        %mul3A_56 = arith.constant 200 : i32
        %mul3A_57 = arith.muli %add3A_53, %mul3A_56 : i32
        "tpu.region"() ({
          %run_scoped3A = tpu.sem_alloc : memref<!tpu.dma_semaphore, #tpu.memory_space<semaphore_mem>>
          %dma_start3A_58 = arith.constant 0 : i32
          %dma_start3A_59 = tpu.memref_slice %arg8[%mul3A_57, %dma_start3A_58] : memref<10000x128xf32, #tpu.memory_space<vmem_shared>> -> memref<200x128xf32, #tpu.memory_space<vmem_shared>>
          tpu.enqueue_dma source(%arg5 : memref<200x128xf32, #tpu.memory_space<hbm>>) target(%dma_start3A_59 : memref<200x128xf32, #tpu.memory_space<vmem_shared>>) target_semaphore(%run_scoped3A : memref<!tpu.dma_semaphore, #tpu.memory_space<semaphore_mem>>)
          %dma_wait3A = arith.constant 0 : i32
          %dma_wait3A_60 = tpu.memref_slice %arg8[%mul3A_57, %dma_wait3A] : memref<10000x128xf32, #tpu.memory_space<vmem_shared>> -> memref<200x128xf32, #tpu.memory_space<vmem_shared>>
          tpu.wait_dma2 semaphore(%run_scoped3A : memref<!tpu.dma_semaphore, #tpu.memory_space<semaphore_mem>>) src(%arg5 : memref<200x128xf32, #tpu.memory_space<hbm>>) dst(%dma_wait3A_60 : memref<200x128xf32, #tpu.memory_space<vmem_shared>>)
          tpu.yield
        }) : () -> ()
      } else {
      }
    }
    %scan3A_6 = arith.constant 4 : i32
    %barrier3A = arith.constant 0 : index
    tpu.barrier barrier_id(%barrier3A)
    "tpu.region"() ({
      %run_scoped3A = tpu.sem_alloc : memref<!tpu.dma_semaphore, #tpu.memory_space<semaphore_mem>>
      %dma_start3A_46 = arith.constant 0 : i32
      %dma_start3A_47 = arith.constant 0 : i32
      %dma_start3A_48 = tpu.memref_slice %arg4[%add3A, %dma_start3A_46, %dma_start3A_47] : memref<32x50x80xi32, #tpu.memory_space<hbm>> -> memref<1x50x80xi32, #tpu.memory_space<hbm>>
      %dma_start3A_49 = tpu.memref_squeeze %dma_start3A_48 : memref<1x50x80xi32, #tpu.memory_space<hbm>> -> memref<50x80xi32, #tpu.memory_space<hbm>>
      %dma_start3A_50 = arith.constant 0 : i32
      %dma_start3A_51 = arith.constant 0 : i32
      %dma_start3A_52 = tpu.memref_slice %arg4[%add3A, %dma_start3A_50, %dma_start3A_51] : memref<32x50x80xi32, #tpu.memory_space<hbm>> -> memref<1x50x80xi32, #tpu.memory_space<hbm>>
      %dma_start3A_53 = tpu.memref_squeeze %dma_start3A_52 : memref<1x50x80xi32, #tpu.memory_space<hbm>> -> memref<50x80xi32, #tpu.memory_space<hbm>>
      tpu.enqueue_dma source(%dma_start3A_53 : memref<50x80xi32, #tpu.memory_space<hbm>>) target(%arg9 : memref<50x80xi32, #tpu.memory_space<vmem>>) target_semaphore(%run_scoped3A : memref<!tpu.dma_semaphore, #tpu.memory_space<semaphore_mem>>)
      %dma_wait3A = arith.constant 0 : i32
      %dma_wait3A_54 = arith.constant 0 : i32
      %dma_wait3A_55 = tpu.memref_slice %arg4[%add3A, %dma_wait3A, %dma_wait3A_54] : memref<32x50x80xi32, #tpu.memory_space<hbm>> -> memref<1x50x80xi32, #tpu.memory_space<hbm>>
      %dma_wait3A_56 = tpu.memref_squeeze %dma_wait3A_55 : memref<1x50x80xi32, #tpu.memory_space<hbm>> -> memref<50x80xi32, #tpu.memory_space<hbm>>
      %dma_wait3A_57 = arith.constant 0 : i32
      %dma_wait3A_58 = arith.constant 0 : i32
      %dma_wait3A_59 = tpu.memref_slice %arg4[%add3A, %dma_wait3A_57, %dma_wait3A_58] : memref<32x50x80xi32, #tpu.memory_space<hbm>> -> memref<1x50x80xi32, #tpu.memory_space<hbm>>
      %dma_wait3A_60 = tpu.memref_squeeze %dma_wait3A_59 : memref<1x50x80xi32, #tpu.memory_space<hbm>> -> memref<50x80xi32, #tpu.memory_space<hbm>>
      tpu.wait_dma2 semaphore(%run_scoped3A : memref<!tpu.dma_semaphore, #tpu.memory_space<semaphore_mem>>) src(%dma_wait3A_60 : memref<50x80xi32, #tpu.memory_space<hbm>>) dst(%arg9 : memref<50x80xi32, #tpu.memory_space<vmem>>)
      tpu.yield
    }) : () -> ()
    %add3A_7 = arith.constant 0 : i32
    %add3A_8 = arith.addi %mul3A_2, %add3A_7 : i32
    %dma_start3A = arith.constant 0 : i32
    %dma_start3A_9 = tpu.memref_slice %arg2[%add3A_8, %dma_start3A] : memref<128000x128xf32, #tpu.memory_space<hbm>> -> memref<80x128xf32, #tpu.memory_space<hbm>>
    %dma_start3A_10 = arith.constant 0 : i32
    %dma_start3A_11 = tpu.memref_slice %arg2[%add3A_8, %dma_start3A_10] : memref<128000x128xf32, #tpu.memory_space<hbm>> -> memref<80x128xf32, #tpu.memory_space<hbm>>
    tpu.enqueue_dma source(%dma_start3A_11 : memref<80x128xf32, #tpu.memory_space<hbm>>) target(%arg10 : memref<80x128xf32, #tpu.memory_space<vmem>>) target_semaphore(%arg12 : memref<!tpu.dma_semaphore, #tpu.memory_space<semaphore_mem>>)
    %scan3A_12 = arith.constant 0 : i32
    %scan3A_13 = arith.constant 25 : i32
    %scan3A_14 = arith.addi %scan3A_12, %scan3A_13 : i32
    %scan3A_15 = arith.constant 1 : i32
    scf.for %scan3A_46 = %scan3A_12 to %scan3A_14 step %scan3A_15  : i32 {
      %mul3A_47 = arith.constant 2 : i32
      %mul3A_48 = arith.muli %scan3A_46, %mul3A_47 : i32
      %add3A_49 = arith.constant 0 : i32
      %add3A_50 = arith.addi %add3A_49, %mul3A_48 : i32
      %add3A_51 = arith.constant 1 : i32
      %add3A_52 = arith.addi %add3A_50, %add3A_51 : i32
      %mul3A_53 = arith.constant 80 : i32
      %mul3A_54 = arith.muli %add3A_52, %mul3A_53 : i32
      %add3A_55 = arith.addi %mul3A_2, %mul3A_54 : i32
      %dma_start3A_56 = arith.constant 0 : i32
      %dma_start3A_57 = tpu.memref_slice %arg2[%add3A_55, %dma_start3A_56] : memref<128000x128xf32, #tpu.memory_space<hbm>> -> memref<80x128xf32, #tpu.memory_space<hbm>>
      %dma_start3A_58 = arith.constant 0 : i32
      %dma_start3A_59 = tpu.memref_slice %arg2[%add3A_55, %dma_start3A_58] : memref<128000x128xf32, #tpu.memory_space<hbm>> -> memref<80x128xf32, #tpu.memory_space<hbm>>
      tpu.enqueue_dma source(%dma_start3A_59 : memref<80x128xf32, #tpu.memory_space<hbm>>) target(%arg11 : memref<80x128xf32, #tpu.memory_space<vmem>>) target_semaphore(%arg13 : memref<!tpu.dma_semaphore, #tpu.memory_space<semaphore_mem>>)
      %mul3A_60 = arith.constant 80 : i32
      %mul3A_61 = arith.muli %add3A_50, %mul3A_60 : i32
      %add3A_62 = arith.addi %mul3A_2, %mul3A_61 : i32
      %dma_wait3A = arith.constant 0 : i32
      %dma_wait3A_63 = tpu.memref_slice %arg2[%add3A_62, %dma_wait3A] : memref<128000x128xf32, #tpu.memory_space<hbm>> -> memref<80x128xf32, #tpu.memory_space<hbm>>
      %dma_wait3A_64 = arith.constant 0 : i32
      %dma_wait3A_65 = tpu.memref_slice %arg2[%add3A_62, %dma_wait3A_64] : memref<128000x128xf32, #tpu.memory_space<hbm>> -> memref<80x128xf32, #tpu.memory_space<hbm>>
      tpu.wait_dma2 semaphore(%arg12 : memref<!tpu.dma_semaphore, #tpu.memory_space<semaphore_mem>>) src(%dma_wait3A_65 : memref<80x128xf32, #tpu.memory_space<hbm>>) dst(%arg10 : memref<80x128xf32, #tpu.memory_space<vmem>>)
      "tpu.region"() ({
        %run_scoped3A = tpu.sem_alloc : memref<!tpu.dma_semaphore, #tpu.memory_space<semaphore_mem>>
        %dma_start3A_79 = arith.constant 0 : i32
        %dma_start3A_80 = tpu.memref_slice %arg9[%add3A_50, %dma_start3A_79] : memref<50x80xi32, #tpu.memory_space<vmem>> -> memref<1x80xi32, #tpu.memory_space<vmem>>
        %dma_start3A_81 = tpu.memref_squeeze %dma_start3A_80 : memref<1x80xi32, #tpu.memory_space<vmem>> -> memref<80xi32, #tpu.memory_space<vmem>>
        %dma_start3A_82 = arith.constant 0 : i32
        %dma_start3A_83 = arith.constant 0 : i32
        %dma_start3A_84 = tpu.memref_slice %arg8[%dma_start3A_82, %dma_start3A_83] : memref<10000x128xf32, #tpu.memory_space<vmem_shared>> -> memref<10000x128xf32, #tpu.memory_space<vmem_shared>>
        tpu.enqueue_indirect_dma source(%arg10 : memref<80x128xf32, #tpu.memory_space<vmem>>) target(%dma_start3A_84 : memref<10000x128xf32, #tpu.memory_space<vmem_shared>>) offsets(%dma_start3A_81 : memref<80xi32, #tpu.memory_space<vmem>>) semaphore(%run_scoped3A : memref<!tpu.dma_semaphore, #tpu.memory_space<semaphore_mem>>) {add = true}
        %dma_wait3A_85 = arith.constant 0 : i32
        %dma_wait3A_86 = tpu.memref_slice %arg9[%add3A_50, %dma_wait3A_85] : memref<50x80xi32, #tpu.memory_space<vmem>> -> memref<1x80xi32, #tpu.memory_space<vmem>>
        %dma_wait3A_87 = tpu.memref_squeeze %dma_wait3A_86 : memref<1x80xi32, #tpu.memory_space<vmem>> -> memref<80xi32, #tpu.memory_space<vmem>>
        %dma_wait3A_88 = arith.constant 0 : i32
        %dma_wait3A_89 = arith.constant 0 : i32
        %dma_wait3A_90 = tpu.memref_slice %arg8[%dma_wait3A_88, %dma_wait3A_89] : memref<10000x128xf32, #tpu.memory_space<vmem_shared>> -> memref<10000x128xf32, #tpu.memory_space<vmem_shared>>
        tpu.wait_indirect_dma semaphore(%run_scoped3A : memref<!tpu.dma_semaphore, #tpu.memory_space<semaphore_mem>>) src(%arg10 : memref<80x128xf32, #tpu.memory_space<vmem>>) dst(%dma_wait3A_90 : memref<10000x128xf32, #tpu.memory_space<vmem_shared>>)
        tpu.yield
      }) : () -> ()
      %add3A_66 = arith.constant 2 : i32
      %add3A_67 = arith.addi %add3A_50, %add3A_66 : i32
      %lt3A = arith.constant 50 : i32
      %lt3A_68 = arith.cmpi slt, %add3A_67, %lt3A : i32
      %convert_element_type3A = arith.extui %lt3A_68 : i1 to i32
      %cond3A = arith.constant 0 : i32
      %cond3A_69 = arith.cmpi ne, %convert_element_type3A, %cond3A : i32
      scf.if %cond3A_69 {
        %add3A_79 = arith.constant 2 : i32
        %add3A_80 = arith.addi %add3A_50, %add3A_79 : i32
        %mul3A_81 = arith.constant 80 : i32
        %mul3A_82 = arith.muli %add3A_80, %mul3A_81 : i32
        %add3A_83 = arith.addi %mul3A_2, %mul3A_82 : i32
        %dma_start3A_84 = arith.constant 0 : i32
        %dma_start3A_85 = tpu.memref_slice %arg2[%add3A_83, %dma_start3A_84] : memref<128000x128xf32, #tpu.memory_space<hbm>> -> memref<80x128xf32, #tpu.memory_space<hbm>>
        %dma_start3A_86 = arith.constant 0 : i32
        %dma_start3A_87 = tpu.memref_slice %arg2[%add3A_83, %dma_start3A_86] : memref<128000x128xf32, #tpu.memory_space<hbm>> -> memref<80x128xf32, #tpu.memory_space<hbm>>
        tpu.enqueue_dma source(%dma_start3A_87 : memref<80x128xf32, #tpu.memory_space<hbm>>) target(%arg10 : memref<80x128xf32, #tpu.memory_space<vmem>>) target_semaphore(%arg12 : memref<!tpu.dma_semaphore, #tpu.memory_space<semaphore_mem>>)
      } else {
      }
      %add3A_70 = arith.constant 1 : i32
      %add3A_71 = arith.addi %add3A_50, %add3A_70 : i32
      %mul3A_72 = arith.constant 80 : i32
      %mul3A_73 = arith.muli %add3A_71, %mul3A_72 : i32
      %add3A_74 = arith.addi %mul3A_2, %mul3A_73 : i32
      %dma_wait3A_75 = arith.constant 0 : i32
      %dma_wait3A_76 = tpu.memref_slice %arg2[%add3A_74, %dma_wait3A_75] : memref<128000x128xf32, #tpu.memory_space<hbm>> -> memref<80x128xf32, #tpu.memory_space<hbm>>
      %dma_wait3A_77 = arith.constant 0 : i32
      %dma_wait3A_78 = tpu.memref_slice %arg2[%add3A_74, %dma_wait3A_77] : memref<128000x128xf32, #tpu.memory_space<hbm>> -> memref<80x128xf32, #tpu.memory_space<hbm>>
      tpu.wait_dma2 semaphore(%arg13 : memref<!tpu.dma_semaphore, #tpu.memory_space<semaphore_mem>>) src(%dma_wait3A_78 : memref<80x128xf32, #tpu.memory_space<hbm>>) dst(%arg11 : memref<80x128xf32, #tpu.memory_space<vmem>>)
      "tpu.region"() ({
        %run_scoped3A = tpu.sem_alloc : memref<!tpu.dma_semaphore, #tpu.memory_space<semaphore_mem>>
        %dma_start3A_79 = arith.constant 0 : i32
        %dma_start3A_80 = tpu.memref_slice %arg9[%add3A_71, %dma_start3A_79] : memref<50x80xi32, #tpu.memory_space<vmem>> -> memref<1x80xi32, #tpu.memory_space<vmem>>
        %dma_start3A_81 = tpu.memref_squeeze %dma_start3A_80 : memref<1x80xi32, #tpu.memory_space<vmem>> -> memref<80xi32, #tpu.memory_space<vmem>>
        %dma_start3A_82 = arith.constant 0 : i32
        %dma_start3A_83 = arith.constant 0 : i32
        %dma_start3A_84 = tpu.memref_slice %arg8[%dma_start3A_82, %dma_start3A_83] : memref<10000x128xf32, #tpu.memory_space<vmem_shared>> -> memref<10000x128xf32, #tpu.memory_space<vmem_shared>>
        tpu.enqueue_indirect_dma source(%arg11 : memref<80x128xf32, #tpu.memory_space<vmem>>) target(%dma_start3A_84 : memref<10000x128xf32, #tpu.memory_space<vmem_shared>>) offsets(%dma_start3A_81 : memref<80xi32, #tpu.memory_space<vmem>>) semaphore(%run_scoped3A : memref<!tpu.dma_semaphore, #tpu.memory_space<semaphore_mem>>) {add = true}
        %dma_wait3A_85 = arith.constant 0 : i32
        %dma_wait3A_86 = tpu.memref_slice %arg9[%add3A_71, %dma_wait3A_85] : memref<50x80xi32, #tpu.memory_space<vmem>> -> memref<1x80xi32, #tpu.memory_space<vmem>>
        %dma_wait3A_87 = tpu.memref_squeeze %dma_wait3A_86 : memref<1x80xi32, #tpu.memory_space<vmem>> -> memref<80xi32, #tpu.memory_space<vmem>>
        %dma_wait3A_88 = arith.constant 0 : i32
        %dma_wait3A_89 = arith.constant 0 : i32
        %dma_wait3A_90 = tpu.memref_slice %arg8[%dma_wait3A_88, %dma_wait3A_89] : memref<10000x128xf32, #tpu.memory_space<vmem_shared>> -> memref<10000x128xf32, #tpu.memory_space<vmem_shared>>
        tpu.wait_indirect_dma semaphore(%run_scoped3A : memref<!tpu.dma_semaphore, #tpu.memory_space<semaphore_mem>>) src(%arg11 : memref<80x128xf32, #tpu.memory_space<vmem>>) dst(%dma_wait3A_90 : memref<10000x128xf32, #tpu.memory_space<vmem_shared>>)
        tpu.yield
      }) : () -> ()
    }
    %scan3A_16 = arith.constant 25 : i32
    %barrier3A_17 = arith.constant 0 : index
    tpu.barrier barrier_id(%barrier3A_17)
    %scan3A_18 = arith.constant 0 : i32
    %scan3A_19 = arith.constant 4 : i32
    %scan3A_20 = arith.addi %scan3A_18, %scan3A_19 : i32
    %scan3A_21 = arith.constant 1 : i32
    scf.for %scan3A_46 = %scan3A_18 to %scan3A_20 step %scan3A_21  : i32 {
      %mul3A_47 = arith.constant 1 : i32
      %mul3A_48 = arith.muli %scan3A_46, %mul3A_47 : i32
      %add3A_49 = arith.constant 0 : i32
      %add3A_50 = arith.addi %add3A_49, %mul3A_48 : i32
      %mul3A_51 = arith.constant 16 : i32
      %mul3A_52 = arith.muli %add3A_50, %mul3A_51 : i32
      %add3A_53 = arith.addi %arg1, %mul3A_52 : i32
      %lt3A = arith.constant 50 : i32
      %lt3A_54 = arith.cmpi slt, %add3A_53, %lt3A : i32
      %convert_element_type3A = arith.extui %lt3A_54 : i1 to i32
      %cond3A = arith.constant 0 : i32
      %cond3A_55 = arith.cmpi ne, %convert_element_type3A, %cond3A : i32
      scf.if %cond3A_55 {
        %mul3A_56 = arith.constant 200 : i32
        %mul3A_57 = arith.muli %add3A_53, %mul3A_56 : i32
        %mul3A_58 = arith.constant 10000 : i32
        %mul3A_59 = arith.muli %arg0, %mul3A_58 : i32
        %mul3A_60 = arith.constant 200 : i32
        %mul3A_61 = arith.muli %add3A_53, %mul3A_60 : i32
        %add3A_62 = arith.addi %mul3A_59, %mul3A_61 : i32
        "tpu.region"() ({
          %run_scoped3A = tpu.sem_alloc : memref<!tpu.dma_semaphore, #tpu.memory_space<semaphore_mem>>
          %dma_start3A_63 = arith.constant 0 : i32
          %dma_start3A_64 = tpu.memref_slice %arg6[%add3A_62, %dma_start3A_63] : memref<20000x128xf32, #tpu.memory_space<hbm>> -> memref<200x128xf32, #tpu.memory_space<hbm>>
          %dma_start3A_65 = arith.constant 0 : i32
          %dma_start3A_66 = tpu.memref_slice %arg8[%mul3A_57, %dma_start3A_65] : memref<10000x128xf32, #tpu.memory_space<vmem_shared>> -> memref<200x128xf32, #tpu.memory_space<vmem_shared>>
          tpu.enqueue_dma source(%dma_start3A_66 : memref<200x128xf32, #tpu.memory_space<vmem_shared>>) target(%dma_start3A_64 : memref<200x128xf32, #tpu.memory_space<hbm>>) target_semaphore(%run_scoped3A : memref<!tpu.dma_semaphore, #tpu.memory_space<semaphore_mem>>)
          %dma_wait3A = arith.constant 0 : i32
          %dma_wait3A_67 = tpu.memref_slice %arg6[%add3A_62, %dma_wait3A] : memref<20000x128xf32, #tpu.memory_space<hbm>> -> memref<200x128xf32, #tpu.memory_space<hbm>>
          %dma_wait3A_68 = arith.constant 0 : i32
          %dma_wait3A_69 = tpu.memref_slice %arg8[%mul3A_57, %dma_wait3A_68] : memref<10000x128xf32, #tpu.memory_space<vmem_shared>> -> memref<200x128xf32, #tpu.memory_space<vmem_shared>>
          tpu.wait_dma2 semaphore(%run_scoped3A : memref<!tpu.dma_semaphore, #tpu.memory_space<semaphore_mem>>) src(%dma_wait3A_69 : memref<200x128xf32, #tpu.memory_space<vmem_shared>>) dst(%dma_wait3A_67 : memref<200x128xf32, #tpu.memory_space<hbm>>)
          tpu.yield
        }) : () -> ()
      } else {
      }
    }
    %scan3A_22 = arith.constant 4 : i32
    %scan3A_23 = arith.constant 0 : i32
    %scan3A_24 = arith.constant 4 : i32
    %scan3A_25 = arith.addi %scan3A_23, %scan3A_24 : i32
    %scan3A_26 = arith.constant 1 : i32
    scf.for %scan3A_46 = %scan3A_23 to %scan3A_25 step %scan3A_26  : i32 {
      %mul3A_47 = arith.constant 1 : i32
      %mul3A_48 = arith.muli %scan3A_46, %mul3A_47 : i32
      %add3A_49 = arith.constant 0 : i32
      %add3A_50 = arith.addi %add3A_49, %mul3A_48 : i32
      %mul3A_51 = arith.constant 16 : i32
      %mul3A_52 = arith.muli %add3A_50, %mul3A_51 : i32
      %add3A_53 = arith.addi %arg1, %mul3A_52 : i32
      %lt3A = arith.constant 50 : i32
      %lt3A_54 = arith.cmpi slt, %add3A_53, %lt3A : i32
      %convert_element_type3A = arith.extui %lt3A_54 : i1 to i32
      %cond3A = arith.constant 0 : i32
      %cond3A_55 = arith.cmpi ne, %convert_element_type3A, %cond3A : i32
      scf.if %cond3A_55 {
        %mul3A_56 = arith.constant 200 : i32
        %mul3A_57 = arith.muli %add3A_53, %mul3A_56 : i32
        "tpu.region"() ({
          %run_scoped3A = tpu.sem_alloc : memref<!tpu.dma_semaphore, #tpu.memory_space<semaphore_mem>>
          %dma_start3A_58 = arith.constant 0 : i32
          %dma_start3A_59 = tpu.memref_slice %arg8[%mul3A_57, %dma_start3A_58] : memref<10000x128xf32, #tpu.memory_space<vmem_shared>> -> memref<200x128xf32, #tpu.memory_space<vmem_shared>>
          tpu.enqueue_dma source(%arg5 : memref<200x128xf32, #tpu.memory_space<hbm>>) target(%dma_start3A_59 : memref<200x128xf32, #tpu.memory_space<vmem_shared>>) target_semaphore(%run_scoped3A : memref<!tpu.dma_semaphore, #tpu.memory_space<semaphore_mem>>)
          %dma_wait3A = arith.constant 0 : i32
          %dma_wait3A_60 = tpu.memref_slice %arg8[%mul3A_57, %dma_wait3A] : memref<10000x128xf32, #tpu.memory_space<vmem_shared>> -> memref<200x128xf32, #tpu.memory_space<vmem_shared>>
          tpu.wait_dma2 semaphore(%run_scoped3A : memref<!tpu.dma_semaphore, #tpu.memory_space<semaphore_mem>>) src(%arg5 : memref<200x128xf32, #tpu.memory_space<hbm>>) dst(%dma_wait3A_60 : memref<200x128xf32, #tpu.memory_space<vmem_shared>>)
          tpu.yield
        }) : () -> ()
      } else {
      }
    }
    %scan3A_27 = arith.constant 4 : i32
    %barrier3A_28 = arith.constant 0 : index
    tpu.barrier barrier_id(%barrier3A_28)
    %add3A_29 = arith.constant 0 : i32
    %add3A_30 = arith.addi %mul3A_2, %add3A_29 : i32
    %dma_start3A_31 = arith.constant 0 : i32
    %dma_start3A_32 = tpu.memref_slice %arg3[%add3A_30, %dma_start3A_31] : memref<128000x128xf32, #tpu.memory_space<hbm>> -> memref<80x128xf32, #tpu.memory_space<hbm>>
    %dma_start3A_33 = arith.constant 0 : i32
    %dma_start3A_34 = tpu.memref_slice %arg3[%add3A_30, %dma_start3A_33] : memref<128000x128xf32, #tpu.memory_space<hbm>> -> memref<80x128xf32, #tpu.memory_space<hbm>>
    tpu.enqueue_dma source(%dma_start3A_34 : memref<80x128xf32, #tpu.memory_space<hbm>>) target(%arg10 : memref<80x128xf32, #tpu.memory_space<vmem>>) target_semaphore(%arg12 : memref<!tpu.dma_semaphore, #tpu.memory_space<semaphore_mem>>)
    %scan3A_35 = arith.constant 0 : i32
    %scan3A_36 = arith.constant 25 : i32
    %scan3A_37 = arith.addi %scan3A_35, %scan3A_36 : i32
    %scan3A_38 = arith.constant 1 : i32
    scf.for %scan3A_46 = %scan3A_35 to %scan3A_37 step %scan3A_38  : i32 {
      %mul3A_47 = arith.constant 2 : i32
      %mul3A_48 = arith.muli %scan3A_46, %mul3A_47 : i32
      %add3A_49 = arith.constant 0 : i32
      %add3A_50 = arith.addi %add3A_49, %mul3A_48 : i32
      %add3A_51 = arith.constant 1 : i32
      %add3A_52 = arith.addi %add3A_50, %add3A_51 : i32
      %mul3A_53 = arith.constant 80 : i32
      %mul3A_54 = arith.muli %add3A_52, %mul3A_53 : i32
      %add3A_55 = arith.addi %mul3A_2, %mul3A_54 : i32
      %dma_start3A_56 = arith.constant 0 : i32
      %dma_start3A_57 = tpu.memref_slice %arg3[%add3A_55, %dma_start3A_56] : memref<128000x128xf32, #tpu.memory_space<hbm>> -> memref<80x128xf32, #tpu.memory_space<hbm>>
      %dma_start3A_58 = arith.constant 0 : i32
      %dma_start3A_59 = tpu.memref_slice %arg3[%add3A_55, %dma_start3A_58] : memref<128000x128xf32, #tpu.memory_space<hbm>> -> memref<80x128xf32, #tpu.memory_space<hbm>>
      tpu.enqueue_dma source(%dma_start3A_59 : memref<80x128xf32, #tpu.memory_space<hbm>>) target(%arg11 : memref<80x128xf32, #tpu.memory_space<vmem>>) target_semaphore(%arg13 : memref<!tpu.dma_semaphore, #tpu.memory_space<semaphore_mem>>)
      %mul3A_60 = arith.constant 80 : i32
      %mul3A_61 = arith.muli %add3A_50, %mul3A_60 : i32
      %add3A_62 = arith.addi %mul3A_2, %mul3A_61 : i32
      %dma_wait3A = arith.constant 0 : i32
      %dma_wait3A_63 = tpu.memref_slice %arg3[%add3A_62, %dma_wait3A] : memref<128000x128xf32, #tpu.memory_space<hbm>> -> memref<80x128xf32, #tpu.memory_space<hbm>>
      %dma_wait3A_64 = arith.constant 0 : i32
      %dma_wait3A_65 = tpu.memref_slice %arg3[%add3A_62, %dma_wait3A_64] : memref<128000x128xf32, #tpu.memory_space<hbm>> -> memref<80x128xf32, #tpu.memory_space<hbm>>
      tpu.wait_dma2 semaphore(%arg12 : memref<!tpu.dma_semaphore, #tpu.memory_space<semaphore_mem>>) src(%dma_wait3A_65 : memref<80x128xf32, #tpu.memory_space<hbm>>) dst(%arg10 : memref<80x128xf32, #tpu.memory_space<vmem>>)
      "tpu.region"() ({
        %run_scoped3A = tpu.sem_alloc : memref<!tpu.dma_semaphore, #tpu.memory_space<semaphore_mem>>
        %dma_start3A_79 = arith.constant 0 : i32
        %dma_start3A_80 = tpu.memref_slice %arg9[%add3A_50, %dma_start3A_79] : memref<50x80xi32, #tpu.memory_space<vmem>> -> memref<1x80xi32, #tpu.memory_space<vmem>>
        %dma_start3A_81 = tpu.memref_squeeze %dma_start3A_80 : memref<1x80xi32, #tpu.memory_space<vmem>> -> memref<80xi32, #tpu.memory_space<vmem>>
        %dma_start3A_82 = arith.constant 0 : i32
        %dma_start3A_83 = arith.constant 0 : i32
        %dma_start3A_84 = tpu.memref_slice %arg8[%dma_start3A_82, %dma_start3A_83] : memref<10000x128xf32, #tpu.memory_space<vmem_shared>> -> memref<10000x128xf32, #tpu.memory_space<vmem_shared>>
        tpu.enqueue_indirect_dma source(%arg10 : memref<80x128xf32, #tpu.memory_space<vmem>>) target(%dma_start3A_84 : memref<10000x128xf32, #tpu.memory_space<vmem_shared>>) offsets(%dma_start3A_81 : memref<80xi32, #tpu.memory_space<vmem>>) semaphore(%run_scoped3A : memref<!tpu.dma_semaphore, #tpu.memory_space<semaphore_mem>>) {add = true}
        %dma_wait3A_85 = arith.constant 0 : i32
        %dma_wait3A_86 = tpu.memref_slice %arg9[%add3A_50, %dma_wait3A_85] : memref<50x80xi32, #tpu.memory_space<vmem>> -> memref<1x80xi32, #tpu.memory_space<vmem>>
        %dma_wait3A_87 = tpu.memref_squeeze %dma_wait3A_86 : memref<1x80xi32, #tpu.memory_space<vmem>> -> memref<80xi32, #tpu.memory_space<vmem>>
        %dma_wait3A_88 = arith.constant 0 : i32
        %dma_wait3A_89 = arith.constant 0 : i32
        %dma_wait3A_90 = tpu.memref_slice %arg8[%dma_wait3A_88, %dma_wait3A_89] : memref<10000x128xf32, #tpu.memory_space<vmem_shared>> -> memref<10000x128xf32, #tpu.memory_space<vmem_shared>>
        tpu.wait_indirect_dma semaphore(%run_scoped3A : memref<!tpu.dma_semaphore, #tpu.memory_space<semaphore_mem>>) src(%arg10 : memref<80x128xf32, #tpu.memory_space<vmem>>) dst(%dma_wait3A_90 : memref<10000x128xf32, #tpu.memory_space<vmem_shared>>)
        tpu.yield
      }) : () -> ()
      %add3A_66 = arith.constant 2 : i32
      %add3A_67 = arith.addi %add3A_50, %add3A_66 : i32
      %lt3A = arith.constant 50 : i32
      %lt3A_68 = arith.cmpi slt, %add3A_67, %lt3A : i32
      %convert_element_type3A = arith.extui %lt3A_68 : i1 to i32
      %cond3A = arith.constant 0 : i32
      %cond3A_69 = arith.cmpi ne, %convert_element_type3A, %cond3A : i32
      scf.if %cond3A_69 {
        %add3A_79 = arith.constant 2 : i32
        %add3A_80 = arith.addi %add3A_50, %add3A_79 : i32
        %mul3A_81 = arith.constant 80 : i32
        %mul3A_82 = arith.muli %add3A_80, %mul3A_81 : i32
        %add3A_83 = arith.addi %mul3A_2, %mul3A_82 : i32
        %dma_start3A_84 = arith.constant 0 : i32
        %dma_start3A_85 = tpu.memref_slice %arg3[%add3A_83, %dma_start3A_84] : memref<128000x128xf32, #tpu.memory_space<hbm>> -> memref<80x128xf32, #tpu.memory_space<hbm>>
        %dma_start3A_86 = arith.constant 0 : i32
        %dma_start3A_87 = tpu.memref_slice %arg3[%add3A_83, %dma_start3A_86] : memref<128000x128xf32, #tpu.memory_space<hbm>> -> memref<80x128xf32, #tpu.memory_space<hbm>>
        tpu.enqueue_dma source(%dma_start3A_87 : memref<80x128xf32, #tpu.memory_space<hbm>>) target(%arg10 : memref<80x128xf32, #tpu.memory_space<vmem>>) target_semaphore(%arg12 : memref<!tpu.dma_semaphore, #tpu.memory_space<semaphore_mem>>)
      } else {
      }
      %add3A_70 = arith.constant 1 : i32
      %add3A_71 = arith.addi %add3A_50, %add3A_70 : i32
      %mul3A_72 = arith.constant 80 : i32
      %mul3A_73 = arith.muli %add3A_71, %mul3A_72 : i32
      %add3A_74 = arith.addi %mul3A_2, %mul3A_73 : i32
      %dma_wait3A_75 = arith.constant 0 : i32
      %dma_wait3A_76 = tpu.memref_slice %arg3[%add3A_74, %dma_wait3A_75] : memref<128000x128xf32, #tpu.memory_space<hbm>> -> memref<80x128xf32, #tpu.memory_space<hbm>>
      %dma_wait3A_77 = arith.constant 0 : i32
      %dma_wait3A_78 = tpu.memref_slice %arg3[%add3A_74, %dma_wait3A_77] : memref<128000x128xf32, #tpu.memory_space<hbm>> -> memref<80x128xf32, #tpu.memory_space<hbm>>
      tpu.wait_dma2 semaphore(%arg13 : memref<!tpu.dma_semaphore, #tpu.memory_space<semaphore_mem>>) src(%dma_wait3A_78 : memref<80x128xf32, #tpu.memory_space<hbm>>) dst(%arg11 : memref<80x128xf32, #tpu.memory_space<vmem>>)
      "tpu.region"() ({
        %run_scoped3A = tpu.sem_alloc : memref<!tpu.dma_semaphore, #tpu.memory_space<semaphore_mem>>
        %dma_start3A_79 = arith.constant 0 : i32
        %dma_start3A_80 = tpu.memref_slice %arg9[%add3A_71, %dma_start3A_79] : memref<50x80xi32, #tpu.memory_space<vmem>> -> memref<1x80xi32, #tpu.memory_space<vmem>>
        %dma_start3A_81 = tpu.memref_squeeze %dma_start3A_80 : memref<1x80xi32, #tpu.memory_space<vmem>> -> memref<80xi32, #tpu.memory_space<vmem>>
        %dma_start3A_82 = arith.constant 0 : i32
        %dma_start3A_83 = arith.constant 0 : i32
        %dma_start3A_84 = tpu.memref_slice %arg8[%dma_start3A_82, %dma_start3A_83] : memref<10000x128xf32, #tpu.memory_space<vmem_shared>> -> memref<10000x128xf32, #tpu.memory_space<vmem_shared>>
        tpu.enqueue_indirect_dma source(%arg11 : memref<80x128xf32, #tpu.memory_space<vmem>>) target(%dma_start3A_84 : memref<10000x128xf32, #tpu.memory_space<vmem_shared>>) offsets(%dma_start3A_81 : memref<80xi32, #tpu.memory_space<vmem>>) semaphore(%run_scoped3A : memref<!tpu.dma_semaphore, #tpu.memory_space<semaphore_mem>>) {add = true}
        %dma_wait3A_85 = arith.constant 0 : i32
        %dma_wait3A_86 = tpu.memref_slice %arg9[%add3A_71, %dma_wait3A_85] : memref<50x80xi32, #tpu.memory_space<vmem>> -> memref<1x80xi32, #tpu.memory_space<vmem>>
        %dma_wait3A_87 = tpu.memref_squeeze %dma_wait3A_86 : memref<1x80xi32, #tpu.memory_space<vmem>> -> memref<80xi32, #tpu.memory_space<vmem>>
        %dma_wait3A_88 = arith.constant 0 : i32
        %dma_wait3A_89 = arith.constant 0 : i32
        %dma_wait3A_90 = tpu.memref_slice %arg8[%dma_wait3A_88, %dma_wait3A_89] : memref<10000x128xf32, #tpu.memory_space<vmem_shared>> -> memref<10000x128xf32, #tpu.memory_space<vmem_shared>>
        tpu.wait_indirect_dma semaphore(%run_scoped3A : memref<!tpu.dma_semaphore, #tpu.memory_space<semaphore_mem>>) src(%arg11 : memref<80x128xf32, #tpu.memory_space<vmem>>) dst(%dma_wait3A_90 : memref<10000x128xf32, #tpu.memory_space<vmem_shared>>)
        tpu.yield
      }) : () -> ()
    }
    %scan3A_39 = arith.constant 25 : i32
    %barrier3A_40 = arith.constant 0 : index
    tpu.barrier barrier_id(%barrier3A_40)
    %scan3A_41 = arith.constant 0 : i32
    %scan3A_42 = arith.constant 4 : i32
    %scan3A_43 = arith.addi %scan3A_41, %scan3A_42 : i32
    %scan3A_44 = arith.constant 1 : i32
    scf.for %scan3A_46 = %scan3A_41 to %scan3A_43 step %scan3A_44  : i32 {
      %mul3A_47 = arith.constant 1 : i32
      %mul3A_48 = arith.muli %scan3A_46, %mul3A_47 : i32
      %add3A_49 = arith.constant 0 : i32
      %add3A_50 = arith.addi %add3A_49, %mul3A_48 : i32
      %mul3A_51 = arith.constant 16 : i32
      %mul3A_52 = arith.muli %add3A_50, %mul3A_51 : i32
      %add3A_53 = arith.addi %arg1, %mul3A_52 : i32
      %lt3A = arith.constant 50 : i32
      %lt3A_54 = arith.cmpi slt, %add3A_53, %lt3A : i32
      %convert_element_type3A = arith.extui %lt3A_54 : i1 to i32
      %cond3A = arith.constant 0 : i32
      %cond3A_55 = arith.cmpi ne, %convert_element_type3A, %cond3A : i32
      scf.if %cond3A_55 {
        %mul3A_56 = arith.constant 200 : i32
        %mul3A_57 = arith.muli %add3A_53, %mul3A_56 : i32
        %mul3A_58 = arith.constant 10000 : i32
        %mul3A_59 = arith.muli %arg0, %mul3A_58 : i32
        %mul3A_60 = arith.constant 200 : i32
        %mul3A_61 = arith.muli %add3A_53, %mul3A_60 : i32
        %add3A_62 = arith.addi %mul3A_59, %mul3A_61 : i32
        "tpu.region"() ({
          %run_scoped3A = tpu.sem_alloc : memref<!tpu.dma_semaphore, #tpu.memory_space<semaphore_mem>>
          %dma_start3A_63 = arith.constant 0 : i32
          %dma_start3A_64 = tpu.memref_slice %arg7[%add3A_62, %dma_start3A_63] : memref<20000x128xf32, #tpu.memory_space<hbm>> -> memref<200x128xf32, #tpu.memory_space<hbm>>
          %dma_start3A_65 = arith.constant 0 : i32
          %dma_start3A_66 = tpu.memref_slice %arg8[%mul3A_57, %dma_start3A_65] : memref<10000x128xf32, #tpu.memory_space<vmem_shared>> -> memref<200x128xf32, #tpu.memory_space<vmem_shared>>
          tpu.enqueue_dma source(%dma_start3A_66 : memref<200x128xf32, #tpu.memory_space<vmem_shared>>) target(%dma_start3A_64 : memref<200x128xf32, #tpu.memory_space<hbm>>) target_semaphore(%run_scoped3A : memref<!tpu.dma_semaphore, #tpu.memory_space<semaphore_mem>>)
          %dma_wait3A = arith.constant 0 : i32
          %dma_wait3A_67 = tpu.memref_slice %arg7[%add3A_62, %dma_wait3A] : memref<20000x128xf32, #tpu.memory_space<hbm>> -> memref<200x128xf32, #tpu.memory_space<hbm>>
          %dma_wait3A_68 = arith.constant 0 : i32
          %dma_wait3A_69 = tpu.memref_slice %arg8[%mul3A_57, %dma_wait3A_68] : memref<10000x128xf32, #tpu.memory_space<vmem_shared>> -> memref<200x128xf32, #tpu.memory_space<vmem_shared>>
          tpu.wait_dma2 semaphore(%run_scoped3A : memref<!tpu.dma_semaphore, #tpu.memory_space<semaphore_mem>>) src(%dma_wait3A_69 : memref<200x128xf32, #tpu.memory_space<vmem_shared>>) dst(%dma_wait3A_67 : memref<200x128xf32, #tpu.memory_space<hbm>>)
          tpu.yield
        }) : () -> ()
      } else {
      }
    }
    %scan3A_45 = arith.constant 4 : i32
    return
  }
}

module attributes {stable_mosaic.version = 14 : i64} {
  func.func @_qd_body(%arg0: i32, %arg1: memref<2000x128xf32, #tpu.memory_space<vmem>>, %arg2: memref<128x128xf32, #tpu.memory_space<vmem>>, %arg3: memref<1x128xf32, #tpu.memory_space<vmem>>, %arg4: memref<2000x128xf32, #tpu.memory_space<vmem>>) attributes {dimension_semantics = [#tpu.dimension_semantics<arbitrary>], iteration_bounds = array<i64: 5>, scalar_prefetch = 0 : i64, scratch_operands = 0 : i64, tpu.core_type = #tpu.core_type<tc>, window_params = [{transform_indices = @transform_0, window_bounds = array<i64: 2000, 128>}, {pipeline_mode = #tpu.pipeline_mode<synchronous>, transform_indices = @transform_1, window_bounds = array<i64: 128, 128>}, {pipeline_mode = #tpu.pipeline_mode<synchronous>, transform_indices = @transform_2, window_bounds = array<i64: 1, 128>}, {transform_indices = @transform_3, window_bounds = array<i64: 2000, 128>}]} {
    %get3A = arith.constant 0 : index
    %get3A_0 = arith.constant 0 : index
    %get3A_1 = vector.load %arg1[%get3A, %get3A_0] : memref<2000x128xf32, #tpu.memory_space<vmem>>, vector<2000x128xf32>
    %get3A_2 = arith.constant 0 : index
    %get3A_3 = arith.constant 0 : index
    %get3A_4 = vector.load %arg2[%get3A_2, %get3A_3] : memref<128x128xf32, #tpu.memory_space<vmem>>, vector<128x128xf32>
    %dot_general3A = arith.constant dense<0.000000e+00> : vector<2000x128xf32>
    %dot_general3A_5 = tpu.matmul %get3A_1, %get3A_4, %dot_general3A {dimension_numbers = #tpu.dot_dimension_numbers<[1], [0], [0], [1], [0, 0, 1, 1], [], []>, transpose_lhs_hint = false} : vector<2000x128xf32>, vector<128x128xf32>, vector<2000x128xf32> -> vector<2000x128xf32>
    %get3A_6 = arith.constant 0 : index
    %get3A_7 = arith.constant 0 : index
    %get3A_8 = vector.load %arg3[%get3A_6, %get3A_7] : memref<1x128xf32, #tpu.memory_space<vmem>>, vector<1x128xf32>
    %add3A = vector.broadcast %get3A_8 : vector<1x128xf32> to vector<2000x128xf32>
    %add3A_9 = arith.addf %dot_general3A_5, %add3A : vector<2000x128xf32>
    %swap3A = arith.constant 0 : index
    %swap3A_10 = arith.constant 0 : index
    %swap3A_11 = vector.load %arg4[%swap3A, %swap3A_10] : memref<2000x128xf32, #tpu.memory_space<vmem>>, vector<2000x128xf32>
    tpu.vector_store %arg4[%swap3A, %swap3A_10], %add3A_9 {strides = array<i32>} : memref<2000x128xf32, #tpu.memory_space<vmem>>, vector<2000x128xf32>,
    return
  }
  func.func @transform_0(%arg0: i32) -> (i32, i32) {
    %c0_i32 = arith.constant 0 : i32
    %c0_i32_0 = arith.constant 0 : i32
    return %arg0, %c0_i32 : i32, i32
  }
  func.func @transform_1(%arg0: i32) -> (i32, i32) {
    %c0_i32 = arith.constant 0 : i32
    %c0_i32_0 = arith.constant 0 : i32
    %c0_i32_1 = arith.constant 0 : i32
    return %c0_i32, %c0_i32_0 : i32, i32
  }
  func.func @transform_2(%arg0: i32) -> (i32, i32) {
    %c0_i32 = arith.constant 0 : i32
    %c0_i32_0 = arith.constant 0 : i32
    %c0_i32_1 = arith.constant 0 : i32
    return %c0_i32, %c0_i32_0 : i32, i32
  }
  func.func @transform_3(%arg0: i32) -> (i32, i32) {
    %c0_i32 = arith.constant 0 : i32
    %c0_i32_0 = arith.constant 0 : i32
    return %arg0, %c0_i32 : i32, i32
  }
}

module attributes {stable_mosaic.version = 14 : i64} {
  func.func @_edge_body(%arg0: i32, %arg1: memref<3200x128xf32, #tpu.memory_space<vmem>>, %arg2: memref<3200x128xf32, #tpu.memory_space<vmem>>, %arg3: memref<16x3200xf32, #tpu.memory_space<vmem>>, %arg4: memref<1x1x3200xf32, #tpu.memory_space<vmem>>, %arg5: memref<32x1xf32, #tpu.memory_space<vmem>>, %arg6: memref<128x256xf32, #tpu.memory_space<vmem>>, %arg7: memref<16x256xf32, #tpu.memory_space<vmem>>, %arg8: memref<32x256xf32, #tpu.memory_space<vmem>>, %arg9: memref<1x256xf32, #tpu.memory_space<vmem>>, %arg10: memref<128x8xf32, #tpu.memory_space<vmem>>, %arg11: memref<3200x128xf32, #tpu.memory_space<vmem>>, %arg12: memref<3200x128xf32, #tpu.memory_space<vmem>>) attributes {dimension_semantics = [#tpu.dimension_semantics<arbitrary>], iteration_bounds = array<i64: 60>, scalar_prefetch = 0 : i64, scratch_operands = 0 : i64, tpu.core_type = #tpu.core_type<tc>, window_params = [{transform_indices = @transform_0, window_bounds = array<i64: 3200, 128>}, {transform_indices = @transform_1, window_bounds = array<i64: 3200, 128>}, {transform_indices = @transform_2, window_bounds = array<i64: 16, 3200>}, {transform_indices = @transform_3, window_bounds = array<i64: 1, 1, 3200>}, {pipeline_mode = #tpu.pipeline_mode<synchronous>, transform_indices = @transform_4, window_bounds = array<i64: 32, 1>}, {pipeline_mode = #tpu.pipeline_mode<synchronous>, transform_indices = @transform_5, window_bounds = array<i64: 128, 256>}, {pipeline_mode = #tpu.pipeline_mode<synchronous>, transform_indices = @transform_6, window_bounds = array<i64: 16, 256>}, {pipeline_mode = #tpu.pipeline_mode<synchronous>, transform_indices = @transform_7, window_bounds = array<i64: 32, 256>}, {pipeline_mode = #tpu.pipeline_mode<synchronous>, transform_indices = @transform_8, window_bounds = array<i64: 1, 256>}, {pipeline_mode = #tpu.pipeline_mode<synchronous>, transform_indices = @transform_9, window_bounds = array<i64: 128, 8>}, {transform_indices = @transform_10, window_bounds = array<i64: 3200, 128>}, {transform_indices = @transform_11, window_bounds = array<i64: 3200, 128>}]} {
    %get3A = arith.constant 0 : index
    %get3A_0 = arith.constant 0 : index
    %get3A_1 = vector.load %arg5[%get3A, %get3A_0] : memref<32x1xf32, #tpu.memory_space<vmem>>, vector<32x1xf32>
    %get3A_2 = arith.constant 0 : index
    %get3A_3 = arith.constant 0 : index
    %get3A_4 = arith.constant 0 : index
    %get3A_5 = vector.load %arg4[%get3A_2, %get3A_3, %get3A_4] : memref<1x1x3200xf32, #tpu.memory_space<vmem>>, vector<1x1x3200xf32>
    %squeeze3A = vector.shape_cast %get3A_5 : vector<1x1x3200xf32> to vector<1x3200xf32>
    %mul3A = vector.broadcast %get3A_1 : vector<32x1xf32> to vector<32x3200xf32>
    %mul3A_6 = vector.broadcast %squeeze3A : vector<1x3200xf32> to vector<32x3200xf32>
    %mul3A_7 = arith.mulf %mul3A, %mul3A_6 : vector<32x3200xf32>
    %cos3A = math.cos %mul3A_7 : vector<32x3200xf32>
    %get3A_8 = arith.constant 0 : index
    %get3A_9 = arith.constant 0 : index
    %get3A_10 = vector.load %arg1[%get3A_8, %get3A_9] : memref<3200x128xf32, #tpu.memory_space<vmem>>, vector<3200x128xf32>
    %get3A_11 = arith.constant 0 : index
    %get3A_12 = arith.constant 0 : index
    %get3A_13 = vector.load %arg6[%get3A_11, %get3A_12] : memref<128x256xf32, #tpu.memory_space<vmem>>, vector<128x256xf32>
    %dot_general3A = arith.constant dense<0.000000e+00> : vector<3200x256xf32>
    %dot_general3A_14 = tpu.matmul %get3A_10, %get3A_13, %dot_general3A {dimension_numbers = #tpu.dot_dimension_numbers<[1], [0], [0], [1], [0, 0, 1, 1], [], []>, transpose_lhs_hint = false} : vector<3200x128xf32>, vector<128x256xf32>, vector<3200x256xf32> -> vector<3200x256xf32>
    %get3A_15 = arith.constant 0 : index
    %get3A_16 = arith.constant 0 : index
    %get3A_17 = vector.load %arg3[%get3A_15, %get3A_16] : memref<16x3200xf32, #tpu.memory_space<vmem>>, vector<16x3200xf32>
    %get3A_18 = arith.constant 0 : index
    %get3A_19 = arith.constant 0 : index
    %get3A_20 = vector.load %arg7[%get3A_18, %get3A_19] : memref<16x256xf32, #tpu.memory_space<vmem>>, vector<16x256xf32>
    %dot_general3A_21 = arith.constant dense<0.000000e+00> : vector<3200x256xf32>
    %dot_general3A_22 = tpu.matmul %get3A_17, %get3A_20, %dot_general3A_21 {dimension_numbers = #tpu.dot_dimension_numbers<[0], [0], [1], [1], [0, 1, 1, 1], [], []>, transpose_lhs_hint = true} : vector<16x3200xf32>, vector<16x256xf32>, vector<3200x256xf32> -> vector<3200x256xf32>
    %add3A = arith.addf %dot_general3A_14, %dot_general3A_22 : vector<3200x256xf32>
    %get3A_23 = arith.constant 0 : index
    %get3A_24 = arith.constant 0 : index
    %get3A_25 = vector.load %arg8[%get3A_23, %get3A_24] : memref<32x256xf32, #tpu.memory_space<vmem>>, vector<32x256xf32>
    %dot_general3A_26 = arith.constant dense<0.000000e+00> : vector<3200x256xf32>
    %dot_general3A_27 = tpu.matmul %cos3A, %get3A_25, %dot_general3A_26 {dimension_numbers = #tpu.dot_dimension_numbers<[0], [0], [1], [1], [0, 1, 1, 1], [], []>, transpose_lhs_hint = true} : vector<32x3200xf32>, vector<32x256xf32>, vector<3200x256xf32> -> vector<3200x256xf32>
    %add3A_28 = arith.addf %add3A, %dot_general3A_27 : vector<3200x256xf32>
    %get3A_29 = arith.constant 0 : index
    %get3A_30 = arith.constant 0 : index
    %get3A_31 = vector.load %arg9[%get3A_29, %get3A_30] : memref<1x256xf32, #tpu.memory_space<vmem>>, vector<1x256xf32>
    %add3A_32 = vector.broadcast %get3A_31 : vector<1x256xf32> to vector<3200x256xf32>
    %add3A_33 = arith.addf %add3A_28, %add3A_32 : vector<3200x256xf32>
    %slice3A = vector.extract_strided_slice %add3A_33 {offsets = [0, 0], sizes = [3200, 128], strides = [1, 1]} : vector<3200x256xf32> to vector<3200x128xf32>
    %slice3A_34 = vector.extract_strided_slice %add3A_33 {offsets = [0, 128], sizes = [3200, 128], strides = [1, 1]} : vector<3200x256xf32> to vector<3200x128xf32>
    %get3A_35 = arith.constant 0 : index
    %get3A_36 = arith.constant 0 : index
    %get3A_37 = vector.load %arg2[%get3A_35, %get3A_36] : memref<3200x128xf32, #tpu.memory_space<vmem>>, vector<3200x128xf32>
    %mul3A_38 = arith.mulf %get3A_37, %slice3A : vector<3200x128xf32>
    %get3A_39 = arith.constant 0 : index
    %get3A_40 = arith.constant 0 : index
    %get3A_41 = vector.load %arg10[%get3A_39, %get3A_40] : memref<128x8xf32, #tpu.memory_space<vmem>>, vector<128x8xf32>
    %dot_general3A_42 = arith.constant dense<0.000000e+00> : vector<3200x8xf32>
    %dot_general3A_43 = tpu.matmul %mul3A_38, %get3A_41, %dot_general3A_42 {dimension_numbers = #tpu.dot_dimension_numbers<[1], [0], [0], [1], [0, 0, 1, 1], [], []>, transpose_lhs_hint = false} : vector<3200x128xf32>, vector<128x8xf32>, vector<3200x8xf32> -> vector<3200x8xf32>
    %ge3A = arith.constant 0.000000e+00 : f32
    %ge3A_44 = vector.broadcast %ge3A : f32 to vector<3200x8xf32>
    %ge3A_45 = arith.cmpf oge, %dot_general3A_43, %ge3A_44 : vector<3200x8xf32>
    %mul3A_46 = arith.constant 2.000000e-01 : f32
    %mul3A_47 = vector.broadcast %mul3A_46 : f32 to vector<3200x8xf32>
    %mul3A_48 = arith.mulf %mul3A_47, %dot_general3A_43 : vector<3200x8xf32>
    %select_n3A = arith.select %ge3A_45, %dot_general3A_43, %mul3A_48 : vector<3200x8xi1>, vector<3200x8xf32>
    %exp3A = math.exp %select_n3A : vector<3200x8xf32>
    %get3A_49 = arith.constant 0 : index
    %get3A_50 = arith.constant 0 : index
    %get3A_51 = vector.load %arg10[%get3A_49, %get3A_50] : memref<128x8xf32, #tpu.memory_space<vmem>>, vector<128x8xf32>
    %dot_general3A_52 = arith.constant dense<0.000000e+00> : vector<3200x128xf32>
    %dot_general3A_53 = tpu.matmul %exp3A, %get3A_51, %dot_general3A_52 {dimension_numbers = #tpu.dot_dimension_numbers<[1], [1], [0], [0], [0, 0, 1, 0], [], []>, transpose_lhs_hint = false} : vector<3200x8xf32>, vector<128x8xf32>, vector<3200x128xf32> -> vector<3200x128xf32>
    %mul3A_54 = arith.mulf %slice3A_34, %dot_general3A_53 : vector<3200x128xf32>
    %swap3A = arith.constant 0 : index
    %swap3A_55 = arith.constant 0 : index
    %swap3A_56 = vector.load %arg11[%swap3A, %swap3A_55] : memref<3200x128xf32, #tpu.memory_space<vmem>>, vector<3200x128xf32>
    tpu.vector_store %arg11[%swap3A, %swap3A_55], %mul3A_54 {strides = array<i32>} : memref<3200x128xf32, #tpu.memory_space<vmem>>, vector<3200x128xf32>,
    %broadcast_in_dim3A = arith.constant 0.000000e+00 : f32
    %broadcast_in_dim3A_57 = vector.broadcast %broadcast_in_dim3A : f32 to vector<3200x120xf32>
    %concatenate3A = tpu.concatenate %exp3A, %broadcast_in_dim3A_57 in 1 : vector<3200x8xf32>, vector<3200x120xf32> -> vector<3200x128xf32>
    %swap3A_58 = arith.constant 0 : index
    %swap3A_59 = arith.constant 0 : index
    %swap3A_60 = vector.load %arg12[%swap3A_58, %swap3A_59] : memref<3200x128xf32, #tpu.memory_space<vmem>>, vector<3200x128xf32>
    tpu.vector_store %arg12[%swap3A_58, %swap3A_59], %concatenate3A {strides = array<i32>} : memref<3200x128xf32, #tpu.memory_space<vmem>>, vector<3200x128xf32>,
    return
  }
  func.func @transform_0(%arg0: i32) -> (i32, i32) {
    %c0_i32 = arith.constant 0 : i32
    %c0_i32_0 = arith.constant 0 : i32
    return %arg0, %c0_i32 : i32, i32
  }
  func.func @transform_1(%arg0: i32) -> (i32, i32) {
    %c0_i32 = arith.constant 0 : i32
    %c0_i32_0 = arith.constant 0 : i32
    return %arg0, %c0_i32 : i32, i32
  }
  func.func @transform_2(%arg0: i32) -> (i32, i32) {
    %c0_i32 = arith.constant 0 : i32
    %c0_i32_0 = arith.constant 0 : i32
    return %c0_i32, %arg0 : i32, i32
  }
  func.func @transform_3(%arg0: i32) -> (i32, i32, i32) {
    %c0_i32 = arith.constant 0 : i32
    %c0_i32_0 = arith.constant 0 : i32
    %c0_i32_1 = arith.constant 0 : i32
    return %arg0, %c0_i32, %c0_i32_0 : i32, i32, i32
  }
  func.func @transform_4(%arg0: i32) -> (i32, i32) {
    %c0_i32 = arith.constant 0 : i32
    %c0_i32_0 = arith.constant 0 : i32
    %c0_i32_1 = arith.constant 0 : i32
    return %c0_i32, %c0_i32_0 : i32, i32
  }
  func.func @transform_5(%arg0: i32) -> (i32, i32) {
    %c0_i32 = arith.constant 0 : i32
    %c0_i32_0 = arith.constant 0 : i32
    %c0_i32_1 = arith.constant 0 : i32
    return %c0_i32, %c0_i32_0 : i32, i32
  }
  func.func @transform_6(%arg0: i32) -> (i32, i32) {
    %c0_i32 = arith.constant 0 : i32
    %c0_i32_0 = arith.constant 0 : i32
    %c0_i32_1 = arith.constant 0 : i32
    return %c0_i32, %c0_i32_0 : i32, i32
  }
  func.func @transform_7(%arg0: i32) -> (i32, i32) {
    %c0_i32 = arith.constant 0 : i32
    %c0_i32_0 = arith.constant 0 : i32
    %c0_i32_1 = arith.constant 0 : i32
    return %c0_i32, %c0_i32_0 : i32, i32
  }
  func.func @transform_8(%arg0: i32) -> (i32, i32) {
    %c0_i32 = arith.constant 0 : i32
    %c0_i32_0 = arith.constant 0 : i32
    %c0_i32_1 = arith.constant 0 : i32
    return %c0_i32, %c0_i32_0 : i32, i32
  }
  func.func @transform_9(%arg0: i32) -> (i32, i32) {
    %c0_i32 = arith.constant 0 : i32
    %c0_i32_0 = arith.constant 0 : i32
    %c0_i32_1 = arith.constant 0 : i32
    return %c0_i32, %c0_i32_0 : i32, i32
  }
  func.func @transform_10(%arg0: i32) -> (i32, i32) {
    %c0_i32 = arith.constant 0 : i32
    %c0_i32_0 = arith.constant 0 : i32
    return %arg0, %c0_i32 : i32, i32
  }
  func.func @transform_11(%arg0: i32) -> (i32, i32) {
    %c0_i32 = arith.constant 0 : i32
    %c0_i32_0 = arith.constant 0 : i32
    return %arg0, %c0_i32 : i32, i32
  }
}

module attributes {stable_mosaic.version = 14 : i64} {
  func.func @_edge_body(%arg0: i32, %arg1: memref<3200x128xf32, #tpu.memory_space<vmem>>, %arg2: memref<3200x128xf32, #tpu.memory_space<vmem>>, %arg3: memref<16x3200xf32, #tpu.memory_space<vmem>>, %arg4: memref<1x1x3200xf32, #tpu.memory_space<vmem>>, %arg5: memref<32x1xf32, #tpu.memory_space<vmem>>, %arg6: memref<128x256xf32, #tpu.memory_space<vmem>>, %arg7: memref<16x256xf32, #tpu.memory_space<vmem>>, %arg8: memref<32x256xf32, #tpu.memory_space<vmem>>, %arg9: memref<1x256xf32, #tpu.memory_space<vmem>>, %arg10: memref<128x8xf32, #tpu.memory_space<vmem>>, %arg11: memref<3200x128xf32, #tpu.memory_space<vmem>>, %arg12: memref<3200x128xf32, #tpu.memory_space<vmem>>) attributes {dimension_semantics = [#tpu.dimension_semantics<arbitrary>], iteration_bounds = array<i64: 40>, scalar_prefetch = 0 : i64, scratch_operands = 0 : i64, tpu.core_type = #tpu.core_type<tc>, window_params = [{transform_indices = @transform_0, window_bounds = array<i64: 3200, 128>}, {transform_indices = @transform_1, window_bounds = array<i64: 3200, 128>}, {transform_indices = @transform_2, window_bounds = array<i64: 16, 3200>}, {transform_indices = @transform_3, window_bounds = array<i64: 1, 1, 3200>}, {pipeline_mode = #tpu.pipeline_mode<synchronous>, transform_indices = @transform_4, window_bounds = array<i64: 32, 1>}, {pipeline_mode = #tpu.pipeline_mode<synchronous>, transform_indices = @transform_5, window_bounds = array<i64: 128, 256>}, {pipeline_mode = #tpu.pipeline_mode<synchronous>, transform_indices = @transform_6, window_bounds = array<i64: 16, 256>}, {pipeline_mode = #tpu.pipeline_mode<synchronous>, transform_indices = @transform_7, window_bounds = array<i64: 32, 256>}, {pipeline_mode = #tpu.pipeline_mode<synchronous>, transform_indices = @transform_8, window_bounds = array<i64: 1, 256>}, {pipeline_mode = #tpu.pipeline_mode<synchronous>, transform_indices = @transform_9, window_bounds = array<i64: 128, 8>}, {transform_indices = @transform_10, window_bounds = array<i64: 3200, 128>}, {transform_indices = @transform_11, window_bounds = array<i64: 3200, 128>}]} {
    %get3A = arith.constant 0 : index
    %get3A_0 = arith.constant 0 : index
    %get3A_1 = vector.load %arg5[%get3A, %get3A_0] : memref<32x1xf32, #tpu.memory_space<vmem>>, vector<32x1xf32>
    %get3A_2 = arith.constant 0 : index
    %get3A_3 = arith.constant 0 : index
    %get3A_4 = arith.constant 0 : index
    %get3A_5 = vector.load %arg4[%get3A_2, %get3A_3, %get3A_4] : memref<1x1x3200xf32, #tpu.memory_space<vmem>>, vector<1x1x3200xf32>
    %squeeze3A = vector.shape_cast %get3A_5 : vector<1x1x3200xf32> to vector<1x3200xf32>
    %mul3A = vector.broadcast %get3A_1 : vector<32x1xf32> to vector<32x3200xf32>
    %mul3A_6 = vector.broadcast %squeeze3A : vector<1x3200xf32> to vector<32x3200xf32>
    %mul3A_7 = arith.mulf %mul3A, %mul3A_6 : vector<32x3200xf32>
    %cos3A = math.cos %mul3A_7 : vector<32x3200xf32>
    %get3A_8 = arith.constant 0 : index
    %get3A_9 = arith.constant 0 : index
    %get3A_10 = vector.load %arg1[%get3A_8, %get3A_9] : memref<3200x128xf32, #tpu.memory_space<vmem>>, vector<3200x128xf32>
    %get3A_11 = arith.constant 0 : index
    %get3A_12 = arith.constant 0 : index
    %get3A_13 = vector.load %arg6[%get3A_11, %get3A_12] : memref<128x256xf32, #tpu.memory_space<vmem>>, vector<128x256xf32>
    %dot_general3A = arith.constant dense<0.000000e+00> : vector<3200x256xf32>
    %dot_general3A_14 = tpu.matmul %get3A_10, %get3A_13, %dot_general3A {dimension_numbers = #tpu.dot_dimension_numbers<[1], [0], [0], [1], [0, 0, 1, 1], [], []>, transpose_lhs_hint = false} : vector<3200x128xf32>, vector<128x256xf32>, vector<3200x256xf32> -> vector<3200x256xf32>
    %get3A_15 = arith.constant 0 : index
    %get3A_16 = arith.constant 0 : index
    %get3A_17 = vector.load %arg3[%get3A_15, %get3A_16] : memref<16x3200xf32, #tpu.memory_space<vmem>>, vector<16x3200xf32>
    %get3A_18 = arith.constant 0 : index
    %get3A_19 = arith.constant 0 : index
    %get3A_20 = vector.load %arg7[%get3A_18, %get3A_19] : memref<16x256xf32, #tpu.memory_space<vmem>>, vector<16x256xf32>
    %dot_general3A_21 = arith.constant dense<0.000000e+00> : vector<3200x256xf32>
    %dot_general3A_22 = tpu.matmul %get3A_17, %get3A_20, %dot_general3A_21 {dimension_numbers = #tpu.dot_dimension_numbers<[0], [0], [1], [1], [0, 1, 1, 1], [], []>, transpose_lhs_hint = true} : vector<16x3200xf32>, vector<16x256xf32>, vector<3200x256xf32> -> vector<3200x256xf32>
    %add3A = arith.addf %dot_general3A_14, %dot_general3A_22 : vector<3200x256xf32>
    %get3A_23 = arith.constant 0 : index
    %get3A_24 = arith.constant 0 : index
    %get3A_25 = vector.load %arg8[%get3A_23, %get3A_24] : memref<32x256xf32, #tpu.memory_space<vmem>>, vector<32x256xf32>
    %dot_general3A_26 = arith.constant dense<0.000000e+00> : vector<3200x256xf32>
    %dot_general3A_27 = tpu.matmul %cos3A, %get3A_25, %dot_general3A_26 {dimension_numbers = #tpu.dot_dimension_numbers<[0], [0], [1], [1], [0, 1, 1, 1], [], []>, transpose_lhs_hint = true} : vector<32x3200xf32>, vector<32x256xf32>, vector<3200x256xf32> -> vector<3200x256xf32>
    %add3A_28 = arith.addf %add3A, %dot_general3A_27 : vector<3200x256xf32>
    %get3A_29 = arith.constant 0 : index
    %get3A_30 = arith.constant 0 : index
    %get3A_31 = vector.load %arg9[%get3A_29, %get3A_30] : memref<1x256xf32, #tpu.memory_space<vmem>>, vector<1x256xf32>
    %add3A_32 = vector.broadcast %get3A_31 : vector<1x256xf32> to vector<3200x256xf32>
    %add3A_33 = arith.addf %add3A_28, %add3A_32 : vector<3200x256xf32>
    %slice3A = vector.extract_strided_slice %add3A_33 {offsets = [0, 0], sizes = [3200, 128], strides = [1, 1]} : vector<3200x256xf32> to vector<3200x128xf32>
    %slice3A_34 = vector.extract_strided_slice %add3A_33 {offsets = [0, 128], sizes = [3200, 128], strides = [1, 1]} : vector<3200x256xf32> to vector<3200x128xf32>
    %get3A_35 = arith.constant 0 : index
    %get3A_36 = arith.constant 0 : index
    %get3A_37 = vector.load %arg2[%get3A_35, %get3A_36] : memref<3200x128xf32, #tpu.memory_space<vmem>>, vector<3200x128xf32>
    %mul3A_38 = arith.mulf %get3A_37, %slice3A : vector<3200x128xf32>
    %get3A_39 = arith.constant 0 : index
    %get3A_40 = arith.constant 0 : index
    %get3A_41 = vector.load %arg10[%get3A_39, %get3A_40] : memref<128x8xf32, #tpu.memory_space<vmem>>, vector<128x8xf32>
    %dot_general3A_42 = arith.constant dense<0.000000e+00> : vector<3200x8xf32>
    %dot_general3A_43 = tpu.matmul %mul3A_38, %get3A_41, %dot_general3A_42 {dimension_numbers = #tpu.dot_dimension_numbers<[1], [0], [0], [1], [0, 0, 1, 1], [], []>, transpose_lhs_hint = false} : vector<3200x128xf32>, vector<128x8xf32>, vector<3200x8xf32> -> vector<3200x8xf32>
    %ge3A = arith.constant 0.000000e+00 : f32
    %ge3A_44 = vector.broadcast %ge3A : f32 to vector<3200x8xf32>
    %ge3A_45 = arith.cmpf oge, %dot_general3A_43, %ge3A_44 : vector<3200x8xf32>
    %mul3A_46 = arith.constant 2.000000e-01 : f32
    %mul3A_47 = vector.broadcast %mul3A_46 : f32 to vector<3200x8xf32>
    %mul3A_48 = arith.mulf %mul3A_47, %dot_general3A_43 : vector<3200x8xf32>
    %select_n3A = arith.select %ge3A_45, %dot_general3A_43, %mul3A_48 : vector<3200x8xi1>, vector<3200x8xf32>
    %exp3A = math.exp %select_n3A : vector<3200x8xf32>
    %get3A_49 = arith.constant 0 : index
    %get3A_50 = arith.constant 0 : index
    %get3A_51 = vector.load %arg10[%get3A_49, %get3A_50] : memref<128x8xf32, #tpu.memory_space<vmem>>, vector<128x8xf32>
    %dot_general3A_52 = arith.constant dense<0.000000e+00> : vector<3200x128xf32>
    %dot_general3A_53 = tpu.matmul %exp3A, %get3A_51, %dot_general3A_52 {dimension_numbers = #tpu.dot_dimension_numbers<[1], [1], [0], [0], [0, 0, 1, 0], [], []>, transpose_lhs_hint = false} : vector<3200x8xf32>, vector<128x8xf32>, vector<3200x128xf32> -> vector<3200x128xf32>
    %mul3A_54 = arith.mulf %slice3A_34, %dot_general3A_53 : vector<3200x128xf32>
    %swap3A = arith.constant 0 : index
    %swap3A_55 = arith.constant 0 : index
    %swap3A_56 = vector.load %arg11[%swap3A, %swap3A_55] : memref<3200x128xf32, #tpu.memory_space<vmem>>, vector<3200x128xf32>
    tpu.vector_store %arg11[%swap3A, %swap3A_55], %mul3A_54 {strides = array<i32>} : memref<3200x128xf32, #tpu.memory_space<vmem>>, vector<3200x128xf32>,
    %broadcast_in_dim3A = arith.constant 0.000000e+00 : f32
    %broadcast_in_dim3A_57 = vector.broadcast %broadcast_in_dim3A : f32 to vector<3200x120xf32>
    %concatenate3A = tpu.concatenate %exp3A, %broadcast_in_dim3A_57 in 1 : vector<3200x8xf32>, vector<3200x120xf32> -> vector<3200x128xf32>
    %swap3A_58 = arith.constant 0 : index
    %swap3A_59 = arith.constant 0 : index
    %swap3A_60 = vector.load %arg12[%swap3A_58, %swap3A_59] : memref<3200x128xf32, #tpu.memory_space<vmem>>, vector<3200x128xf32>
    tpu.vector_store %arg12[%swap3A_58, %swap3A_59], %concatenate3A {strides = array<i32>} : memref<3200x128xf32, #tpu.memory_space<vmem>>, vector<3200x128xf32>,
    return
  }
  func.func @transform_0(%arg0: i32) -> (i32, i32) {
    %c0_i32 = arith.constant 0 : i32
    %c0_i32_0 = arith.constant 0 : i32
    return %arg0, %c0_i32 : i32, i32
  }
  func.func @transform_1(%arg0: i32) -> (i32, i32) {
    %c0_i32 = arith.constant 0 : i32
    %c0_i32_0 = arith.constant 0 : i32
    return %arg0, %c0_i32 : i32, i32
  }
  func.func @transform_2(%arg0: i32) -> (i32, i32) {
    %c0_i32 = arith.constant 0 : i32
    %c0_i32_0 = arith.constant 0 : i32
    return %c0_i32, %arg0 : i32, i32
  }
  func.func @transform_3(%arg0: i32) -> (i32, i32, i32) {
    %c0_i32 = arith.constant 0 : i32
    %c0_i32_0 = arith.constant 0 : i32
    %c0_i32_1 = arith.constant 0 : i32
    return %arg0, %c0_i32, %c0_i32_0 : i32, i32, i32
  }
  func.func @transform_4(%arg0: i32) -> (i32, i32) {
    %c0_i32 = arith.constant 0 : i32
    %c0_i32_0 = arith.constant 0 : i32
    %c0_i32_1 = arith.constant 0 : i32
    return %c0_i32, %c0_i32_0 : i32, i32
  }
  func.func @transform_5(%arg0: i32) -> (i32, i32) {
    %c0_i32 = arith.constant 0 : i32
    %c0_i32_0 = arith.constant 0 : i32
    %c0_i32_1 = arith.constant 0 : i32
    return %c0_i32, %c0_i32_0 : i32, i32
  }
  func.func @transform_6(%arg0: i32) -> (i32, i32) {
    %c0_i32 = arith.constant 0 : i32
    %c0_i32_0 = arith.constant 0 : i32
    %c0_i32_1 = arith.constant 0 : i32
    return %c0_i32, %c0_i32_0 : i32, i32
  }
  func.func @transform_7(%arg0: i32) -> (i32, i32) {
    %c0_i32 = arith.constant 0 : i32
    %c0_i32_0 = arith.constant 0 : i32
    %c0_i32_1 = arith.constant 0 : i32
    return %c0_i32, %c0_i32_0 : i32, i32
  }
  func.func @transform_8(%arg0: i32) -> (i32, i32) {
    %c0_i32 = arith.constant 0 : i32
    %c0_i32_0 = arith.constant 0 : i32
    %c0_i32_1 = arith.constant 0 : i32
    return %c0_i32, %c0_i32_0 : i32, i32
  }
  func.func @transform_9(%arg0: i32) -> (i32, i32) {
    %c0_i32 = arith.constant 0 : i32
    %c0_i32_0 = arith.constant 0 : i32
    %c0_i32_1 = arith.constant 0 : i32
    return %c0_i32, %c0_i32_0 : i32, i32
  }
  func.func @transform_10(%arg0: i32) -> (i32, i32) {
    %c0_i32 = arith.constant 0 : i32
    %c0_i32_0 = arith.constant 0 : i32
    return %arg0, %c0_i32 : i32, i32
  }
  func.func @transform_11(%arg0: i32) -> (i32, i32) {
    %c0_i32 = arith.constant 0 : i32
    %c0_i32_0 = arith.constant 0 : i32
    return %arg0, %c0_i32 : i32, i32
  }
}

module attributes {stable_mosaic.version = 14 : i64} {
  func.func @_final_body(%arg0: i32, %arg1: memref<2000x128xf32, #tpu.memory_space<vmem>>, %arg2: memref<2000x128xf32, #tpu.memory_space<vmem>>, %arg3: memref<2000x128xf32, #tpu.memory_space<vmem>>, %arg4: memref<2000x128xf32, #tpu.memory_space<vmem>>, %arg5: memref<2000x128xf32, #tpu.memory_space<vmem>>, %arg6: memref<2000x128xf32, #tpu.memory_space<vmem>>, %arg7: memref<2000x128xf32, #tpu.memory_space<vmem>>, %arg8: memref<2000x128xf32, #tpu.memory_space<vmem>>, %arg9: memref<2000x128xf32, #tpu.memory_space<vmem>>, %arg10: memref<128x128xf32, #tpu.memory_space<vmem>>, %arg11: memref<128x128xf32, #tpu.memory_space<vmem>>, %arg12: memref<1x128xf32, #tpu.memory_space<vmem>>, %arg13: memref<1x128xf32, #tpu.memory_space<vmem>>, %arg14: memref<1x128xf32, #tpu.memory_space<vmem>>, %arg15: memref<128x8xf32, #tpu.memory_space<vmem>>, %arg16: memref<2000x128xf32, #tpu.memory_space<vmem>>) attributes {dimension_semantics = [#tpu.dimension_semantics<arbitrary>], iteration_bounds = array<i64: 5>, scalar_prefetch = 0 : i64, scratch_operands = 0 : i64, tpu.core_type = #tpu.core_type<tc>, window_params = [{transform_indices = @transform_0, window_bounds = array<i64: 2000, 128>}, {transform_indices = @transform_1, window_bounds = array<i64: 2000, 128>}, {transform_indices = @transform_2, window_bounds = array<i64: 2000, 128>}, {transform_indices = @transform_3, window_bounds = array<i64: 2000, 128>}, {transform_indices = @transform_4, window_bounds = array<i64: 2000, 128>}, {transform_indices = @transform_5, window_bounds = array<i64: 2000, 128>}, {transform_indices = @transform_6, window_bounds = array<i64: 2000, 128>}, {transform_indices = @transform_7, window_bounds = array<i64: 2000, 128>}, {transform_indices = @transform_8, window_bounds = array<i64: 2000, 128>}, {pipeline_mode = #tpu.pipeline_mode<synchronous>, transform_indices = @transform_9, window_bounds = array<i64: 128, 128>}, {pipeline_mode = #tpu.pipeline_mode<synchronous>, transform_indices = @transform_10, window_bounds = array<i64: 128, 128>}, {pipeline_mode = #tpu.pipeline_mode<synchronous>, transform_indices = @transform_11, window_bounds = array<i64: 1, 128>}, {pipeline_mode = #tpu.pipeline_mode<synchronous>, transform_indices = @transform_12, window_bounds = array<i64: 1, 128>}, {pipeline_mode = #tpu.pipeline_mode<synchronous>, transform_indices = @transform_13, window_bounds = array<i64: 1, 128>}, {pipeline_mode = #tpu.pipeline_mode<synchronous>, transform_indices = @transform_14, window_bounds = array<i64: 128, 8>}, {transform_indices = @transform_15, window_bounds = array<i64: 2000, 128>}]} {
    %get3A = arith.constant 0 : index
    %get3A_0 = arith.constant 0 : index
    %get3A_1 = vector.load %arg1[%get3A, %get3A_0] : memref<2000x128xf32, #tpu.memory_space<vmem>>, vector<2000x128xf32>
    %get3A_2 = arith.constant 0 : index
    %get3A_3 = arith.constant 0 : index
    %get3A_4 = vector.load %arg2[%get3A_2, %get3A_3] : memref<2000x128xf32, #tpu.memory_space<vmem>>, vector<2000x128xf32>
    %add3A = arith.addf %get3A_1, %get3A_4 : vector<2000x128xf32>
    %get3A_5 = arith.constant 0 : index
    %get3A_6 = arith.constant 0 : index
    %get3A_7 = vector.load %arg3[%get3A_5, %get3A_6] : memref<2000x128xf32, #tpu.memory_space<vmem>>, vector<2000x128xf32>
    %add3A_8 = arith.addf %add3A, %get3A_7 : vector<2000x128xf32>
    %get3A_9 = arith.constant 0 : index
    %get3A_10 = arith.constant 0 : index
    %get3A_11 = vector.load %arg4[%get3A_9, %get3A_10] : memref<2000x128xf32, #tpu.memory_space<vmem>>, vector<2000x128xf32>
    %add3A_12 = arith.addf %add3A_8, %get3A_11 : vector<2000x128xf32>
    %get3A_13 = arith.constant 0 : index
    %get3A_14 = arith.constant 0 : index
    %get3A_15 = vector.load %arg5[%get3A_13, %get3A_14] : memref<2000x128xf32, #tpu.memory_space<vmem>>, vector<2000x128xf32>
    %slice3A = vector.extract_strided_slice %get3A_15 {offsets = [0, 0], sizes = [2000, 8], strides = [1, 1]} : vector<2000x128xf32> to vector<2000x8xf32>
    %get3A_16 = arith.constant 0 : index
    %get3A_17 = arith.constant 0 : index
    %get3A_18 = vector.load %arg6[%get3A_16, %get3A_17] : memref<2000x128xf32, #tpu.memory_space<vmem>>, vector<2000x128xf32>
    %slice3A_19 = vector.extract_strided_slice %get3A_18 {offsets = [0, 0], sizes = [2000, 8], strides = [1, 1]} : vector<2000x128xf32> to vector<2000x8xf32>
    %add3A_20 = arith.addf %slice3A, %slice3A_19 : vector<2000x8xf32>
    %get3A_21 = arith.constant 0 : index
    %get3A_22 = arith.constant 0 : index
    %get3A_23 = vector.load %arg7[%get3A_21, %get3A_22] : memref<2000x128xf32, #tpu.memory_space<vmem>>, vector<2000x128xf32>
    %slice3A_24 = vector.extract_strided_slice %get3A_23 {offsets = [0, 0], sizes = [2000, 8], strides = [1, 1]} : vector<2000x128xf32> to vector<2000x8xf32>
    %add3A_25 = arith.addf %add3A_20, %slice3A_24 : vector<2000x8xf32>
    %get3A_26 = arith.constant 0 : index
    %get3A_27 = arith.constant 0 : index
    %get3A_28 = vector.load %arg8[%get3A_26, %get3A_27] : memref<2000x128xf32, #tpu.memory_space<vmem>>, vector<2000x128xf32>
    %slice3A_29 = vector.extract_strided_slice %get3A_28 {offsets = [0, 0], sizes = [2000, 8], strides = [1, 1]} : vector<2000x128xf32> to vector<2000x8xf32>
    %add3A_30 = arith.addf %add3A_25, %slice3A_29 : vector<2000x8xf32>
    %eq3A = arith.constant 0.000000e+00 : f32
    %eq3A_31 = vector.broadcast %eq3A : f32 to vector<2000x8xf32>
    %eq3A_32 = arith.cmpf oeq, %add3A_30, %eq3A_31 : vector<2000x8xf32>
    %jit3A = arith.constant 1.000000e+00 : f32
    %broadcast_in_dim3A = vector.broadcast %jit3A : f32 to vector<2000x8xf32>
    %select_n3A = arith.select %eq3A_32, %broadcast_in_dim3A, %add3A_30 : vector<2000x8xi1>, vector<2000x8xf32>
    %get3A_33 = arith.constant 0 : index
    %get3A_34 = arith.constant 0 : index
    %get3A_35 = vector.load %arg15[%get3A_33, %get3A_34] : memref<128x8xf32, #tpu.memory_space<vmem>>, vector<128x8xf32>
    %dot_general3A = arith.constant dense<0.000000e+00> : vector<2000x128xf32>
    %dot_general3A_36 = tpu.matmul %select_n3A, %get3A_35, %dot_general3A {dimension_numbers = #tpu.dot_dimension_numbers<[1], [1], [0], [0], [0, 0, 1, 0], [], []>, transpose_lhs_hint = false} : vector<2000x8xf32>, vector<128x8xf32>, vector<2000x128xf32> -> vector<2000x128xf32>
    %div3A = arith.divf %add3A_12, %dot_general3A_36 : vector<2000x128xf32>
    %get3A_37 = arith.constant 0 : index
    %get3A_38 = arith.constant 0 : index
    %get3A_39 = vector.load %arg10[%get3A_37, %get3A_38] : memref<128x128xf32, #tpu.memory_space<vmem>>, vector<128x128xf32>
    %dot_general3A_40 = arith.constant dense<0.000000e+00> : vector<2000x128xf32>
    %dot_general3A_41 = tpu.matmul %div3A, %get3A_39, %dot_general3A_40 {dimension_numbers = #tpu.dot_dimension_numbers<[1], [0], [0], [1], [0, 0, 1, 1], [], []>, transpose_lhs_hint = false} : vector<2000x128xf32>, vector<128x128xf32>, vector<2000x128xf32> -> vector<2000x128xf32>
    %get3A_42 = arith.constant 0 : index
    %get3A_43 = arith.constant 0 : index
    %get3A_44 = vector.load %arg9[%get3A_42, %get3A_43] : memref<2000x128xf32, #tpu.memory_space<vmem>>, vector<2000x128xf32>
    %get3A_45 = arith.constant 0 : index
    %get3A_46 = arith.constant 0 : index
    %get3A_47 = vector.load %arg11[%get3A_45, %get3A_46] : memref<128x128xf32, #tpu.memory_space<vmem>>, vector<128x128xf32>
    %dot_general3A_48 = arith.constant dense<0.000000e+00> : vector<2000x128xf32>
    %dot_general3A_49 = tpu.matmul %get3A_44, %get3A_47, %dot_general3A_48 {dimension_numbers = #tpu.dot_dimension_numbers<[1], [0], [0], [1], [0, 0, 1, 1], [], []>, transpose_lhs_hint = false} : vector<2000x128xf32>, vector<128x128xf32>, vector<2000x128xf32> -> vector<2000x128xf32>
    %add3A_50 = arith.addf %dot_general3A_41, %dot_general3A_49 : vector<2000x128xf32>
    %get3A_51 = arith.constant 0 : index
    %get3A_52 = arith.constant 0 : index
    %get3A_53 = vector.load %arg12[%get3A_51, %get3A_52] : memref<1x128xf32, #tpu.memory_space<vmem>>, vector<1x128xf32>
    %add3A_54 = vector.broadcast %get3A_53 : vector<1x128xf32> to vector<2000x128xf32>
    %add3A_55 = arith.addf %add3A_50, %add3A_54 : vector<2000x128xf32>
    %max3A = arith.constant 0.000000e+00 : f32
    %max3A_56 = vector.broadcast %max3A : f32 to vector<2000x128xf32>
    %max3A_57 = arith.maximumf %add3A_55, %max3A_56 : vector<2000x128xf32>
    %reduce_sum3A = arith.constant dense<0.000000e+00> : vector<2000xf32>
    %reduce_sum3A_58 = vector.multi_reduction <add>, %max3A_57, %reduce_sum3A [1] : vector<2000x128xf32> to vector<2000xf32>
    %broadcast_in_dim3A_59 = vector.shape_cast %reduce_sum3A_58 : vector<2000xf32> to vector<2000x1xf32>
    %div3A_60 = arith.constant 1.280000e+02 : f32
    %div3A_61 = vector.broadcast %div3A_60 : f32 to vector<2000x1xf32>
    %div3A_62 = arith.divf %broadcast_in_dim3A_59, %div3A_61 : vector<2000x1xf32>
    %sub3A = vector.broadcast %div3A_62 : vector<2000x1xf32> to vector<2000x128xf32>
    %sub3A_63 = arith.subf %max3A_57, %sub3A : vector<2000x128xf32>
    %integer_pow3A = arith.mulf %sub3A_63, %sub3A_63 : vector<2000x128xf32>
    %reduce_sum3A_64 = arith.constant dense<0.000000e+00> : vector<2000xf32>
    %reduce_sum3A_65 = vector.multi_reduction <add>, %integer_pow3A, %reduce_sum3A_64 [1] : vector<2000x128xf32> to vector<2000xf32>
    %broadcast_in_dim3A_66 = vector.shape_cast %reduce_sum3A_65 : vector<2000xf32> to vector<2000x1xf32>
    %div3A_67 = arith.constant 1.280000e+02 : f32
    %div3A_68 = vector.broadcast %div3A_67 : f32 to vector<2000x1xf32>
    %div3A_69 = arith.divf %broadcast_in_dim3A_66, %div3A_68 : vector<2000x1xf32>
    %sub3A_70 = vector.broadcast %div3A_62 : vector<2000x1xf32> to vector<2000x128xf32>
    %sub3A_71 = arith.subf %max3A_57, %sub3A_70 : vector<2000x128xf32>
    %add3A_72 = arith.constant 9.99999974E-6 : f32
    %add3A_73 = vector.broadcast %add3A_72 : f32 to vector<2000x1xf32>
    %add3A_74 = arith.addf %div3A_69, %add3A_73 : vector<2000x1xf32>
    %rsqrt3A = math.rsqrt %add3A_74 : vector<2000x1xf32>
    %mul3A = vector.broadcast %rsqrt3A : vector<2000x1xf32> to vector<2000x128xf32>
    %mul3A_75 = arith.mulf %sub3A_71, %mul3A : vector<2000x128xf32>
    %get3A_76 = arith.constant 0 : index
    %get3A_77 = arith.constant 0 : index
    %get3A_78 = vector.load %arg13[%get3A_76, %get3A_77] : memref<1x128xf32, #tpu.memory_space<vmem>>, vector<1x128xf32>
    %mul3A_79 = vector.broadcast %get3A_78 : vector<1x128xf32> to vector<2000x128xf32>
    %mul3A_80 = arith.mulf %mul3A_75, %mul3A_79 : vector<2000x128xf32>
    %get3A_81 = arith.constant 0 : index
    %get3A_82 = arith.constant 0 : index
    %get3A_83 = vector.load %arg14[%get3A_81, %get3A_82] : memref<1x128xf32, #tpu.memory_space<vmem>>, vector<1x128xf32>
    %add3A_84 = vector.broadcast %get3A_83 : vector<1x128xf32> to vector<2000x128xf32>
    %add3A_85 = arith.addf %mul3A_80, %add3A_84 : vector<2000x128xf32>
    %swap3A = arith.constant 0 : index
    %swap3A_86 = arith.constant 0 : index
    %swap3A_87 = vector.load %arg16[%swap3A, %swap3A_86] : memref<2000x128xf32, #tpu.memory_space<vmem>>, vector<2000x128xf32>
    tpu.vector_store %arg16[%swap3A, %swap3A_86], %add3A_85 {strides = array<i32>} : memref<2000x128xf32, #tpu.memory_space<vmem>>, vector<2000x128xf32>,
    return
  }
  func.func @transform_0(%arg0: i32) -> (i32, i32) {
    %c0_i32 = arith.constant 0 : i32
    %c0_i32_0 = arith.constant 0 : i32
    return %arg0, %c0_i32 : i32, i32
  }
  func.func @transform_1(%arg0: i32) -> (i32, i32) {
    %add3A = arith.constant 5 : i32
    %add3A_0 = arith.addi %arg0, %add3A : i32
    %c0_i32 = arith.constant 0 : i32
    %c0_i32_1 = arith.constant 0 : i32
    return %add3A_0, %c0_i32 : i32, i32
  }
  func.func @transform_2(%arg0: i32) -> (i32, i32) {
    %c0_i32 = arith.constant 0 : i32
    %c0_i32_0 = arith.constant 0 : i32
    return %arg0, %c0_i32 : i32, i32
  }
  func.func @transform_3(%arg0: i32) -> (i32, i32) {
    %add3A = arith.constant 5 : i32
    %add3A_0 = arith.addi %arg0, %add3A : i32
    %c0_i32 = arith.constant 0 : i32
    %c0_i32_1 = arith.constant 0 : i32
    return %add3A_0, %c0_i32 : i32, i32
  }
  func.func @transform_4(%arg0: i32) -> (i32, i32) {
    %c0_i32 = arith.constant 0 : i32
    %c0_i32_0 = arith.constant 0 : i32
    return %arg0, %c0_i32 : i32, i32
  }
  func.func @transform_5(%arg0: i32) -> (i32, i32) {
    %add3A = arith.constant 5 : i32
    %add3A_0 = arith.addi %arg0, %add3A : i32
    %c0_i32 = arith.constant 0 : i32
    %c0_i32_1 = arith.constant 0 : i32
    return %add3A_0, %c0_i32 : i32, i32
  }
  func.func @transform_6(%arg0: i32) -> (i32, i32) {
    %c0_i32 = arith.constant 0 : i32
    %c0_i32_0 = arith.constant 0 : i32
    return %arg0, %c0_i32 : i32, i32
  }
  func.func @transform_7(%arg0: i32) -> (i32, i32) {
    %add3A = arith.constant 5 : i32
    %add3A_0 = arith.addi %arg0, %add3A : i32
    %c0_i32 = arith.constant 0 : i32
    %c0_i32_1 = arith.constant 0 : i32
    return %add3A_0, %c0_i32 : i32, i32
  }
  func.func @transform_8(%arg0: i32) -> (i32, i32) {
    %c0_i32 = arith.constant 0 : i32
    %c0_i32_0 = arith.constant 0 : i32
    return %arg0, %c0_i32 : i32, i32
  }
  func.func @transform_9(%arg0: i32) -> (i32, i32) {
    %c0_i32 = arith.constant 0 : i32
    %c0_i32_0 = arith.constant 0 : i32
    %c0_i32_1 = arith.constant 0 : i32
    return %c0_i32, %c0_i32_0 : i32, i32
  }
  func.func @transform_10(%arg0: i32) -> (i32, i32) {
    %c0_i32 = arith.constant 0 : i32
    %c0_i32_0 = arith.constant 0 : i32
    %c0_i32_1 = arith.constant 0 : i32
    return %c0_i32, %c0_i32_0 : i32, i32
  }
  func.func @transform_11(%arg0: i32) -> (i32, i32) {
    %c0_i32 = arith.constant 0 : i32
    %c0_i32_0 = arith.constant 0 : i32
    %c0_i32_1 = arith.constant 0 : i32
    return %c0_i32, %c0_i32_0 : i32, i32
  }
  func.func @transform_12(%arg0: i32) -> (i32, i32) {
    %c0_i32 = arith.constant 0 : i32
    %c0_i32_0 = arith.constant 0 : i32
    %c0_i32_1 = arith.constant 0 : i32
    return %c0_i32, %c0_i32_0 : i32, i32
  }
  func.func @transform_13(%arg0: i32) -> (i32, i32) {
    %c0_i32 = arith.constant 0 : i32
    %c0_i32_0 = arith.constant 0 : i32
    %c0_i32_1 = arith.constant 0 : i32
    return %c0_i32, %c0_i32_0 : i32, i32
  }
  func.func @transform_14(%arg0: i32) -> (i32, i32) {
    %c0_i32 = arith.constant 0 : i32
    %c0_i32_0 = arith.constant 0 : i32
    %c0_i32_1 = arith.constant 0 : i32
    return %c0_i32, %c0_i32_0 : i32, i32
  }
  func.func @transform_15(%arg0: i32) -> (i32, i32) {
    %c0_i32 = arith.constant 0 : i32
    %c0_i32_0 = arith.constant 0 : i32
    return %arg0, %c0_i32 : i32, i32
  }
}

</mosaic_0001>

<sc_bundles>
// kernel: kernel.10.cloned.1.call-start
scs
__scs_entry_jumppad:
0x0: {  	(pc) =	sbr.rel $0x88, $3  }
0x1: {  	(tag) =	ssettag $0x0;
	lr =	simm.s32 $0x1  }
0x2: {  	[smem:$0x3F91] =	sst lr;
	_ =	strace $0xD0000000  }
0x3: {  	_ = 	snop  }
0x4: {  	_ = 	snop  }
0x5: {  	_ = 	snop  }
0x6: {  	_ = 	snop  }
0x7: {  	_ = 	snop  }
__scs_overlays_trampoline_lowered:
0x8: {  	[smem:$0x3FA0] =	sst s0  }
0x9: {  	[smem:$0x3FA1] =	sst s1  }
0xa: {  	[smem:$0x3FA2] =	sst s2  }
0xb: {  	[smem:$0x3FA3] =	sst s3  }
0xc: {  	[smem:$0x3FA4] =	sst s4  }
0xd: {  	[smem:$0x3FA5] =	sst s5  }
0xe: {  	[smem:$0x3FA6] =	sst s6  }
0xf: {  	[smem:$0x3FA7] =	sst s7  }
0x10: {  	[smem:$0x3FA8] =	sst s8  }
0x11: {  	[smem:$0x3FA9] =	sst s9;
	s0 =	simm.s32 @!p0 $0x0  }
0x12: {  	s1 =	sld [smem:$0x3F8F];
	s0 =	simm.s32 @p0 $0x1  }
0x13: {  	[smem:$0x3FAA] =	sst s0;
	s0 =	simm.s32 @!p1 $0x0  }
0x14: {  	s2 =	sld [smem:$0x3F8E];
	s0 =	simm.s32 @p1 $0x1  }
0x15: {  	[smem:$0x3FAB] =	sst s0;
	s0 =	simm.s32 @!p2 $0x0  }
0x16: {  	s3 =	sld [smem:$0x3FDB];
	s0 =	simm.s32 @p2 $0x1  }
0x17: {  	s4 =	simm.s32 $0x1BF5;
	[smem:$0x3FAD] =	sst s0  }
0x18: {  	s0 =	sld [smem:$0x3F90];
	_ =	swait.ge [sflag:s4], $0x0  }
0x19: {  	s7 =	sld [smem:$0x3F91]  }
0x1a: {  	s8 =	sadd.s32 $0xFFFFE003, lr  }
0x1b: {  	s9 =	sadd.s32 $0xFFFFFEF7, lr;
	s5 =	simm.s32 $0xFFFFFFFF;
	p2 =	slt.u32 s8, $0xFFFFF086  }
0x1c: {  	p1 =	slt.u32 s9, $0xF7A;
	s5 =	simm.s32 @!p2 $0x0  }
0x1d: {  	s5 =	simm.s32 @p1 $0x1;
	p0 =	seq.s32 s7, s2  }
0x1e: {  	s7 =	smul.u32 @!p0 $0xF7A, s2;
	p2 =	seq.s32 @!p0 s5, $0x0  }
0x1f: {  	s9 =	smul.u32 $0xF7A, s1;
	s8 =	simm.s32 @!p0 $0x1BF5;
	p2 =	por !p2, p0  }
0x20: {  	[sflag:s8] =	ssyncset.s32 @!p0 $0xFFFFF086;
	s6 =	sadd.s32 @!p0 s3, s7;
	s7 =	simm.s32 @!p0 $0x108  }
0x21: {  	s3 =	sadd.s32 s3, s9;
	s6 =	sadd.s32 @!p0 $0x88, s6;
	s7 =	simm.s32 @p2 $0x1082  }
0x22: {  	[simem:s7], [sflag:s8] =	dma.local @!p0 [hbm:s6], $0xF7A  }
0x23: {  	s9 =	sor.u32 $0xD0000000, s2;
	s6 =	simm.s32 $0x108;
	_ =	swait.ge @!p0 [sflag:s8], $0x0  }
0x24: {  	s3 =	sadd.s32 $0x88, s3;
	s6 =	simm.s32 @!p1 $0x1082;
	[sflag:s4] =	ssyncset.s32 $0xFFFFF086  }
0x25: {  	[simem:s6], [sflag:s4] =	dma.local [hbm:s3], $0xF7A  }
0x26: {  	[smem:$0x3F91] =	sst s1;
	(tag) =	ssettag s2;
	_ =	strace s9  }
0x27: {  	s1 =	sld [smem:$0x3FA1]  }
0x28: {  	s2 =	sld [smem:$0x3FA2]  }
0x29: {  	s4 =	sld [smem:$0x3FA4]  }
0x2a: {  	p0 =	seq.s32 s5, $0x0;
	s5 =	sld [smem:$0x3FA5]  }
0x2b: {  	s6 =	sld [smem:$0x3FA6]  }
0x2c: {  	s7 =	sld [smem:$0x3FA7]  }
0x2d: {  	s3 =	simm.s32 $0x108;
	s8 =	sld [smem:$0x3FA8]  }
0x2e: {  	s3 =	simm.s32 @!p0 $0x1082;
	s9 =	sld [smem:$0x3FA9]  }
0x2f: {  	lr =	sadd.s32 s0, s3;
	s0 =	sld [smem:$0x3FA0]  }
0x30: {  	s3 =	sld [smem:$0x3FA3]  }
0x31: {  	[smem:$0x3FAC] =	sst s10  }
0x32: {  	s10 =	sld [smem:$0x3FAA];
	_ =	sdelay $0x3  }
0x33: {  	p0 =	seq.s32 s10, $0x1;
	s10 =	sld [smem:$0x3FAC];
	_ =	sdelay $0x3  }
0x34: {  	[smem:$0x3FAC] =	sst s10  }
0x35: {  	s10 =	sld [smem:$0x3FAB];
	_ =	sdelay $0x3  }
0x36: {  	p1 =	seq.s32 s10, $0x1;
	s10 =	sld [smem:$0x3FAC];
	_ =	sdelay $0x3  }
0x37: {  	[smem:$0x3FAC] =	sst s10  }
0x38: {  	s10 =	sld [smem:$0x3FAD]  }
0x39: {  	_ = 	snop;
	(pc) =	sbr.ind lr, $3  }
0x3a: {  	_ = 	snop  }
0x3b: {  	_ = 	snop  }
0x3c: {  	p2 =	seq.s32 s10, $0x1;
	s10 =	sld [smem:$0x3FAC]  }
0x3d: {  	_ =	shalt  }
0x3e: {  	_ =	shalt  }
0x3f: {  	_ =	shalt  }
0x40: {  	_ =	shalt  }
0x41: {  	_ =	shalt  }
0x42: {  	_ =	shalt  }
0x43: {  	_ =	shalt  }
0x44: {  	_ =	shalt  }
0x45: {  	_ =	shalt  }
0x46: {  	_ =	shalt  }
0x47: {  	_ =	shalt  }
0x48: {  	_ =	shalt  }
0x49: {  	_ =	shalt  }
0x4a: {  	_ =	shalt  }
0x4b: {  	_ =	shalt  }
0x4c: {  	_ =	shalt  }
0x4d: {  	_ =	shalt  }
0x4e: {  	_ =	shalt  }
0x4f: {  	_ =	shalt  }
0x50: {  	_ =	shalt  }
0x51: {  	_ =	shalt  }
0x52: {  	_ =	shalt  }
0x53: {  	_ =	shalt  }
0x54: {  	_ =	shalt  }
0x55: {  	_ =	shalt  }
0x56: {  	_ =	shalt  }
0x57: {  	_ =	shalt  }
0x58: {  	_ =	shalt  }
0x59: {  	_ =	shalt  }
0x5a: {  	_ =	shalt  }
0x5b: {  	_ =	shalt  }
0x5c: {  	_ =	shalt  }
0x5d: {  	_ =	shalt  }
0x5e: {  	_ =	shalt  }
0x5f: {  	_ =	shalt  }
0x60: {  	_ =	shalt  }
0x61: {  	_ =	shalt  }
0x62: {  	_ =	shalt  }
0x63: {  	_ =	shalt  }
0x64: {  	_ =	shalt  }
0x65: {  	_ =	shalt  }
0x66: {  	_ =	shalt  }
0x67: {  	_ =	shalt  }
0x68: {  	_ =	shalt  }
0x69: {  	_ =	shalt  }
0x6a: {  	_ =	shalt  }
0x6b: {  	_ =	shalt  }
0x6c: {  	_ =	shalt  }
0x6d: {  	_ =	shalt  }
0x6e: {  	_ =	shalt  }
0x6f: {  	_ =	shalt  }
0x70: {  	_ =	shalt  }
0x71: {  	_ =	shalt  }
0x72: {  	_ =	shalt  }
0x73: {  	_ =	shalt  }
0x74: {  	_ =	shalt  }
0x75: {  	_ =	shalt  }
0x76: {  	_ =	shalt  }
0x77: {  	_ =	shalt  }
0x78: {  	_ =	shalt  }
0x79: {  	_ =	shalt  }
0x7a: {  	_ =	shalt  }
0x7b: {  	_ =	shalt  }
0x7c: {  	_ =	shalt  }
0x7d: {  	_ =	shalt  }
0x7e: {  	_ =	shalt  }
0x7f: {  	_ =	shalt  }
0x80: {  	_ =	shalt  }
0x81: {  	_ =	shalt  }
0x82: {  	_ =	shalt  }
0x83: {  	_ =	shalt  }
0x84: {  	_ =	shalt  }
0x85: {  	_ =	shalt  }
0x86: {  	_ =	shalt  }
0x87: {  	_ =	shalt  }
.Lfunc_end0:
.L_simem_size_0:
called_computation_lowered:
.L_overlay_start_0:
0x88: {  	s2 =	sld [smem:$0x3FD9]  }
0x89: {  	s3 =	sld [smem:$0x3FFE];
	_ =	sdelay $0x1  }
0x8a: {  	s1 =	srdreg.scid  }
0x8b: {  	s0 =	sand.u32 $0x1, s1  }
0x8c: {  	s17 =	sshll.u32 s0, $0xA;
	s2 =	sadd.s32 s3, s2  }
0x8d: {  	s2 =	sadd.s32 s2, s17  }
0x8e: {  	[smem:$0x3FB8] =	sst s2  }
0x8f: {  	_ = 	snop  }
0x90: {  	s2 =	sld [smem:$0x3FD0];
	(tm) =	ssettm $0x1  }
0x91: {  	s18 =	sld [smem:$0x3FFB];
	_ =	sdelay $0x3  }
0x92: {  	_ =	strace s18  }
0x93: {  	s3 =	sld [smem:$0x3FFC];
	_ =	sdelay $0x3  }
0x94: {  	_ =	strace s3  }
0x95: {  	s3 =	sld [smem:$0x3FFD];
	_ =	sdelay $0x3  }
0x96: {  	_ =	strace s3  }
0x97: {  	_ =	strace $0x8FFFFFFF  }
0x98: {  	s19 =	sld [smem:$0x3FDB];
	_ =	sdelay $0x1  }
0x99: {  	s4 =	simm.s32 $_scs_section_size  }
0x9a: {  	s5 =	simm.s32 $_size__tile_overlayer_lowered;
	s6 =	simm.s32 $_tile_overlayer_lowered  }
0x9b: {  	s22 =	simm.s32 $0x1BFF;
	s21 =	sshll.u32 s6, $0x1;
	s3 =	sadd.s32 s4, s19  }
0x9c: {  	s7 =	simm.s32 $0x0;
	s20 =	sshll.u32 s5, $0x1;
	s5 =	sadd.s32 s21, s3  }
0x9d: {  	[timem:s7], [sflag:s22] =	dma.local [hbm:s5], s20  }
0x9e: {  	_ =	swait.ge [sflag:s22], s20  }
0x9f: {  	s4 =	ssub.s32 $0x0, s20;
	[sflag:s22] =	ssyncset.done $0x0  }
0xa0: {  	[sflag:s22] =	ssyncadd.s32 s4;
	_ =	sdelay $0x1  }
0xa1: {  	s23 =	simm.s32 $0x1B8B  }
0xa2: {  	_ =	swait.ge [sflag:s23], $0x1  }
0xa3: {  	[sflag:s23] =	ssyncset.done $0x0  }
0xa4: {  	s25 =	simm.s32 $0x1B8E;
	s24 =	sld [smem:$0x3FFE];
	[sflag:s23] =	ssyncadd.s32 $0xFFFFFFFF  }
0xa5: {  	s26 =	simm.s32 $execute0_lowered;
	[smem:$0x3FD2] =	sst s25  }
0xa6: {  	s5 =	sshll.u32 s26, $0x1;
	_ =	strace $0x80000046;
	[dreg:$0x1] =	wrdreg $0xFFFFFFFF  }
0xa7: {  	s28 =	simm.s32 $_size_execute0_lowered;
	s3 =	sadd.s32 s3, s5;
	[dreg:$0x0] =	wrdreg $0x0  }
0xa8: {  	s5 =	sshll.u32 s28, $0x1;
	[dreg:$0x2] =	wrdreg s3  }
0xa9: {  	[dreg:$0x3] =	wrdreg s5  }
0xaa: {  	[dreg:$0x4] =	wrdreg $0xC0  }
0xab: {  	_ =	task [dreg:s7], $0x5FFFF  }
0xac: {  	[dreg:$0x1] =	wrdreg $0xFFFFFFFF  }
0xad: {  	[dreg:$0x0] =	wrdreg $0x60  }
0xae: {  	[dreg:$0x2] =	wrdreg s2  }
0xaf: {  	[dreg:$0x3] =	wrdreg s24  }
0xb0: {  	[dreg:$0x4] =	wrdreg $0xA  }
0xb1: {  	_ =	task.clear_ibuf [dreg:s7], $0x5FFFF;
	_ =	strace $0x90000046  }
0xb2: {  	s29 =	simm.s32 $0xA;
	_ =	strace $0x80000048  }
0xb3: {  	_ =	swait.ge [sflag:s29], $0x1  }
0xb4: {  	[sflag:s29] =	ssyncadd.s32 $0xFFFFFFFF  }
0xb5: {  	_ =	strace $0x90000048  }
0xb6: {  	_ =	sfence  }
0xb7: {  	s30 =	sld [smem:$0x0];
	_ =	sdelay $0x2  }
0xb8: {  	s31 =	sshll.u32 s1, $0xD;
	s1 =	sshrl.u32 s1, $0x2  }
0xb9: {  	s3 =	sand.u32 $0x4000, s31;
	s1 =	sadd.s32 s1, s30  }
0xba: {  	s0 =	sor.u32 s3, s0;
	s1 =	sshll.u32 s1, $0x11  }
0xbb: {  	s0 =	sor.u32 s1, s0  }
0xbc: {  	s0 =	sadd.s32 $0x8F2B, s0  }
0xbd: {  	[sflag:s0] =	ssyncadd.remote.s32 $0x1  }
0xbe: {  	_ =	sfence.sel $0xFFFF  }
0xbf: {  	[dreg:$0x0] =	wrdreg $0xFFFFFFFF;
	(pc) =	sbr.abs _section_cstart, $3  }
0xc0: {  	[dreg:$0x1] =	wrdreg $0xFFFFFFFF  }
0xc1: {  	_ =	task.clear_ibuf [dreg:s7], $0x2FFFF;
	_ =	strace $0x9FFFFFFF  }
0xc2: {  	(tm) =	ssettm $0x7FFFFFFF  }
0xc3: {  	_ =	shalt  }
tec
execute0_lowered:
.L_overlay_start_1:
0x0: {  	(tag) =	ssettag $0x1  }
0x1: {  	s2 =	rddreg [dreg:$0x0];
	s0 =	srdreg.scid  }
0x2: {  	s9 =	stileid.u32;
	s1 =	rddreg [dreg:$0x1]  }
0x3: {  	s3 =	simm.s32 $0x0;
	s12 =	simm.s32 $0x3;
	s13 =	simm.s32 $0x50  }
0x4: {  	s14 =	simm.s32 $0x2800;
	s15 =	simm.s32 $0x80;
	s16 =	simm.s32 $0x5000  }
0x5: {  	s17 =	simm.s32 $0x100;
	s18 =	simm.s32 $0x7800;
	s19 =	simm.s32 $0x180  }
0x6: {  	s20 =	simm.s32 $0xA000;
	s21 =	simm.s32 $0x200;
	s22 =	simm.s32 $0xC800  }
0x7: {  	s28 =	simm.s32 $0x19000;
	s29 =	simm.s32 $0x1;
	s30 =	simm.s32 $0x2  }
0x8: {  	s0 =	sand.u32 $0x1, s0;
	s4 =	sshll.u32 s9, $0x1;
	s11 =	smul.u32 $0x2EE00, s9  }
0x9: {  	s4 =	sor.u32 s0, s4;
	s7 =	ssub.s32 $0x2, s0;
	s0 =	smul.u32 $0x17700, s0  }
0xa: {  	s31 =	simm.s32 $0x0;
	[smem:$0x7FF] =	sst s3;
	s5 =	smul.u32 $0x500, s4  }
0xb: {  	s10 =	sadd.s32 $0x69400, s1;
	_ =	strace $0x80000047;
	s6 =	smul.u32 $0xBB800, s4  }
0xc: {  	s4 =	sadd.s32 $0x42200, s1;
	s8 =	sshrl.u32 s7, $0x1;
	s26 =	sadd.s32 s11, s10  }
0xd: {  	s7 =	ssub.s32 s7, s8;
	s5 =	sadd.s32 s5, s1;
	s6 =	sshrl.u32 s6, $0x3  }
0xe: {  	s1 =	sadd.s32 $0x357400, s1;
	s9 =	smax.u32 s7, $0x1;
	s23 =	sadd.s32 $0x2E200, s5  }
0xf: {  	s6 =	sadd.s32 $0x15E00, s6;
	s5 =	sadd.s32 $0x38200, s5;
	[dreg:$0x3] =	wrdreg s23  }
0x10: {  	s24 =	sadd.s32 s10, s6;
	[dreg:$0x5] =	wrdreg s5;
	s25 =	sadd.s32 s1, s6  }
0x11: {  	s1 =	sadd.s32 s11, s1;
	s10 =	sadd.s32 s0, s26;
	[dreg:$0x4] =	wrdreg s24  }
0x12: {  	s23 =	simm.s32 $0xF000;
	s26 =	simm.s32 $0x16800;
	[dreg:$0x6] =	wrdreg s25  }
0x13: {  	s11 =	sadd.s32 s0, s1;
	s24 =	simm.s32 $0x11800;
	s25 =	simm.s32 $0x14000  }
.LBB2_1:
0x14: {  	s0 =	rddreg [dreg:$0x3]  }
0x15: {  	[tilespmem:s3], [sflag:$0x3] =	stream.linear.gather [hbm4b:s0+s3], $0x2580, $0x38;
	[tilespmem:$0x1B800] =	vst v63  }
0x16: {  	_ =	swait.ge [sflag:s12], $0x2580  }
0x17: {  	[sflag:s12] =	ssyncset.done $0x0  }
0x18: {  	[sflag:s12] =	ssyncadd.s32 $0xFFFFDA80  }
0x19: {  	[tilespmem:s14], [sflag:$0x1] =	stream.indirect.gather [hbm4b:s2+s13], $0x80, s3, s13, $0xb8;
	[tilespmem:$0x1B800] =	vst v63  }
0x1a: {  	_ = 	snop  }
0x1b: {  	[tilespmem:s16], [sflag:$0x1] =	stream.indirect.gather [hbm4b:s2+s13], $0x80, s15, s13, $0xb8;
	[tilespmem:$0x1B800] =	vst v63  }
0x1c: {  	_ = 	snop  }
0x1d: {  	[tilespmem:s18], [sflag:$0x1] =	stream.indirect.gather [hbm4b:s2+s13], $0x80, s17, s13, $0xb8;
	[tilespmem:$0x1B800] =	vst v63  }
0x1e: {  	_ = 	snop  }
0x1f: {  	[tilespmem:s20], [sflag:$0x1] =	stream.indirect.gather [hbm4b:s2+s13], $0x80, s19, s13, $0xb8;
	[tilespmem:$0x1B800] =	vst v63  }
0x20: {  	_ = 	snop  }
0x21: {  	[tilespmem:s22], [sflag:$0x1] =	stream.indirect.gather [hbm4b:s2+s13], $0x80, s21, s13, $0xb8;
	[tilespmem:$0x1B800] =	vst v63  }
0x22: {  	s8 =	simm.s32 $0x280  }
0x23: {  	[tilespmem:s23], [sflag:$0x2] =	stream.indirect.gather [hbm4b:s2+s13], $0x80, s8, s13, $0xb8;
	[tilespmem:$0x1B800] =	vst v63  }
0x24: {  	s1 =	simm.s32 $0x300  }
0x25: {  	[tilespmem:s24], [sflag:$0x2] =	stream.indirect.gather [hbm4b:s2+s13], $0x80, s1, s13, $0xb8;
	[tilespmem:$0x1B800] =	vst v63  }
0x26: {  	s5 =	simm.s32 $0x380  }
0x27: {  	[tilespmem:s25], [sflag:$0x2] =	stream.indirect.gather [hbm4b:s2+s13], $0x80, s5, s13, $0xb8;
	[tilespmem:$0x1B800] =	vst v63  }
0x28: {  	s6 =	simm.s32 $0x400  }
0x29: {  	[tilespmem:s26], [sflag:$0x2] =	stream.indirect.gather [hbm4b:s2+s13], $0x80, s6, s13, $0xb8;
	[tilespmem:$0x1B800] =	vst v63  }
0x2a: {  	s7 =	simm.s32 $0x480  }
0x2b: {  	[tilespmem:s28], [sflag:$0x2] =	stream.indirect.gather [hbm4b:s2+s13], $0x80, s7, s13, $0xb8;
	[tilespmem:$0x1B800] =	vst v63  }
0x2c: {  	_ =	swait.ge [sflag:s29], $0x2800  }
0x2d: {  	[sflag:s29] =	ssyncset.done $0x0  }
0x2e: {  	[sflag:s29] =	ssyncadd.s32 $0xFFFFD800  }
0x2f: {  	_ =	swait.ge [sflag:s29], $0x2800  }
0x30: {  	[sflag:s29] =	ssyncset.done $0x0  }
0x31: {  	[sflag:s29] =	ssyncadd.s32 $0xFFFFD800  }
0x32: {  	_ =	swait.ge [sflag:s29], $0x2800  }
0x33: {  	[sflag:s29] =	ssyncset.done $0x0  }
0x34: {  	[sflag:s29] =	ssyncadd.s32 $0xFFFFD800  }
0x35: {  	_ =	swait.ge [sflag:s29], $0x2800  }
0x36: {  	[sflag:s29] =	ssyncset.done $0x0  }
0x37: {  	[sflag:s29] =	ssyncadd.s32 $0xFFFFD800  }
0x38: {  	_ =	swait.ge [sflag:s29], $0x2800  }
0x39: {  	[sflag:s29] =	ssyncset.done $0x0  }
0x3a: {  	[sflag:s29] =	ssyncadd.s32 $0xFFFFD800  }
0x3b: {  	[hbm4b:s10+s3] =	stream.linear.scatter [tilespmem:s14], [sflag:$0x3], $0xC800, $0x38;
	[tilespmem:$0x1B800] =	vst v63  }
0x3c: {  	_ =	swait.ge [sflag:s12], $0xC800  }
0x3d: {  	[sflag:s12] =	ssyncset.done $0x0  }
0x3e: {  	s8 =	simm.s32 $0x500;
	[sflag:s12] =	ssyncadd.s32 $0xFFFF3800  }
0x3f: {  	[tilespmem:s14], [sflag:$0x1] =	stream.indirect.gather [hbm4b:s2+s13], $0x80, s8, s13, $0xb8;
	[tilespmem:$0x1B800] =	vst v63  }
0x40: {  	s1 =	simm.s32 $0x580  }
0x41: {  	[tilespmem:s16], [sflag:$0x1] =	stream.indirect.gather [hbm4b:s2+s13], $0x80, s1, s13, $0xb8;
	[tilespmem:$0x1B800] =	vst v63  }
0x42: {  	s5 =	simm.s32 $0x600  }
0x43: {  	[tilespmem:s18], [sflag:$0x1] =	stream.indirect.gather [hbm4b:s2+s13], $0x80, s5, s13, $0xb8;
	[tilespmem:$0x1B800] =	vst v63  }
0x44: {  	s6 =	simm.s32 $0x680  }
0x45: {  	[tilespmem:s20], [sflag:$0x1] =	stream.indirect.gather [hbm4b:s2+s13], $0x80, s6, s13, $0xb8;
	[tilespmem:$0x1B800] =	vst v63  }
0x46: {  	s7 =	simm.s32 $0x700  }
0x47: {  	[tilespmem:s22], [sflag:$0x1] =	stream.indirect.gather [hbm4b:s2+s13], $0x80, s7, s13, $0xb8;
	[tilespmem:$0x1B800] =	vst v63  }
0x48: {  	_ =	swait.ge [sflag:s30], $0x2800  }
0x49: {  	[sflag:s30] =	ssyncset.done $0x0  }
0x4a: {  	[sflag:s30] =	ssyncadd.s32 $0xFFFFD800  }
0x4b: {  	_ =	swait.ge [sflag:s30], $0x2800  }
0x4c: {  	[sflag:s30] =	ssyncset.done $0x0  }
0x4d: {  	[sflag:s30] =	ssyncadd.s32 $0xFFFFD800  }
0x4e: {  	_ =	swait.ge [sflag:s30], $0x2800  }
0x4f: {  	[sflag:s30] =	ssyncset.done $0x0  }
0x50: {  	[sflag:s30] =	ssyncadd.s32 $0xFFFFD800  }
0x51: {  	_ =	swait.ge [sflag:s30], $0x2800  }
0x52: {  	[sflag:s30] =	ssyncset.done $0x0  }
0x53: {  	[sflag:s30] =	ssyncadd.s32 $0xFFFFD800  }
0x54: {  	_ =	swait.ge [sflag:s30], $0x2800  }
0x55: {  	[sflag:s30] =	ssyncset.done $0x0  }
0x56: {  	s8 =	sadd.s32 $0x1900, s10;
	[sflag:s30] =	ssyncadd.s32 $0xFFFFD800  }
0x57: {  	[hbm4b:s8+s3] =	stream.linear.scatter [tilespmem:s23], [sflag:$0x3], $0xC800, $0x38;
	[tilespmem:$0x1B800] =	vst v63  }
0x58: {  	s0 =	simm.s32 $0x500;
	_ =	swait.ge [sflag:s12], $0xC800  }
0x59: {  	s1 =	sadd.s32 $0x3200, s10;
	s5 =	simm.s32 $0x2800;
	[sflag:s12] =	ssyncset.done $0x0  }
.LBB2_2:
0x5a: {  	s8 =	sadd.s32 $0x280, s0  }
0x5b: {  	[sflag:s12] =	ssyncadd.s32 $0xFFFF3800;
	s6 =	smov.u32 s5;
	s7 =	sadd.s32 $0x1400, s5  }
0x5c: {  	[tilespmem:s23], [sflag:$0x2] =	stream.indirect.gather [hbm4b:s2+s13], $0x80, s8, s13, $0xb8;
	[tilespmem:$0x1B800] =	vst v63  }
0x5d: {  	p0 =	sne.s32 s5, $0x7800;
	s5 =	sadd.s32 $0x300, s0  }
0x5e: {  	[tilespmem:s24], [sflag:$0x2] =	stream.indirect.gather [hbm4b:s2+s13], $0x80, s5, s13, $0xb8;
	[tilespmem:$0x1B800] =	vst v63  }
0x5f: {  	s5 =	sadd.s32 $0x380, s0  }
0x60: {  	[tilespmem:s25], [sflag:$0x2] =	stream.indirect.gather [hbm4b:s2+s13], $0x80, s5, s13, $0xb8;
	[tilespmem:$0x1B800] =	vst v63  }
0x61: {  	s5 =	sadd.s32 $0x400, s0  }
0x62: {  	[tilespmem:s26], [sflag:$0x2] =	stream.indirect.gather [hbm4b:s2+s13], $0x80, s5, s13, $0xb8;
	[tilespmem:$0x1B800] =	vst v63  }
0x63: {  	s5 =	sadd.s32 $0x480, s0  }
0x64: {  	[tilespmem:s28], [sflag:$0x2] =	stream.indirect.gather [hbm4b:s2+s13], $0x80, s5, s13, $0xb8;
	[tilespmem:$0x1B800] =	vst v63  }
0x65: {  	_ =	swait.ge [sflag:s29], $0x2800  }
0x66: {  	[sflag:s29] =	ssyncset.done $0x0  }
0x67: {  	[sflag:s29] =	ssyncadd.s32 $0xFFFFD800  }
0x68: {  	_ =	swait.ge [sflag:s29], $0x2800  }
0x69: {  	[sflag:s29] =	ssyncset.done $0x0  }
0x6a: {  	[sflag:s29] =	ssyncadd.s32 $0xFFFFD800  }
0x6b: {  	_ =	swait.ge [sflag:s29], $0x2800  }
0x6c: {  	[sflag:s29] =	ssyncset.done $0x0  }
0x6d: {  	[sflag:s29] =	ssyncadd.s32 $0xFFFFD800  }
0x6e: {  	_ =	swait.ge [sflag:s29], $0x2800  }
0x6f: {  	[sflag:s29] =	ssyncset.done $0x0  }
0x70: {  	[sflag:s29] =	ssyncadd.s32 $0xFFFFD800  }
0x71: {  	_ =	swait.ge [sflag:s29], $0x2800  }
0x72: {  	[sflag:s29] =	ssyncset.done $0x0  }
0x73: {  	[sflag:s29] =	ssyncadd.s32 $0xFFFFD800  }
0x74: {  	[hbm4b:s1+s3] =	stream.linear.scatter [tilespmem:s14], [sflag:$0x3], $0xC800, $0x38;
	[tilespmem:$0x1B800] =	vst v63  }
0x75: {  	_ =	swait.ge [sflag:s12], $0xC800  }
0x76: {  	[sflag:s12] =	ssyncset.done $0x0  }
0x77: {  	s5 =	sadd.s32 $0x500, s0;
	[sflag:s12] =	ssyncadd.s32 $0xFFFF3800  }
0x78: {  	[tilespmem:s14], [sflag:$0x1] =	stream.indirect.gather [hbm4b:s2+s13], $0x80, s5, s13, $0xb8;
	[tilespmem:$0x1B800] =	vst v63  }
0x79: {  	s5 =	sadd.s32 $0x580, s0  }
0x7a: {  	[tilespmem:s16], [sflag:$0x1] =	stream.indirect.gather [hbm4b:s2+s13], $0x80, s5, s13, $0xb8;
	[tilespmem:$0x1B800] =	vst v63  }
0x7b: {  	s5 =	sadd.s32 $0x600, s0  }
0x7c: {  	[tilespmem:s18], [sflag:$0x1] =	stream.indirect.gather [hbm4b:s2+s13], $0x80, s5, s13, $0xb8;
	[tilespmem:$0x1B800] =	vst v63  }
0x7d: {  	s5 =	sadd.s32 $0x680, s0  }
0x7e: {  	[tilespmem:s20], [sflag:$0x1] =	stream.indirect.gather [hbm4b:s2+s13], $0x80, s5, s13, $0xb8;
	[tilespmem:$0x1B800] =	vst v63  }
0x7f: {  	s0 =	sadd.s32 $0x700, s0  }
0x80: {  	[tilespmem:s22], [sflag:$0x1] =	stream.indirect.gather [hbm4b:s2+s13], $0x80, s0, s13, $0xb8;
	[tilespmem:$0x1B800] =	vst v63  }
0x81: {  	_ =	swait.ge [sflag:s30], $0x2800  }
0x82: {  	[sflag:s30] =	ssyncset.done $0x0  }
0x83: {  	[sflag:s30] =	ssyncadd.s32 $0xFFFFD800  }
0x84: {  	_ =	swait.ge [sflag:s30], $0x2800  }
0x85: {  	[sflag:s30] =	ssyncset.done $0x0  }
0x86: {  	[sflag:s30] =	ssyncadd.s32 $0xFFFFD800  }
0x87: {  	_ =	swait.ge [sflag:s30], $0x2800  }
0x88: {  	[sflag:s30] =	ssyncset.done $0x0  }
0x89: {  	[sflag:s30] =	ssyncadd.s32 $0xFFFFD800  }
0x8a: {  	_ =	swait.ge [sflag:s30], $0x2800  }
0x8b: {  	[sflag:s30] =	ssyncset.done $0x0  }
0x8c: {  	[sflag:s30] =	ssyncadd.s32 $0xFFFFD800  }
0x8d: {  	_ =	swait.ge [sflag:s30], $0x2800  }
.Ltmp0:
0x8e: {  	[sflag:s30] =	ssyncset.done $0x0;
	(pc) =	sbr.rel @p0 .LBB2_2-.Ltmp0, $4  }
0x8f: {  	s0 =	sadd.s32 $0x1900, s1;
	[sflag:s30] =	ssyncadd.s32 $0xFFFFD800  }
0x90: {  	[hbm4b:s0+s3] =	stream.linear.scatter [tilespmem:s23], [sflag:$0x3], $0xC800, $0x38;
	[tilespmem:$0x1B800] =	vst v63  }
0x91: {  	s5 =	smov.u32 s7;
	_ =	swait.ge [sflag:s12], $0xC800  }
0x92: {  	s1 =	sadd.s32 $0x3200, s1;
	s0 =	sshra.s32 s6, $0x2;
	[sflag:s12] =	ssyncset.done $0x0  }
0x93: {  	s5 =	sadd.s32 $0x280, s0;
	[sflag:s12] =	ssyncadd.s32 $0xFFFF3800  }
0x94: {  	[tilespmem:s23], [sflag:$0x2] =	stream.indirect.gather [hbm4b:s2+s13], $0x80, s5, s13, $0xb8;
	[tilespmem:$0x1B800] =	vst v63  }
0x95: {  	s6 =	sadd.s32 $0x300, s0  }
0x96: {  	[tilespmem:s24], [sflag:$0x2] =	stream.indirect.gather [hbm4b:s2+s13], $0x80, s6, s13, $0xb8;
	[tilespmem:$0x1B800] =	vst v63  }
0x97: {  	s7 =	sadd.s32 $0x380, s0  }
0x98: {  	[tilespmem:s25], [sflag:$0x2] =	stream.indirect.gather [hbm4b:s2+s13], $0x80, s7, s13, $0xb8;
	[tilespmem:$0x1B800] =	vst v63  }
0x99: {  	s8 =	sadd.s32 $0x400, s0  }
0x9a: {  	[tilespmem:s26], [sflag:$0x2] =	stream.indirect.gather [hbm4b:s2+s13], $0x80, s8, s13, $0xb8;
	[tilespmem:$0x1B800] =	vst v63  }
0x9b: {  	s6 =	sadd.s32 $0x480, s0  }
0x9c: {  	[tilespmem:s28], [sflag:$0x2] =	stream.indirect.gather [hbm4b:s2+s13], $0x80, s6, s13, $0xb8;
	[tilespmem:$0x1B800] =	vst v63  }
0x9d: {  	_ =	swait.ge [sflag:s29], $0x2800  }
0x9e: {  	[sflag:s29] =	ssyncset.done $0x0  }
0x9f: {  	[sflag:s29] =	ssyncadd.s32 $0xFFFFD800  }
0xa0: {  	_ =	swait.ge [sflag:s29], $0x2800  }
0xa1: {  	[sflag:s29] =	ssyncset.done $0x0  }
0xa2: {  	[sflag:s29] =	ssyncadd.s32 $0xFFFFD800  }
0xa3: {  	_ =	swait.ge [sflag:s29], $0x2800  }
0xa4: {  	[sflag:s29] =	ssyncset.done $0x0  }
0xa5: {  	[sflag:s29] =	ssyncadd.s32 $0xFFFFD800  }
0xa6: {  	_ =	swait.ge [sflag:s29], $0x2800  }
0xa7: {  	[sflag:s29] =	ssyncset.done $0x0  }
0xa8: {  	[sflag:s29] =	ssyncadd.s32 $0xFFFFD800  }
0xa9: {  	_ =	swait.ge [sflag:s29], $0x2800  }
0xaa: {  	[sflag:s29] =	ssyncset.done $0x0  }
0xab: {  	[sflag:s29] =	ssyncadd.s32 $0xFFFFD800  }
0xac: {  	[hbm4b:s1+s3] =	stream.linear.scatter [tilespmem:s14], [sflag:$0x3], $0xC800, $0x38;
	[tilespmem:$0x1B800] =	vst v63  }
0xad: {  	_ =	swait.ge [sflag:s12], $0xC800  }
0xae: {  	[sflag:s12] =	ssyncset.done $0x0  }
0xaf: {  	s7 =	sadd.s32 $0x500, s0;
	[sflag:s12] =	ssyncadd.s32 $0xFFFF3800  }
0xb0: {  	[tilespmem:s14], [sflag:$0x1] =	stream.indirect.gather [hbm4b:s2+s13], $0x80, s7, s13, $0xb8;
	[tilespmem:$0x1B800] =	vst v63  }
0xb1: {  	s8 =	sadd.s32 $0x580, s0  }
0xb2: {  	[tilespmem:s16], [sflag:$0x1] =	stream.indirect.gather [hbm4b:s2+s13], $0x80, s8, s13, $0xb8;
	[tilespmem:$0x1B800] =	vst v63  }
0xb3: {  	s6 =	sadd.s32 $0x600, s0  }
0xb4: {  	[tilespmem:s18], [sflag:$0x1] =	stream.indirect.gather [hbm4b:s2+s13], $0x80, s6, s13, $0xb8;
	[tilespmem:$0x1B800] =	vst v63  }
0xb5: {  	s7 =	sadd.s32 $0x680, s0  }
0xb6: {  	[tilespmem:s20], [sflag:$0x1] =	stream.indirect.gather [hbm4b:s2+s13], $0x80, s7, s13, $0xb8;
	[tilespmem:$0x1B800] =	vst v63  }
0xb7: {  	s8 =	sadd.s32 $0x700, s0  }
0xb8: {  	[tilespmem:s22], [sflag:$0x1] =	stream.indirect.gather [hbm4b:s2+s13], $0x80, s8, s13, $0xb8;
	[tilespmem:$0x1B800] =	vst v63  }
0xb9: {  	_ =	swait.ge [sflag:s30], $0x2800  }
0xba: {  	[sflag:s30] =	ssyncset.done $0x0  }
0xbb: {  	[sflag:s30] =	ssyncadd.s32 $0xFFFFD800  }
0xbc: {  	_ =	swait.ge [sflag:s30], $0x2800  }
0xbd: {  	[sflag:s30] =	ssyncset.done $0x0  }
0xbe: {  	[sflag:s30] =	ssyncadd.s32 $0xFFFFD800  }
0xbf: {  	_ =	swait.ge [sflag:s30], $0x2800  }
0xc0: {  	[sflag:s30] =	ssyncset.done $0x0  }
0xc1: {  	[sflag:s30] =	ssyncadd.s32 $0xFFFFD800  }
0xc2: {  	_ =	swait.ge [sflag:s30], $0x2800  }
0xc3: {  	[sflag:s30] =	ssyncset.done $0x0  }
0xc4: {  	[sflag:s30] =	ssyncadd.s32 $0xFFFFD800  }
0xc5: {  	_ =	swait.ge [sflag:s30], $0x2800  }
0xc6: {  	[sflag:s30] =	ssyncset.done $0x0  }
0xc7: {  	s1 =	sadd.s32 $0x1900, s1;
	[sflag:s30] =	ssyncadd.s32 $0xFFFFD800  }
0xc8: {  	[hbm4b:s1+s3] =	stream.linear.scatter [tilespmem:s23], [sflag:$0x3], $0xC800, $0x38;
	[tilespmem:$0x1B800] =	vst v63  }
0xc9: {  	_ =	swait.ge [sflag:s12], $0xC800  }
0xca: {  	[sflag:s12] =	ssyncset.done $0x0  }
0xcb: {  	[sflag:s12] =	ssyncadd.s32 $0xFFFF3800  }
0xcc: {  	_ =	swait.ge [sflag:s29], $0x2800  }
0xcd: {  	[sflag:s29] =	ssyncset.done $0x0  }
0xce: {  	[sflag:s29] =	ssyncadd.s32 $0xFFFFD800  }
0xcf: {  	_ =	swait.ge [sflag:s29], $0x2800  }
0xd0: {  	[sflag:s29] =	ssyncset.done $0x0  }
0xd1: {  	[sflag:s29] =	ssyncadd.s32 $0xFFFFD800  }
0xd2: {  	_ =	swait.ge [sflag:s29], $0x2800  }
0xd3: {  	[sflag:s29] =	ssyncset.done $0x0  }
0xd4: {  	[sflag:s29] =	ssyncadd.s32 $0xFFFFD800  }
0xd5: {  	_ =	swait.ge [sflag:s29], $0x2800  }
0xd6: {  	[sflag:s29] =	ssyncset.done $0x0  }
0xd7: {  	[sflag:s29] =	ssyncadd.s32 $0xFFFFD800  }
0xd8: {  	_ =	swait.ge [sflag:s29], $0x2800  }
0xd9: {  	[sflag:s29] =	ssyncset.done $0x0  }
0xda: {  	s5 =	simm.s32 $0x0;
	s6 =	rddreg [dreg:$0x4];
	[sflag:s29] =	ssyncadd.s32 $0xFFFFD800  }
0xdb: {  	[hbm4b:s6+s5] =	stream.linear.scatter [tilespmem:s14], [sflag:$0x3], $0xC800, $0x38;
	[tilespmem:$0x1B800] =	vst v63  }
0xdc: {  	_ =	swait.ge [sflag:s12], $0xC800  }
0xdd: {  	[sflag:s12] =	ssyncset.done $0x0  }
0xde: {  	s7 =	rddreg [dreg:$0x5];
	[sflag:s12] =	ssyncadd.s32 $0xFFFF3800  }
0xdf: {  	[tilespmem:s5], [sflag:$0x3] =	stream.linear.gather [hbm4b:s7+s5], $0x2580, $0x38;
	[tilespmem:$0x1B800] =	vst v63  }
0xe0: {  	_ =	swait.ge [sflag:s12], $0x2580  }
0xe1: {  	[sflag:s12] =	ssyncset.done $0x0  }
0xe2: {  	[sflag:s12] =	ssyncadd.s32 $0xFFFFDA80  }
0xe3: {  	[tilespmem:s14], [sflag:$0x1] =	stream.indirect.gather [hbm4b:s4+s13], $0x80, s5, s13, $0xb8;
	[tilespmem:$0x1B800] =	vst v63  }
0xe4: {  	_ = 	snop  }
0xe5: {  	[tilespmem:s16], [sflag:$0x1] =	stream.indirect.gather [hbm4b:s4+s13], $0x80, s15, s13, $0xb8;
	[tilespmem:$0x1B800] =	vst v63  }
0xe6: {  	_ = 	snop  }
0xe7: {  	[tilespmem:s18], [sflag:$0x1] =	stream.indirect.gather [hbm4b:s4+s13], $0x80, s17, s13, $0xb8;
	[tilespmem:$0x1B800] =	vst v63  }
0xe8: {  	_ = 	snop  }
0xe9: {  	[tilespmem:s20], [sflag:$0x1] =	stream.indirect.gather [hbm4b:s4+s13], $0x80, s19, s13, $0xb8;
	[tilespmem:$0x1B800] =	vst v63  }
0xea: {  	_ = 	snop  }
0xeb: {  	[tilespmem:s22], [sflag:$0x1] =	stream.indirect.gather [hbm4b:s4+s13], $0x80, s21, s13, $0xb8;
	[tilespmem:$0x1B800] =	vst v63  }
0xec: {  	s8 =	simm.s32 $0x280  }
0xed: {  	[tilespmem:s23], [sflag:$0x2] =	stream.indirect.gather [hbm4b:s4+s13], $0x80, s8, s13, $0xb8;
	[tilespmem:$0x1B800] =	vst v63  }
0xee: {  	s1 =	simm.s32 $0x300  }
0xef: {  	[tilespmem:s24], [sflag:$0x2] =	stream.indirect.gather [hbm4b:s4+s13], $0x80, s1, s13, $0xb8;
	[tilespmem:$0x1B800] =	vst v63  }
0xf0: {  	s5 =	simm.s32 $0x380  }
0xf1: {  	[tilespmem:s25], [sflag:$0x2] =	stream.indirect.gather [hbm4b:s4+s13], $0x80, s5, s13, $0xb8;
	[tilespmem:$0x1B800] =	vst v63  }
0xf2: {  	s6 =	simm.s32 $0x400  }
0xf3: {  	[tilespmem:s26], [sflag:$0x2] =	stream.indirect.gather [hbm4b:s4+s13], $0x80, s6, s13, $0xb8;
	[tilespmem:$0x1B800] =	vst v63  }
0xf4: {  	s7 =	simm.s32 $0x480  }
0xf5: {  	[tilespmem:s28], [sflag:$0x2] =	stream.indirect.gather [hbm4b:s4+s13], $0x80, s7, s13, $0xb8;
	[tilespmem:$0x1B800] =	vst v63  }
0xf6: {  	_ =	swait.ge [sflag:s29], $0x2800  }
0xf7: {  	[sflag:s29] =	ssyncset.done $0x0  }
0xf8: {  	[sflag:s29] =	ssyncadd.s32 $0xFFFFD800  }
0xf9: {  	_ =	swait.ge [sflag:s29], $0x2800  }
0xfa: {  	[sflag:s29] =	ssyncset.done $0x0  }
0xfb: {  	[sflag:s29] =	ssyncadd.s32 $0xFFFFD800  }
0xfc: {  	_ =	swait.ge [sflag:s29], $0x2800  }
0xfd: {  	[sflag:s29] =	ssyncset.done $0x0  }
0xfe: {  	[sflag:s29] =	ssyncadd.s32 $0xFFFFD800  }
0xff: {  	_ =	swait.ge [sflag:s29], $0x2800  }
0x100: {  	[sflag:s29] =	ssyncset.done $0x0  }
0x101: {  	[sflag:s29] =	ssyncadd.s32 $0xFFFFD800  }
0x102: {  	_ =	swait.ge [sflag:s29], $0x2800  }
0x103: {  	[sflag:s29] =	ssyncset.done $0x0  }
0x104: {  	[sflag:s29] =	ssyncadd.s32 $0xFFFFD800  }
0x105: {  	[hbm4b:s11+s3] =	stream.linear.scatter [tilespmem:s14], [sflag:$0x3], $0xC800, $0x38;
	[tilespmem:$0x1B800] =	vst v63  }
0x106: {  	_ =	swait.ge [sflag:s12], $0xC800  }
0x107: {  	[sflag:s12] =	ssyncset.done $0x0  }
0x108: {  	s8 =	simm.s32 $0x500;
	[sflag:s12] =	ssyncadd.s32 $0xFFFF3800  }
0x109: {  	[tilespmem:s14], [sflag:$0x1] =	stream.indirect.gather [hbm4b:s4+s13], $0x80, s8, s13, $0xb8;
	[tilespmem:$0x1B800] =	vst v63  }
0x10a: {  	s1 =	simm.s32 $0x580  }
0x10b: {  	[tilespmem:s16], [sflag:$0x1] =	stream.indirect.gather [hbm4b:s4+s13], $0x80, s1, s13, $0xb8;
	[tilespmem:$0x1B800] =	vst v63  }
0x10c: {  	s5 =	simm.s32 $0x600  }
0x10d: {  	[tilespmem:s18], [sflag:$0x1] =	stream.indirect.gather [hbm4b:s4+s13], $0x80, s5, s13, $0xb8;
	[tilespmem:$0x1B800] =	vst v63  }
0x10e: {  	s6 =	simm.s32 $0x680  }
0x10f: {  	[tilespmem:s20], [sflag:$0x1] =	stream.indirect.gather [hbm4b:s4+s13], $0x80, s6, s13, $0xb8;
	[tilespmem:$0x1B800] =	vst v63  }
0x110: {  	s7 =	simm.s32 $0x700  }
0x111: {  	[tilespmem:s22], [sflag:$0x1] =	stream.indirect.gather [hbm4b:s4+s13], $0x80, s7, s13, $0xb8;
	[tilespmem:$0x1B800] =	vst v63  }
0x112: {  	_ =	swait.ge [sflag:s30], $0x2800  }
0x113: {  	[sflag:s30] =	ssyncset.done $0x0  }
0x114: {  	[sflag:s30] =	ssyncadd.s32 $0xFFFFD800  }
0x115: {  	_ =	swait.ge [sflag:s30], $0x2800  }
0x116: {  	[sflag:s30] =	ssyncset.done $0x0  }
0x117: {  	[sflag:s30] =	ssyncadd.s32 $0xFFFFD800  }
0x118: {  	_ =	swait.ge [sflag:s30], $0x2800  }
0x119: {  	[sflag:s30] =	ssyncset.done $0x0  }
0x11a: {  	[sflag:s30] =	ssyncadd.s32 $0xFFFFD800  }
0x11b: {  	_ =	swait.ge [sflag:s30], $0x2800  }
0x11c: {  	[sflag:s30] =	ssyncset.done $0x0  }
0x11d: {  	[sflag:s30] =	ssyncadd.s32 $0xFFFFD800  }
0x11e: {  	_ =	swait.ge [sflag:s30], $0x2800  }
0x11f: {  	[sflag:s30] =	ssyncset.done $0x0  }
0x120: {  	s8 =	sadd.s32 $0x1900, s11;
	[sflag:s30] =	ssyncadd.s32 $0xFFFFD800  }
0x121: {  	[hbm4b:s8+s3] =	stream.linear.scatter [tilespmem:s23], [sflag:$0x3], $0xC800, $0x38;
	[tilespmem:$0x1B800] =	vst v63  }
0x122: {  	s0 =	simm.s32 $0x500;
	_ =	swait.ge [sflag:s12], $0xC800  }
0x123: {  	s1 =	sadd.s32 $0x3200, s11;
	s7 =	simm.s32 $0x2800;
	[sflag:s12] =	ssyncset.done $0x0  }
.LBB2_4:
0x124: {  	s8 =	sadd.s32 $0x280, s0  }
0x125: {  	[sflag:s12] =	ssyncadd.s32 $0xFFFF3800;
	s6 =	smov.u32 s7;
	s5 =	sadd.s32 $0x1400, s7  }
0x126: {  	[tilespmem:s23], [sflag:$0x2] =	stream.indirect.gather [hbm4b:s4+s13], $0x80, s8, s13, $0xb8;
	[tilespmem:$0x1B800] =	vst v63  }
0x127: {  	p0 =	sne.s32 s7, $0x7800;
	s7 =	sadd.s32 $0x300, s0  }
0x128: {  	[tilespmem:s24], [sflag:$0x2] =	stream.indirect.gather [hbm4b:s4+s13], $0x80, s7, s13, $0xb8;
	[tilespmem:$0x1B800] =	vst v63  }
0x129: {  	s7 =	sadd.s32 $0x380, s0  }
0x12a: {  	[tilespmem:s25], [sflag:$0x2] =	stream.indirect.gather [hbm4b:s4+s13], $0x80, s7, s13, $0xb8;
	[tilespmem:$0x1B800] =	vst v63  }
0x12b: {  	s7 =	sadd.s32 $0x400, s0  }
0x12c: {  	[tilespmem:s26], [sflag:$0x2] =	stream.indirect.gather [hbm4b:s4+s13], $0x80, s7, s13, $0xb8;
	[tilespmem:$0x1B800] =	vst v63  }
0x12d: {  	s7 =	sadd.s32 $0x480, s0  }
0x12e: {  	[tilespmem:s28], [sflag:$0x2] =	stream.indirect.gather [hbm4b:s4+s13], $0x80, s7, s13, $0xb8;
	[tilespmem:$0x1B800] =	vst v63  }
0x12f: {  	_ =	swait.ge [sflag:s29], $0x2800  }
0x130: {  	[sflag:s29] =	ssyncset.done $0x0  }
0x131: {  	[sflag:s29] =	ssyncadd.s32 $0xFFFFD800  }
0x132: {  	_ =	swait.ge [sflag:s29], $0x2800  }
0x133: {  	[sflag:s29] =	ssyncset.done $0x0  }
0x134: {  	[sflag:s29] =	ssyncadd.s32 $0xFFFFD800  }
0x135: {  	_ =	swait.ge [sflag:s29], $0x2800  }
0x136: {  	[sflag:s29] =	ssyncset.done $0x0  }
0x137: {  	[sflag:s29] =	ssyncadd.s32 $0xFFFFD800  }
0x138: {  	_ =	swait.ge [sflag:s29], $0x2800  }
0x139: {  	[sflag:s29] =	ssyncset.done $0x0  }
0x13a: {  	[sflag:s29] =	ssyncadd.s32 $0xFFFFD800  }
0x13b: {  	_ =	swait.ge [sflag:s29], $0x2800  }
0x13c: {  	[sflag:s29] =	ssyncset.done $0x0  }
0x13d: {  	[sflag:s29] =	ssyncadd.s32 $0xFFFFD800  }
0x13e: {  	[hbm4b:s1+s3] =	stream.linear.scatter [tilespmem:s14], [sflag:$0x3], $0xC800, $0x38;
	[tilespmem:$0x1B800] =	vst v63  }
0x13f: {  	_ =	swait.ge [sflag:s12], $0xC800  }
0x140: {  	[sflag:s12] =	ssyncset.done $0x0  }
0x141: {  	s7 =	sadd.s32 $0x500, s0;
	[sflag:s12] =	ssyncadd.s32 $0xFFFF3800  }
0x142: {  	[tilespmem:s14], [sflag:$0x1] =	stream.indirect.gather [hbm4b:s4+s13], $0x80, s7, s13, $0xb8;
	[tilespmem:$0x1B800] =	vst v63  }
0x143: {  	s7 =	sadd.s32 $0x580, s0  }
0x144: {  	[tilespmem:s16], [sflag:$0x1] =	stream.indirect.gather [hbm4b:s4+s13], $0x80, s7, s13, $0xb8;
	[tilespmem:$0x1B800] =	vst v63  }
0x145: {  	s7 =	sadd.s32 $0x600, s0  }
0x146: {  	[tilespmem:s18], [sflag:$0x1] =	stream.indirect.gather [hbm4b:s4+s13], $0x80, s7, s13, $0xb8;
	[tilespmem:$0x1B800] =	vst v63  }
0x147: {  	s7 =	sadd.s32 $0x680, s0  }
0x148: {  	[tilespmem:s20], [sflag:$0x1] =	stream.indirect.gather [hbm4b:s4+s13], $0x80, s7, s13, $0xb8;
	[tilespmem:$0x1B800] =	vst v63  }
0x149: {  	s0 =	sadd.s32 $0x700, s0  }
0x14a: {  	[tilespmem:s22], [sflag:$0x1] =	stream.indirect.gather [hbm4b:s4+s13], $0x80, s0, s13, $0xb8;
	[tilespmem:$0x1B800] =	vst v63  }
0x14b: {  	_ =	swait.ge [sflag:s30], $0x2800  }
0x14c: {  	[sflag:s30] =	ssyncset.done $0x0  }
0x14d: {  	[sflag:s30] =	ssyncadd.s32 $0xFFFFD800  }
0x14e: {  	_ =	swait.ge [sflag:s30], $0x2800  }
0x14f: {  	[sflag:s30] =	ssyncset.done $0x0  }
0x150: {  	[sflag:s30] =	ssyncadd.s32 $0xFFFFD800  }
0x151: {  	_ =	swait.ge [sflag:s30], $0x2800  }
0x152: {  	[sflag:s30] =	ssyncset.done $0x0  }
0x153: {  	[sflag:s30] =	ssyncadd.s32 $0xFFFFD800  }
0x154: {  	_ =	swait.ge [sflag:s30], $0x2800  }
0x155: {  	[sflag:s30] =	ssyncset.done $0x0  }
0x156: {  	[sflag:s30] =	ssyncadd.s32 $0xFFFFD800  }
0x157: {  	_ =	swait.ge [sflag:s30], $0x2800  }
.Ltmp1:
0x158: {  	[sflag:s30] =	ssyncset.done $0x0;
	(pc) =	sbr.rel @p0 .LBB2_4-.Ltmp1, $4  }
0x159: {  	s0 =	sadd.s32 $0x1900, s1;
	[sflag:s30] =	ssyncadd.s32 $0xFFFFD800  }
0x15a: {  	[hbm4b:s0+s3] =	stream.linear.scatter [tilespmem:s23], [sflag:$0x3], $0xC800, $0x38;
	[tilespmem:$0x1B800] =	vst v63  }
0x15b: {  	s7 =	smov.u32 s5;
	_ =	swait.ge [sflag:s12], $0xC800  }
0x15c: {  	s1 =	sadd.s32 $0x3200, s1;
	s0 =	sshra.s32 s6, $0x2;
	[sflag:s12] =	ssyncset.done $0x0  }
0x15d: {  	s5 =	sadd.s32 $0x280, s0;
	[sflag:s12] =	ssyncadd.s32 $0xFFFF3800  }
0x15e: {  	[tilespmem:s23], [sflag:$0x2] =	stream.indirect.gather [hbm4b:s4+s13], $0x80, s5, s13, $0xb8;
	[tilespmem:$0x1B800] =	vst v63  }
0x15f: {  	s7 =	sadd.s32 $0x300, s0  }
0x160: {  	[tilespmem:s24], [sflag:$0x2] =	stream.indirect.gather [hbm4b:s4+s13], $0x80, s7, s13, $0xb8;
	[tilespmem:$0x1B800] =	vst v63  }
0x161: {  	s8 =	sadd.s32 $0x380, s0  }
0x162: {  	[tilespmem:s25], [sflag:$0x2] =	stream.indirect.gather [hbm4b:s4+s13], $0x80, s8, s13, $0xb8;
	[tilespmem:$0x1B800] =	vst v63  }
0x163: {  	s6 =	sadd.s32 $0x400, s0  }
0x164: {  	[tilespmem:s26], [sflag:$0x2] =	stream.indirect.gather [hbm4b:s4+s13], $0x80, s6, s13, $0xb8;
	[tilespmem:$0x1B800] =	vst v63  }
0x165: {  	s7 =	sadd.s32 $0x480, s0  }
0x166: {  	[tilespmem:s28], [sflag:$0x2] =	stream.indirect.gather [hbm4b:s4+s13], $0x80, s7, s13, $0xb8;
	[tilespmem:$0x1B800] =	vst v63  }
0x167: {  	_ =	swait.ge [sflag:s29], $0x2800  }
0x168: {  	[sflag:s29] =	ssyncset.done $0x0  }
0x169: {  	[sflag:s29] =	ssyncadd.s32 $0xFFFFD800  }
0x16a: {  	_ =	swait.ge [sflag:s29], $0x2800  }
0x16b: {  	[sflag:s29] =	ssyncset.done $0x0  }
0x16c: {  	[sflag:s29] =	ssyncadd.s32 $0xFFFFD800  }
0x16d: {  	_ =	swait.ge [sflag:s29], $0x2800  }
0x16e: {  	[sflag:s29] =	ssyncset.done $0x0  }
0x16f: {  	[sflag:s29] =	ssyncadd.s32 $0xFFFFD800  }
0x170: {  	_ =	swait.ge [sflag:s29], $0x2800  }
0x171: {  	[sflag:s29] =	ssyncset.done $0x0  }
0x172: {  	[sflag:s29] =	ssyncadd.s32 $0xFFFFD800  }
0x173: {  	_ =	swait.ge [sflag:s29], $0x2800  }
0x174: {  	[sflag:s29] =	ssyncset.done $0x0  }
0x175: {  	[sflag:s29] =	ssyncadd.s32 $0xFFFFD800  }
0x176: {  	[hbm4b:s1+s3] =	stream.linear.scatter [tilespmem:s14], [sflag:$0x3], $0xC800, $0x38;
	[tilespmem:$0x1B800] =	vst v63  }
0x177: {  	_ =	swait.ge [sflag:s12], $0xC800  }
0x178: {  	[sflag:s12] =	ssyncset.done $0x0  }
0x179: {  	s8 =	sadd.s32 $0x500, s0;
	[sflag:s12] =	ssyncadd.s32 $0xFFFF3800  }
0x17a: {  	[tilespmem:s14], [sflag:$0x1] =	stream.indirect.gather [hbm4b:s4+s13], $0x80, s8, s13, $0xb8;
	[tilespmem:$0x1B800] =	vst v63  }
0x17b: {  	s6 =	sadd.s32 $0x580, s0  }
0x17c: {  	[tilespmem:s16], [sflag:$0x1] =	stream.indirect.gather [hbm4b:s4+s13], $0x80, s6, s13, $0xb8;
	[tilespmem:$0x1B800] =	vst v63  }
0x17d: {  	s7 =	sadd.s32 $0x600, s0  }
0x17e: {  	[tilespmem:s18], [sflag:$0x1] =	stream.indirect.gather [hbm4b:s4+s13], $0x80, s7, s13, $0xb8;
	[tilespmem:$0x1B800] =	vst v63  }
0x17f: {  	s8 =	sadd.s32 $0x680, s0  }
0x180: {  	[tilespmem:s20], [sflag:$0x1] =	stream.indirect.gather [hbm4b:s4+s13], $0x80, s8, s13, $0xb8;
	[tilespmem:$0x1B800] =	vst v63  }
0x181: {  	s6 =	sadd.s32 $0x700, s0  }
0x182: {  	[tilespmem:s22], [sflag:$0x1] =	stream.indirect.gather [hbm4b:s4+s13], $0x80, s6, s13, $0xb8;
	[tilespmem:$0x1B800] =	vst v63  }
0x183: {  	_ =	swait.ge [sflag:s30], $0x2800  }
0x184: {  	[sflag:s30] =	ssyncset.done $0x0  }
0x185: {  	[sflag:s30] =	ssyncadd.s32 $0xFFFFD800  }
0x186: {  	_ =	swait.ge [sflag:s30], $0x2800  }
0x187: {  	[sflag:s30] =	ssyncset.done $0x0  }
0x188: {  	[sflag:s30] =	ssyncadd.s32 $0xFFFFD800  }
0x189: {  	_ =	swait.ge [sflag:s30], $0x2800  }
0x18a: {  	[sflag:s30] =	ssyncset.done $0x0  }
0x18b: {  	[sflag:s30] =	ssyncadd.s32 $0xFFFFD800  }
0x18c: {  	_ =	swait.ge [sflag:s30], $0x2800  }
0x18d: {  	[sflag:s30] =	ssyncset.done $0x0  }
0x18e: {  	[sflag:s30] =	ssyncadd.s32 $0xFFFFD800  }
0x18f: {  	_ =	swait.ge [sflag:s30], $0x2800  }
0x190: {  	[sflag:s30] =	ssyncset.done $0x0  }
0x191: {  	s7 =	sadd.s32 $0x1900, s1;
	[sflag:s30] =	ssyncadd.s32 $0xFFFFD800  }
0x192: {  	[hbm4b:s7+s3] =	stream.linear.scatter [tilespmem:s23], [sflag:$0x3], $0xC800, $0x38;
	[tilespmem:$0x1B800] =	vst v63  }
0x193: {  	_ =	swait.ge [sflag:s12], $0xC800  }
0x194: {  	[sflag:s12] =	ssyncset.done $0x0  }
0x195: {  	[sflag:s12] =	ssyncadd.s32 $0xFFFF3800  }
0x196: {  	_ =	swait.ge [sflag:s29], $0x2800  }
0x197: {  	[sflag:s29] =	ssyncset.done $0x0  }
0x198: {  	[sflag:s29] =	ssyncadd.s32 $0xFFFFD800  }
0x199: {  	_ =	swait.ge [sflag:s29], $0x2800  }
0x19a: {  	[sflag:s29] =	ssyncset.done $0x0  }
0x19b: {  	[sflag:s29] =	ssyncadd.s32 $0xFFFFD800  }
0x19c: {  	_ =	swait.ge [sflag:s29], $0x2800  }
0x19d: {  	[sflag:s29] =	ssyncset.done $0x0  }
0x19e: {  	[sflag:s29] =	ssyncadd.s32 $0xFFFFD800  }
0x19f: {  	_ =	swait.ge [sflag:s29], $0x2800  }
0x1a0: {  	[sflag:s29] =	ssyncset.done $0x0  }
0x1a1: {  	[sflag:s29] =	ssyncadd.s32 $0xFFFFD800  }
0x1a2: {  	s31 =	sadd.s32 $0x1, s31;
	_ =	swait.ge [sflag:s29], $0x2800  }
0x1a3: {  	p0 =	sne.s32 s31, s9;
	[sflag:s29] =	ssyncset.done $0x0  }
.Ltmp2:
0x1a4: {  	s8 =	rddreg [dreg:$0x6];
	[sflag:s29] =	ssyncadd.s32 $0xFFFFD800;
	(pc) =	sbr.rel @p0 .LBB2_1-.Ltmp2, $4  }
0x1a5: {  	[hbm4b:s8+s3] =	stream.linear.scatter [tilespmem:s14], [sflag:$0x3], $0xC800, $0x38;
	[tilespmem:$0x1B800] =	vst v63  }
0x1a6: {  	_ =	swait.ge [sflag:s12], $0xC800  }
0x1a7: {  	[sflag:s12] =	ssyncset.done $0x0  }
0x1a8: {  	[sflag:s12] =	ssyncadd.s32 $0xFFFF3800  }
0x1a9: {  	_ =	sfence.sel $0x180000  }
0x1aa: {  	[bflag:$0x0] =	sbarrier.arrive $0xFFFF  }
0x1ab: {  	_ =	strace $0x90000047  }
0x1ac: {  	s0 =	stileid.u32;
	[bflag:$0x2] =	sbarrier.arrive $0xFFFF  }
0x1ad: {  	p0 =	sne.s32 s0, $0x0;
	s0 =	rddreg [dreg:$0x2]  }
0x1ae: {  	s0 =	sadd.s32 @!p0 $0x100000, s0  }
0x1af: {  	[sflag:s0] =	ssyncadd.tile.s32 @!p0 $0x1;
	_ =	shalt  }
.Lfunc_end2:
_tile_overlayer_lowered:
.L_overlay_start_2:
0x1b0: {  	(tag) =	ssettag $0x2  }
0x1b1: {  	s0 =	rddreg [dreg:$0x0];
	s2 =	stileid.u32  }
0x1b2: {  	s1 =	rddreg [dreg:$0x1];
	p0 =	sne.s32 s2, $0x0  }
0x1b3: {  	s3 =	rddreg [dreg:$0x2];
	[bflag:$0x3] =	sbarrier.arrive $0xFFFF;
	s2 =	simm.s32 @!p0 $0x1C03  }
0x1b4: {  	[timem:s3], [sflag:s2] =	dma.local @!p0 [hbm:s0], s1  }
0x1b5: {  	s0 =	simm.s32 @!p0 $0x3  }
0x1b6: {  	_ =	swait.ge @!p0 [sflag:s0], s1  }
0x1b7: {  	s1 =	ssub.s32 @!p0 $0x0, s1;
	[sflag:s0] =	ssyncset.done @!p0 $0x0  }
0x1b8: {  	[sflag:s0] =	ssyncadd.s32 @!p0 s1  }
0x1b9: {  	[bflag:$0x3] =	sbarrier.arrive $0xFFFF  }
0x1ba: {  	_ =	shalt  }

// kernel: kernel.13.cloned.1.call-start
scs
__scs_entry_jumppad:
0x0: {  	(pc) =	sbr.rel $0x88, $3  }
0x1: {  	(tag) =	ssettag $0x0;
	lr =	simm.s32 $0x1  }
0x2: {  	[smem:$0x3F91] =	sst lr;
	_ =	strace $0xD0000000  }
0x3: {  	_ = 	snop  }
0x4: {  	_ = 	snop  }
0x5: {  	_ = 	snop  }
0x6: {  	_ = 	snop  }
0x7: {  	_ = 	snop  }
__scs_overlays_trampoline_lowered:
0x8: {  	[smem:$0x3FA0] =	sst s0  }
0x9: {  	[smem:$0x3FA1] =	sst s1  }
0xa: {  	[smem:$0x3FA2] =	sst s2  }
0xb: {  	[smem:$0x3FA3] =	sst s3  }
0xc: {  	[smem:$0x3FA4] =	sst s4  }
0xd: {  	[smem:$0x3FA5] =	sst s5  }
0xe: {  	[smem:$0x3FA6] =	sst s6  }
0xf: {  	[smem:$0x3FA7] =	sst s7  }
0x10: {  	[smem:$0x3FA8] =	sst s8  }
0x11: {  	[smem:$0x3FA9] =	sst s9;
	s0 =	simm.s32 @!p0 $0x0  }
0x12: {  	s1 =	sld [smem:$0x3F8F];
	s0 =	simm.s32 @p0 $0x1  }
0x13: {  	[smem:$0x3FAA] =	sst s0;
	s0 =	simm.s32 @!p1 $0x0  }
0x14: {  	s2 =	sld [smem:$0x3F8E];
	s0 =	simm.s32 @p1 $0x1  }
0x15: {  	[smem:$0x3FAB] =	sst s0;
	s0 =	simm.s32 @!p2 $0x0  }
0x16: {  	s3 =	sld [smem:$0x3FDB];
	s0 =	simm.s32 @p2 $0x1  }
0x17: {  	s4 =	simm.s32 $0x1BF5;
	[smem:$0x3FAD] =	sst s0  }
0x18: {  	s0 =	sld [smem:$0x3F90];
	_ =	swait.ge [sflag:s4], $0x0  }
0x19: {  	s7 =	sld [smem:$0x3F91]  }
0x1a: {  	s8 =	sadd.s32 $0xFFFFE003, lr  }
0x1b: {  	s9 =	sadd.s32 $0xFFFFFEF7, lr;
	s5 =	simm.s32 $0xFFFFFFFF;
	p2 =	slt.u32 s8, $0xFFFFF086  }
0x1c: {  	p1 =	slt.u32 s9, $0xF7A;
	s5 =	simm.s32 @!p2 $0x0  }
0x1d: {  	s5 =	simm.s32 @p1 $0x1;
	p0 =	seq.s32 s7, s2  }
0x1e: {  	s7 =	smul.u32 @!p0 $0xF7A, s2;
	p2 =	seq.s32 @!p0 s5, $0x0  }
0x1f: {  	s9 =	smul.u32 $0xF7A, s1;
	s8 =	simm.s32 @!p0 $0x1BF5;
	p2 =	por !p2, p0  }
0x20: {  	[sflag:s8] =	ssyncset.s32 @!p0 $0xFFFFF086;
	s6 =	sadd.s32 @!p0 s3, s7;
	s7 =	simm.s32 @!p0 $0x108  }
0x21: {  	s3 =	sadd.s32 s3, s9;
	s6 =	sadd.s32 @!p0 $0x88, s6;
	s7 =	simm.s32 @p2 $0x1082  }
0x22: {  	[simem:s7], [sflag:s8] =	dma.local @!p0 [hbm:s6], $0xF7A  }
0x23: {  	s9 =	sor.u32 $0xD0000000, s2;
	s6 =	simm.s32 $0x108;
	_ =	swait.ge @!p0 [sflag:s8], $0x0  }
0x24: {  	s3 =	sadd.s32 $0x88, s3;
	s6 =	simm.s32 @!p1 $0x1082;
	[sflag:s4] =	ssyncset.s32 $0xFFFFF086  }
0x25: {  	[simem:s6], [sflag:s4] =	dma.local [hbm:s3], $0xF7A  }
0x26: {  	[smem:$0x3F91] =	sst s1;
	(tag) =	ssettag s2;
	_ =	strace s9  }
0x27: {  	s1 =	sld [smem:$0x3FA1]  }
0x28: {  	s2 =	sld [smem:$0x3FA2]  }
0x29: {  	s4 =	sld [smem:$0x3FA4]  }
0x2a: {  	p0 =	seq.s32 s5, $0x0;
	s5 =	sld [smem:$0x3FA5]  }
0x2b: {  	s6 =	sld [smem:$0x3FA6]  }
0x2c: {  	s7 =	sld [smem:$0x3FA7]  }
0x2d: {  	s3 =	simm.s32 $0x108;
	s8 =	sld [smem:$0x3FA8]  }
0x2e: {  	s3 =	simm.s32 @!p0 $0x1082;
	s9 =	sld [smem:$0x3FA9]  }
0x2f: {  	lr =	sadd.s32 s0, s3;
	s0 =	sld [smem:$0x3FA0]  }
0x30: {  	s3 =	sld [smem:$0x3FA3]  }
0x31: {  	[smem:$0x3FAC] =	sst s10  }
0x32: {  	s10 =	sld [smem:$0x3FAA];
	_ =	sdelay $0x3  }
0x33: {  	p0 =	seq.s32 s10, $0x1;
	s10 =	sld [smem:$0x3FAC];
	_ =	sdelay $0x3  }
0x34: {  	[smem:$0x3FAC] =	sst s10  }
0x35: {  	s10 =	sld [smem:$0x3FAB];
	_ =	sdelay $0x3  }
0x36: {  	p1 =	seq.s32 s10, $0x1;
	s10 =	sld [smem:$0x3FAC];
	_ =	sdelay $0x3  }
0x37: {  	[smem:$0x3FAC] =	sst s10  }
0x38: {  	s10 =	sld [smem:$0x3FAD]  }
0x39: {  	_ = 	snop;
	(pc) =	sbr.ind lr, $3  }
0x3a: {  	_ = 	snop  }
0x3b: {  	_ = 	snop  }
0x3c: {  	p2 =	seq.s32 s10, $0x1;
	s10 =	sld [smem:$0x3FAC]  }
0x3d: {  	_ =	shalt  }
0x3e: {  	_ =	shalt  }
0x3f: {  	_ =	shalt  }
0x40: {  	_ =	shalt  }
0x41: {  	_ =	shalt  }
0x42: {  	_ =	shalt  }
0x43: {  	_ =	shalt  }
0x44: {  	_ =	shalt  }
0x45: {  	_ =	shalt  }
0x46: {  	_ =	shalt  }
0x47: {  	_ =	shalt  }
0x48: {  	_ =	shalt  }
0x49: {  	_ =	shalt  }
0x4a: {  	_ =	shalt  }
0x4b: {  	_ =	shalt  }
0x4c: {  	_ =	shalt  }
0x4d: {  	_ =	shalt  }
0x4e: {  	_ =	shalt  }
0x4f: {  	_ =	shalt  }
0x50: {  	_ =	shalt  }
0x51: {  	_ =	shalt  }
0x52: {  	_ =	shalt  }
0x53: {  	_ =	shalt  }
0x54: {  	_ =	shalt  }
0x55: {  	_ =	shalt  }
0x56: {  	_ =	shalt  }
0x57: {  	_ =	shalt  }
0x58: {  	_ =	shalt  }
0x59: {  	_ =	shalt  }
0x5a: {  	_ =	shalt  }
0x5b: {  	_ =	shalt  }
0x5c: {  	_ =	shalt  }
0x5d: {  	_ =	shalt  }
0x5e: {  	_ =	shalt  }
0x5f: {  	_ =	shalt  }
0x60: {  	_ =	shalt  }
0x61: {  	_ =	shalt  }
0x62: {  	_ =	shalt  }
0x63: {  	_ =	shalt  }
0x64: {  	_ =	shalt  }
0x65: {  	_ =	shalt  }
0x66: {  	_ =	shalt  }
0x67: {  	_ =	shalt  }
0x68: {  	_ =	shalt  }
0x69: {  	_ =	shalt  }
0x6a: {  	_ =	shalt  }
0x6b: {  	_ =	shalt  }
0x6c: {  	_ =	shalt  }
0x6d: {  	_ =	shalt  }
0x6e: {  	_ =	shalt  }
0x6f: {  	_ =	shalt  }
0x70: {  	_ =	shalt  }
0x71: {  	_ =	shalt  }
0x72: {  	_ =	shalt  }
0x73: {  	_ =	shalt  }
0x74: {  	_ =	shalt  }
0x75: {  	_ =	shalt  }
0x76: {  	_ =	shalt  }
0x77: {  	_ =	shalt  }
0x78: {  	_ =	shalt  }
0x79: {  	_ =	shalt  }
0x7a: {  	_ =	shalt  }
0x7b: {  	_ =	shalt  }
0x7c: {  	_ =	shalt  }
0x7d: {  	_ =	shalt  }
0x7e: {  	_ =	shalt  }
0x7f: {  	_ =	shalt  }
0x80: {  	_ =	shalt  }
0x81: {  	_ =	shalt  }
0x82: {  	_ =	shalt  }
0x83: {  	_ =	shalt  }
0x84: {  	_ =	shalt  }
0x85: {  	_ =	shalt  }
0x86: {  	_ =	shalt  }
0x87: {  	_ =	shalt  }
.Lfunc_end0:
.L_simem_size_0:
called_computation.1_lowered:
.L_overlay_start_0:
0x88: {  	s2 =	sld [smem:$0x3FD9]  }
0x89: {  	s3 =	sld [smem:$0x3FFE];
	_ =	sdelay $0x1  }
0x8a: {  	s1 =	srdreg.scid  }
0x8b: {  	s0 =	sand.u32 $0x1, s1  }
0x8c: {  	s17 =	sshll.u32 s0, $0xA;
	s2 =	sadd.s32 s3, s2  }
0x8d: {  	s2 =	sadd.s32 s2, s17  }
0x8e: {  	[smem:$0x3FB8] =	sst s2  }
0x8f: {  	_ = 	snop  }
0x90: {  	s18 =	sld [smem:$0x3FD0];
	(tm) =	ssettm $0x1  }
0x91: {  	s19 =	sld [smem:$0x3FFB];
	_ =	sdelay $0x3  }
0x92: {  	_ =	strace s19  }
0x93: {  	s2 =	sld [smem:$0x3FFC];
	_ =	sdelay $0x3  }
0x94: {  	_ =	strace s2  }
0x95: {  	s2 =	sld [smem:$0x3FFD];
	_ =	sdelay $0x3  }
0x96: {  	_ =	strace s2  }
0x97: {  	_ =	strace $0x8FFFFFFF  }
0x98: {  	s20 =	sld [smem:$0x3FDB];
	_ =	sdelay $0x1  }
0x99: {  	s4 =	simm.s32 $_scs_section_size  }
0x9a: {  	s5 =	simm.s32 $_size__tile_overlayer_lowered;
	s6 =	simm.s32 $_tile_overlayer_lowered  }
0x9b: {  	s7 =	simm.s32 $0x1BFF;
	s21 =	sshll.u32 s6, $0x1;
	s4 =	sadd.s32 s4, s20  }
0x9c: {  	s22 =	simm.s32 $0x0;
	s5 =	sshll.u32 s5, $0x1;
	s6 =	sadd.s32 s21, s4  }
0x9d: {  	[timem:s22], [sflag:s7] =	dma.local [hbm:s6], s5  }
0x9e: {  	_ =	swait.ge [sflag:s7], s5  }
0x9f: {  	s5 =	ssub.s32 $0x0, s5;
	[sflag:s7] =	ssyncset.done $0x0  }
0xa0: {  	[sflag:s7] =	ssyncadd.s32 s5;
	_ =	sdelay $0x1  }
0xa1: {  	s23 =	simm.s32 $0x1B8B  }
0xa2: {  	_ =	swait.ge [sflag:s23], $0x1  }
0xa3: {  	[sflag:s23] =	ssyncset.done $0x0  }
0xa4: {  	[sflag:s23] =	ssyncadd.s32 $0xFFFFFFFF  }
0xa5: {  	s5 =	sld [smem:$0x0]  }
0xa6: {  	s6 =	sand.u32 $0xFFFFFFFE, s1  }
0xa7: {  	p0 =	sne.s32 s1, s6  }
0xa8: {  	s6 =	sshll.u32 @p0 s6, $0xE  }
0xa9: {  	s6 =	sadd.s32 @p0 $0x11B8D, s6;
	s7 =	sshll.u32 @p0 s5, $0x11  }
0xaa: {  	s6 =	sor.u32 @p0 s7, s6  }
0xab: {  	[sflag:s6] =	ssyncadd.remote.s32 @p0 $0x1;
	_ =	sdelay $0x1  }
0xac: {  	s6 =	simm.s32 @p0 $0x1B8D  }
0xad: {  	_ =	swait.eq @p0 [sflag:s6], $0x1  }
0xae: {  	[sflag:s6] =	ssyncadd.s32 @p0 $0xFFFFFFFF  }
0xaf: {  	s7 =	sshll.u32 @!p0 s1, $0xE  }
0xb0: {  	s7 =	sor.u32 @!p0 $0x4000, s7;
	s6 =	simm.s32 @!p0 $0x1B8D  }
0xb1: {  	s5 =	sshll.u32 @!p0 s5, $0x11;
	s7 =	sadd.s32 @!p0 $0x11B8D, s7;
	_ =	swait.eq @!p0 [sflag:s6], $0x1  }
0xb2: {  	s5 =	sor.u32 @!p0 s5, s7;
	[sflag:s6] =	ssyncadd.s32 @!p0 $0xFFFFFFFF  }
0xb3: {  	s25 =	simm.s32 $0x1B8E;
	s24 =	sld [smem:$0x3FFE];
	[sflag:s5] =	ssyncadd.remote.s32 @!p0 $0x1  }
0xb4: {  	s26 =	simm.s32 $execute0_lowered;
	[smem:$0x3FD2] =	sst s25  }
0xb5: {  	s6 =	sshll.u32 s26, $0x1;
	_ =	strace $0x80000049;
	[dreg:$0x1] =	wrdreg $0xFFFFFFFF  }
0xb6: {  	s28 =	simm.s32 $_size_execute0_lowered;
	s4 =	sadd.s32 s4, s6;
	[dreg:$0x0] =	wrdreg $0x0  }
0xb7: {  	s6 =	sshll.u32 s28, $0x1;
	[dreg:$0x2] =	wrdreg s4  }
0xb8: {  	[dreg:$0x3] =	wrdreg s6  }
0xb9: {  	[dreg:$0x4] =	wrdreg $0xC0  }
0xba: {  	_ =	task [dreg:s22], $0x5FFFF  }
0xbb: {  	[dreg:$0x1] =	wrdreg $0xFFFFFFFF  }
0xbc: {  	[dreg:$0x0] =	wrdreg $0x60  }
0xbd: {  	[dreg:$0x2] =	wrdreg s18  }
0xbe: {  	[dreg:$0x3] =	wrdreg s24  }
0xbf: {  	[dreg:$0x4] =	wrdreg $0x9  }
0xc0: {  	_ =	task.clear_ibuf [dreg:s22], $0x5FFFF;
	_ =	strace $0x90000049  }
0xc1: {  	s29 =	simm.s32 $0x9;
	_ =	strace $0x8000004B  }
0xc2: {  	_ =	swait.ge [sflag:s29], $0x1  }
0xc3: {  	[sflag:s29] =	ssyncadd.s32 $0xFFFFFFFF  }
0xc4: {  	_ =	strace $0x9000004B  }
0xc5: {  	_ =	sfence  }
0xc6: {  	s30 =	sld [smem:$0x0];
	_ =	sdelay $0x2  }
0xc7: {  	s31 =	sshll.u32 s1, $0xD;
	s1 =	sshrl.u32 s1, $0x2  }
0xc8: {  	s4 =	sand.u32 $0x4000, s31;
	s1 =	sadd.s32 s1, s30  }
0xc9: {  	s0 =	sor.u32 s4, s0;
	s1 =	sshll.u32 s1, $0x11  }
0xca: {  	s0 =	sor.u32 s1, s0  }
0xcb: {  	s0 =	sadd.s32 $0x8F2B, s0  }
0xcc: {  	[sflag:s0] =	ssyncadd.remote.s32 $0x1  }
0xcd: {  	_ =	sfence.sel $0xFFFF  }
0xce: {  	[dreg:$0x0] =	wrdreg $0xFFFFFFFF;
	(pc) =	sbr.abs _section_cstart, $3  }
0xcf: {  	[dreg:$0x1] =	wrdreg $0xFFFFFFFF  }
0xd0: {  	_ =	task.clear_ibuf [dreg:s22], $0x2FFFF;
	_ =	strace $0x9FFFFFFF  }
0xd1: {  	(tm) =	ssettm $0x7FFFFFFF  }
tec
execute0_lowered:
.L_overlay_start_1:
0x0: {  	(tag) =	ssettag $0x1  }
0x1: {  	s2 =	rddreg [dreg:$0x0];
	s0 =	srdreg.scid  }
0x2: {  	s10 =	stileid.u32;
	s1 =	rddreg [dreg:$0x1]  }
0x3: {  	s3 =	simm.s32 $0x0;
	s14 =	simm.s32 $0x3;
	s15 =	simm.s32 $0x50  }
0x4: {  	s16 =	simm.s32 $0x1C00;
	s18 =	simm.s32 $0x4400;
	s28 =	simm.s32 $0x13400  }
0x5: {  	s29 =	simm.s32 $0x15C00;
	s30 =	simm.s32 $0x18400;
	s31 =	simm.s32 $0x1  }
0x6: {  	s0 =	sand.u32 $0x1, s0;
	s4 =	sshll.u32 s10, $0x1;
	[smem:$0x7FF] =	sst s3  }
0x7: {  	s8 =	sadd.s32 $0x653400, s1;
	s23 =	smul.u32 $0x1F400, s10;
	s5 =	sor.u32 s0, s4  }
0x8: {  	_ =	strace $0x8000004A;
	s7 =	ssub.s32 $0x2, s0;
	s0 =	smul.u32 $0xFA00, s0  }
0x9: {  	s4 =	sadd.s32 $0x42200, s1;
	s6 =	smul.u32 $0x380, s5;
	s9 =	sshrl.u32 s7, $0x1  }
0xa: {  	s5 =	smul.u32 $0xFA00, s5;
	s26 =	sadd.s32 s23, s8;
	s7 =	ssub.s32 s7, s9  }
0xb: {  	s12 =	sadd.s32 s0, s26;
	s26 =	simm.s32 $0x10C00;
	s9 =	simm.s32 $0x0  }
0xc: {  	s6 =	sadd.s32 s6, s1;
	s1 =	sadd.s32 $0x847400, s1;
	s21 =	smax.u32 s7, $0x1  }
0xd: {  	s22 =	sadd.s32 $0xC800, s5;
	s20 =	sadd.s32 $0x645400, s6;
	[dreg:$0x5] =	wrdreg s21  }
0xe: {  	s5 =	sadd.s32 $0xE100, s5;
	s6 =	sadd.s32 $0x64C400, s6;
	[dreg:$0x3] =	wrdreg s20  }
0xf: {  	s24 =	sadd.s32 s8, s22;
	s25 =	sadd.s32 s8, s5;
	[dreg:$0x4] =	wrdreg s6  }
0x10: {  	s7 =	sadd.s32 s23, s1;
	s8 =	simm.s32 $0x1880;
	[dreg:$0x6] =	wrdreg s24  }
0x11: {  	[dreg:$0x7] =	wrdreg s25;
	s6 =	sadd.s32 s1, s22;
	s1 =	sadd.s32 s1, s5  }
0x12: {  	s13 =	sadd.s32 s0, s7;
	s20 =	simm.s32 $0x6C00;
	s22 =	simm.s32 $0x9400  }
0x13: {  	s24 =	simm.s32 $0xBC00;
	s25 =	simm.s32 $0xE400;
	s0 =	simm.s32 $0x1680  }
0x14: {  	s5 =	simm.s32 $0x1700;
	s7 =	simm.s32 $0x1800;
	[dreg:$0x8] =	wrdreg s6  }
0x15: {  	[dreg:$0x9] =	wrdreg s1;
	s1 =	simm.s32 $0x2;
	s6 =	simm.s32 $0x1780  }
.LBB2_1:
0x16: {  	s10 =	rddreg [dreg:$0x3]  }
0x17: {  	[tilespmem:s3], [sflag:$0x3] =	stream.linear.gather [hbm4b:s10+s3], $0x1900, $0x38;
	[tilespmem:$0x1AC00] =	vst v63  }
0x18: {  	_ =	swait.ge [sflag:s14], $0x1900  }
0x19: {  	[sflag:s14] =	ssyncset.done $0x0  }
0x1a: {  	[sflag:s14] =	ssyncadd.s32 $0xFFFFE700  }
0x1b: {  	[tilespmem:s16], [sflag:$0x1] =	stream.indirect.gather [hbm4b:s2+s15], $0x80, s3, s15, $0xb8;
	[tilespmem:$0x1AC00] =	vst v63  }
0x1c: {  	s11 =	simm.s32 $0x80  }
0x1d: {  	[tilespmem:s18], [sflag:$0x1] =	stream.indirect.gather [hbm4b:s2+s15], $0x80, s11, s15, $0xb8;
	[tilespmem:$0x1AC00] =	vst v63  }
0x1e: {  	s17 =	simm.s32 $0x100  }
0x1f: {  	[tilespmem:s20], [sflag:$0x1] =	stream.indirect.gather [hbm4b:s2+s15], $0x80, s17, s15, $0xb8;
	[tilespmem:$0x1AC00] =	vst v63  }
0x20: {  	s19 =	simm.s32 $0x180  }
0x21: {  	[tilespmem:s22], [sflag:$0x1] =	stream.indirect.gather [hbm4b:s2+s15], $0x80, s19, s15, $0xb8;
	[tilespmem:$0x1AC00] =	vst v63  }
0x22: {  	s21 =	simm.s32 $0x200  }
0x23: {  	[tilespmem:s24], [sflag:$0x1] =	stream.indirect.gather [hbm4b:s2+s15], $0x80, s21, s15, $0xb8;
	[tilespmem:$0x1AC00] =	vst v63  }
0x24: {  	s23 =	simm.s32 $0x280  }
0x25: {  	[tilespmem:s25], [sflag:$0x2] =	stream.indirect.gather [hbm4b:s2+s15], $0x80, s23, s15, $0xb8;
	[tilespmem:$0x1AC00] =	vst v63  }
0x26: {  	s11 =	simm.s32 $0x300  }
0x27: {  	[tilespmem:s26], [sflag:$0x2] =	stream.indirect.gather [hbm4b:s2+s15], $0x80, s11, s15, $0xb8;
	[tilespmem:$0x1AC00] =	vst v63  }
0x28: {  	s17 =	simm.s32 $0x380  }
0x29: {  	[tilespmem:s28], [sflag:$0x2] =	stream.indirect.gather [hbm4b:s2+s15], $0x80, s17, s15, $0xb8;
	[tilespmem:$0x1AC00] =	vst v63  }
0x2a: {  	s19 =	simm.s32 $0x400  }
0x2b: {  	[tilespmem:s29], [sflag:$0x2] =	stream.indirect.gather [hbm4b:s2+s15], $0x80, s19, s15, $0xb8;
	[tilespmem:$0x1AC00] =	vst v63  }
0x2c: {  	s21 =	simm.s32 $0x480  }
0x2d: {  	[tilespmem:s30], [sflag:$0x2] =	stream.indirect.gather [hbm4b:s2+s15], $0x80, s21, s15, $0xb8;
	[tilespmem:$0x1AC00] =	vst v63  }
0x2e: {  	_ =	swait.ge [sflag:s31], $0x2800  }
0x2f: {  	[sflag:s31] =	ssyncset.done $0x0  }
0x30: {  	[sflag:s31] =	ssyncadd.s32 $0xFFFFD800  }
0x31: {  	_ =	swait.ge [sflag:s31], $0x2800  }
0x32: {  	[sflag:s31] =	ssyncset.done $0x0  }
0x33: {  	[sflag:s31] =	ssyncadd.s32 $0xFFFFD800  }
0x34: {  	_ =	swait.ge [sflag:s31], $0x2800  }
0x35: {  	[sflag:s31] =	ssyncset.done $0x0  }
0x36: {  	[sflag:s31] =	ssyncadd.s32 $0xFFFFD800  }
0x37: {  	_ =	swait.ge [sflag:s31], $0x2800  }
0x38: {  	[sflag:s31] =	ssyncset.done $0x0  }
0x39: {  	[sflag:s31] =	ssyncadd.s32 $0xFFFFD800  }
0x3a: {  	_ =	swait.ge [sflag:s31], $0x2800  }
0x3b: {  	[sflag:s31] =	ssyncset.done $0x0  }
0x3c: {  	[sflag:s31] =	ssyncadd.s32 $0xFFFFD800  }
0x3d: {  	[hbm4b:s12+s3] =	stream.linear.scatter [tilespmem:s16], [sflag:$0x3], $0xC800, $0x38;
	[tilespmem:$0x1AC00] =	vst v63  }
0x3e: {  	_ =	swait.ge [sflag:s14], $0xC800  }
0x3f: {  	[sflag:s14] =	ssyncset.done $0x0  }
0x40: {  	s23 =	simm.s32 $0x500;
	[sflag:s14] =	ssyncadd.s32 $0xFFFF3800  }
0x41: {  	[tilespmem:s16], [sflag:$0x1] =	stream.indirect.gather [hbm4b:s2+s15], $0x80, s23, s15, $0xb8;
	[tilespmem:$0x1AC00] =	vst v63  }
0x42: {  	s11 =	simm.s32 $0x580  }
0x43: {  	[tilespmem:s18], [sflag:$0x1] =	stream.indirect.gather [hbm4b:s2+s15], $0x80, s11, s15, $0xb8;
	[tilespmem:$0x1AC00] =	vst v63  }
0x44: {  	s17 =	simm.s32 $0x600  }
0x45: {  	[tilespmem:s20], [sflag:$0x1] =	stream.indirect.gather [hbm4b:s2+s15], $0x80, s17, s15, $0xb8;
	[tilespmem:$0x1AC00] =	vst v63  }
0x46: {  	s19 =	simm.s32 $0x680  }
0x47: {  	[tilespmem:s22], [sflag:$0x1] =	stream.indirect.gather [hbm4b:s2+s15], $0x80, s19, s15, $0xb8;
	[tilespmem:$0x1AC00] =	vst v63  }
0x48: {  	s21 =	simm.s32 $0x700  }
0x49: {  	[tilespmem:s24], [sflag:$0x1] =	stream.indirect.gather [hbm4b:s2+s15], $0x80, s21, s15, $0xb8;
	[tilespmem:$0x1AC00] =	vst v63  }
0x4a: {  	_ =	swait.ge [sflag:s1], $0x2800  }
0x4b: {  	[sflag:s1] =	ssyncset.done $0x0  }
0x4c: {  	[sflag:s1] =	ssyncadd.s32 $0xFFFFD800  }
0x4d: {  	_ =	swait.ge [sflag:s1], $0x2800  }
0x4e: {  	[sflag:s1] =	ssyncset.done $0x0  }
0x4f: {  	[sflag:s1] =	ssyncadd.s32 $0xFFFFD800  }
0x50: {  	_ =	swait.ge [sflag:s1], $0x2800  }
0x51: {  	[sflag:s1] =	ssyncset.done $0x0  }
0x52: {  	[sflag:s1] =	ssyncadd.s32 $0xFFFFD800  }
0x53: {  	_ =	swait.ge [sflag:s1], $0x2800  }
0x54: {  	[sflag:s1] =	ssyncset.done $0x0  }
0x55: {  	[sflag:s1] =	ssyncadd.s32 $0xFFFFD800  }
0x56: {  	_ =	swait.ge [sflag:s1], $0x2800  }
0x57: {  	[sflag:s1] =	ssyncset.done $0x0  }
0x58: {  	s23 =	sadd.s32 $0x1900, s12;
	[sflag:s1] =	ssyncadd.s32 $0xFFFFD800  }
0x59: {  	[hbm4b:s23+s3] =	stream.linear.scatter [tilespmem:s25], [sflag:$0x3], $0xC800, $0x38;
	[tilespmem:$0x1AC00] =	vst v63  }
0x5a: {  	s10 =	simm.s32 $0x500;
	_ =	swait.ge [sflag:s14], $0xC800  }
0x5b: {  	s17 =	sadd.s32 $0x3200, s12;
	s19 =	simm.s32 $0x2800;
	[sflag:s14] =	ssyncset.done $0x0  }
.LBB2_2:
0x5c: {  	s23 =	sadd.s32 $0x280, s10  }
0x5d: {  	[sflag:s14] =	ssyncadd.s32 $0xFFFF3800;
	s11 =	smov.u32 s19;
	s21 =	sadd.s32 $0x1400, s19  }
0x5e: {  	[tilespmem:s25], [sflag:$0x2] =	stream.indirect.gather [hbm4b:s2+s15], $0x80, s23, s15, $0xb8;
	[tilespmem:$0x1AC00] =	vst v63  }
0x5f: {  	p0 =	sne.s32 s19, $0x3C00;
	s19 =	sadd.s32 $0x300, s10  }
0x60: {  	[tilespmem:s26], [sflag:$0x2] =	stream.indirect.gather [hbm4b:s2+s15], $0x80, s19, s15, $0xb8;
	[tilespmem:$0x1AC00] =	vst v63  }
0x61: {  	s19 =	sadd.s32 $0x380, s10  }
0x62: {  	[tilespmem:s28], [sflag:$0x2] =	stream.indirect.gather [hbm4b:s2+s15], $0x80, s19, s15, $0xb8;
	[tilespmem:$0x1AC00] =	vst v63  }
0x63: {  	s19 =	sadd.s32 $0x400, s10  }
0x64: {  	[tilespmem:s29], [sflag:$0x2] =	stream.indirect.gather [hbm4b:s2+s15], $0x80, s19, s15, $0xb8;
	[tilespmem:$0x1AC00] =	vst v63  }
0x65: {  	s19 =	sadd.s32 $0x480, s10  }
0x66: {  	[tilespmem:s30], [sflag:$0x2] =	stream.indirect.gather [hbm4b:s2+s15], $0x80, s19, s15, $0xb8;
	[tilespmem:$0x1AC00] =	vst v63  }
0x67: {  	_ =	swait.ge [sflag:s31], $0x2800  }
0x68: {  	[sflag:s31] =	ssyncset.done $0x0  }
0x69: {  	[sflag:s31] =	ssyncadd.s32 $0xFFFFD800  }
0x6a: {  	_ =	swait.ge [sflag:s31], $0x2800  }
0x6b: {  	[sflag:s31] =	ssyncset.done $0x0  }
0x6c: {  	[sflag:s31] =	ssyncadd.s32 $0xFFFFD800  }
0x6d: {  	_ =	swait.ge [sflag:s31], $0x2800  }
0x6e: {  	[sflag:s31] =	ssyncset.done $0x0  }
0x6f: {  	[sflag:s31] =	ssyncadd.s32 $0xFFFFD800  }
0x70: {  	_ =	swait.ge [sflag:s31], $0x2800  }
0x71: {  	[sflag:s31] =	ssyncset.done $0x0  }
0x72: {  	[sflag:s31] =	ssyncadd.s32 $0xFFFFD800  }
0x73: {  	_ =	swait.ge [sflag:s31], $0x2800  }
0x74: {  	[sflag:s31] =	ssyncset.done $0x0  }
0x75: {  	[sflag:s31] =	ssyncadd.s32 $0xFFFFD800  }
0x76: {  	[hbm4b:s17+s3] =	stream.linear.scatter [tilespmem:s16], [sflag:$0x3], $0xC800, $0x38;
	[tilespmem:$0x1AC00] =	vst v63  }
0x77: {  	_ =	swait.ge [sflag:s14], $0xC800  }
0x78: {  	[sflag:s14] =	ssyncset.done $0x0  }
0x79: {  	s19 =	sadd.s32 $0x500, s10;
	[sflag:s14] =	ssyncadd.s32 $0xFFFF3800  }
0x7a: {  	[tilespmem:s16], [sflag:$0x1] =	stream.indirect.gather [hbm4b:s2+s15], $0x80, s19, s15, $0xb8;
	[tilespmem:$0x1AC00] =	vst v63  }
0x7b: {  	s19 =	sadd.s32 $0x580, s10  }
0x7c: {  	[tilespmem:s18], [sflag:$0x1] =	stream.indirect.gather [hbm4b:s2+s15], $0x80, s19, s15, $0xb8;
	[tilespmem:$0x1AC00] =	vst v63  }
0x7d: {  	s19 =	sadd.s32 $0x600, s10  }
0x7e: {  	[tilespmem:s20], [sflag:$0x1] =	stream.indirect.gather [hbm4b:s2+s15], $0x80, s19, s15, $0xb8;
	[tilespmem:$0x1AC00] =	vst v63  }
0x7f: {  	s19 =	sadd.s32 $0x680, s10  }
0x80: {  	[tilespmem:s22], [sflag:$0x1] =	stream.indirect.gather [hbm4b:s2+s15], $0x80, s19, s15, $0xb8;
	[tilespmem:$0x1AC00] =	vst v63  }
0x81: {  	s10 =	sadd.s32 $0x700, s10  }
0x82: {  	[tilespmem:s24], [sflag:$0x1] =	stream.indirect.gather [hbm4b:s2+s15], $0x80, s10, s15, $0xb8;
	[tilespmem:$0x1AC00] =	vst v63  }
0x83: {  	_ =	swait.ge [sflag:s1], $0x2800  }
0x84: {  	[sflag:s1] =	ssyncset.done $0x0  }
0x85: {  	[sflag:s1] =	ssyncadd.s32 $0xFFFFD800  }
0x86: {  	_ =	swait.ge [sflag:s1], $0x2800  }
0x87: {  	[sflag:s1] =	ssyncset.done $0x0  }
0x88: {  	[sflag:s1] =	ssyncadd.s32 $0xFFFFD800  }
0x89: {  	_ =	swait.ge [sflag:s1], $0x2800  }
0x8a: {  	[sflag:s1] =	ssyncset.done $0x0  }
0x8b: {  	[sflag:s1] =	ssyncadd.s32 $0xFFFFD800  }
0x8c: {  	_ =	swait.ge [sflag:s1], $0x2800  }
0x8d: {  	[sflag:s1] =	ssyncset.done $0x0  }
0x8e: {  	[sflag:s1] =	ssyncadd.s32 $0xFFFFD800  }
0x8f: {  	_ =	swait.ge [sflag:s1], $0x2800  }
.Ltmp0:
0x90: {  	[sflag:s1] =	ssyncset.done $0x0;
	(pc) =	sbr.rel @p0 .LBB2_2-.Ltmp0, $4  }
0x91: {  	s10 =	sadd.s32 $0x1900, s17;
	[sflag:s1] =	ssyncadd.s32 $0xFFFFD800  }
0x92: {  	[hbm4b:s10+s3] =	stream.linear.scatter [tilespmem:s25], [sflag:$0x3], $0xC800, $0x38;
	[tilespmem:$0x1AC00] =	vst v63  }
0x93: {  	s19 =	smov.u32 s21;
	_ =	swait.ge [sflag:s14], $0xC800  }
0x94: {  	s17 =	sadd.s32 $0x3200, s17;
	s10 =	sshra.s32 s11, $0x2;
	[sflag:s14] =	ssyncset.done $0x0  }
0x95: {  	s11 =	sadd.s32 $0x280, s10;
	[sflag:s14] =	ssyncadd.s32 $0xFFFF3800  }
0x96: {  	[tilespmem:s25], [sflag:$0x2] =	stream.indirect.gather [hbm4b:s2+s15], $0x80, s11, s15, $0xb8;
	[tilespmem:$0x1AC00] =	vst v63  }
0x97: {  	s19 =	sadd.s32 $0x300, s10  }
0x98: {  	[tilespmem:s26], [sflag:$0x2] =	stream.indirect.gather [hbm4b:s2+s15], $0x80, s19, s15, $0xb8;
	[tilespmem:$0x1AC00] =	vst v63  }
0x99: {  	s21 =	sadd.s32 $0x380, s10  }
0x9a: {  	[tilespmem:s28], [sflag:$0x2] =	stream.indirect.gather [hbm4b:s2+s15], $0x80, s21, s15, $0xb8;
	[tilespmem:$0x1AC00] =	vst v63  }
0x9b: {  	s23 =	sadd.s32 $0x400, s10  }
0x9c: {  	[tilespmem:s29], [sflag:$0x2] =	stream.indirect.gather [hbm4b:s2+s15], $0x80, s23, s15, $0xb8;
	[tilespmem:$0x1AC00] =	vst v63  }
0x9d: {  	s19 =	sadd.s32 $0x480, s10  }
0x9e: {  	[tilespmem:s30], [sflag:$0x2] =	stream.indirect.gather [hbm4b:s2+s15], $0x80, s19, s15, $0xb8;
	[tilespmem:$0x1AC00] =	vst v63  }
0x9f: {  	_ =	swait.ge [sflag:s31], $0x2800  }
0xa0: {  	[sflag:s31] =	ssyncset.done $0x0  }
0xa1: {  	[sflag:s31] =	ssyncadd.s32 $0xFFFFD800  }
0xa2: {  	_ =	swait.ge [sflag:s31], $0x2800  }
0xa3: {  	[sflag:s31] =	ssyncset.done $0x0  }
0xa4: {  	[sflag:s31] =	ssyncadd.s32 $0xFFFFD800  }
0xa5: {  	_ =	swait.ge [sflag:s31], $0x2800  }
0xa6: {  	[sflag:s31] =	ssyncset.done $0x0  }
0xa7: {  	[sflag:s31] =	ssyncadd.s32 $0xFFFFD800  }
0xa8: {  	_ =	swait.ge [sflag:s31], $0x2800  }
0xa9: {  	[sflag:s31] =	ssyncset.done $0x0  }
0xaa: {  	[sflag:s31] =	ssyncadd.s32 $0xFFFFD800  }
0xab: {  	_ =	swait.ge [sflag:s31], $0x2800  }
0xac: {  	[sflag:s31] =	ssyncset.done $0x0  }
0xad: {  	[sflag:s31] =	ssyncadd.s32 $0xFFFFD800  }
0xae: {  	[hbm4b:s17+s3] =	stream.linear.scatter [tilespmem:s16], [sflag:$0x3], $0xC800, $0x38;
	[tilespmem:$0x1AC00] =	vst v63  }
0xaf: {  	_ =	swait.ge [sflag:s14], $0xC800  }
0xb0: {  	[sflag:s14] =	ssyncset.done $0x0  }
0xb1: {  	s21 =	sadd.s32 $0x500, s10;
	[sflag:s14] =	ssyncadd.s32 $0xFFFF3800  }
0xb2: {  	[tilespmem:s16], [sflag:$0x1] =	stream.indirect.gather [hbm4b:s2+s15], $0x80, s21, s15, $0xb8;
	[tilespmem:$0x1AC00] =	vst v63  }
0xb3: {  	s23 =	sadd.s32 $0x580, s10  }
0xb4: {  	[tilespmem:s18], [sflag:$0x1] =	stream.indirect.gather [hbm4b:s2+s15], $0x80, s23, s15, $0xb8;
	[tilespmem:$0x1AC00] =	vst v63  }
0xb5: {  	s19 =	sadd.s32 $0x600, s10  }
0xb6: {  	[tilespmem:s20], [sflag:$0x1] =	stream.indirect.gather [hbm4b:s2+s15], $0x80, s19, s15, $0xb8;
	[tilespmem:$0x1AC00] =	vst v63  }
0xb7: {  	s21 =	sadd.s32 $0x680, s10  }
0xb8: {  	[tilespmem:s22], [sflag:$0x1] =	stream.indirect.gather [hbm4b:s2+s15], $0x80, s21, s15, $0xb8;
	[tilespmem:$0x1AC00] =	vst v63  }
0xb9: {  	s23 =	sadd.s32 $0x700, s10  }
0xba: {  	[tilespmem:s24], [sflag:$0x1] =	stream.indirect.gather [hbm4b:s2+s15], $0x80, s23, s15, $0xb8;
	[tilespmem:$0x1AC00] =	vst v63  }
0xbb: {  	_ =	swait.ge [sflag:s1], $0x2800  }
0xbc: {  	[sflag:s1] =	ssyncset.done $0x0  }
0xbd: {  	[sflag:s1] =	ssyncadd.s32 $0xFFFFD800  }
0xbe: {  	_ =	swait.ge [sflag:s1], $0x2800  }
0xbf: {  	[sflag:s1] =	ssyncset.done $0x0  }
0xc0: {  	[sflag:s1] =	ssyncadd.s32 $0xFFFFD800  }
0xc1: {  	_ =	swait.ge [sflag:s1], $0x2800  }
0xc2: {  	[sflag:s1] =	ssyncset.done $0x0  }
0xc3: {  	[sflag:s1] =	ssyncadd.s32 $0xFFFFD800  }
0xc4: {  	_ =	swait.ge [sflag:s1], $0x2800  }
0xc5: {  	[sflag:s1] =	ssyncset.done $0x0  }
0xc6: {  	[sflag:s1] =	ssyncadd.s32 $0xFFFFD800  }
0xc7: {  	_ =	swait.ge [sflag:s1], $0x2800  }
0xc8: {  	[sflag:s1] =	ssyncset.done $0x0  }
0xc9: {  	s11 =	sadd.s32 $0x1900, s17;
	[sflag:s1] =	ssyncadd.s32 $0xFFFFD800  }
0xca: {  	[hbm4b:s11+s3] =	stream.linear.scatter [tilespmem:s25], [sflag:$0x3], $0xC800, $0x38;
	[tilespmem:$0x1AC00] =	vst v63  }
0xcb: {  	_ =	swait.ge [sflag:s14], $0xC800  }
0xcc: {  	[sflag:s14] =	ssyncset.done $0x0  }
0xcd: {  	[sflag:s14] =	ssyncadd.s32 $0xFFFF3800  }
0xce: {  	[tilespmem:s25], [sflag:$0x2] =	stream.indirect.gather [hbm4b:s2+s15], $0x80, s0, s15, $0xb8;
	[tilespmem:$0x1AC00] =	vst v63  }
0xcf: {  	_ = 	snop  }
0xd0: {  	[tilespmem:s26], [sflag:$0x2] =	stream.indirect.gather [hbm4b:s2+s15], $0x80, s5, s15, $0xb8;
	[tilespmem:$0x1AC00] =	vst v63  }
0xd1: {  	_ = 	snop  }
0xd2: {  	[tilespmem:s28], [sflag:$0x2] =	stream.indirect.gather [hbm4b:s2+s15], $0x80, s6, s15, $0xb8;
	[tilespmem:$0x1AC00] =	vst v63  }
0xd3: {  	_ = 	snop  }
0xd4: {  	[tilespmem:s29], [sflag:$0x2] =	stream.indirect.gather [hbm4b:s2+s15], $0x80, s7, s15, $0xb8;
	[tilespmem:$0x1AC00] =	vst v63  }
0xd5: {  	_ = 	snop  }
0xd6: {  	[tilespmem:s30], [sflag:$0x2] =	stream.indirect.gather [hbm4b:s2+s15], $0x80, s8, s15, $0xb8;
	[tilespmem:$0x1AC00] =	vst v63  }
0xd7: {  	_ =	swait.ge [sflag:s31], $0x2800  }
0xd8: {  	[sflag:s31] =	ssyncset.done $0x0  }
0xd9: {  	[sflag:s31] =	ssyncadd.s32 $0xFFFFD800  }
0xda: {  	_ =	swait.ge [sflag:s31], $0x2800  }
0xdb: {  	[sflag:s31] =	ssyncset.done $0x0  }
0xdc: {  	[sflag:s31] =	ssyncadd.s32 $0xFFFFD800  }
0xdd: {  	_ =	swait.ge [sflag:s31], $0x2800  }
0xde: {  	[sflag:s31] =	ssyncset.done $0x0  }
0xdf: {  	[sflag:s31] =	ssyncadd.s32 $0xFFFFD800  }
0xe0: {  	_ =	swait.ge [sflag:s31], $0x2800  }
0xe1: {  	[sflag:s31] =	ssyncset.done $0x0  }
0xe2: {  	[sflag:s31] =	ssyncadd.s32 $0xFFFFD800  }
0xe3: {  	_ =	swait.ge [sflag:s31], $0x2800  }
0xe4: {  	[sflag:s31] =	ssyncset.done $0x0  }
0xe5: {  	s17 =	simm.s32 $0x0;
	s19 =	rddreg [dreg:$0x6];
	[sflag:s31] =	ssyncadd.s32 $0xFFFFD800  }
0xe6: {  	[hbm4b:s19+s17] =	stream.linear.scatter [tilespmem:s16], [sflag:$0x3], $0xC800, $0x38;
	[tilespmem:$0x1AC00] =	vst v63  }
0xe7: {  	_ =	swait.ge [sflag:s14], $0xC800  }
0xe8: {  	[sflag:s14] =	ssyncset.done $0x0  }
0xe9: {  	[sflag:s14] =	ssyncadd.s32 $0xFFFF3800  }
0xea: {  	_ =	swait.ge [sflag:s1], $0x2800  }
0xeb: {  	[sflag:s1] =	ssyncset.done $0x0  }
0xec: {  	[sflag:s1] =	ssyncadd.s32 $0xFFFFD800  }
0xed: {  	_ =	swait.ge [sflag:s1], $0x2800  }
0xee: {  	[sflag:s1] =	ssyncset.done $0x0  }
0xef: {  	[sflag:s1] =	ssyncadd.s32 $0xFFFFD800  }
0xf0: {  	_ =	swait.ge [sflag:s1], $0x2800  }
0xf1: {  	[sflag:s1] =	ssyncset.done $0x0  }
0xf2: {  	[sflag:s1] =	ssyncadd.s32 $0xFFFFD800  }
0xf3: {  	_ =	swait.ge [sflag:s1], $0x2800  }
0xf4: {  	[sflag:s1] =	ssyncset.done $0x0  }
0xf5: {  	[sflag:s1] =	ssyncadd.s32 $0xFFFFD800  }
0xf6: {  	_ =	swait.ge [sflag:s1], $0x2800  }
0xf7: {  	[sflag:s1] =	ssyncset.done $0x0  }
0xf8: {  	s21 =	rddreg [dreg:$0x7];
	[sflag:s1] =	ssyncadd.s32 $0xFFFFD800  }
0xf9: {  	[hbm4b:s21+s17] =	stream.linear.scatter [tilespmem:s25], [sflag:$0x3], $0xC800, $0x38;
	[tilespmem:$0x1AC00] =	vst v63  }
0xfa: {  	_ =	swait.ge [sflag:s14], $0xC800  }
0xfb: {  	[sflag:s14] =	ssyncset.done $0x0  }
0xfc: {  	s23 =	rddreg [dreg:$0x4];
	[sflag:s14] =	ssyncadd.s32 $0xFFFF3800  }
0xfd: {  	[tilespmem:s17], [sflag:$0x3] =	stream.linear.gather [hbm4b:s23+s17], $0x1900, $0x38;
	[tilespmem:$0x1AC00] =	vst v63  }
0xfe: {  	_ =	swait.ge [sflag:s14], $0x1900  }
0xff: {  	[sflag:s14] =	ssyncset.done $0x0  }
0x100: {  	[sflag:s14] =	ssyncadd.s32 $0xFFFFE700  }
0x101: {  	[tilespmem:s16], [sflag:$0x1] =	stream.indirect.gather [hbm4b:s4+s15], $0x80, s17, s15, $0xb8;
	[tilespmem:$0x1AC00] =	vst v63  }
0x102: {  	s11 =	simm.s32 $0x80  }
0x103: {  	[tilespmem:s18], [sflag:$0x1] =	stream.indirect.gather [hbm4b:s4+s15], $0x80, s11, s15, $0xb8;
	[tilespmem:$0x1AC00] =	vst v63  }
0x104: {  	s17 =	simm.s32 $0x100  }
0x105: {  	[tilespmem:s20], [sflag:$0x1] =	stream.indirect.gather [hbm4b:s4+s15], $0x80, s17, s15, $0xb8;
	[tilespmem:$0x1AC00] =	vst v63  }
0x106: {  	s19 =	simm.s32 $0x180  }
0x107: {  	[tilespmem:s22], [sflag:$0x1] =	stream.indirect.gather [hbm4b:s4+s15], $0x80, s19, s15, $0xb8;
	[tilespmem:$0x1AC00] =	vst v63  }
0x108: {  	s21 =	simm.s32 $0x200  }
0x109: {  	[tilespmem:s24], [sflag:$0x1] =	stream.indirect.gather [hbm4b:s4+s15], $0x80, s21, s15, $0xb8;
	[tilespmem:$0x1AC00] =	vst v63  }
0x10a: {  	s23 =	simm.s32 $0x280  }
0x10b: {  	[tilespmem:s25], [sflag:$0x2] =	stream.indirect.gather [hbm4b:s4+s15], $0x80, s23, s15, $0xb8;
	[tilespmem:$0x1AC00] =	vst v63  }
0x10c: {  	s11 =	simm.s32 $0x300  }
0x10d: {  	[tilespmem:s26], [sflag:$0x2] =	stream.indirect.gather [hbm4b:s4+s15], $0x80, s11, s15, $0xb8;
	[tilespmem:$0x1AC00] =	vst v63  }
0x10e: {  	s17 =	simm.s32 $0x380  }
0x10f: {  	[tilespmem:s28], [sflag:$0x2] =	stream.indirect.gather [hbm4b:s4+s15], $0x80, s17, s15, $0xb8;
	[tilespmem:$0x1AC00] =	vst v63  }
0x110: {  	s19 =	simm.s32 $0x400  }
0x111: {  	[tilespmem:s29], [sflag:$0x2] =	stream.indirect.gather [hbm4b:s4+s15], $0x80, s19, s15, $0xb8;
	[tilespmem:$0x1AC00] =	vst v63  }
0x112: {  	s21 =	simm.s32 $0x480  }
0x113: {  	[tilespmem:s30], [sflag:$0x2] =	stream.indirect.gather [hbm4b:s4+s15], $0x80, s21, s15, $0xb8;
	[tilespmem:$0x1AC00] =	vst v63  }
0x114: {  	_ =	swait.ge [sflag:s31], $0x2800  }
0x115: {  	[sflag:s31] =	ssyncset.done $0x0  }
0x116: {  	[sflag:s31] =	ssyncadd.s32 $0xFFFFD800  }
0x117: {  	_ =	swait.ge [sflag:s31], $0x2800  }
0x118: {  	[sflag:s31] =	ssyncset.done $0x0  }
0x119: {  	[sflag:s31] =	ssyncadd.s32 $0xFFFFD800  }
0x11a: {  	_ =	swait.ge [sflag:s31], $0x2800  }
0x11b: {  	[sflag:s31] =	ssyncset.done $0x0  }
0x11c: {  	[sflag:s31] =	ssyncadd.s32 $0xFFFFD800  }
0x11d: {  	_ =	swait.ge [sflag:s31], $0x2800  }
0x11e: {  	[sflag:s31] =	ssyncset.done $0x0  }
0x11f: {  	[sflag:s31] =	ssyncadd.s32 $0xFFFFD800  }
0x120: {  	_ =	swait.ge [sflag:s31], $0x2800  }
0x121: {  	[sflag:s31] =	ssyncset.done $0x0  }
0x122: {  	[sflag:s31] =	ssyncadd.s32 $0xFFFFD800  }
0x123: {  	[hbm4b:s13+s3] =	stream.linear.scatter [tilespmem:s16], [sflag:$0x3], $0xC800, $0x38;
	[tilespmem:$0x1AC00] =	vst v63  }
0x124: {  	_ =	swait.ge [sflag:s14], $0xC800  }
0x125: {  	[sflag:s14] =	ssyncset.done $0x0  }
0x126: {  	s23 =	simm.s32 $0x500;
	[sflag:s14] =	ssyncadd.s32 $0xFFFF3800  }
0x127: {  	[tilespmem:s16], [sflag:$0x1] =	stream.indirect.gather [hbm4b:s4+s15], $0x80, s23, s15, $0xb8;
	[tilespmem:$0x1AC00] =	vst v63  }
0x128: {  	s11 =	simm.s32 $0x580  }
0x129: {  	[tilespmem:s18], [sflag:$0x1] =	stream.indirect.gather [hbm4b:s4+s15], $0x80, s11, s15, $0xb8;
	[tilespmem:$0x1AC00] =	vst v63  }
0x12a: {  	s17 =	simm.s32 $0x600  }
0x12b: {  	[tilespmem:s20], [sflag:$0x1] =	stream.indirect.gather [hbm4b:s4+s15], $0x80, s17, s15, $0xb8;
	[tilespmem:$0x1AC00] =	vst v63  }
0x12c: {  	s19 =	simm.s32 $0x680  }
0x12d: {  	[tilespmem:s22], [sflag:$0x1] =	stream.indirect.gather [hbm4b:s4+s15], $0x80, s19, s15, $0xb8;
	[tilespmem:$0x1AC00] =	vst v63  }
0x12e: {  	s21 =	simm.s32 $0x700  }
0x12f: {  	[tilespmem:s24], [sflag:$0x1] =	stream.indirect.gather [hbm4b:s4+s15], $0x80, s21, s15, $0xb8;
	[tilespmem:$0x1AC00] =	vst v63  }
0x130: {  	_ =	swait.ge [sflag:s1], $0x2800  }
0x131: {  	[sflag:s1] =	ssyncset.done $0x0  }
0x132: {  	[sflag:s1] =	ssyncadd.s32 $0xFFFFD800  }
0x133: {  	_ =	swait.ge [sflag:s1], $0x2800  }
0x134: {  	[sflag:s1] =	ssyncset.done $0x0  }
0x135: {  	[sflag:s1] =	ssyncadd.s32 $0xFFFFD800  }
0x136: {  	_ =	swait.ge [sflag:s1], $0x2800  }
0x137: {  	[sflag:s1] =	ssyncset.done $0x0  }
0x138: {  	[sflag:s1] =	ssyncadd.s32 $0xFFFFD800  }
0x139: {  	_ =	swait.ge [sflag:s1], $0x2800  }
0x13a: {  	[sflag:s1] =	ssyncset.done $0x0  }
0x13b: {  	[sflag:s1] =	ssyncadd.s32 $0xFFFFD800  }
0x13c: {  	_ =	swait.ge [sflag:s1], $0x2800  }
0x13d: {  	[sflag:s1] =	ssyncset.done $0x0  }
0x13e: {  	s23 =	sadd.s32 $0x1900, s13;
	[sflag:s1] =	ssyncadd.s32 $0xFFFFD800  }
0x13f: {  	[hbm4b:s23+s3] =	stream.linear.scatter [tilespmem:s25], [sflag:$0x3], $0xC800, $0x38;
	[tilespmem:$0x1AC00] =	vst v63  }
0x140: {  	s10 =	simm.s32 $0x500;
	_ =	swait.ge [sflag:s14], $0xC800  }
0x141: {  	s17 =	sadd.s32 $0x3200, s13;
	s21 =	simm.s32 $0x2800;
	[sflag:s14] =	ssyncset.done $0x0  }
.LBB2_4:
0x142: {  	s23 =	sadd.s32 $0x280, s10  }
0x143: {  	[sflag:s14] =	ssyncadd.s32 $0xFFFF3800;
	s11 =	smov.u32 s21;
	s19 =	sadd.s32 $0x1400, s21  }
0x144: {  	[tilespmem:s25], [sflag:$0x2] =	stream.indirect.gather [hbm4b:s4+s15], $0x80, s23, s15, $0xb8;
	[tilespmem:$0x1AC00] =	vst v63  }
0x145: {  	p0 =	sne.s32 s21, $0x3C00;
	s21 =	sadd.s32 $0x300, s10  }
0x146: {  	[tilespmem:s26], [sflag:$0x2] =	stream.indirect.gather [hbm4b:s4+s15], $0x80, s21, s15, $0xb8;
	[tilespmem:$0x1AC00] =	vst v63  }
0x147: {  	s21 =	sadd.s32 $0x380, s10  }
0x148: {  	[tilespmem:s28], [sflag:$0x2] =	stream.indirect.gather [hbm4b:s4+s15], $0x80, s21, s15, $0xb8;
	[tilespmem:$0x1AC00] =	vst v63  }
0x149: {  	s21 =	sadd.s32 $0x400, s10  }
0x14a: {  	[tilespmem:s29], [sflag:$0x2] =	stream.indirect.gather [hbm4b:s4+s15], $0x80, s21, s15, $0xb8;
	[tilespmem:$0x1AC00] =	vst v63  }
0x14b: {  	s21 =	sadd.s32 $0x480, s10  }
0x14c: {  	[tilespmem:s30], [sflag:$0x2] =	stream.indirect.gather [hbm4b:s4+s15], $0x80, s21, s15, $0xb8;
	[tilespmem:$0x1AC00] =	vst v63  }
0x14d: {  	_ =	swait.ge [sflag:s31], $0x2800  }
0x14e: {  	[sflag:s31] =	ssyncset.done $0x0  }
0x14f: {  	[sflag:s31] =	ssyncadd.s32 $0xFFFFD800  }
0x150: {  	_ =	swait.ge [sflag:s31], $0x2800  }
0x151: {  	[sflag:s31] =	ssyncset.done $0x0  }
0x152: {  	[sflag:s31] =	ssyncadd.s32 $0xFFFFD800  }
0x153: {  	_ =	swait.ge [sflag:s31], $0x2800  }
0x154: {  	[sflag:s31] =	ssyncset.done $0x0  }
0x155: {  	[sflag:s31] =	ssyncadd.s32 $0xFFFFD800  }
0x156: {  	_ =	swait.ge [sflag:s31], $0x2800  }
0x157: {  	[sflag:s31] =	ssyncset.done $0x0  }
0x158: {  	[sflag:s31] =	ssyncadd.s32 $0xFFFFD800  }
0x159: {  	_ =	swait.ge [sflag:s31], $0x2800  }
0x15a: {  	[sflag:s31] =	ssyncset.done $0x0  }
0x15b: {  	[sflag:s31] =	ssyncadd.s32 $0xFFFFD800  }
0x15c: {  	[hbm4b:s17+s3] =	stream.linear.scatter [tilespmem:s16], [sflag:$0x3], $0xC800, $0x38;
	[tilespmem:$0x1AC00] =	vst v63  }
0x15d: {  	_ =	swait.ge [sflag:s14], $0xC800  }
0x15e: {  	[sflag:s14] =	ssyncset.done $0x0  }
0x15f: {  	s21 =	sadd.s32 $0x500, s10;
	[sflag:s14] =	ssyncadd.s32 $0xFFFF3800  }
0x160: {  	[tilespmem:s16], [sflag:$0x1] =	stream.indirect.gather [hbm4b:s4+s15], $0x80, s21, s15, $0xb8;
	[tilespmem:$0x1AC00] =	vst v63  }
0x161: {  	s21 =	sadd.s32 $0x580, s10  }
0x162: {  	[tilespmem:s18], [sflag:$0x1] =	stream.indirect.gather [hbm4b:s4+s15], $0x80, s21, s15, $0xb8;
	[tilespmem:$0x1AC00] =	vst v63  }
0x163: {  	s21 =	sadd.s32 $0x600, s10  }
0x164: {  	[tilespmem:s20], [sflag:$0x1] =	stream.indirect.gather [hbm4b:s4+s15], $0x80, s21, s15, $0xb8;
	[tilespmem:$0x1AC00] =	vst v63  }
0x165: {  	s21 =	sadd.s32 $0x680, s10  }
0x166: {  	[tilespmem:s22], [sflag:$0x1] =	stream.indirect.gather [hbm4b:s4+s15], $0x80, s21, s15, $0xb8;
	[tilespmem:$0x1AC00] =	vst v63  }
0x167: {  	s10 =	sadd.s32 $0x700, s10  }
0x168: {  	[tilespmem:s24], [sflag:$0x1] =	stream.indirect.gather [hbm4b:s4+s15], $0x80, s10, s15, $0xb8;
	[tilespmem:$0x1AC00] =	vst v63  }
0x169: {  	_ =	swait.ge [sflag:s1], $0x2800  }
0x16a: {  	[sflag:s1] =	ssyncset.done $0x0  }
0x16b: {  	[sflag:s1] =	ssyncadd.s32 $0xFFFFD800  }
0x16c: {  	_ =	swait.ge [sflag:s1], $0x2800  }
0x16d: {  	[sflag:s1] =	ssyncset.done $0x0  }
0x16e: {  	[sflag:s1] =	ssyncadd.s32 $0xFFFFD800  }
0x16f: {  	_ =	swait.ge [sflag:s1], $0x2800  }
0x170: {  	[sflag:s1] =	ssyncset.done $0x0  }
0x171: {  	[sflag:s1] =	ssyncadd.s32 $0xFFFFD800  }
0x172: {  	_ =	swait.ge [sflag:s1], $0x2800  }
0x173: {  	[sflag:s1] =	ssyncset.done $0x0  }
0x174: {  	[sflag:s1] =	ssyncadd.s32 $0xFFFFD800  }
0x175: {  	_ =	swait.ge [sflag:s1], $0x2800  }
.Ltmp1:
0x176: {  	[sflag:s1] =	ssyncset.done $0x0;
	(pc) =	sbr.rel @p0 .LBB2_4-.Ltmp1, $4  }
0x177: {  	s10 =	sadd.s32 $0x1900, s17;
	[sflag:s1] =	ssyncadd.s32 $0xFFFFD800  }
0x178: {  	[hbm4b:s10+s3] =	stream.linear.scatter [tilespmem:s25], [sflag:$0x3], $0xC800, $0x38;
	[tilespmem:$0x1AC00] =	vst v63  }
0x179: {  	s21 =	smov.u32 s19;
	_ =	swait.ge [sflag:s14], $0xC800  }
0x17a: {  	s17 =	sadd.s32 $0x3200, s17;
	s10 =	sshra.s32 s11, $0x2;
	[sflag:s14] =	ssyncset.done $0x0  }
0x17b: {  	s11 =	sadd.s32 $0x280, s10;
	[sflag:s14] =	ssyncadd.s32 $0xFFFF3800  }
0x17c: {  	[tilespmem:s25], [sflag:$0x2] =	stream.indirect.gather [hbm4b:s4+s15], $0x80, s11, s15, $0xb8;
	[tilespmem:$0x1AC00] =	vst v63  }
0x17d: {  	s21 =	sadd.s32 $0x300, s10  }
0x17e: {  	[tilespmem:s26], [sflag:$0x2] =	stream.indirect.gather [hbm4b:s4+s15], $0x80, s21, s15, $0xb8;
	[tilespmem:$0x1AC00] =	vst v63  }
0x17f: {  	s23 =	sadd.s32 $0x380, s10  }
0x180: {  	[tilespmem:s28], [sflag:$0x2] =	stream.indirect.gather [hbm4b:s4+s15], $0x80, s23, s15, $0xb8;
	[tilespmem:$0x1AC00] =	vst v63  }
0x181: {  	s19 =	sadd.s32 $0x400, s10  }
0x182: {  	[tilespmem:s29], [sflag:$0x2] =	stream.indirect.gather [hbm4b:s4+s15], $0x80, s19, s15, $0xb8;
	[tilespmem:$0x1AC00] =	vst v63  }
0x183: {  	s21 =	sadd.s32 $0x480, s10  }
0x184: {  	[tilespmem:s30], [sflag:$0x2] =	stream.indirect.gather [hbm4b:s4+s15], $0x80, s21, s15, $0xb8;
	[tilespmem:$0x1AC00] =	vst v63  }
0x185: {  	_ =	swait.ge [sflag:s31], $0x2800  }
0x186: {  	[sflag:s31] =	ssyncset.done $0x0  }
0x187: {  	[sflag:s31] =	ssyncadd.s32 $0xFFFFD800  }
0x188: {  	_ =	swait.ge [sflag:s31], $0x2800  }
0x189: {  	[sflag:s31] =	ssyncset.done $0x0  }
0x18a: {  	[sflag:s31] =	ssyncadd.s32 $0xFFFFD800  }
0x18b: {  	_ =	swait.ge [sflag:s31], $0x2800  }
0x18c: {  	[sflag:s31] =	ssyncset.done $0x0  }
0x18d: {  	[sflag:s31] =	ssyncadd.s32 $0xFFFFD800  }
0x18e: {  	_ =	swait.ge [sflag:s31], $0x2800  }
0x18f: {  	[sflag:s31] =	ssyncset.done $0x0  }
0x190: {  	[sflag:s31] =	ssyncadd.s32 $0xFFFFD800  }
0x191: {  	_ =	swait.ge [sflag:s31], $0x2800  }
0x192: {  	[sflag:s31] =	ssyncset.done $0x0  }
0x193: {  	[sflag:s31] =	ssyncadd.s32 $0xFFFFD800  }
0x194: {  	[hbm4b:s17+s3] =	stream.linear.scatter [tilespmem:s16], [sflag:$0x3], $0xC800, $0x38;
	[tilespmem:$0x1AC00] =	vst v63  }
0x195: {  	_ =	swait.ge [sflag:s14], $0xC800  }
0x196: {  	[sflag:s14] =	ssyncset.done $0x0  }
0x197: {  	s23 =	sadd.s32 $0x500, s10;
	[sflag:s14] =	ssyncadd.s32 $0xFFFF3800  }
0x198: {  	[tilespmem:s16], [sflag:$0x1] =	stream.indirect.gather [hbm4b:s4+s15], $0x80, s23, s15, $0xb8;
	[tilespmem:$0x1AC00] =	vst v63  }
0x199: {  	s19 =	sadd.s32 $0x580, s10  }
0x19a: {  	[tilespmem:s18], [sflag:$0x1] =	stream.indirect.gather [hbm4b:s4+s15], $0x80, s19, s15, $0xb8;
	[tilespmem:$0x1AC00] =	vst v63  }
0x19b: {  	s21 =	sadd.s32 $0x600, s10  }
0x19c: {  	[tilespmem:s20], [sflag:$0x1] =	stream.indirect.gather [hbm4b:s4+s15], $0x80, s21, s15, $0xb8;
	[tilespmem:$0x1AC00] =	vst v63  }
0x19d: {  	s23 =	sadd.s32 $0x680, s10  }
0x19e: {  	[tilespmem:s22], [sflag:$0x1] =	stream.indirect.gather [hbm4b:s4+s15], $0x80, s23, s15, $0xb8;
	[tilespmem:$0x1AC00] =	vst v63  }
0x19f: {  	s11 =	sadd.s32 $0x700, s10  }
0x1a0: {  	[tilespmem:s24], [sflag:$0x1] =	stream.indirect.gather [hbm4b:s4+s15], $0x80, s11, s15, $0xb8;
	[tilespmem:$0x1AC00] =	vst v63  }
0x1a1: {  	_ =	swait.ge [sflag:s1], $0x2800  }
0x1a2: {  	[sflag:s1] =	ssyncset.done $0x0  }
0x1a3: {  	[sflag:s1] =	ssyncadd.s32 $0xFFFFD800  }
0x1a4: {  	_ =	swait.ge [sflag:s1], $0x2800  }
0x1a5: {  	[sflag:s1] =	ssyncset.done $0x0  }
0x1a6: {  	[sflag:s1] =	ssyncadd.s32 $0xFFFFD800  }
0x1a7: {  	_ =	swait.ge [sflag:s1], $0x2800  }
0x1a8: {  	[sflag:s1] =	ssyncset.done $0x0  }
0x1a9: {  	[sflag:s1] =	ssyncadd.s32 $0xFFFFD800  }
0x1aa: {  	_ =	swait.ge [sflag:s1], $0x2800  }
0x1ab: {  	[sflag:s1] =	ssyncset.done $0x0  }
0x1ac: {  	[sflag:s1] =	ssyncadd.s32 $0xFFFFD800  }
0x1ad: {  	_ =	swait.ge [sflag:s1], $0x2800  }
0x1ae: {  	[sflag:s1] =	ssyncset.done $0x0  }
0x1af: {  	s17 =	sadd.s32 $0x1900, s17;
	[sflag:s1] =	ssyncadd.s32 $0xFFFFD800  }
0x1b0: {  	[hbm4b:s17+s3] =	stream.linear.scatter [tilespmem:s25], [sflag:$0x3], $0xC800, $0x38;
	[tilespmem:$0x1AC00] =	vst v63  }
0x1b1: {  	_ =	swait.ge [sflag:s14], $0xC800  }
0x1b2: {  	[sflag:s14] =	ssyncset.done $0x0  }
0x1b3: {  	[sflag:s14] =	ssyncadd.s32 $0xFFFF3800  }
0x1b4: {  	[tilespmem:s25], [sflag:$0x2] =	stream.indirect.gather [hbm4b:s4+s15], $0x80, s0, s15, $0xb8;
	[tilespmem:$0x1AC00] =	vst v63  }
0x1b5: {  	_ = 	snop  }
0x1b6: {  	[tilespmem:s26], [sflag:$0x2] =	stream.indirect.gather [hbm4b:s4+s15], $0x80, s5, s15, $0xb8;
	[tilespmem:$0x1AC00] =	vst v63  }
0x1b7: {  	_ = 	snop  }
0x1b8: {  	[tilespmem:s28], [sflag:$0x2] =	stream.indirect.gather [hbm4b:s4+s15], $0x80, s6, s15, $0xb8;
	[tilespmem:$0x1AC00] =	vst v63  }
0x1b9: {  	_ = 	snop  }
0x1ba: {  	[tilespmem:s29], [sflag:$0x2] =	stream.indirect.gather [hbm4b:s4+s15], $0x80, s7, s15, $0xb8;
	[tilespmem:$0x1AC00] =	vst v63  }
0x1bb: {  	_ = 	snop  }
0x1bc: {  	[tilespmem:s30], [sflag:$0x2] =	stream.indirect.gather [hbm4b:s4+s15], $0x80, s8, s15, $0xb8;
	[tilespmem:$0x1AC00] =	vst v63  }
0x1bd: {  	_ =	swait.ge [sflag:s31], $0x2800  }
0x1be: {  	[sflag:s31] =	ssyncset.done $0x0  }
0x1bf: {  	[sflag:s31] =	ssyncadd.s32 $0xFFFFD800  }
0x1c0: {  	_ =	swait.ge [sflag:s31], $0x2800  }
0x1c1: {  	[sflag:s31] =	ssyncset.done $0x0  }
0x1c2: {  	[sflag:s31] =	ssyncadd.s32 $0xFFFFD800  }
0x1c3: {  	_ =	swait.ge [sflag:s31], $0x2800  }
0x1c4: {  	[sflag:s31] =	ssyncset.done $0x0  }
0x1c5: {  	[sflag:s31] =	ssyncadd.s32 $0xFFFFD800  }
0x1c6: {  	_ =	swait.ge [sflag:s31], $0x2800  }
0x1c7: {  	[sflag:s31] =	ssyncset.done $0x0  }
0x1c8: {  	[sflag:s31] =	ssyncadd.s32 $0xFFFFD800  }
0x1c9: {  	_ =	swait.ge [sflag:s31], $0x2800  }
0x1ca: {  	[sflag:s31] =	ssyncset.done $0x0  }
0x1cb: {  	s19 =	rddreg [dreg:$0x8];
	[sflag:s31] =	ssyncadd.s32 $0xFFFFD800  }
0x1cc: {  	[hbm4b:s19+s3] =	stream.linear.scatter [tilespmem:s16], [sflag:$0x3], $0xC800, $0x38;
	[tilespmem:$0x1AC00] =	vst v63  }
0x1cd: {  	_ =	swait.ge [sflag:s14], $0xC800  }
0x1ce: {  	[sflag:s14] =	ssyncset.done $0x0  }
0x1cf: {  	[sflag:s14] =	ssyncadd.s32 $0xFFFF3800  }
0x1d0: {  	_ =	swait.ge [sflag:s1], $0x2800  }
0x1d1: {  	[sflag:s1] =	ssyncset.done $0x0  }
0x1d2: {  	[sflag:s1] =	ssyncadd.s32 $0xFFFFD800  }
0x1d3: {  	_ =	swait.ge [sflag:s1], $0x2800  }
0x1d4: {  	[sflag:s1] =	ssyncset.done $0x0  }
0x1d5: {  	[sflag:s1] =	ssyncadd.s32 $0xFFFFD800  }
0x1d6: {  	_ =	swait.ge [sflag:s1], $0x2800  }
0x1d7: {  	[sflag:s1] =	ssyncset.done $0x0  }
0x1d8: {  	[sflag:s1] =	ssyncadd.s32 $0xFFFFD800  }
0x1d9: {  	_ =	swait.ge [sflag:s1], $0x2800  }
0x1da: {  	[sflag:s1] =	ssyncset.done $0x0  }
0x1db: {  	[sflag:s1] =	ssyncadd.s32 $0xFFFFD800  }
0x1dc: {  	_ =	swait.ge [sflag:s1], $0x2800  }
0x1dd: {  	[sflag:s1] =	ssyncset.done $0x0  }
0x1de: {  	s21 =	rddreg [dreg:$0x9];
	[sflag:s1] =	ssyncadd.s32 $0xFFFFD800  }
0x1df: {  	[hbm4b:s21+s3] =	stream.linear.scatter [tilespmem:s25], [sflag:$0x3], $0xC800, $0x38;
	[tilespmem:$0x1AC00] =	vst v63  }
0x1e0: {  	_ =	swait.ge [sflag:s14], $0xC800  }
0x1e1: {  	s9 =	sadd.s32 $0x1, s9;
	s23 =	rddreg [dreg:$0x5]  }
0x1e2: {  	p0 =	sne.s32 s9, s23  }
.Ltmp2:
0x1e3: {  	_ = 	snop;
	(pc) =	sbr.rel @p0 .LBB2_1-.Ltmp2, $3  }
0x1e4: {  	_ =	sdelay $0x1  }
0x1e5: {  	[sflag:s14] =	ssyncset.done $0x0  }
0x1e6: {  	[sflag:s14] =	ssyncadd.s32 $0xFFFF3800  }
0x1e7: {  	_ =	sfence.sel $0x180000  }
0x1e8: {  	[bflag:$0x0] =	sbarrier.arrive $0xFFFF  }
0x1e9: {  	_ =	strace $0x9000004A  }
0x1ea: {  	s0 =	stileid.u32;
	[bflag:$0x2] =	sbarrier.arrive $0xFFFF  }
0x1eb: {  	p0 =	sne.s32 s0, $0x0;
	s0 =	rddreg [dreg:$0x2]  }
0x1ec: {  	s0 =	sadd.s32 @!p0 $0x100000, s0  }
0x1ed: {  	[sflag:s0] =	ssyncadd.tile.s32 @!p0 $0x1;
	_ =	shalt  }
.Lfunc_end2:
_tile_overlayer_lowered:
.L_overlay_start_2:
0x1ee: {  	(tag) =	ssettag $0x2  }
0x1ef: {  	s0 =	rddreg [dreg:$0x0];
	s2 =	stileid.u32  }
0x1f0: {  	s1 =	rddreg [dreg:$0x1];
	p0 =	sne.s32 s2, $0x0  }
0x1f1: {  	s3 =	rddreg [dreg:$0x2];
	[bflag:$0x3] =	sbarrier.arrive $0xFFFF;
	s2 =	simm.s32 @!p0 $0x1C03  }
0x1f2: {  	[timem:s3], [sflag:s2] =	dma.local @!p0 [hbm:s0], s1  }
0x1f3: {  	s0 =	simm.s32 @!p0 $0x3  }
0x1f4: {  	_ =	swait.ge @!p0 [sflag:s0], s1  }
0x1f5: {  	s1 =	ssub.s32 @!p0 $0x0, s1;
	[sflag:s0] =	ssyncset.done @!p0 $0x0  }
0x1f6: {  	[sflag:s0] =	ssyncadd.s32 @!p0 s1  }
0x1f7: {  	[bflag:$0x3] =	sbarrier.arrive $0xFFFF  }
0x1f8: {  	_ =	shalt  }

// kernel: kernel.16.cloned.1.call-start
scs
__scs_entry_jumppad:
0x0: {  	(pc) =	sbr.rel $0x88, $3  }
0x1: {  	(tag) =	ssettag $0x0;
	lr =	simm.s32 $0x1  }
0x2: {  	[smem:$0x3F91] =	sst lr;
	_ =	strace $0xD0000000  }
0x3: {  	_ = 	snop  }
0x4: {  	_ = 	snop  }
0x5: {  	_ = 	snop  }
0x6: {  	_ = 	snop  }
0x7: {  	_ = 	snop  }
__scs_overlays_trampoline_lowered:
0x8: {  	[smem:$0x3FA0] =	sst s0  }
0x9: {  	[smem:$0x3FA1] =	sst s1  }
0xa: {  	[smem:$0x3FA2] =	sst s2  }
0xb: {  	[smem:$0x3FA3] =	sst s3  }
0xc: {  	[smem:$0x3FA4] =	sst s4  }
0xd: {  	[smem:$0x3FA5] =	sst s5  }
0xe: {  	[smem:$0x3FA6] =	sst s6  }
0xf: {  	[smem:$0x3FA7] =	sst s7  }
0x10: {  	[smem:$0x3FA8] =	sst s8  }
0x11: {  	[smem:$0x3FA9] =	sst s9;
	s0 =	simm.s32 @!p0 $0x0  }
0x12: {  	s1 =	sld [smem:$0x3F8F];
	s0 =	simm.s32 @p0 $0x1  }
0x13: {  	[smem:$0x3FAA] =	sst s0;
	s0 =	simm.s32 @!p1 $0x0  }
0x14: {  	s2 =	sld [smem:$0x3F8E];
	s0 =	simm.s32 @p1 $0x1  }
0x15: {  	[smem:$0x3FAB] =	sst s0;
	s0 =	simm.s32 @!p2 $0x0  }
0x16: {  	s3 =	sld [smem:$0x3FDB];
	s0 =	simm.s32 @p2 $0x1  }
0x17: {  	s4 =	simm.s32 $0x1BF5;
	[smem:$0x3FAD] =	sst s0  }
0x18: {  	s0 =	sld [smem:$0x3F90];
	_ =	swait.ge [sflag:s4], $0x0  }
0x19: {  	s7 =	sld [smem:$0x3F91]  }
0x1a: {  	s8 =	sadd.s32 $0xFFFFE003, lr  }
0x1b: {  	s9 =	sadd.s32 $0xFFFFFEF7, lr;
	s5 =	simm.s32 $0xFFFFFFFF;
	p2 =	slt.u32 s8, $0xFFFFF086  }
0x1c: {  	p1 =	slt.u32 s9, $0xF7A;
	s5 =	simm.s32 @!p2 $0x0  }
0x1d: {  	s5 =	simm.s32 @p1 $0x1;
	p0 =	seq.s32 s7, s2  }
0x1e: {  	s7 =	smul.u32 @!p0 $0xF7A, s2;
	p2 =	seq.s32 @!p0 s5, $0x0  }
0x1f: {  	s9 =	smul.u32 $0xF7A, s1;
	s8 =	simm.s32 @!p0 $0x1BF5;
	p2 =	por !p2, p0  }
0x20: {  	[sflag:s8] =	ssyncset.s32 @!p0 $0xFFFFF086;
	s6 =	sadd.s32 @!p0 s3, s7;
	s7 =	simm.s32 @!p0 $0x108  }
0x21: {  	s3 =	sadd.s32 s3, s9;
	s6 =	sadd.s32 @!p0 $0x88, s6;
	s7 =	simm.s32 @p2 $0x1082  }
0x22: {  	[simem:s7], [sflag:s8] =	dma.local @!p0 [hbm:s6], $0xF7A  }
0x23: {  	s9 =	sor.u32 $0xD0000000, s2;
	s6 =	simm.s32 $0x108;
	_ =	swait.ge @!p0 [sflag:s8], $0x0  }
0x24: {  	s3 =	sadd.s32 $0x88, s3;
	s6 =	simm.s32 @!p1 $0x1082;
	[sflag:s4] =	ssyncset.s32 $0xFFFFF086  }
0x25: {  	[simem:s6], [sflag:s4] =	dma.local [hbm:s3], $0xF7A  }
0x26: {  	[smem:$0x3F91] =	sst s1;
	(tag) =	ssettag s2;
	_ =	strace s9  }
0x27: {  	s1 =	sld [smem:$0x3FA1]  }
0x28: {  	s2 =	sld [smem:$0x3FA2]  }
0x29: {  	s4 =	sld [smem:$0x3FA4]  }
0x2a: {  	p0 =	seq.s32 s5, $0x0;
	s5 =	sld [smem:$0x3FA5]  }
0x2b: {  	s6 =	sld [smem:$0x3FA6]  }
0x2c: {  	s7 =	sld [smem:$0x3FA7]  }
0x2d: {  	s3 =	simm.s32 $0x108;
	s8 =	sld [smem:$0x3FA8]  }
0x2e: {  	s3 =	simm.s32 @!p0 $0x1082;
	s9 =	sld [smem:$0x3FA9]  }
0x2f: {  	lr =	sadd.s32 s0, s3;
	s0 =	sld [smem:$0x3FA0]  }
0x30: {  	s3 =	sld [smem:$0x3FA3]  }
0x31: {  	[smem:$0x3FAC] =	sst s10  }
0x32: {  	s10 =	sld [smem:$0x3FAA];
	_ =	sdelay $0x3  }
0x33: {  	p0 =	seq.s32 s10, $0x1;
	s10 =	sld [smem:$0x3FAC];
	_ =	sdelay $0x3  }
0x34: {  	[smem:$0x3FAC] =	sst s10  }
0x35: {  	s10 =	sld [smem:$0x3FAB];
	_ =	sdelay $0x3  }
0x36: {  	p1 =	seq.s32 s10, $0x1;
	s10 =	sld [smem:$0x3FAC];
	_ =	sdelay $0x3  }
0x37: {  	[smem:$0x3FAC] =	sst s10  }
0x38: {  	s10 =	sld [smem:$0x3FAD]  }
0x39: {  	_ = 	snop;
	(pc) =	sbr.ind lr, $3  }
0x3a: {  	_ = 	snop  }
0x3b: {  	_ = 	snop  }
0x3c: {  	p2 =	seq.s32 s10, $0x1;
	s10 =	sld [smem:$0x3FAC]  }
0x3d: {  	_ =	shalt  }
0x3e: {  	_ =	shalt  }
0x3f: {  	_ =	shalt  }
0x40: {  	_ =	shalt  }
0x41: {  	_ =	shalt  }
0x42: {  	_ =	shalt  }
0x43: {  	_ =	shalt  }
0x44: {  	_ =	shalt  }
0x45: {  	_ =	shalt  }
0x46: {  	_ =	shalt  }
0x47: {  	_ =	shalt  }
0x48: {  	_ =	shalt  }
0x49: {  	_ =	shalt  }
0x4a: {  	_ =	shalt  }
0x4b: {  	_ =	shalt  }
0x4c: {  	_ =	shalt  }
0x4d: {  	_ =	shalt  }
0x4e: {  	_ =	shalt  }
0x4f: {  	_ =	shalt  }
0x50: {  	_ =	shalt  }
0x51: {  	_ =	shalt  }
0x52: {  	_ =	shalt  }
0x53: {  	_ =	shalt  }
0x54: {  	_ =	shalt  }
0x55: {  	_ =	shalt  }
0x56: {  	_ =	shalt  }
0x57: {  	_ =	shalt  }
0x58: {  	_ =	shalt  }
0x59: {  	_ =	shalt  }
0x5a: {  	_ =	shalt  }
0x5b: {  	_ =	shalt  }
0x5c: {  	_ =	shalt  }
0x5d: {  	_ =	shalt  }
0x5e: {  	_ =	shalt  }
0x5f: {  	_ =	shalt  }
0x60: {  	_ =	shalt  }
0x61: {  	_ =	shalt  }
0x62: {  	_ =	shalt  }
0x63: {  	_ =	shalt  }
0x64: {  	_ =	shalt  }
0x65: {  	_ =	shalt  }
0x66: {  	_ =	shalt  }
0x67: {  	_ =	shalt  }
0x68: {  	_ =	shalt  }
0x69: {  	_ =	shalt  }
0x6a: {  	_ =	shalt  }
0x6b: {  	_ =	shalt  }
0x6c: {  	_ =	shalt  }
0x6d: {  	_ =	shalt  }
0x6e: {  	_ =	shalt  }
0x6f: {  	_ =	shalt  }
0x70: {  	_ =	shalt  }
0x71: {  	_ =	shalt  }
0x72: {  	_ =	shalt  }
0x73: {  	_ =	shalt  }
0x74: {  	_ =	shalt  }
0x75: {  	_ =	shalt  }
0x76: {  	_ =	shalt  }
0x77: {  	_ =	shalt  }
0x78: {  	_ =	shalt  }
0x79: {  	_ =	shalt  }
0x7a: {  	_ =	shalt  }
0x7b: {  	_ =	shalt  }
0x7c: {  	_ =	shalt  }
0x7d: {  	_ =	shalt  }
0x7e: {  	_ =	shalt  }
0x7f: {  	_ =	shalt  }
0x80: {  	_ =	shalt  }
0x81: {  	_ =	shalt  }
0x82: {  	_ =	shalt  }
0x83: {  	_ =	shalt  }
0x84: {  	_ =	shalt  }
0x85: {  	_ =	shalt  }
0x86: {  	_ =	shalt  }
0x87: {  	_ =	shalt  }
.Lfunc_end0:
.L_simem_size_0:
called_computation.2_lowered:
.L_overlay_start_0:
0x88: {  	s2 =	sld [smem:$0x3FD9]  }
0x89: {  	s3 =	sld [smem:$0x3FFE];
	_ =	sdelay $0x1  }
0x8a: {  	s1 =	srdreg.scid  }
0x8b: {  	s0 =	sand.u32 $0x1, s1  }
0x8c: {  	s17 =	sshll.u32 s0, $0xA;
	s2 =	sadd.s32 s3, s2  }
0x8d: {  	s2 =	sadd.s32 s2, s17  }
0x8e: {  	[smem:$0x3FB8] =	sst s2  }
0x8f: {  	_ = 	snop  }
0x90: {  	(tm) =	ssettm $0x1  }
0x91: {  	s18 =	sld [smem:$0x3FFB];
	_ =	sdelay $0x3  }
0x92: {  	_ =	strace s18  }
0x93: {  	s2 =	sld [smem:$0x3FFC];
	_ =	sdelay $0x3  }
0x94: {  	_ =	strace s2  }
0x95: {  	s2 =	sld [smem:$0x3FFD];
	_ =	sdelay $0x3  }
0x96: {  	_ =	strace s2  }
0x97: {  	_ =	strace $0x8FFFFFFF  }
0x98: {  	s19 =	sld [smem:$0x3FDB];
	_ =	sdelay $0x1  }
0x99: {  	s20 =	simm.s32 $_scs_section_size  }
0x9a: {  	s4 =	simm.s32 $_size__tile_overlayer_lowered;
	s5 =	simm.s32 $_tile_overlayer_lowered  }
0x9b: {  	s6 =	simm.s32 $0x1BFF;
	s21 =	sshll.u32 s5, $0x1;
	s3 =	sadd.s32 s20, s19  }
0x9c: {  	s22 =	simm.s32 $0x0;
	s4 =	sshll.u32 s4, $0x1;
	s5 =	sadd.s32 s21, s3  }
0x9d: {  	[timem:s22], [sflag:s6] =	dma.local [hbm:s5], s4  }
0x9e: {  	_ =	swait.ge [sflag:s6], s4  }
0x9f: {  	s4 =	ssub.s32 $0x0, s4;
	[sflag:s6] =	ssyncset.done $0x0  }
0xa0: {  	[sflag:s6] =	ssyncadd.s32 s4;
	_ =	sdelay $0x1  }
0xa1: {  	s23 =	simm.s32 $0x1B8B  }
0xa2: {  	_ =	swait.ge [sflag:s23], $0x1  }
0xa3: {  	[sflag:s23] =	ssyncset.done $0x0  }
0xa4: {  	[sflag:s23] =	ssyncadd.s32 $0xFFFFFFFF  }
0xa5: {  	s4 =	sld [smem:$0x0]  }
0xa6: {  	s5 =	sand.u32 $0xFFFFFFFE, s1  }
0xa7: {  	p0 =	sne.s32 s1, s5  }
0xa8: {  	s5 =	sshll.u32 @p0 s5, $0xE  }
0xa9: {  	s5 =	sadd.s32 @p0 $0x11B8D, s5;
	s6 =	sshll.u32 @p0 s4, $0x11  }
0xaa: {  	s5 =	sor.u32 @p0 s6, s5  }
0xab: {  	[sflag:s5] =	ssyncadd.remote.s32 @p0 $0x1;
	_ =	sdelay $0x1  }
0xac: {  	s5 =	simm.s32 @p0 $0x1B8D  }
0xad: {  	_ =	swait.eq @p0 [sflag:s5], $0x1  }
0xae: {  	[sflag:s5] =	ssyncadd.s32 @p0 $0xFFFFFFFF  }
0xaf: {  	s6 =	sshll.u32 @!p0 s1, $0xE  }
0xb0: {  	s6 =	sor.u32 @!p0 $0x4000, s6;
	s5 =	simm.s32 @!p0 $0x1B8D  }
0xb1: {  	s4 =	sshll.u32 @!p0 s4, $0x11;
	s6 =	sadd.s32 @!p0 $0x11B8D, s6;
	_ =	swait.eq @!p0 [sflag:s5], $0x1  }
0xb2: {  	s4 =	sor.u32 @!p0 s4, s6;
	[sflag:s5] =	ssyncadd.s32 @!p0 $0xFFFFFFFF  }
0xb3: {  	s25 =	simm.s32 $0x1B8E;
	s24 =	sld [smem:$0x3FFE];
	[sflag:s4] =	ssyncadd.remote.s32 @!p0 $0x1  }
0xb4: {  	s26 =	simm.s32 $execute0_lowered;
	[smem:$0x3FD2] =	sst s25  }
0xb5: {  	s5 =	sshll.u32 s26, $0x1;
	_ =	strace $0x8000004C;
	[dreg:$0x1] =	wrdreg $0xFFFFFFFF  }
0xb6: {  	s28 =	simm.s32 $_size_execute0_lowered;
	s3 =	sadd.s32 s3, s5;
	[dreg:$0x0] =	wrdreg $0x0  }
0xb7: {  	s5 =	sshll.u32 s28, $0x1;
	[dreg:$0x2] =	wrdreg s3  }
0xb8: {  	[dreg:$0x3] =	wrdreg s5  }
0xb9: {  	[dreg:$0x4] =	wrdreg $0xC0  }
0xba: {  	_ =	task [dreg:s22], $0x5FFFF  }
0xbb: {  	[dreg:$0x1] =	wrdreg $0xFFFFFFFF  }
0xbc: {  	[dreg:$0x0] =	wrdreg $0x60  }
0xbd: {  	[dreg:$0x2] =	wrdreg s24  }
0xbe: {  	[dreg:$0x3] =	wrdreg $0x0  }
0xbf: {  	[dreg:$0x4] =	wrdreg $0xA  }
0xc0: {  	_ =	task.clear_ibuf [dreg:s22], $0x5FFFF;
	_ =	strace $0x9000004C  }
0xc1: {  	s29 =	simm.s32 $0xA;
	_ =	strace $0x8000004E  }
0xc2: {  	_ =	swait.ge [sflag:s29], $0x1  }
0xc3: {  	[sflag:s29] =	ssyncadd.s32 $0xFFFFFFFF  }
0xc4: {  	_ =	strace $0x9000004E  }
0xc5: {  	_ =	sfence  }
0xc6: {  	s30 =	sld [smem:$0x0];
	_ =	sdelay $0x2  }
0xc7: {  	s31 =	sshll.u32 s1, $0xD;
	s1 =	sshrl.u32 s1, $0x2  }
0xc8: {  	s4 =	sand.u32 $0x4000, s31;
	s1 =	sadd.s32 s1, s30  }
0xc9: {  	s0 =	sor.u32 s4, s0;
	s1 =	sshll.u32 s1, $0x11  }
0xca: {  	s0 =	sor.u32 s1, s0  }
0xcb: {  	s0 =	sadd.s32 $0x8F2B, s0  }
0xcc: {  	[sflag:s0] =	ssyncadd.remote.s32 $0x1  }
0xcd: {  	_ =	sfence.sel $0xFFFF  }
0xce: {  	[dreg:$0x0] =	wrdreg $0xFFFFFFFF;
	(pc) =	sbr.abs _section_cstart, $3  }
0xcf: {  	[dreg:$0x1] =	wrdreg $0xFFFFFFFF  }
0xd0: {  	_ =	task.clear_ibuf [dreg:s22], $0x2FFFF;
	_ =	strace $0x9FFFFFFF  }
0xd1: {  	(tm) =	ssettm $0x7FFFFFFF  }
tec
execute0_lowered:
.L_overlay_start_1:
0x0: {  	(tag) =	ssettag $0x1  }
0x1: {  	s0 =	rddreg [dreg:$0x0]  }
0x2: {  	s2 =	rddreg [dreg:$0x1]  }
0x3: {  	s3 =	simm.s32 $0x0;
	s1 =	srdreg.scid;
	s20 =	stileid.u32  }
0x4: {  	s28 =	simm.s32 $0x18880;
	s29 =	simm.s32 $0x1;
	s23 =	smul.u32 $0x19000, s20  }
0x5: {  	s30 =	simm.s32 $0x50;
	s1 =	sand.u32 $0x1, s1;
	s26 =	smul.u32 $0xC80, s20  }
0x6: {  	s31 =	simm.s32 $0x2;
	s11 =	sor.u32 $0x10, s20;
	s8 =	smul.u32 $0x27100, s1  }
0x7: {  	[smem:$0x7FF] =	sst s3;
	s4 =	sshll.u32 s20, $0x1;
	s25 =	smul.u32 $0x19000, s11  }
0x8: {  	s6 =	sadd.s32 $0xA3CE00, s0;
	s19 =	sor.u32 $0x20, s20;
	s14 =	smul.u32 $0xC80, s11  }
0x9: {  	s7 =	sadd.s32 $0xD2AE00, s0;
	s18 =	sshll.u32 s20, $0x6;
	s15 =	smul.u32 $0xC80, s19  }
0xa: {  	s5 =	sor.u32 s1, s4;
	s10 =	ssub.s32 $0x2, s1;
	s1 =	smul.u32 $0x17700, s1  }
0xb: {  	_ =	strace $0x8000004D;
	s18 =	sor.u32 $0x1C03, s18;
	s4 =	smul.u32 $0x500, s5  }
0xc: {  	s22 =	sshrl.u32 s10, $0x1;
	s5 =	smul.u32 $0x17700, s5;
	s17 =	sshrl.u32 s23, $0x2  }
0xd: {  	s23 =	smul.u32 $0x19000, s19;
	s17 =	sadd.s32 s17, s2;
	s9 =	sadd.s32 s4, s0  }
0xe: {  	s4 =	sadd.s32 $0x2EA00, s0;
	s0 =	sadd.s32 s8, s0;
	s24 =	sadd.s32 s6, s5  }
0xf: {  	s8 =	ssub.s32 s10, s22;
	s5 =	sadd.s32 s7, s5;
	[dreg:$0x4] =	wrdreg s24  }
0x10: {  	s22 =	smul.u32 $0x2EE00, s20;
	s9 =	sadd.s32 $0x38200, s9;
	[dreg:$0x5] =	wrdreg s5  }
0x11: {  	s12 =	sadd.s32 $0x69400, s0;
	s8 =	smax.u32 s8, $0x1;
	[dreg:$0x3] =	wrdreg s9  }
0x12: {  	s0 =	sadd.s32 $0xB7600, s0;
	s5 =	sshrl.u32 s23, $0x2;
	[dreg:$0x6] =	wrdreg s8  }
0x13: {  	s8 =	sor.u32 $0x30, s20;
	s11 =	sadd.s32 s12, s26;
	s13 =	sadd.s32 s12, s14  }
0x14: {  	s21 =	sadd.s32 s12, s15;
	s14 =	sadd.s32 s0, s14;
	s15 =	sadd.s32 s0, s15  }
0x15: {  	s6 =	sadd.s32 s22, s6;
	s9 =	sshrl.u32 s25, $0x2;
	[dreg:$0x7] =	wrdreg s11  }
0x16: {  	s20 =	sadd.s32 s5, s2;
	s16 =	smul.u32 $0xC80, s8;
	[dreg:$0x8] =	wrdreg s13  }
0x17: {  	[dreg:$0x9] =	wrdreg s21;
	s13 =	sadd.s32 s0, s26;
	s24 =	smul.u32 $0x19000, s8  }
0x18: {  	s19 =	sadd.s32 s9, s2;
	s26 =	sadd.s32 s1, s6;
	p0 =	sgt.u32 s8, $0x31  }
0x19: {  	s9 =	sadd.s32 $0x500, s26;
	s26 =	simm.s32 $0x16080;
	s12 =	sadd.s32 s12, s16  }
0x1a: {  	s16 =	sadd.s32 s0, s16;
	s0 =	sadd.s32 s22, s7;
	s25 =	sshrl.u32 s24, $0x2  }
0x1b: {  	s24 =	simm.s32 $0x3;
	s21 =	sadd.s32 s25, s2;
	s0 =	sadd.s32 s1, s0  }
0x1c: {  	s1 =	simm.s32 $0x0;
	s23 =	sadd.s32 $0x500, s0;
	s0 =	simm.s32 $0x15D80  }
.LBB2_1:
0x1d: {  	s25 =	sshrl.u32 s17, $0x3  }
0x1e: {  	[spmem:s25], [sflag:s18] =	dma.local [hbm:s4], $0xC80  }
0x1f: {  	_ =	swait.ge [sflag:s24], $0xC80  }
0x20: {  	[sflag:s24] =	ssyncset.done $0x0  }
0x21: {  	s5 =	sshrl.u32 s19, $0x3;
	[sflag:s24] =	ssyncadd.s32 $0xFFFFF380  }
0x22: {  	[spmem:s5], [sflag:s18] =	dma.local [hbm:s4], $0xC80  }
0x23: {  	_ =	swait.ge [sflag:s24], $0xC80  }
0x24: {  	[sflag:s24] =	ssyncset.done $0x0  }
0x25: {  	s6 =	sshrl.u32 s20, $0x3;
	[sflag:s24] =	ssyncadd.s32 $0xFFFFF380  }
0x26: {  	[spmem:s6], [sflag:s18] =	dma.local [hbm:s4], $0xC80  }
0x27: {  	_ =	swait.ge [sflag:s24], $0xC80  }
0x28: {  	[sflag:s24] =	ssyncset.done $0x0  }
0x29: {  	s7 =	sshrl.u32 @!p0 s21, $0x3;
	s8 =	simm.s32 @!p0 $0x3;
	[sflag:s24] =	ssyncadd.s32 $0xFFFFF380  }
0x2a: {  	[spmem:s7], [sflag:s18] =	dma.local @!p0 [hbm:s4], $0xC80  }
0x2b: {  	_ =	swait.ge @!p0 [sflag:s8], $0xC80  }
0x2c: {  	[sflag:s8] =	ssyncset.done @!p0 $0x0  }
0x2d: {  	[sflag:s8] =	ssyncadd.s32 @!p0 $0xFFFFF380  }
0x2e: {  	[bflag:$0x0] =	sbarrier.arrive $0xFFFF  }
0x2f: {  	s10 =	simm.s32 $0x13880;
	s11 =	rddreg [dreg:$0x3]  }
0x30: {  	[tilespmem:s10], [sflag:$0x3] =	stream.linear.gather [hbm4b:s11+s3], $0x2580, $0x38;
	[tilespmem:$0x1B080] =	vst v63  }
0x31: {  	_ =	swait.ge [sflag:s24], $0x2580  }
0x32: {  	[sflag:s24] =	ssyncset.done $0x0  }
0x33: {  	s22 =	rddreg [dreg:$0x4];
	[sflag:s24] =	ssyncadd.s32 $0xFFFFDA80  }
0x34: {  	[tilespmem:s26], [sflag:$0x1] =	stream.linear.gather [hbm4b:s22+s3], $0x2800, $0x38;
	[tilespmem:$0x1B080] =	vst v63  }
0x35: {  	_ = 	snop  }
0x36: {  	[tilespmem:s28], [sflag:$0x2] =	stream.linear.gather [hbm4b:s9+s3], $0x2800, $0x38;
	[tilespmem:$0x1B080] =	vst v63  }
0x37: {  	_ =	swait.ge [sflag:s29], $0x2800  }
0x38: {  	[sflag:s29] =	ssyncset.done $0x0  }
0x39: {  	s10 =	simm.s32 $0x13880;
	[sflag:s29] =	ssyncadd.s32 $0xFFFFD800  }
0x3a: {  	[spmem:s2] =	stream.indirect.scatter.add.f32 [tilespmem:s26], [sflag:$0x3], $0x80, s10, s30, $0xb8;
	[tilespmem:$0x1B080] =	vst v63  }
0x3b: {  	_ =	swait.ge [sflag:s24], $0x2800  }
0x3c: {  	[sflag:s24] =	ssyncset.done $0x0  }
0x3d: {  	s11 =	sadd.s32 $0x500, s9;
	[sflag:s24] =	ssyncadd.s32 $0xFFFFD800  }
0x3e: {  	[tilespmem:s26], [sflag:$0x1] =	stream.linear.gather [hbm4b:s11+s3], $0x2800, $0x38;
	[tilespmem:$0x1B080] =	vst v63  }
0x3f: {  	_ =	swait.ge [sflag:s31], $0x2800  }
0x40: {  	[sflag:s31] =	ssyncset.done $0x0  }
0x41: {  	s22 =	simm.s32 $0x13900;
	[sflag:s31] =	ssyncadd.s32 $0xFFFFD800  }
0x42: {  	[spmem:s2] =	stream.indirect.scatter.add.f32 [tilespmem:s28], [sflag:$0x3], $0x80, s22, s30, $0xb8;
	[tilespmem:$0x1B080] =	vst v63  }
0x43: {  	_ =	swait.ge [sflag:s24], $0x2800  }
0x44: {  	s8 =	simm.s32 $0x400;
	s22 =	smov.u32 s9;
	[sflag:s24] =	ssyncset.done $0x0  }
.LBB2_2:
0x45: {  	p1 =	sne.s32 s8, $0x9000;
	[sflag:s24] =	ssyncadd.s32 $0xFFFFD800;
	s22 =	sadd.s32 $0xA00, s22  }
0x46: {  	[tilespmem:s28], [sflag:$0x2] =	stream.linear.gather [hbm4b:s22+s3], $0x2800, $0x38;
	[tilespmem:$0x1B080] =	vst v63  }
0x47: {  	s10 =	smov.u32 s8;
	s8 =	sadd.s32 $0x400, s8;
	_ =	swait.ge [sflag:s29], $0x2800  }
0x48: {  	s10 =	sshra.s32 s10, $0x2;
	[sflag:s29] =	ssyncset.done $0x0  }
0x49: {  	s11 =	sadd.s32 $0x13880, s10;
	[sflag:s29] =	ssyncadd.s32 $0xFFFFD800  }
0x4a: {  	[spmem:s2] =	stream.indirect.scatter.add.f32 [tilespmem:s26], [sflag:$0x3], $0x80, s11, s30, $0xb8;
	[tilespmem:$0x1B080] =	vst v63  }
0x4b: {  	_ =	swait.ge [sflag:s24], $0x2800  }
0x4c: {  	[sflag:s24] =	ssyncset.done $0x0  }
0x4d: {  	s11 =	sadd.s32 $0x500, s22;
	[sflag:s24] =	ssyncadd.s32 $0xFFFFD800  }
0x4e: {  	[tilespmem:s26], [sflag:$0x1] =	stream.linear.gather [hbm4b:s11+s3], $0x2800, $0x38;
	[tilespmem:$0x1B080] =	vst v63  }
0x4f: {  	_ =	swait.ge [sflag:s31], $0x2800  }
.Ltmp0:
0x50: {  	[sflag:s31] =	ssyncset.done $0x0;
	(pc) =	sbr.rel @p1 .LBB2_2-.Ltmp0, $4  }
0x51: {  	s10 =	sadd.s32 $0x13900, s10;
	[sflag:s31] =	ssyncadd.s32 $0xFFFFD800  }
0x52: {  	[spmem:s2] =	stream.indirect.scatter.add.f32 [tilespmem:s28], [sflag:$0x3], $0x80, s10, s30, $0xb8;
	[tilespmem:$0x1B080] =	vst v63  }
0x53: {  	_ =	swait.ge [sflag:s24], $0x2800  }
0x54: {  	[sflag:s24] =	ssyncset.done $0x0  }
0x55: {  	[sflag:s24] =	ssyncadd.s32 $0xFFFFD800  }
0x56: {  	_ =	swait.ge [sflag:s29], $0x2800  }
0x57: {  	[sflag:s29] =	ssyncset.done $0x0  }
0x58: {  	[sflag:s29] =	ssyncadd.s32 $0xFFFFD800  }
0x59: {  	[spmem:s2] =	stream.indirect.scatter.add.f32 [tilespmem:s26], [sflag:$0x3], $0x80, s0, s30, $0xb8;
	[tilespmem:$0x1B080] =	vst v63  }
0x5a: {  	_ =	swait.ge [sflag:s24], $0x2800  }
0x5b: {  	[sflag:s24] =	ssyncset.done $0x0  }
0x5c: {  	[sflag:s24] =	ssyncadd.s32 $0xFFFFD800  }
0x5d: {  	[bflag:$0x0] =	sbarrier.arrive $0xFFFF  }
0x5e: {  	s8 =	rddreg [dreg:$0x7]  }
0x5f: {  	[hbm:s8], [sflag:s18] =	dma.local [spmem:s25], $0xC80  }
0x60: {  	_ =	swait.ge [sflag:s24], $0xC80  }
0x61: {  	[sflag:s24] =	ssyncset.done $0x0  }
0x62: {  	s10 =	rddreg [dreg:$0x8];
	[sflag:s24] =	ssyncadd.s32 $0xFFFFF380  }
0x63: {  	[hbm:s10], [sflag:s18] =	dma.local [spmem:s5], $0xC80  }
0x64: {  	_ =	swait.ge [sflag:s24], $0xC80  }
0x65: {  	[sflag:s24] =	ssyncset.done $0x0  }
0x66: {  	s11 =	rddreg [dreg:$0x9];
	[sflag:s24] =	ssyncadd.s32 $0xFFFFF380  }
0x67: {  	[hbm:s11], [sflag:s18] =	dma.local [spmem:s6], $0xC80  }
0x68: {  	_ =	swait.ge [sflag:s24], $0xC80  }
0x69: {  	[sflag:s24] =	ssyncset.done $0x0  }
0x6a: {  	s8 =	simm.s32 @!p0 $0x3;
	[sflag:s24] =	ssyncadd.s32 $0xFFFFF380  }
0x6b: {  	[hbm:s12], [sflag:s18] =	dma.local @!p0 [spmem:s7], $0xC80  }
0x6c: {  	_ =	swait.ge @!p0 [sflag:s8], $0xC80  }
0x6d: {  	[sflag:s8] =	ssyncset.done @!p0 $0x0  }
0x6e: {  	[sflag:s8] =	ssyncadd.s32 @!p0 $0xFFFFF380  }
0x6f: {  	[spmem:s25], [sflag:s18] =	dma.local [hbm:s4], $0xC80  }
0x70: {  	_ =	swait.ge [sflag:s24], $0xC80  }
0x71: {  	[sflag:s24] =	ssyncset.done $0x0  }
0x72: {  	[sflag:s24] =	ssyncadd.s32 $0xFFFFF380  }
0x73: {  	[spmem:s5], [sflag:s18] =	dma.local [hbm:s4], $0xC80  }
0x74: {  	_ =	swait.ge [sflag:s24], $0xC80  }
0x75: {  	[sflag:s24] =	ssyncset.done $0x0  }
0x76: {  	[sflag:s24] =	ssyncadd.s32 $0xFFFFF380  }
0x77: {  	[spmem:s6], [sflag:s18] =	dma.local [hbm:s4], $0xC80  }
0x78: {  	_ =	swait.ge [sflag:s24], $0xC80  }
0x79: {  	[sflag:s24] =	ssyncset.done $0x0  }
0x7a: {  	[sflag:s24] =	ssyncadd.s32 $0xFFFFF380  }
0x7b: {  	[spmem:s7], [sflag:s18] =	dma.local @!p0 [hbm:s4], $0xC80  }
0x7c: {  	_ =	swait.ge @!p0 [sflag:s8], $0xC80  }
0x7d: {  	[sflag:s8] =	ssyncset.done @!p0 $0x0  }
0x7e: {  	[sflag:s8] =	ssyncadd.s32 @!p0 $0xFFFFF380  }
0x7f: {  	[bflag:$0x0] =	sbarrier.arrive $0xFFFF  }
0x80: {  	s22 =	simm.s32 $0x0;
	s10 =	rddreg [dreg:$0x5]  }
0x81: {  	[tilespmem:s26], [sflag:$0x1] =	stream.linear.gather [hbm4b:s10+s22], $0x2800, $0x38;
	[tilespmem:$0x1B080] =	vst v63  }
0x82: {  	_ = 	snop  }
0x83: {  	[tilespmem:s28], [sflag:$0x2] =	stream.linear.gather [hbm4b:s23+s3], $0x2800, $0x38;
	[tilespmem:$0x1B080] =	vst v63  }
0x84: {  	_ =	swait.ge [sflag:s29], $0x2800  }
0x85: {  	[sflag:s29] =	ssyncset.done $0x0  }
0x86: {  	s10 =	simm.s32 $0x13880;
	[sflag:s29] =	ssyncadd.s32 $0xFFFFD800  }
0x87: {  	[spmem:s2] =	stream.indirect.scatter.add.f32 [tilespmem:s26], [sflag:$0x3], $0x80, s10, s30, $0xb8;
	[tilespmem:$0x1B080] =	vst v63  }
0x88: {  	_ =	swait.ge [sflag:s24], $0x2800  }
0x89: {  	[sflag:s24] =	ssyncset.done $0x0  }
0x8a: {  	s11 =	sadd.s32 $0x500, s23;
	[sflag:s24] =	ssyncadd.s32 $0xFFFFD800  }
0x8b: {  	[tilespmem:s26], [sflag:$0x1] =	stream.linear.gather [hbm4b:s11+s3], $0x2800, $0x38;
	[tilespmem:$0x1B080] =	vst v63  }
0x8c: {  	_ =	swait.ge [sflag:s31], $0x2800  }
0x8d: {  	[sflag:s31] =	ssyncset.done $0x0  }
0x8e: {  	s22 =	simm.s32 $0x13900;
	[sflag:s31] =	ssyncadd.s32 $0xFFFFD800  }
0x8f: {  	[spmem:s2] =	stream.indirect.scatter.add.f32 [tilespmem:s28], [sflag:$0x3], $0x80, s22, s30, $0xb8;
	[tilespmem:$0x1B080] =	vst v63  }
0x90: {  	_ =	swait.ge [sflag:s24], $0x2800  }
0x91: {  	s8 =	simm.s32 $0x400;
	s22 =	smov.u32 s23;
	[sflag:s24] =	ssyncset.done $0x0  }
.LBB2_4:
0x92: {  	p1 =	sne.s32 s8, $0x9000;
	[sflag:s24] =	ssyncadd.s32 $0xFFFFD800;
	s22 =	sadd.s32 $0xA00, s22  }
0x93: {  	[tilespmem:s28], [sflag:$0x2] =	stream.linear.gather [hbm4b:s22+s3], $0x2800, $0x38;
	[tilespmem:$0x1B080] =	vst v63  }
0x94: {  	s10 =	smov.u32 s8;
	s8 =	sadd.s32 $0x400, s8;
	_ =	swait.ge [sflag:s29], $0x2800  }
0x95: {  	s10 =	sshra.s32 s10, $0x2;
	[sflag:s29] =	ssyncset.done $0x0  }
0x96: {  	s11 =	sadd.s32 $0x13880, s10;
	[sflag:s29] =	ssyncadd.s32 $0xFFFFD800  }
0x97: {  	[spmem:s2] =	stream.indirect.scatter.add.f32 [tilespmem:s26], [sflag:$0x3], $0x80, s11, s30, $0xb8;
	[tilespmem:$0x1B080] =	vst v63  }
0x98: {  	_ =	swait.ge [sflag:s24], $0x2800  }
0x99: {  	[sflag:s24] =	ssyncset.done $0x0  }
0x9a: {  	s11 =	sadd.s32 $0x500, s22;
	[sflag:s24] =	ssyncadd.s32 $0xFFFFD800  }
0x9b: {  	[tilespmem:s26], [sflag:$0x1] =	stream.linear.gather [hbm4b:s11+s3], $0x2800, $0x38;
	[tilespmem:$0x1B080] =	vst v63  }
0x9c: {  	_ =	swait.ge [sflag:s31], $0x2800  }
.Ltmp1:
0x9d: {  	[sflag:s31] =	ssyncset.done $0x0;
	(pc) =	sbr.rel @p1 .LBB2_4-.Ltmp1, $4  }
0x9e: {  	s10 =	sadd.s32 $0x13900, s10;
	[sflag:s31] =	ssyncadd.s32 $0xFFFFD800  }
0x9f: {  	[spmem:s2] =	stream.indirect.scatter.add.f32 [tilespmem:s28], [sflag:$0x3], $0x80, s10, s30, $0xb8;
	[tilespmem:$0x1B080] =	vst v63  }
0xa0: {  	_ =	swait.ge [sflag:s24], $0x2800  }
0xa1: {  	[sflag:s24] =	ssyncset.done $0x0  }
0xa2: {  	[sflag:s24] =	ssyncadd.s32 $0xFFFFD800  }
0xa3: {  	_ =	swait.ge [sflag:s29], $0x2800  }
0xa4: {  	[sflag:s29] =	ssyncset.done $0x0  }
0xa5: {  	[sflag:s29] =	ssyncadd.s32 $0xFFFFD800  }
0xa6: {  	[spmem:s2] =	stream.indirect.scatter.add.f32 [tilespmem:s26], [sflag:$0x3], $0x80, s0, s30, $0xb8;
	[tilespmem:$0x1B080] =	vst v63  }
0xa7: {  	_ =	swait.ge [sflag:s24], $0x2800  }
0xa8: {  	[sflag:s24] =	ssyncset.done $0x0  }
0xa9: {  	[sflag:s24] =	ssyncadd.s32 $0xFFFFD800  }
0xaa: {  	[bflag:$0x0] =	sbarrier.arrive $0xFFFF  }
0xab: {  	[hbm:s13], [sflag:s18] =	dma.local [spmem:s25], $0xC80  }
0xac: {  	_ =	swait.ge [sflag:s24], $0xC80  }
0xad: {  	[sflag:s24] =	ssyncset.done $0x0  }
0xae: {  	[sflag:s24] =	ssyncadd.s32 $0xFFFFF380  }
0xaf: {  	[hbm:s14], [sflag:s18] =	dma.local [spmem:s5], $0xC80  }
0xb0: {  	_ =	swait.ge [sflag:s24], $0xC80  }
0xb1: {  	[sflag:s24] =	ssyncset.done $0x0  }
0xb2: {  	[sflag:s24] =	ssyncadd.s32 $0xFFFFF380  }
0xb3: {  	[hbm:s15], [sflag:s18] =	dma.local [spmem:s6], $0xC80  }
0xb4: {  	_ =	swait.ge [sflag:s24], $0xC80  }
0xb5: {  	[sflag:s24] =	ssyncset.done $0x0  }
0xb6: {  	s5 =	simm.s32 @!p0 $0x3;
	[sflag:s24] =	ssyncadd.s32 $0xFFFFF380  }
0xb7: {  	[hbm:s16], [sflag:s18] =	dma.local @!p0 [spmem:s7], $0xC80  }
0xb8: {  	_ =	swait.ge @!p0 [sflag:s5], $0xC80  }
0xb9: {  	s1 =	sadd.s32 $0x1, s1;
	s25 =	rddreg [dreg:$0x6]  }
0xba: {  	p1 =	sne.s32 s1, s25  }
.Ltmp2:
0xbb: {  	_ = 	snop;
	(pc) =	sbr.rel @p1 .LBB2_1-.Ltmp2, $3  }
0xbc: {  	_ =	sdelay $0x1  }
0xbd: {  	[sflag:s5] =	ssyncset.done @!p0 $0x0  }
0xbe: {  	[sflag:s5] =	ssyncadd.s32 @!p0 $0xFFFFF380  }
0xbf: {  	_ =	sfence.sel $0x180000  }
0xc0: {  	[bflag:$0x0] =	sbarrier.arrive $0xFFFF  }
0xc1: {  	_ =	strace $0x9000004D  }
0xc2: {  	s0 =	stileid.u32;
	[bflag:$0x2] =	sbarrier.arrive $0xFFFF  }
0xc3: {  	p0 =	sne.s32 s0, $0x0;
	s0 =	rddreg [dreg:$0x2]  }
0xc4: {  	s0 =	sadd.s32 @!p0 $0x100000, s0  }
0xc5: {  	[sflag:s0] =	ssyncadd.tile.s32 @!p0 $0x1;
	_ =	shalt  }
.Lfunc_end2:
_tile_overlayer_lowered:
.L_overlay_start_2:
0xc6: {  	(tag) =	ssettag $0x2  }
0xc7: {  	s0 =	rddreg [dreg:$0x0];
	s2 =	stileid.u32  }
0xc8: {  	s1 =	rddreg [dreg:$0x1];
	p0 =	sne.s32 s2, $0x0  }
0xc9: {  	s3 =	rddreg [dreg:$0x2];
	[bflag:$0x3] =	sbarrier.arrive $0xFFFF;
	s2 =	simm.s32 @!p0 $0x1C03  }
0xca: {  	[timem:s3], [sflag:s2] =	dma.local @!p0 [hbm:s0], s1  }
0xcb: {  	s0 =	simm.s32 @!p0 $0x3  }
0xcc: {  	_ =	swait.ge @!p0 [sflag:s0], s1  }
0xcd: {  	s1 =	ssub.s32 @!p0 $0x0, s1;
	[sflag:s0] =	ssyncset.done @!p0 $0x0  }
0xce: {  	[sflag:s0] =	ssyncadd.s32 @!p0 s1  }
0xcf: {  	[bflag:$0x3] =	sbarrier.arrive $0xFFFF  }
0xd0: {  	_ =	shalt  }

// kernel: kernel.19.cloned.1.call-start
scs
__scs_entry_jumppad:
0x0: {  	(pc) =	sbr.rel $0x88, $3  }
0x1: {  	(tag) =	ssettag $0x0;
	lr =	simm.s32 $0x1  }
0x2: {  	[smem:$0x3F91] =	sst lr;
	_ =	strace $0xD0000000  }
0x3: {  	_ = 	snop  }
0x4: {  	_ = 	snop  }
0x5: {  	_ = 	snop  }
0x6: {  	_ = 	snop  }
0x7: {  	_ = 	snop  }
__scs_overlays_trampoline_lowered:
0x8: {  	[smem:$0x3FA0] =	sst s0  }
0x9: {  	[smem:$0x3FA1] =	sst s1  }
0xa: {  	[smem:$0x3FA2] =	sst s2  }
0xb: {  	[smem:$0x3FA3] =	sst s3  }
0xc: {  	[smem:$0x3FA4] =	sst s4  }
0xd: {  	[smem:$0x3FA5] =	sst s5  }
0xe: {  	[smem:$0x3FA6] =	sst s6  }
0xf: {  	[smem:$0x3FA7] =	sst s7  }
0x10: {  	[smem:$0x3FA8] =	sst s8  }
0x11: {  	[smem:$0x3FA9] =	sst s9;
	s0 =	simm.s32 @!p0 $0x0  }
0x12: {  	s1 =	sld [smem:$0x3F8F];
	s0 =	simm.s32 @p0 $0x1  }
0x13: {  	[smem:$0x3FAA] =	sst s0;
	s0 =	simm.s32 @!p1 $0x0  }
0x14: {  	s2 =	sld [smem:$0x3F8E];
	s0 =	simm.s32 @p1 $0x1  }
0x15: {  	[smem:$0x3FAB] =	sst s0;
	s0 =	simm.s32 @!p2 $0x0  }
0x16: {  	s3 =	sld [smem:$0x3FDB];
	s0 =	simm.s32 @p2 $0x1  }
0x17: {  	s4 =	simm.s32 $0x1BF5;
	[smem:$0x3FAD] =	sst s0  }
0x18: {  	s0 =	sld [smem:$0x3F90];
	_ =	swait.ge [sflag:s4], $0x0  }
0x19: {  	s7 =	sld [smem:$0x3F91]  }
0x1a: {  	s8 =	sadd.s32 $0xFFFFE003, lr  }
0x1b: {  	s9 =	sadd.s32 $0xFFFFFEF7, lr;
	s5 =	simm.s32 $0xFFFFFFFF;
	p2 =	slt.u32 s8, $0xFFFFF086  }
0x1c: {  	p1 =	slt.u32 s9, $0xF7A;
	s5 =	simm.s32 @!p2 $0x0  }
0x1d: {  	s5 =	simm.s32 @p1 $0x1;
	p0 =	seq.s32 s7, s2  }
0x1e: {  	s7 =	smul.u32 @!p0 $0xF7A, s2;
	p2 =	seq.s32 @!p0 s5, $0x0  }
0x1f: {  	s9 =	smul.u32 $0xF7A, s1;
	s8 =	simm.s32 @!p0 $0x1BF5;
	p2 =	por !p2, p0  }
0x20: {  	[sflag:s8] =	ssyncset.s32 @!p0 $0xFFFFF086;
	s6 =	sadd.s32 @!p0 s3, s7;
	s7 =	simm.s32 @!p0 $0x108  }
0x21: {  	s3 =	sadd.s32 s3, s9;
	s6 =	sadd.s32 @!p0 $0x88, s6;
	s7 =	simm.s32 @p2 $0x1082  }
0x22: {  	[simem:s7], [sflag:s8] =	dma.local @!p0 [hbm:s6], $0xF7A  }
0x23: {  	s9 =	sor.u32 $0xD0000000, s2;
	s6 =	simm.s32 $0x108;
	_ =	swait.ge @!p0 [sflag:s8], $0x0  }
0x24: {  	s3 =	sadd.s32 $0x88, s3;
	s6 =	simm.s32 @!p1 $0x1082;
	[sflag:s4] =	ssyncset.s32 $0xFFFFF086  }
0x25: {  	[simem:s6], [sflag:s4] =	dma.local [hbm:s3], $0xF7A  }
0x26: {  	[smem:$0x3F91] =	sst s1;
	(tag) =	ssettag s2;
	_ =	strace s9  }
0x27: {  	s1 =	sld [smem:$0x3FA1]  }
0x28: {  	s2 =	sld [smem:$0x3FA2]  }
0x29: {  	s4 =	sld [smem:$0x3FA4]  }
0x2a: {  	p0 =	seq.s32 s5, $0x0;
	s5 =	sld [smem:$0x3FA5]  }
0x2b: {  	s6 =	sld [smem:$0x3FA6]  }
0x2c: {  	s7 =	sld [smem:$0x3FA7]  }
0x2d: {  	s3 =	simm.s32 $0x108;
	s8 =	sld [smem:$0x3FA8]  }
0x2e: {  	s3 =	simm.s32 @!p0 $0x1082;
	s9 =	sld [smem:$0x3FA9]  }
0x2f: {  	lr =	sadd.s32 s0, s3;
	s0 =	sld [smem:$0x3FA0]  }
0x30: {  	s3 =	sld [smem:$0x3FA3]  }
0x31: {  	[smem:$0x3FAC] =	sst s10  }
0x32: {  	s10 =	sld [smem:$0x3FAA];
	_ =	sdelay $0x3  }
0x33: {  	p0 =	seq.s32 s10, $0x1;
	s10 =	sld [smem:$0x3FAC];
	_ =	sdelay $0x3  }
0x34: {  	[smem:$0x3FAC] =	sst s10  }
0x35: {  	s10 =	sld [smem:$0x3FAB];
	_ =	sdelay $0x3  }
0x36: {  	p1 =	seq.s32 s10, $0x1;
	s10 =	sld [smem:$0x3FAC];
	_ =	sdelay $0x3  }
0x37: {  	[smem:$0x3FAC] =	sst s10  }
0x38: {  	s10 =	sld [smem:$0x3FAD]  }
0x39: {  	_ = 	snop;
	(pc) =	sbr.ind lr, $3  }
0x3a: {  	_ = 	snop  }
0x3b: {  	_ = 	snop  }
0x3c: {  	p2 =	seq.s32 s10, $0x1;
	s10 =	sld [smem:$0x3FAC]  }
0x3d: {  	_ =	shalt  }
0x3e: {  	_ =	shalt  }
0x3f: {  	_ =	shalt  }
0x40: {  	_ =	shalt  }
0x41: {  	_ =	shalt  }
0x42: {  	_ =	shalt  }
0x43: {  	_ =	shalt  }
0x44: {  	_ =	shalt  }
0x45: {  	_ =	shalt  }
0x46: {  	_ =	shalt  }
0x47: {  	_ =	shalt  }
0x48: {  	_ =	shalt  }
0x49: {  	_ =	shalt  }
0x4a: {  	_ =	shalt  }
0x4b: {  	_ =	shalt  }
0x4c: {  	_ =	shalt  }
0x4d: {  	_ =	shalt  }
0x4e: {  	_ =	shalt  }
0x4f: {  	_ =	shalt  }
0x50: {  	_ =	shalt  }
0x51: {  	_ =	shalt  }
0x52: {  	_ =	shalt  }
0x53: {  	_ =	shalt  }
0x54: {  	_ =	shalt  }
0x55: {  	_ =	shalt  }
0x56: {  	_ =	shalt  }
0x57: {  	_ =	shalt  }
0x58: {  	_ =	shalt  }
0x59: {  	_ =	shalt  }
0x5a: {  	_ =	shalt  }
0x5b: {  	_ =	shalt  }
0x5c: {  	_ =	shalt  }
0x5d: {  	_ =	shalt  }
0x5e: {  	_ =	shalt  }
0x5f: {  	_ =	shalt  }
0x60: {  	_ =	shalt  }
0x61: {  	_ =	shalt  }
0x62: {  	_ =	shalt  }
0x63: {  	_ =	shalt  }
0x64: {  	_ =	shalt  }
0x65: {  	_ =	shalt  }
0x66: {  	_ =	shalt  }
0x67: {  	_ =	shalt  }
0x68: {  	_ =	shalt  }
0x69: {  	_ =	shalt  }
0x6a: {  	_ =	shalt  }
0x6b: {  	_ =	shalt  }
0x6c: {  	_ =	shalt  }
0x6d: {  	_ =	shalt  }
0x6e: {  	_ =	shalt  }
0x6f: {  	_ =	shalt  }
0x70: {  	_ =	shalt  }
0x71: {  	_ =	shalt  }
0x72: {  	_ =	shalt  }
0x73: {  	_ =	shalt  }
0x74: {  	_ =	shalt  }
0x75: {  	_ =	shalt  }
0x76: {  	_ =	shalt  }
0x77: {  	_ =	shalt  }
0x78: {  	_ =	shalt  }
0x79: {  	_ =	shalt  }
0x7a: {  	_ =	shalt  }
0x7b: {  	_ =	shalt  }
0x7c: {  	_ =	shalt  }
0x7d: {  	_ =	shalt  }
0x7e: {  	_ =	shalt  }
0x7f: {  	_ =	shalt  }
0x80: {  	_ =	shalt  }
0x81: {  	_ =	shalt  }
0x82: {  	_ =	shalt  }
0x83: {  	_ =	shalt  }
0x84: {  	_ =	shalt  }
0x85: {  	_ =	shalt  }
0x86: {  	_ =	shalt  }
0x87: {  	_ =	shalt  }
.Lfunc_end0:
.L_simem_size_0:
called_computation.3_lowered:
.L_overlay_start_0:
0x88: {  	s2 =	sld [smem:$0x3FD9]  }
0x89: {  	s3 =	sld [smem:$0x3FFE];
	_ =	sdelay $0x1  }
0x8a: {  	s1 =	srdreg.scid  }
0x8b: {  	s0 =	sand.u32 $0x1, s1  }
0x8c: {  	s17 =	sshll.u32 s0, $0xA;
	s2 =	sadd.s32 s3, s2  }
0x8d: {  	s2 =	sadd.s32 s2, s17  }
0x8e: {  	[smem:$0x3FB8] =	sst s2  }
0x8f: {  	_ = 	snop  }
0x90: {  	(tm) =	ssettm $0x1  }
0x91: {  	s18 =	sld [smem:$0x3FFB];
	_ =	sdelay $0x3  }
0x92: {  	_ =	strace s18  }
0x93: {  	s2 =	sld [smem:$0x3FFC];
	_ =	sdelay $0x3  }
0x94: {  	_ =	strace s2  }
0x95: {  	s2 =	sld [smem:$0x3FFD];
	_ =	sdelay $0x3  }
0x96: {  	_ =	strace s2  }
0x97: {  	_ =	strace $0x8FFFFFFF  }
0x98: {  	s19 =	sld [smem:$0x3FDB];
	_ =	sdelay $0x1  }
0x99: {  	s20 =	simm.s32 $_scs_section_size  }
0x9a: {  	s4 =	simm.s32 $_size__tile_overlayer_lowered;
	s5 =	simm.s32 $_tile_overlayer_lowered  }
0x9b: {  	s6 =	simm.s32 $0x1BFF;
	s21 =	sshll.u32 s5, $0x1;
	s3 =	sadd.s32 s20, s19  }
0x9c: {  	s22 =	simm.s32 $0x0;
	s4 =	sshll.u32 s4, $0x1;
	s5 =	sadd.s32 s21, s3  }
0x9d: {  	[timem:s22], [sflag:s6] =	dma.local [hbm:s5], s4  }
0x9e: {  	_ =	swait.ge [sflag:s6], s4  }
0x9f: {  	s4 =	ssub.s32 $0x0, s4;
	[sflag:s6] =	ssyncset.done $0x0  }
0xa0: {  	[sflag:s6] =	ssyncadd.s32 s4;
	_ =	sdelay $0x1  }
0xa1: {  	s23 =	simm.s32 $0x1B8B  }
0xa2: {  	_ =	swait.ge [sflag:s23], $0x1  }
0xa3: {  	[sflag:s23] =	ssyncset.done $0x0  }
0xa4: {  	[sflag:s23] =	ssyncadd.s32 $0xFFFFFFFF  }
0xa5: {  	s4 =	sld [smem:$0x0]  }
0xa6: {  	s5 =	sand.u32 $0xFFFFFFFE, s1  }
0xa7: {  	p0 =	sne.s32 s1, s5  }
0xa8: {  	s5 =	sshll.u32 @p0 s5, $0xE  }
0xa9: {  	s5 =	sadd.s32 @p0 $0x11B8D, s5;
	s6 =	sshll.u32 @p0 s4, $0x11  }
0xaa: {  	s5 =	sor.u32 @p0 s6, s5  }
0xab: {  	[sflag:s5] =	ssyncadd.remote.s32 @p0 $0x1;
	_ =	sdelay $0x1  }
0xac: {  	s5 =	simm.s32 @p0 $0x1B8D  }
0xad: {  	_ =	swait.eq @p0 [sflag:s5], $0x1  }
0xae: {  	[sflag:s5] =	ssyncadd.s32 @p0 $0xFFFFFFFF  }
0xaf: {  	s6 =	sshll.u32 @!p0 s1, $0xE  }
0xb0: {  	s6 =	sor.u32 @!p0 $0x4000, s6;
	s5 =	simm.s32 @!p0 $0x1B8D  }
0xb1: {  	s4 =	sshll.u32 @!p0 s4, $0x11;
	s6 =	sadd.s32 @!p0 $0x11B8D, s6;
	_ =	swait.eq @!p0 [sflag:s5], $0x1  }
0xb2: {  	s4 =	sor.u32 @!p0 s4, s6;
	[sflag:s5] =	ssyncadd.s32 @!p0 $0xFFFFFFFF  }
0xb3: {  	s25 =	simm.s32 $0x1B8E;
	s24 =	sld [smem:$0x3FFE];
	[sflag:s4] =	ssyncadd.remote.s32 @!p0 $0x1  }
0xb4: {  	s26 =	simm.s32 $execute0_lowered;
	[smem:$0x3FD2] =	sst s25  }
0xb5: {  	s5 =	sshll.u32 s26, $0x1;
	_ =	strace $0x8000004F;
	[dreg:$0x1] =	wrdreg $0xFFFFFFFF  }
0xb6: {  	s28 =	simm.s32 $_size_execute0_lowered;
	s3 =	sadd.s32 s3, s5;
	[dreg:$0x0] =	wrdreg $0x0  }
0xb7: {  	s5 =	sshll.u32 s28, $0x1;
	[dreg:$0x2] =	wrdreg s3  }
0xb8: {  	[dreg:$0x3] =	wrdreg s5  }
0xb9: {  	[dreg:$0x4] =	wrdreg $0xC0  }
0xba: {  	_ =	task [dreg:s22], $0x5FFFF  }
0xbb: {  	[dreg:$0x1] =	wrdreg $0xFFFFFFFF  }
0xbc: {  	[dreg:$0x0] =	wrdreg $0x60  }
0xbd: {  	[dreg:$0x2] =	wrdreg s24  }
0xbe: {  	[dreg:$0x3] =	wrdreg $0x0  }
0xbf: {  	[dreg:$0x4] =	wrdreg $0x9  }
0xc0: {  	_ =	task.clear_ibuf [dreg:s22], $0x5FFFF;
	_ =	strace $0x9000004F  }
0xc1: {  	s29 =	simm.s32 $0x9;
	_ =	strace $0x80000051  }
0xc2: {  	_ =	swait.ge [sflag:s29], $0x1  }
0xc3: {  	[sflag:s29] =	ssyncadd.s32 $0xFFFFFFFF  }
0xc4: {  	_ =	strace $0x90000051  }
0xc5: {  	_ =	sfence  }
0xc6: {  	s30 =	sld [smem:$0x0];
	_ =	sdelay $0x2  }
0xc7: {  	s31 =	sshll.u32 s1, $0xD;
	s1 =	sshrl.u32 s1, $0x2  }
0xc8: {  	s4 =	sand.u32 $0x4000, s31;
	s1 =	sadd.s32 s1, s30  }
0xc9: {  	s0 =	sor.u32 s4, s0;
	s1 =	sshll.u32 s1, $0x11  }
0xca: {  	s0 =	sor.u32 s1, s0  }
0xcb: {  	s0 =	sadd.s32 $0x8F2B, s0  }
0xcc: {  	[sflag:s0] =	ssyncadd.remote.s32 $0x1  }
0xcd: {  	_ =	sfence.sel $0xFFFF  }
0xce: {  	[dreg:$0x0] =	wrdreg $0xFFFFFFFF;
	(pc) =	sbr.abs _section_cstart, $3  }
0xcf: {  	[dreg:$0x1] =	wrdreg $0xFFFFFFFF  }
0xd0: {  	_ =	task.clear_ibuf [dreg:s22], $0x2FFFF;
	_ =	strace $0x9FFFFFFF  }
0xd1: {  	(tm) =	ssettm $0x7FFFFFFF  }
tec
execute0_lowered:
.L_overlay_start_1:
0x0: {  	(tag) =	ssettag $0x1  }
0x1: {  	s0 =	rddreg [dreg:$0x0]  }
0x2: {  	s1 =	rddreg [dreg:$0x1];
	s3 =	simm.s32 $0x0  }
0x3: {  	s2 =	srdreg.scid;
	s20 =	stileid.u32;
	s29 =	simm.s32 $0x15480  }
0x4: {  	s30 =	simm.s32 $0x17C80;
	s31 =	simm.s32 $0x1;
	s11 =	smul.u32 $0xC80, s20  }
0x5: {  	s28 =	simm.s32 $0x15080;
	s2 =	sand.u32 $0x1, s2;
	s23 =	smul.u32 $0x1F400, s20  }
0x6: {  	[smem:$0x7FF] =	sst s3;
	s18 =	sor.u32 $0x20, s20;
	s6 =	smul.u32 $0x27100, s2  }
0x7: {  	s4 =	sshll.u32 s20, $0x1;
	s19 =	sor.u32 $0x30, s20;
	s14 =	smul.u32 $0xC80, s18  }
0x8: {  	s5 =	sadd.s32 $0x105800, s0;
	s4 =	sor.u32 s2, s4;
	s25 =	smul.u32 $0xC80, s19  }
0x9: {  	s7 =	sadd.s32 $0x2F9800, s0;
	s9 =	ssub.s32 $0x2, s2;
	s8 =	smul.u32 $0x380, s4  }
0xa: {  	_ =	strace $0x80000050;
	s10 =	sshrl.u32 s9, $0x1;
	s4 =	smul.u32 $0xFA00, s4  }
0xb: {  	p0 =	sgt.u32 s19, $0x31;
	s9 =	ssub.s32 s9, s10;
	s10 =	sor.u32 $0x10, s20  }
0xc: {  	s6 =	sadd.s32 s6, s0;
	s12 =	sadd.s32 s5, s4;
	s24 =	smul.u32 $0xC80, s10  }
0xd: {  	s13 =	sadd.s32 $0x4ED800, s6;
	s15 =	sadd.s32 s7, s4;
	s6 =	sadd.s32 $0x53BA00, s6  }
0xe: {  	s4 =	sadd.s32 $0xF500, s4;
	s8 =	sadd.s32 s8, s0;
	[dreg:$0x3] =	wrdreg s12  }
0xf: {  	[dreg:$0x4] =	wrdreg s15;
	s16 =	sadd.s32 s13, s11;
	s17 =	sadd.s32 s13, s14  }
0x10: {  	s11 =	sadd.s32 s6, s11;
	s22 =	sadd.s32 s6, s14;
	[dreg:$0x5] =	wrdreg s16  }
0x11: {  	s14 =	sadd.s32 s5, s4;
	s15 =	sadd.s32 s7, s4;
	[dreg:$0x7] =	wrdreg s17  }
0x12: {  	s26 =	sadd.s32 s13, s24;
	s13 =	sadd.s32 s13, s25;
	[dreg:$0x9] =	wrdreg s11  }
0x13: {  	s21 =	sadd.s32 s6, s24;
	[dreg:$0xb] =	wrdreg s22;
	s6 =	sadd.s32 s6, s25  }
0x14: {  	s24 =	sadd.s32 s23, s5;
	s25 =	sadd.s32 s23, s7;
	s16 =	sadd.s32 $0x2EA00, s0  }
0x15: {  	s11 =	smul.u32 $0xFA00, s2;
	s17 =	sadd.s32 $0x64C400, s8;
	[dreg:$0x6] =	wrdreg s26  }
0x16: {  	s22 =	sshll.u32 s20, $0x6;
	s23 =	smul.u32 $0x19000, s19;
	[dreg:$0x8] =	wrdreg s13  }
0x17: {  	s2 =	simm.s32 $0x2;
	[dreg:$0xa] =	wrdreg s21;
	s26 =	smul.u32 $0x19000, s20  }
0x18: {  	s5 =	simm.s32 $0x0;
	[dreg:$0xc] =	wrdreg s6;
	s13 =	smul.u32 $0x19000, s10  }
0x19: {  	s21 =	smul.u32 $0x19000, s18;
	s18 =	smax.u32 s9, $0x1;
	s20 =	sor.u32 $0x1C03, s22  }
0x1a: {  	s4 =	sadd.s32 s11, s24;
	s0 =	sadd.s32 s11, s25;
	s12 =	sshrl.u32 s26, $0x2  }
0x1b: {  	s24 =	sshrl.u32 s13, $0x2;
	s25 =	sshrl.u32 s21, $0x2;
	s26 =	sshrl.u32 s23, $0x2  }
0x1c: {  	s11 =	sadd.s32 $0x500, s4;
	s4 =	simm.s32 $0x15100;
	s19 =	sadd.s32 s12, s1  }
0x1d: {  	s21 =	sadd.s32 s24, s1;
	s22 =	sadd.s32 s25, s1;
	s23 =	sadd.s32 s26, s1  }
0x1e: {  	s25 =	sadd.s32 $0x500, s0;
	s26 =	simm.s32 $0x3;
	s0 =	simm.s32 $0x50  }
.LBB2_1:
0x1f: {  	s6 =	sshrl.u32 s19, $0x3  }
0x20: {  	[spmem:s6], [sflag:s20] =	dma.local [hbm:s16], $0xC80  }
0x21: {  	_ =	swait.ge [sflag:s26], $0xC80  }
0x22: {  	[sflag:s26] =	ssyncset.done $0x0  }
0x23: {  	s7 =	sshrl.u32 s21, $0x3;
	[sflag:s26] =	ssyncadd.s32 $0xFFFFF380  }
0x24: {  	[spmem:s7], [sflag:s20] =	dma.local [hbm:s16], $0xC80  }
0x25: {  	_ =	swait.ge [sflag:s26], $0xC80  }
0x26: {  	[sflag:s26] =	ssyncset.done $0x0  }
0x27: {  	s8 =	sshrl.u32 s22, $0x3;
	[sflag:s26] =	ssyncadd.s32 $0xFFFFF380  }
0x28: {  	[spmem:s8], [sflag:s20] =	dma.local [hbm:s16], $0xC80  }
0x29: {  	_ =	swait.ge [sflag:s26], $0xC80  }
0x2a: {  	[sflag:s26] =	ssyncset.done $0x0  }
0x2b: {  	s9 =	sshrl.u32 @!p0 s23, $0x3;
	s10 =	simm.s32 @!p0 $0x3;
	[sflag:s26] =	ssyncadd.s32 $0xFFFFF380  }
0x2c: {  	[spmem:s9], [sflag:s20] =	dma.local @!p0 [hbm:s16], $0xC80  }
0x2d: {  	_ =	swait.ge @!p0 [sflag:s10], $0xC80  }
0x2e: {  	[sflag:s10] =	ssyncset.done @!p0 $0x0  }
0x2f: {  	[sflag:s10] =	ssyncadd.s32 @!p0 $0xFFFFF380  }
0x30: {  	s13 =	simm.s32 $0x13880;
	[bflag:$0x0] =	sbarrier.arrive $0xFFFF  }
0x31: {  	[tilespmem:s13], [sflag:$0x3] =	stream.linear.gather [hbm4b:s17+s3], $0x1900, $0x38;
	[tilespmem:$0x1A480] =	vst v63  }
0x32: {  	_ =	swait.ge [sflag:s26], $0x1900  }
0x33: {  	[sflag:s26] =	ssyncset.done $0x0  }
0x34: {  	s24 =	rddreg [dreg:$0x3];
	[sflag:s26] =	ssyncadd.s32 $0xFFFFE700  }
0x35: {  	[tilespmem:s29], [sflag:$0x1] =	stream.linear.gather [hbm4b:s24+s3], $0x2800, $0x38;
	[tilespmem:$0x1A480] =	vst v63  }
0x36: {  	_ = 	snop  }
0x37: {  	[tilespmem:s30], [sflag:$0x2] =	stream.linear.gather [hbm4b:s11+s3], $0x2800, $0x38;
	[tilespmem:$0x1A480] =	vst v63  }
0x38: {  	_ =	swait.ge [sflag:s31], $0x2800  }
0x39: {  	[sflag:s31] =	ssyncset.done $0x0  }
0x3a: {  	s12 =	simm.s32 $0x13880;
	[sflag:s31] =	ssyncadd.s32 $0xFFFFD800  }
0x3b: {  	[spmem:s1] =	stream.indirect.scatter.add.f32 [tilespmem:s29], [sflag:$0x3], $0x80, s12, s0, $0xb8;
	[tilespmem:$0x1A480] =	vst v63  }
0x3c: {  	_ =	swait.ge [sflag:s26], $0x2800  }
0x3d: {  	[sflag:s26] =	ssyncset.done $0x0  }
0x3e: {  	s13 =	sadd.s32 $0x500, s11;
	[sflag:s26] =	ssyncadd.s32 $0xFFFFD800  }
0x3f: {  	[tilespmem:s29], [sflag:$0x1] =	stream.linear.gather [hbm4b:s13+s3], $0x2800, $0x38;
	[tilespmem:$0x1A480] =	vst v63  }
0x40: {  	_ =	swait.ge [sflag:s2], $0x2800  }
0x41: {  	[sflag:s2] =	ssyncset.done $0x0  }
0x42: {  	s24 =	simm.s32 $0x13900;
	[sflag:s2] =	ssyncadd.s32 $0xFFFFD800  }
0x43: {  	[spmem:s1] =	stream.indirect.scatter.add.f32 [tilespmem:s30], [sflag:$0x3], $0x80, s24, s0, $0xb8;
	[tilespmem:$0x1A480] =	vst v63  }
0x44: {  	_ =	swait.ge [sflag:s26], $0x2800  }
0x45: {  	s10 =	simm.s32 $0x400;
	s24 =	smov.u32 s11;
	[sflag:s26] =	ssyncset.done $0x0  }
.LBB2_2:
0x46: {  	p1 =	sne.s32 s10, $0x5C00;
	[sflag:s26] =	ssyncadd.s32 $0xFFFFD800;
	s24 =	sadd.s32 $0xA00, s24  }
0x47: {  	[tilespmem:s30], [sflag:$0x2] =	stream.linear.gather [hbm4b:s24+s3], $0x2800, $0x38;
	[tilespmem:$0x1A480] =	vst v63  }
0x48: {  	s12 =	smov.u32 s10;
	s10 =	sadd.s32 $0x400, s10;
	_ =	swait.ge [sflag:s31], $0x2800  }
0x49: {  	s12 =	sshra.s32 s12, $0x2;
	[sflag:s31] =	ssyncset.done $0x0  }
0x4a: {  	s13 =	sadd.s32 $0x13880, s12;
	[sflag:s31] =	ssyncadd.s32 $0xFFFFD800  }
0x4b: {  	[spmem:s1] =	stream.indirect.scatter.add.f32 [tilespmem:s29], [sflag:$0x3], $0x80, s13, s0, $0xb8;
	[tilespmem:$0x1A480] =	vst v63  }
0x4c: {  	_ =	swait.ge [sflag:s26], $0x2800  }
0x4d: {  	[sflag:s26] =	ssyncset.done $0x0  }
0x4e: {  	s13 =	sadd.s32 $0x500, s24;
	[sflag:s26] =	ssyncadd.s32 $0xFFFFD800  }
0x4f: {  	[tilespmem:s29], [sflag:$0x1] =	stream.linear.gather [hbm4b:s13+s3], $0x2800, $0x38;
	[tilespmem:$0x1A480] =	vst v63  }
0x50: {  	_ =	swait.ge [sflag:s2], $0x2800  }
.Ltmp0:
0x51: {  	[sflag:s2] =	ssyncset.done $0x0;
	(pc) =	sbr.rel @p1 .LBB2_2-.Ltmp0, $4  }
0x52: {  	s12 =	sadd.s32 $0x13900, s12;
	[sflag:s2] =	ssyncadd.s32 $0xFFFFD800  }
0x53: {  	[spmem:s1] =	stream.indirect.scatter.add.f32 [tilespmem:s30], [sflag:$0x3], $0x80, s12, s0, $0xb8;
	[tilespmem:$0x1A480] =	vst v63  }
0x54: {  	_ =	swait.ge [sflag:s26], $0x2800  }
0x55: {  	[sflag:s26] =	ssyncset.done $0x0  }
0x56: {  	[sflag:s26] =	ssyncadd.s32 $0xFFFFD800  }
0x57: {  	[tilespmem:s30], [sflag:$0x2] =	stream.linear.gather [hbm4b:s14+s3], $0x2800, $0x38;
	[tilespmem:$0x1A480] =	vst v63  }
0x58: {  	_ =	swait.ge [sflag:s31], $0x2800  }
0x59: {  	[sflag:s31] =	ssyncset.done $0x0  }
0x5a: {  	[sflag:s31] =	ssyncadd.s32 $0xFFFFD800  }
0x5b: {  	[spmem:s1] =	stream.indirect.scatter.add.f32 [tilespmem:s29], [sflag:$0x3], $0x80, s28, s0, $0xb8;
	[tilespmem:$0x1A480] =	vst v63  }
0x5c: {  	_ =	swait.ge [sflag:s26], $0x2800  }
0x5d: {  	[sflag:s26] =	ssyncset.done $0x0  }
0x5e: {  	[sflag:s26] =	ssyncadd.s32 $0xFFFFD800  }
0x5f: {  	_ =	swait.ge [sflag:s2], $0x2800  }
0x60: {  	[sflag:s2] =	ssyncset.done $0x0  }
0x61: {  	[sflag:s2] =	ssyncadd.s32 $0xFFFFD800  }
0x62: {  	[spmem:s1] =	stream.indirect.scatter.add.f32 [tilespmem:s30], [sflag:$0x3], $0x80, s4, s0, $0xb8;
	[tilespmem:$0x1A480] =	vst v63  }
0x63: {  	_ =	swait.ge [sflag:s26], $0x2800  }
0x64: {  	[sflag:s26] =	ssyncset.done $0x0  }
0x65: {  	[sflag:s26] =	ssyncadd.s32 $0xFFFFD800  }
0x66: {  	[bflag:$0x0] =	sbarrier.arrive $0xFFFF  }
0x67: {  	s10 =	rddreg [dreg:$0x5]  }
0x68: {  	[hbm:s10], [sflag:s20] =	dma.local [spmem:s6], $0xC80  }
0x69: {  	_ =	swait.ge [sflag:s26], $0xC80  }
0x6a: {  	[sflag:s26] =	ssyncset.done $0x0  }
0x6b: {  	s12 =	rddreg [dreg:$0x6];
	[sflag:s26] =	ssyncadd.s32 $0xFFFFF380  }
0x6c: {  	[hbm:s12], [sflag:s20] =	dma.local [spmem:s7], $0xC80  }
0x6d: {  	_ =	swait.ge [sflag:s26], $0xC80  }
0x6e: {  	[sflag:s26] =	ssyncset.done $0x0  }
0x6f: {  	s13 =	rddreg [dreg:$0x7];
	[sflag:s26] =	ssyncadd.s32 $0xFFFFF380  }
0x70: {  	[hbm:s13], [sflag:s20] =	dma.local [spmem:s8], $0xC80  }
0x71: {  	_ =	swait.ge [sflag:s26], $0xC80  }
0x72: {  	[sflag:s26] =	ssyncset.done $0x0  }
0x73: {  	s10 =	rddreg [dreg:$0x8];
	[sflag:s26] =	ssyncadd.s32 $0xFFFFF380  }
0x74: {  	[hbm:s10], [sflag:s20] =	dma.local @!p0 [spmem:s9], $0xC80  }
0x75: {  	s10 =	simm.s32 @!p0 $0x3  }
0x76: {  	_ =	swait.ge @!p0 [sflag:s10], $0xC80  }
0x77: {  	[sflag:s10] =	ssyncset.done @!p0 $0x0  }
0x78: {  	[sflag:s10] =	ssyncadd.s32 @!p0 $0xFFFFF380  }
0x79: {  	[spmem:s6], [sflag:s20] =	dma.local [hbm:s16], $0xC80  }
0x7a: {  	_ =	swait.ge [sflag:s26], $0xC80  }
0x7b: {  	[sflag:s26] =	ssyncset.done $0x0  }
0x7c: {  	[sflag:s26] =	ssyncadd.s32 $0xFFFFF380  }
0x7d: {  	[spmem:s7], [sflag:s20] =	dma.local [hbm:s16], $0xC80  }
0x7e: {  	_ =	swait.ge [sflag:s26], $0xC80  }
0x7f: {  	[sflag:s26] =	ssyncset.done $0x0  }
0x80: {  	[sflag:s26] =	ssyncadd.s32 $0xFFFFF380  }
0x81: {  	[spmem:s8], [sflag:s20] =	dma.local [hbm:s16], $0xC80  }
0x82: {  	_ =	swait.ge [sflag:s26], $0xC80  }
0x83: {  	[sflag:s26] =	ssyncset.done $0x0  }
0x84: {  	[sflag:s26] =	ssyncadd.s32 $0xFFFFF380  }
0x85: {  	[spmem:s9], [sflag:s20] =	dma.local @!p0 [hbm:s16], $0xC80  }
0x86: {  	_ =	swait.ge @!p0 [sflag:s10], $0xC80  }
0x87: {  	[sflag:s10] =	ssyncset.done @!p0 $0x0  }
0x88: {  	[sflag:s10] =	ssyncadd.s32 @!p0 $0xFFFFF380  }
0x89: {  	[bflag:$0x0] =	sbarrier.arrive $0xFFFF  }
0x8a: {  	s24 =	simm.s32 $0x0;
	s12 =	rddreg [dreg:$0x4]  }
0x8b: {  	[tilespmem:s29], [sflag:$0x1] =	stream.linear.gather [hbm4b:s12+s24], $0x2800, $0x38;
	[tilespmem:$0x1A480] =	vst v63  }
0x8c: {  	_ = 	snop  }
0x8d: {  	[tilespmem:s30], [sflag:$0x2] =	stream.linear.gather [hbm4b:s25+s3], $0x2800, $0x38;
	[tilespmem:$0x1A480] =	vst v63  }
0x8e: {  	_ =	swait.ge [sflag:s31], $0x2800  }
0x8f: {  	[sflag:s31] =	ssyncset.done $0x0  }
0x90: {  	s12 =	simm.s32 $0x13880;
	[sflag:s31] =	ssyncadd.s32 $0xFFFFD800  }
0x91: {  	[spmem:s1] =	stream.indirect.scatter.add.f32 [tilespmem:s29], [sflag:$0x3], $0x80, s12, s0, $0xb8;
	[tilespmem:$0x1A480] =	vst v63  }
0x92: {  	_ =	swait.ge [sflag:s26], $0x2800  }
0x93: {  	[sflag:s26] =	ssyncset.done $0x0  }
0x94: {  	s13 =	sadd.s32 $0x500, s25;
	[sflag:s26] =	ssyncadd.s32 $0xFFFFD800  }
0x95: {  	[tilespmem:s29], [sflag:$0x1] =	stream.linear.gather [hbm4b:s13+s3], $0x2800, $0x38;
	[tilespmem:$0x1A480] =	vst v63  }
0x96: {  	_ =	swait.ge [sflag:s2], $0x2800  }
0x97: {  	[sflag:s2] =	ssyncset.done $0x0  }
0x98: {  	s24 =	simm.s32 $0x13900;
	[sflag:s2] =	ssyncadd.s32 $0xFFFFD800  }
0x99: {  	[spmem:s1] =	stream.indirect.scatter.add.f32 [tilespmem:s30], [sflag:$0x3], $0x80, s24, s0, $0xb8;
	[tilespmem:$0x1A480] =	vst v63  }
0x9a: {  	_ =	swait.ge [sflag:s26], $0x2800  }
0x9b: {  	s10 =	simm.s32 $0x400;
	s24 =	smov.u32 s25;
	[sflag:s26] =	ssyncset.done $0x0  }
.LBB2_4:
0x9c: {  	p1 =	sne.s32 s10, $0x5C00;
	[sflag:s26] =	ssyncadd.s32 $0xFFFFD800;
	s24 =	sadd.s32 $0xA00, s24  }
0x9d: {  	[tilespmem:s30], [sflag:$0x2] =	stream.linear.gather [hbm4b:s24+s3], $0x2800, $0x38;
	[tilespmem:$0x1A480] =	vst v63  }
0x9e: {  	s12 =	smov.u32 s10;
	s10 =	sadd.s32 $0x400, s10;
	_ =	swait.ge [sflag:s31], $0x2800  }
0x9f: {  	s12 =	sshra.s32 s12, $0x2;
	[sflag:s31] =	ssyncset.done $0x0  }
0xa0: {  	s13 =	sadd.s32 $0x13880, s12;
	[sflag:s31] =	ssyncadd.s32 $0xFFFFD800  }
0xa1: {  	[spmem:s1] =	stream.indirect.scatter.add.f32 [tilespmem:s29], [sflag:$0x3], $0x80, s13, s0, $0xb8;
	[tilespmem:$0x1A480] =	vst v63  }
0xa2: {  	_ =	swait.ge [sflag:s26], $0x2800  }
0xa3: {  	[sflag:s26] =	ssyncset.done $0x0  }
0xa4: {  	s13 =	sadd.s32 $0x500, s24;
	[sflag:s26] =	ssyncadd.s32 $0xFFFFD800  }
0xa5: {  	[tilespmem:s29], [sflag:$0x1] =	stream.linear.gather [hbm4b:s13+s3], $0x2800, $0x38;
	[tilespmem:$0x1A480] =	vst v63  }
0xa6: {  	_ =	swait.ge [sflag:s2], $0x2800  }
.Ltmp1:
0xa7: {  	[sflag:s2] =	ssyncset.done $0x0;
	(pc) =	sbr.rel @p1 .LBB2_4-.Ltmp1, $4  }
0xa8: {  	s12 =	sadd.s32 $0x13900, s12;
	[sflag:s2] =	ssyncadd.s32 $0xFFFFD800  }
0xa9: {  	[spmem:s1] =	stream.indirect.scatter.add.f32 [tilespmem:s30], [sflag:$0x3], $0x80, s12, s0, $0xb8;
	[tilespmem:$0x1A480] =	vst v63  }
0xaa: {  	_ =	swait.ge [sflag:s26], $0x2800  }
0xab: {  	[sflag:s26] =	ssyncset.done $0x0  }
0xac: {  	[sflag:s26] =	ssyncadd.s32 $0xFFFFD800  }
0xad: {  	[tilespmem:s30], [sflag:$0x2] =	stream.linear.gather [hbm4b:s15+s3], $0x2800, $0x38;
	[tilespmem:$0x1A480] =	vst v63  }
0xae: {  	_ =	swait.ge [sflag:s31], $0x2800  }
0xaf: {  	[sflag:s31] =	ssyncset.done $0x0  }
0xb0: {  	[sflag:s31] =	ssyncadd.s32 $0xFFFFD800  }
0xb1: {  	[spmem:s1] =	stream.indirect.scatter.add.f32 [tilespmem:s29], [sflag:$0x3], $0x80, s28, s0, $0xb8;
	[tilespmem:$0x1A480] =	vst v63  }
0xb2: {  	_ =	swait.ge [sflag:s26], $0x2800  }
0xb3: {  	[sflag:s26] =	ssyncset.done $0x0  }
0xb4: {  	[sflag:s26] =	ssyncadd.s32 $0xFFFFD800  }
0xb5: {  	_ =	swait.ge [sflag:s2], $0x2800  }
0xb6: {  	[sflag:s2] =	ssyncset.done $0x0  }
0xb7: {  	[sflag:s2] =	ssyncadd.s32 $0xFFFFD800  }
0xb8: {  	[spmem:s1] =	stream.indirect.scatter.add.f32 [tilespmem:s30], [sflag:$0x3], $0x80, s4, s0, $0xb8;
	[tilespmem:$0x1A480] =	vst v63  }
0xb9: {  	_ =	swait.ge [sflag:s26], $0x2800  }
0xba: {  	[sflag:s26] =	ssyncset.done $0x0  }
0xbb: {  	[sflag:s26] =	ssyncadd.s32 $0xFFFFD800  }
0xbc: {  	[bflag:$0x0] =	sbarrier.arrive $0xFFFF  }
0xbd: {  	s10 =	rddreg [dreg:$0x9]  }
0xbe: {  	[hbm:s10], [sflag:s20] =	dma.local [spmem:s6], $0xC80  }
0xbf: {  	_ =	swait.ge [sflag:s26], $0xC80  }
0xc0: {  	[sflag:s26] =	ssyncset.done $0x0  }
0xc1: {  	s13 =	rddreg [dreg:$0xa];
	[sflag:s26] =	ssyncadd.s32 $0xFFFFF380  }
0xc2: {  	[hbm:s13], [sflag:s20] =	dma.local [spmem:s7], $0xC80  }
0xc3: {  	_ =	swait.ge [sflag:s26], $0xC80  }
0xc4: {  	[sflag:s26] =	ssyncset.done $0x0  }
0xc5: {  	s24 =	rddreg [dreg:$0xb];
	[sflag:s26] =	ssyncadd.s32 $0xFFFFF380  }
0xc6: {  	[hbm:s24], [sflag:s20] =	dma.local [spmem:s8], $0xC80  }
0xc7: {  	_ =	swait.ge [sflag:s26], $0xC80  }
0xc8: {  	s5 =	sadd.s32 $0x1, s5;
	[sflag:s26] =	ssyncset.done $0x0  }
0xc9: {  	p1 =	sne.s32 s5, s18;
	s6 =	rddreg [dreg:$0xc];
	[sflag:s26] =	ssyncadd.s32 $0xFFFFF380  }
0xca: {  	[hbm:s6], [sflag:s20] =	dma.local @!p0 [spmem:s9], $0xC80  }
.Ltmp2:
0xcb: {  	_ = 	snop;
	(pc) =	sbr.rel @p1 .LBB2_1-.Ltmp2, $4  }
0xcc: {  	s6 =	simm.s32 @!p0 $0x3  }
0xcd: {  	_ =	swait.ge @!p0 [sflag:s6], $0xC80  }
0xce: {  	[sflag:s6] =	ssyncset.done @!p0 $0x0  }
0xcf: {  	[sflag:s6] =	ssyncadd.s32 @!p0 $0xFFFFF380  }
0xd0: {  	_ =	sfence.sel $0x180000  }
0xd1: {  	[bflag:$0x0] =	sbarrier.arrive $0xFFFF  }
0xd2: {  	_ =	strace $0x90000050  }
0xd3: {  	s0 =	stileid.u32;
	[bflag:$0x2] =	sbarrier.arrive $0xFFFF  }
0xd4: {  	p0 =	sne.s32 s0, $0x0;
	s0 =	rddreg [dreg:$0x2]  }
0xd5: {  	s0 =	sadd.s32 @!p0 $0x100000, s0  }
0xd6: {  	[sflag:s0] =	ssyncadd.tile.s32 @!p0 $0x1;
	_ =	shalt  }
.Lfunc_end2:
_tile_overlayer_lowered:
.L_overlay_start_2:
0xd7: {  	(tag) =	ssettag $0x2  }
0xd8: {  	s0 =	rddreg [dreg:$0x0];
	s2 =	stileid.u32  }
0xd9: {  	s1 =	rddreg [dreg:$0x1];
	p0 =	sne.s32 s2, $0x0  }
0xda: {  	s3 =	rddreg [dreg:$0x2];
	[bflag:$0x3] =	sbarrier.arrive $0xFFFF;
	s2 =	simm.s32 @!p0 $0x1C03  }
0xdb: {  	[timem:s3], [sflag:s2] =	dma.local @!p0 [hbm:s0], s1  }
0xdc: {  	s0 =	simm.s32 @!p0 $0x3  }
0xdd: {  	_ =	swait.ge @!p0 [sflag:s0], s1  }
0xde: {  	s1 =	ssub.s32 @!p0 $0x0, s1;
	[sflag:s0] =	ssyncset.done @!p0 $0x0  }
0xdf: {  	[sflag:s0] =	ssyncadd.s32 @!p0 s1  }
0xe0: {  	[bflag:$0x3] =	sbarrier.arrive $0xFFFF  }
0xe1: {  	_ =	shalt  }

</sc_bundles>
